<compile_context>
chip_gen: v7x
topology: tpu7x:2x2x1
jax: 0.10.2.dev20260603
libtpu: 0.0.44.dev20260713+nightly
codegen_flags: <defaults>
</compile_context>

<pallas_src>
import functools

import jax
import jax.numpy as jnp
from jax import lax
from jax.experimental import pallas as pl
from jax.experimental.pallas import tpu as pltpu
from jax.experimental.pallas import tpu_sc as plsc

_VOCAB = 100000
_EMB = 128
_HID = 64
_OUT = 3
_B = 4096
_L = 200
_NCHUNK = 2
_CHUNK = _L // _NCHUNK
_NBUF = 3
_LANES = 16
_NVREG = _EMB // _LANES
_UNROLL = 8


@functools.lru_cache(maxsize=None)
def _make_pool_kernel():
    info = plsc.get_sparse_core_info()
    nc, ns = info.num_cores, info.num_subcores
    nw = nc * ns
    bpw = _B // nw

    mesh = plsc.VectorSubcoreMesh(core_axis_name="c", subcore_axis_name="s")

    @functools.partial(
        pl.kernel,
        mesh=mesh,
        out_type=jax.ShapeDtypeStruct((_B, _EMB), jnp.float32),
        scratch_types=[
            pltpu.VMEM((bpw, _NCHUNK, _CHUNK), jnp.int32),
            pltpu.VMEM((_NBUF, _L, _EMB), jnp.float32),
            pltpu.VMEM((bpw, _EMB), jnp.float32),
        ] + [pltpu.SemaphoreType.DMA] * _NBUF,
    )
    def pool(x_hbm, table_hbm, out_hbm, idx_v, rows_v, acc_v, *sems):
        wid = lax.axis_index("s") * nc + lax.axis_index("c")
        base = wid * bpw
        pltpu.sync_copy(x_hbm.at[pl.ds(base, bpw)], idx_v)

        def issue(s, buf):
            for j in range(_NCHUNK):
                pltpu.async_copy(
                    table_hbm.at[idx_v.at[s, j]],
                    rows_v.at[buf, pl.ds(j * _CHUNK, _CHUNK)],
                    sems[buf],
                )

        def wait_buf(buf):
            pltpu.make_async_copy(
                table_hbm.at[pl.ds(0, _L)], rows_v.at[buf], sems[buf]
            ).wait()

        def accumulate(s, buf):
            def row_body(i, a):
                for u in range(_UNROLL):
                    r = i * _UNROLL + u
                    a = tuple(
                        a[c] + rows_v[buf, r, pl.ds(_LANES * c, _LANES)]
                        for c in range(_NVREG)
                    )
                return a

            acc = lax.fori_loop(
                0, _L // _UNROLL, row_body,
                tuple(jnp.zeros((_LANES,), jnp.float32) for _ in range(_NVREG)),
            )
            for c in range(_NVREG):
                acc_v[s, pl.ds(_LANES * c, _LANES)] = acc[c]

        for b in range(_NBUF):
            issue(b, b)

        nsup = (bpw - _NBUF) // _NBUF

        def super_body(i, carry):
            s0 = _NBUF * i
            for k in range(_NBUF):
                s = s0 + k
                wait_buf(k)
                accumulate(s, k)
                issue(s + _NBUF, k)
            return carry

        lax.fori_loop(0, nsup, super_body, 0)

        rem = bpw - nsup * _NBUF
        for t in range(rem):
            s = bpw - rem + t
            buf = t % _NBUF
            wait_buf(buf)
            accumulate(s, buf)
            if s + _NBUF < bpw:
                issue(s + _NBUF, buf)

        pltpu.sync_copy(acc_v, out_hbm.at[pl.ds(base, bpw)])

    return pool


def _mlp_body(p_ref, w1_ref, b1_ref, w2_ref, b2_ref, w3_ref, b3_ref, o_ref):
    h = p_ref[...] * (1.0 / _L)
    h = jnp.maximum(
        jnp.dot(h, w1_ref[...], preferred_element_type=jnp.float32) + b1_ref[...],
        0.0,
    )
    h = jnp.maximum(
        jnp.dot(h, w2_ref[...], preferred_element_type=jnp.float32) + b2_ref[...],
        0.0,
    )
    o_ref[...] = (
        jnp.dot(h, w3_ref[...], preferred_element_type=jnp.float32) + b3_ref[...]
    )


def kernel(x, table, W1, b1, W2, b2, W3, b3):
    x3 = x.astype(jnp.int32).reshape(_B, _NCHUNK, _CHUNK)
    pooled = _make_pool_kernel()(x3, table)
    out = pl.pallas_call(
        _mlp_body,
        out_shape=jax.ShapeDtypeStruct((_B, _OUT), jnp.float32),
    )(
        pooled,
        W1,
        b1.reshape(1, -1),
        W2,
        b2.reshape(1, -1),
        W3,
        b3.reshape(1, -1),
    )
    return out

# --- scband reference (transcript-rebuilt; emitter-appended) ---
"""Pipeline reference for scband-urlclassifier-24378234372639 (READ-ONLY COPY).

The authoritative reference and input builder live on the scoring server;
editing this copy changes nothing except your own understanding.
"""

import jax, jax.numpy as jnp
import numpy as np

VOCAB = 100000
EMB = 128
HID = 64
OUT = 3
B = 4096
L = 200

def setup_inputs(seed: int = 0) -> dict:
    key = jax.random.key(seed)
    ks = jax.random.split(key, 8)
    x = jax.random.randint(ks[0], (B, L), 0, VOCAB, dtype=jnp.int64)
    table = jax.random.normal(ks[1], (VOCAB, EMB), dtype=jnp.float32) * 0.02
    W1 = jax.random.normal(ks[2], (EMB, HID * 2), dtype=jnp.float32) * (1.0 / np.sqrt(EMB))
    b1 = jnp.zeros((HID * 2,), dtype=jnp.float32)
    W2 = jax.random.normal(ks[3], (HID * 2, HID), dtype=jnp.float32) * (1.0 / np.sqrt(HID * 2))
    b2 = jnp.zeros((HID,), dtype=jnp.float32)
    W3 = jax.random.normal(ks[4], (HID, OUT), dtype=jnp.float32) * (1.0 / np.sqrt(HID))
    b3 = jnp.zeros((OUT,), dtype=jnp.float32)
    return {"x": x, "table": table, "W1": W1, "b1": b1, "W2": W2, "b2": b2, "W3": W3, "b3": b3}

def reference(x, table, W1, b1, W2, b2, W3, b3):
    # embedding lookup: gather rows from table
    emb = jnp.take(table, x, axis=0)            # [B, L, EMB]
    h = jnp.mean(emb, axis=1)                   # [B, EMB]
    h = jax.nn.relu(h @ W1 + b1)                # dropout is identity in eval mode
    h = jax.nn.relu(h @ W2 + b2)
    out = h @ W3 + b3                           # [B, OUT]
    return out

if __name__ == "__main__":
    import jax
    _d = setup_inputs()
    print(jax.jit(kernel)(*tuple(_d.values())))

</pallas_src>

<mosaic_0001>
#map = affine_map<(d0, d1) -> (0, 0, 0)>
#map1 = affine_map<(d0, d1) -> (0, 0)>
module attributes {stable_mosaic.version = 14 : i64} {
  func.func @pool(%arg0: i32, %arg1: i32, %arg2: memref<4096x2x100xi32, #tpu.memory_space<hbm>>, %arg3: memref<100000x128xf32, #tpu.memory_space<hbm>>, %arg4: memref<4096x128xf32, #tpu.memory_space<hbm>>, %arg5: memref<128x2x100xi32, #tpu.memory_space<vmem>>, %arg6: memref<3x200x128xf32, #tpu.memory_space<vmem>>, %arg7: memref<128x128xf32, #tpu.memory_space<vmem>>, %arg8: memref<!tpu.dma_semaphore, #tpu.memory_space<semaphore_mem>>, %arg9: memref<!tpu.dma_semaphore, #tpu.memory_space<semaphore_mem>>, %arg10: memref<!tpu.dma_semaphore, #tpu.memory_space<semaphore_mem>>) attributes {dimension_semantics = [#tpu.dimension_semantics<core_parallel>, #tpu.dimension_semantics<subcore_parallel>], iteration_bounds = array<i64: 2, 16>, scalar_prefetch = 0 : i64, scratch_operands = 6 : i64, tpu.core_type = #tpu.core_type<sc_vector_subcore>, window_params = [{transform_indices = #map}, {transform_indices = #map1}, {transform_indices = #map1}]} {
    %mul3A = arith.constant 2 : i32
    %mul3A_0 = arith.muli %arg1, %mul3A : i32
    %add3A = arith.addi %mul3A_0, %arg0 : i32
    %mul3A_1 = arith.constant 128 : i32
    %mul3A_2 = arith.muli %add3A, %mul3A_1 : i32
    "tpu.region"() ({
      %run_scoped3A = tpu.sem_alloc : memref<!tpu.dma_semaphore, #tpu.memory_space<semaphore_mem>>
      %dma_start3A_559 = arith.constant 0 : i32
      %dma_start3A_560 = arith.constant 0 : i32
      %dma_start3A_561 = tpu.memref_slice %arg2[%mul3A_2, %dma_start3A_559, %dma_start3A_560] : memref<4096x2x100xi32, #tpu.memory_space<hbm>> -> memref<128x2x100xi32, #tpu.memory_space<hbm>>
      %dma_start3A_562 = arith.constant 0 : i32
      %dma_start3A_563 = arith.constant 0 : i32
      %dma_start3A_564 = tpu.memref_slice %arg2[%mul3A_2, %dma_start3A_562, %dma_start3A_563] : memref<4096x2x100xi32, #tpu.memory_space<hbm>> -> memref<128x2x100xi32, #tpu.memory_space<hbm>>
      tpu.enqueue_dma source(%dma_start3A_564 : memref<128x2x100xi32, #tpu.memory_space<hbm>>) target(%arg5 : memref<128x2x100xi32, #tpu.memory_space<vmem>>) target_semaphore(%run_scoped3A : memref<!tpu.dma_semaphore, #tpu.memory_space<semaphore_mem>>)
      %dma_wait3A_565 = arith.constant 0 : i32
      %dma_wait3A_566 = arith.constant 0 : i32
      %dma_wait3A_567 = tpu.memref_slice %arg2[%mul3A_2, %dma_wait3A_565, %dma_wait3A_566] : memref<4096x2x100xi32, #tpu.memory_space<hbm>> -> memref<128x2x100xi32, #tpu.memory_space<hbm>>
      %dma_wait3A_568 = arith.constant 0 : i32
      %dma_wait3A_569 = arith.constant 0 : i32
      %dma_wait3A_570 = tpu.memref_slice %arg2[%mul3A_2, %dma_wait3A_568, %dma_wait3A_569] : memref<4096x2x100xi32, #tpu.memory_space<hbm>> -> memref<128x2x100xi32, #tpu.memory_space<hbm>>
      tpu.wait_dma2 semaphore(%run_scoped3A : memref<!tpu.dma_semaphore, #tpu.memory_space<semaphore_mem>>) src(%dma_wait3A_570 : memref<128x2x100xi32, #tpu.memory_space<hbm>>) dst(%arg5 : memref<128x2x100xi32, #tpu.memory_space<vmem>>)
      tpu.yield
    }) : () -> ()
    %dma_start3A = arith.constant 0 : i32
    %dma_start3A_3 = arith.constant 0 : i32
    %dma_start3A_4 = arith.constant 0 : i32
    %dma_start3A_5 = arith.constant 0 : i32
    %dma_start3A_6 = arith.constant 0 : i32
    %dma_start3A_7 = tpu.memref_slice %arg6[%dma_start3A_4, %dma_start3A_5, %dma_start3A_6] : memref<3x200x128xf32, #tpu.memory_space<vmem>> -> memref<1x100x128xf32, #tpu.memory_space<vmem>>
    %dma_start3A_8 = tpu.memref_squeeze %dma_start3A_7 : memref<1x100x128xf32, #tpu.memory_space<vmem>> -> memref<100x128xf32, #tpu.memory_space<vmem>>
    %dma_start3A_9 = arith.constant 0 : i32
    %dma_start3A_10 = tpu.memref_slice %arg5[%dma_start3A, %dma_start3A_3, %dma_start3A_9] : memref<128x2x100xi32, #tpu.memory_space<vmem>> -> memref<1x1x100xi32, #tpu.memory_space<vmem>>
    %dma_start3A_11 = tpu.memref_squeeze %dma_start3A_10 : memref<1x1x100xi32, #tpu.memory_space<vmem>> -> memref<100xi32, #tpu.memory_space<vmem>>
    %dma_start3A_12 = arith.constant 0 : i32
    %dma_start3A_13 = arith.constant 0 : i32
    %dma_start3A_14 = tpu.memref_slice %arg3[%dma_start3A_12, %dma_start3A_13] : memref<100000x128xf32, #tpu.memory_space<hbm>> -> memref<100000x128xf32, #tpu.memory_space<hbm>>
    tpu.enqueue_indirect_dma source(%dma_start3A_14 : memref<100000x128xf32, #tpu.memory_space<hbm>>) target(%dma_start3A_8 : memref<100x128xf32, #tpu.memory_space<vmem>>) offsets(%dma_start3A_11 : memref<100xi32, #tpu.memory_space<vmem>>) semaphore(%arg8 : memref<!tpu.dma_semaphore, #tpu.memory_space<semaphore_mem>>)
    %dma_start3A_15 = arith.constant 0 : i32
    %dma_start3A_16 = arith.constant 1 : i32
    %dma_start3A_17 = arith.constant 0 : i32
    %dma_start3A_18 = arith.constant 100 : i32
    %dma_start3A_19 = arith.constant 0 : i32
    %dma_start3A_20 = tpu.memref_slice %arg6[%dma_start3A_17, %dma_start3A_18, %dma_start3A_19] : memref<3x200x128xf32, #tpu.memory_space<vmem>> -> memref<1x100x128xf32, #tpu.memory_space<vmem>>
    %dma_start3A_21 = tpu.memref_squeeze %dma_start3A_20 : memref<1x100x128xf32, #tpu.memory_space<vmem>> -> memref<100x128xf32, #tpu.memory_space<vmem>>
    %dma_start3A_22 = arith.constant 0 : i32
    %dma_start3A_23 = tpu.memref_slice %arg5[%dma_start3A_15, %dma_start3A_16, %dma_start3A_22] : memref<128x2x100xi32, #tpu.memory_space<vmem>> -> memref<1x1x100xi32, #tpu.memory_space<vmem>>
    %dma_start3A_24 = tpu.memref_squeeze %dma_start3A_23 : memref<1x1x100xi32, #tpu.memory_space<vmem>> -> memref<100xi32, #tpu.memory_space<vmem>>
    %dma_start3A_25 = arith.constant 0 : i32
    %dma_start3A_26 = arith.constant 0 : i32
    %dma_start3A_27 = tpu.memref_slice %arg3[%dma_start3A_25, %dma_start3A_26] : memref<100000x128xf32, #tpu.memory_space<hbm>> -> memref<100000x128xf32, #tpu.memory_space<hbm>>
    tpu.enqueue_indirect_dma source(%dma_start3A_27 : memref<100000x128xf32, #tpu.memory_space<hbm>>) target(%dma_start3A_21 : memref<100x128xf32, #tpu.memory_space<vmem>>) offsets(%dma_start3A_24 : memref<100xi32, #tpu.memory_space<vmem>>) semaphore(%arg8 : memref<!tpu.dma_semaphore, #tpu.memory_space<semaphore_mem>>)
    %dma_start3A_28 = arith.constant 1 : i32
    %dma_start3A_29 = arith.constant 0 : i32
    %dma_start3A_30 = arith.constant 1 : i32
    %dma_start3A_31 = arith.constant 0 : i32
    %dma_start3A_32 = arith.constant 0 : i32
    %dma_start3A_33 = tpu.memref_slice %arg6[%dma_start3A_30, %dma_start3A_31, %dma_start3A_32] : memref<3x200x128xf32, #tpu.memory_space<vmem>> -> memref<1x100x128xf32, #tpu.memory_space<vmem>>
    %dma_start3A_34 = tpu.memref_squeeze %dma_start3A_33 : memref<1x100x128xf32, #tpu.memory_space<vmem>> -> memref<100x128xf32, #tpu.memory_space<vmem>>
    %dma_start3A_35 = arith.constant 0 : i32
    %dma_start3A_36 = tpu.memref_slice %arg5[%dma_start3A_28, %dma_start3A_29, %dma_start3A_35] : memref<128x2x100xi32, #tpu.memory_space<vmem>> -> memref<1x1x100xi32, #tpu.memory_space<vmem>>
    %dma_start3A_37 = tpu.memref_squeeze %dma_start3A_36 : memref<1x1x100xi32, #tpu.memory_space<vmem>> -> memref<100xi32, #tpu.memory_space<vmem>>
    %dma_start3A_38 = arith.constant 0 : i32
    %dma_start3A_39 = arith.constant 0 : i32
    %dma_start3A_40 = tpu.memref_slice %arg3[%dma_start3A_38, %dma_start3A_39] : memref<100000x128xf32, #tpu.memory_space<hbm>> -> memref<100000x128xf32, #tpu.memory_space<hbm>>
    tpu.enqueue_indirect_dma source(%dma_start3A_40 : memref<100000x128xf32, #tpu.memory_space<hbm>>) target(%dma_start3A_34 : memref<100x128xf32, #tpu.memory_space<vmem>>) offsets(%dma_start3A_37 : memref<100xi32, #tpu.memory_space<vmem>>) semaphore(%arg9 : memref<!tpu.dma_semaphore, #tpu.memory_space<semaphore_mem>>)
    %dma_start3A_41 = arith.constant 1 : i32
    %dma_start3A_42 = arith.constant 1 : i32
    %dma_start3A_43 = arith.constant 1 : i32
    %dma_start3A_44 = arith.constant 100 : i32
    %dma_start3A_45 = arith.constant 0 : i32
    %dma_start3A_46 = tpu.memref_slice %arg6[%dma_start3A_43, %dma_start3A_44, %dma_start3A_45] : memref<3x200x128xf32, #tpu.memory_space<vmem>> -> memref<1x100x128xf32, #tpu.memory_space<vmem>>
    %dma_start3A_47 = tpu.memref_squeeze %dma_start3A_46 : memref<1x100x128xf32, #tpu.memory_space<vmem>> -> memref<100x128xf32, #tpu.memory_space<vmem>>
    %dma_start3A_48 = arith.constant 0 : i32
    %dma_start3A_49 = tpu.memref_slice %arg5[%dma_start3A_41, %dma_start3A_42, %dma_start3A_48] : memref<128x2x100xi32, #tpu.memory_space<vmem>> -> memref<1x1x100xi32, #tpu.memory_space<vmem>>
    %dma_start3A_50 = tpu.memref_squeeze %dma_start3A_49 : memref<1x1x100xi32, #tpu.memory_space<vmem>> -> memref<100xi32, #tpu.memory_space<vmem>>
    %dma_start3A_51 = arith.constant 0 : i32
    %dma_start3A_52 = arith.constant 0 : i32
    %dma_start3A_53 = tpu.memref_slice %arg3[%dma_start3A_51, %dma_start3A_52] : memref<100000x128xf32, #tpu.memory_space<hbm>> -> memref<100000x128xf32, #tpu.memory_space<hbm>>
    tpu.enqueue_indirect_dma source(%dma_start3A_53 : memref<100000x128xf32, #tpu.memory_space<hbm>>) target(%dma_start3A_47 : memref<100x128xf32, #tpu.memory_space<vmem>>) offsets(%dma_start3A_50 : memref<100xi32, #tpu.memory_space<vmem>>) semaphore(%arg9 : memref<!tpu.dma_semaphore, #tpu.memory_space<semaphore_mem>>)
    %dma_start3A_54 = arith.constant 2 : i32
    %dma_start3A_55 = arith.constant 0 : i32
    %dma_start3A_56 = arith.constant 2 : i32
    %dma_start3A_57 = arith.constant 0 : i32
    %dma_start3A_58 = arith.constant 0 : i32
    %dma_start3A_59 = tpu.memref_slice %arg6[%dma_start3A_56, %dma_start3A_57, %dma_start3A_58] : memref<3x200x128xf32, #tpu.memory_space<vmem>> -> memref<1x100x128xf32, #tpu.memory_space<vmem>>
    %dma_start3A_60 = tpu.memref_squeeze %dma_start3A_59 : memref<1x100x128xf32, #tpu.memory_space<vmem>> -> memref<100x128xf32, #tpu.memory_space<vmem>>
    %dma_start3A_61 = arith.constant 0 : i32
    %dma_start3A_62 = tpu.memref_slice %arg5[%dma_start3A_54, %dma_start3A_55, %dma_start3A_61] : memref<128x2x100xi32, #tpu.memory_space<vmem>> -> memref<1x1x100xi32, #tpu.memory_space<vmem>>
    %dma_start3A_63 = tpu.memref_squeeze %dma_start3A_62 : memref<1x1x100xi32, #tpu.memory_space<vmem>> -> memref<100xi32, #tpu.memory_space<vmem>>
    %dma_start3A_64 = arith.constant 0 : i32
    %dma_start3A_65 = arith.constant 0 : i32
    %dma_start3A_66 = tpu.memref_slice %arg3[%dma_start3A_64, %dma_start3A_65] : memref<100000x128xf32, #tpu.memory_space<hbm>> -> memref<100000x128xf32, #tpu.memory_space<hbm>>
    tpu.enqueue_indirect_dma source(%dma_start3A_66 : memref<100000x128xf32, #tpu.memory_space<hbm>>) target(%dma_start3A_60 : memref<100x128xf32, #tpu.memory_space<vmem>>) offsets(%dma_start3A_63 : memref<100xi32, #tpu.memory_space<vmem>>) semaphore(%arg10 : memref<!tpu.dma_semaphore, #tpu.memory_space<semaphore_mem>>)
    %dma_start3A_67 = arith.constant 2 : i32
    %dma_start3A_68 = arith.constant 1 : i32
    %dma_start3A_69 = arith.constant 2 : i32
    %dma_start3A_70 = arith.constant 100 : i32
    %dma_start3A_71 = arith.constant 0 : i32
    %dma_start3A_72 = tpu.memref_slice %arg6[%dma_start3A_69, %dma_start3A_70, %dma_start3A_71] : memref<3x200x128xf32, #tpu.memory_space<vmem>> -> memref<1x100x128xf32, #tpu.memory_space<vmem>>
    %dma_start3A_73 = tpu.memref_squeeze %dma_start3A_72 : memref<1x100x128xf32, #tpu.memory_space<vmem>> -> memref<100x128xf32, #tpu.memory_space<vmem>>
    %dma_start3A_74 = arith.constant 0 : i32
    %dma_start3A_75 = tpu.memref_slice %arg5[%dma_start3A_67, %dma_start3A_68, %dma_start3A_74] : memref<128x2x100xi32, #tpu.memory_space<vmem>> -> memref<1x1x100xi32, #tpu.memory_space<vmem>>
    %dma_start3A_76 = tpu.memref_squeeze %dma_start3A_75 : memref<1x1x100xi32, #tpu.memory_space<vmem>> -> memref<100xi32, #tpu.memory_space<vmem>>
    %dma_start3A_77 = arith.constant 0 : i32
    %dma_start3A_78 = arith.constant 0 : i32
    %dma_start3A_79 = tpu.memref_slice %arg3[%dma_start3A_77, %dma_start3A_78] : memref<100000x128xf32, #tpu.memory_space<hbm>> -> memref<100000x128xf32, #tpu.memory_space<hbm>>
    tpu.enqueue_indirect_dma source(%dma_start3A_79 : memref<100000x128xf32, #tpu.memory_space<hbm>>) target(%dma_start3A_73 : memref<100x128xf32, #tpu.memory_space<vmem>>) offsets(%dma_start3A_76 : memref<100xi32, #tpu.memory_space<vmem>>) semaphore(%arg10 : memref<!tpu.dma_semaphore, #tpu.memory_space<semaphore_mem>>)
    %scan3A = arith.constant 0 : i32
    %scan3A_80 = arith.constant 0 : i32
    %scan3A_81 = arith.constant 41 : i32
    %scan3A_82 = arith.addi %scan3A_80, %scan3A_81 : i32
    %scan3A_83 = arith.constant 1 : i32
    scf.for %scan3A_559 = %scan3A_80 to %scan3A_82 step %scan3A_83  : i32 {
      %mul3A_560 = arith.constant 3 : i32
      %mul3A_561 = arith.muli %mul3A_560, %scan3A_559 : i32
      %add3A_562 = arith.constant 0 : i32
      %add3A_563 = arith.addi %mul3A_561, %add3A_562 : i32
      %dma_wait3A_564 = arith.constant 0 : i32
      %dma_wait3A_565 = arith.constant 0 : i32
      %dma_wait3A_566 = arith.constant 0 : i32
      %dma_wait3A_567 = tpu.memref_slice %arg6[%dma_wait3A_564, %dma_wait3A_565, %dma_wait3A_566] : memref<3x200x128xf32, #tpu.memory_space<vmem>> -> memref<1x200x128xf32, #tpu.memory_space<vmem>>
      %dma_wait3A_568 = tpu.memref_squeeze %dma_wait3A_567 : memref<1x200x128xf32, #tpu.memory_space<vmem>> -> memref<200x128xf32, #tpu.memory_space<vmem>>
      %dma_wait3A_569 = arith.constant 0 : i32
      %dma_wait3A_570 = arith.constant 0 : i32
      %dma_wait3A_571 = tpu.memref_slice %arg3[%dma_wait3A_569, %dma_wait3A_570] : memref<100000x128xf32, #tpu.memory_space<hbm>> -> memref<200x128xf32, #tpu.memory_space<hbm>>
      %dma_wait3A_572 = arith.constant 0 : i32
      %dma_wait3A_573 = arith.constant 0 : i32
      %dma_wait3A_574 = tpu.memref_slice %arg6[%dma_wait3A_564, %dma_wait3A_572, %dma_wait3A_573] : memref<3x200x128xf32, #tpu.memory_space<vmem>> -> memref<1x200x128xf32, #tpu.memory_space<vmem>>
      %dma_wait3A_575 = tpu.memref_squeeze %dma_wait3A_574 : memref<1x200x128xf32, #tpu.memory_space<vmem>> -> memref<200x128xf32, #tpu.memory_space<vmem>>
      %dma_wait3A_576 = arith.constant 0 : i32
      %dma_wait3A_577 = arith.constant 0 : i32
      %dma_wait3A_578 = tpu.memref_slice %arg3[%dma_wait3A_576, %dma_wait3A_577] : memref<100000x128xf32, #tpu.memory_space<hbm>> -> memref<200x128xf32, #tpu.memory_space<hbm>>
      tpu.wait_dma2 semaphore(%arg8 : memref<!tpu.dma_semaphore, #tpu.memory_space<semaphore_mem>>) src(%dma_wait3A_578 : memref<200x128xf32, #tpu.memory_space<hbm>>) dst(%dma_wait3A_575 : memref<200x128xf32, #tpu.memory_space<vmem>>)
      %broadcast_in_dim3A_579 = arith.constant 0.000000e+00 : f32
      %broadcast_in_dim3A_580 = vector.broadcast %broadcast_in_dim3A_579 : f32 to vector<16xf32>
      %broadcast_in_dim3A_581 = arith.constant 0.000000e+00 : f32
      %broadcast_in_dim3A_582 = vector.broadcast %broadcast_in_dim3A_581 : f32 to vector<16xf32>
      %broadcast_in_dim3A_583 = arith.constant 0.000000e+00 : f32
      %broadcast_in_dim3A_584 = vector.broadcast %broadcast_in_dim3A_583 : f32 to vector<16xf32>
      %broadcast_in_dim3A_585 = arith.constant 0.000000e+00 : f32
      %broadcast_in_dim3A_586 = vector.broadcast %broadcast_in_dim3A_585 : f32 to vector<16xf32>
      %broadcast_in_dim3A_587 = arith.constant 0.000000e+00 : f32
      %broadcast_in_dim3A_588 = vector.broadcast %broadcast_in_dim3A_587 : f32 to vector<16xf32>
      %broadcast_in_dim3A_589 = arith.constant 0.000000e+00 : f32
      %broadcast_in_dim3A_590 = vector.broadcast %broadcast_in_dim3A_589 : f32 to vector<16xf32>
      %broadcast_in_dim3A_591 = arith.constant 0.000000e+00 : f32
      %broadcast_in_dim3A_592 = vector.broadcast %broadcast_in_dim3A_591 : f32 to vector<16xf32>
      %broadcast_in_dim3A_593 = arith.constant 0.000000e+00 : f32
      %broadcast_in_dim3A_594 = vector.broadcast %broadcast_in_dim3A_593 : f32 to vector<16xf32>
      %scan3A_595 = arith.constant 0 : i32
      %scan3A_596 = arith.constant 25 : i32
      %scan3A_597 = arith.addi %scan3A_595, %scan3A_596 : i32
      %scan3A_598 = arith.constant 1 : i32
      %scan3A_599:8 = scf.for %scan3A_877 = %scan3A_595 to %scan3A_597 step %scan3A_598 iter_args(%scan3A_878 = %broadcast_in_dim3A_580, %scan3A_879 = %broadcast_in_dim3A_582, %scan3A_880 = %broadcast_in_dim3A_584, %scan3A_881 = %broadcast_in_dim3A_586, %scan3A_882 = %broadcast_in_dim3A_588, %scan3A_883 = %broadcast_in_dim3A_590, %scan3A_884 = %broadcast_in_dim3A_592, %scan3A_885 = %broadcast_in_dim3A_594) -> (vector<16xf32>, vector<16xf32>, vector<16xf32>, vector<16xf32>, vector<16xf32>, vector<16xf32>, vector<16xf32>, vector<16xf32>)  : i32 {
        %mul3A_886 = arith.constant 8 : i32
        %mul3A_887 = arith.muli %scan3A_877, %mul3A_886 : i32
        %add3A_888 = arith.constant 0 : i32
        %add3A_889 = arith.addi %mul3A_887, %add3A_888 : i32
        %get3A = arith.constant 0 : i32
        %get3A_890 = arith.index_cast %get3A : i32 to index
        %get3A_891 = arith.index_cast %add3A_889 : i32 to index
        %get3A_892 = arith.constant 0 : index
        %get3A_893 = tpu.vector_load %arg6[%get3A_890, %get3A_891, %get3A_892] {strides = array<i32>} : memref<3x200x128xf32, #tpu.memory_space<vmem>>, vector<1x1x16xf32>,
        %get3A_894 = vector.shape_cast %get3A_893 : vector<1x1x16xf32> to vector<16xf32>
        %add3A_895 = arith.addf %scan3A_878, %get3A_894 : vector<16xf32>
        %get3A_896 = arith.constant 0 : i32
        %get3A_897 = arith.index_cast %get3A_896 : i32 to index
        %get3A_898 = arith.index_cast %add3A_889 : i32 to index
        %get3A_899 = arith.constant 16 : index
        %get3A_900 = tpu.vector_load %arg6[%get3A_897, %get3A_898, %get3A_899] {strides = array<i32>} : memref<3x200x128xf32, #tpu.memory_space<vmem>>, vector<1x1x16xf32>,
        %get3A_901 = vector.shape_cast %get3A_900 : vector<1x1x16xf32> to vector<16xf32>
        %add3A_902 = arith.addf %scan3A_879, %get3A_901 : vector<16xf32>
        %get3A_903 = arith.constant 0 : i32
        %get3A_904 = arith.index_cast %get3A_903 : i32 to index
        %get3A_905 = arith.index_cast %add3A_889 : i32 to index
        %get3A_906 = arith.constant 32 : index
        %get3A_907 = tpu.vector_load %arg6[%get3A_904, %get3A_905, %get3A_906] {strides = array<i32>} : memref<3x200x128xf32, #tpu.memory_space<vmem>>, vector<1x1x16xf32>,
        %get3A_908 = vector.shape_cast %get3A_907 : vector<1x1x16xf32> to vector<16xf32>
        %add3A_909 = arith.addf %scan3A_880, %get3A_908 : vector<16xf32>
        %get3A_910 = arith.constant 0 : i32
        %get3A_911 = arith.index_cast %get3A_910 : i32 to index
        %get3A_912 = arith.index_cast %add3A_889 : i32 to index
        %get3A_913 = arith.constant 48 : index
        %get3A_914 = tpu.vector_load %arg6[%get3A_911, %get3A_912, %get3A_913] {strides = array<i32>} : memref<3x200x128xf32, #tpu.memory_space<vmem>>, vector<1x1x16xf32>,
        %get3A_915 = vector.shape_cast %get3A_914 : vector<1x1x16xf32> to vector<16xf32>
        %add3A_916 = arith.addf %scan3A_881, %get3A_915 : vector<16xf32>
        %get3A_917 = arith.constant 0 : i32
        %get3A_918 = arith.index_cast %get3A_917 : i32 to index
        %get3A_919 = arith.index_cast %add3A_889 : i32 to index
        %get3A_920 = arith.constant 64 : index
        %get3A_921 = tpu.vector_load %arg6[%get3A_918, %get3A_919, %get3A_920] {strides = array<i32>} : memref<3x200x128xf32, #tpu.memory_space<vmem>>, vector<1x1x16xf32>,
        %get3A_922 = vector.shape_cast %get3A_921 : vector<1x1x16xf32> to vector<16xf32>
        %add3A_923 = arith.addf %scan3A_882, %get3A_922 : vector<16xf32>
        %get3A_924 = arith.constant 0 : i32
        %get3A_925 = arith.index_cast %get3A_924 : i32 to index
        %get3A_926 = arith.index_cast %add3A_889 : i32 to index
        %get3A_927 = arith.constant 80 : index
        %get3A_928 = tpu.vector_load %arg6[%get3A_925, %get3A_926, %get3A_927] {strides = array<i32>} : memref<3x200x128xf32, #tpu.memory_space<vmem>>, vector<1x1x16xf32>,
        %get3A_929 = vector.shape_cast %get3A_928 : vector<1x1x16xf32> to vector<16xf32>
        %add3A_930 = arith.addf %scan3A_883, %get3A_929 : vector<16xf32>
        %get3A_931 = arith.constant 0 : i32
        %get3A_932 = arith.index_cast %get3A_931 : i32 to index
        %get3A_933 = arith.index_cast %add3A_889 : i32 to index
        %get3A_934 = arith.constant 96 : index
        %get3A_935 = tpu.vector_load %arg6[%get3A_932, %get3A_933, %get3A_934] {strides = array<i32>} : memref<3x200x128xf32, #tpu.memory_space<vmem>>, vector<1x1x16xf32>,
        %get3A_936 = vector.shape_cast %get3A_935 : vector<1x1x16xf32> to vector<16xf32>
        %add3A_937 = arith.addf %scan3A_884, %get3A_936 : vector<16xf32>
        %get3A_938 = arith.constant 0 : i32
        %get3A_939 = arith.index_cast %get3A_938 : i32 to index
        %get3A_940 = arith.index_cast %add3A_889 : i32 to index
        %get3A_941 = arith.constant 112 : index
        %get3A_942 = tpu.vector_load %arg6[%get3A_939, %get3A_940, %get3A_941] {strides = array<i32>} : memref<3x200x128xf32, #tpu.memory_space<vmem>>, vector<1x1x16xf32>,
        %get3A_943 = vector.shape_cast %get3A_942 : vector<1x1x16xf32> to vector<16xf32>
        %add3A_944 = arith.addf %scan3A_885, %get3A_943 : vector<16xf32>
        %mul3A_945 = arith.constant 8 : i32
        %mul3A_946 = arith.muli %scan3A_877, %mul3A_945 : i32
        %add3A_947 = arith.constant 1 : i32
        %add3A_948 = arith.addi %mul3A_946, %add3A_947 : i32
        %get3A_949 = arith.constant 0 : i32
        %get3A_950 = arith.index_cast %get3A_949 : i32 to index
        %get3A_951 = arith.index_cast %add3A_948 : i32 to index
        %get3A_952 = arith.constant 0 : index
        %get3A_953 = tpu.vector_load %arg6[%get3A_950, %get3A_951, %get3A_952] {strides = array<i32>} : memref<3x200x128xf32, #tpu.memory_space<vmem>>, vector<1x1x16xf32>,
        %get3A_954 = vector.shape_cast %get3A_953 : vector<1x1x16xf32> to vector<16xf32>
        %add3A_955 = arith.addf %add3A_895, %get3A_954 : vector<16xf32>
        %get3A_956 = arith.constant 0 : i32
        %get3A_957 = arith.index_cast %get3A_956 : i32 to index
        %get3A_958 = arith.index_cast %add3A_948 : i32 to index
        %get3A_959 = arith.constant 16 : index
        %get3A_960 = tpu.vector_load %arg6[%get3A_957, %get3A_958, %get3A_959] {strides = array<i32>} : memref<3x200x128xf32, #tpu.memory_space<vmem>>, vector<1x1x16xf32>,
        %get3A_961 = vector.shape_cast %get3A_960 : vector<1x1x16xf32> to vector<16xf32>
        %add3A_962 = arith.addf %add3A_902, %get3A_961 : vector<16xf32>
        %get3A_963 = arith.constant 0 : i32
        %get3A_964 = arith.index_cast %get3A_963 : i32 to index
        %get3A_965 = arith.index_cast %add3A_948 : i32 to index
        %get3A_966 = arith.constant 32 : index
        %get3A_967 = tpu.vector_load %arg6[%get3A_964, %get3A_965, %get3A_966] {strides = array<i32>} : memref<3x200x128xf32, #tpu.memory_space<vmem>>, vector<1x1x16xf32>,
        %get3A_968 = vector.shape_cast %get3A_967 : vector<1x1x16xf32> to vector<16xf32>
        %add3A_969 = arith.addf %add3A_909, %get3A_968 : vector<16xf32>
        %get3A_970 = arith.constant 0 : i32
        %get3A_971 = arith.index_cast %get3A_970 : i32 to index
        %get3A_972 = arith.index_cast %add3A_948 : i32 to index
        %get3A_973 = arith.constant 48 : index
        %get3A_974 = tpu.vector_load %arg6[%get3A_971, %get3A_972, %get3A_973] {strides = array<i32>} : memref<3x200x128xf32, #tpu.memory_space<vmem>>, vector<1x1x16xf32>,
        %get3A_975 = vector.shape_cast %get3A_974 : vector<1x1x16xf32> to vector<16xf32>
        %add3A_976 = arith.addf %add3A_916, %get3A_975 : vector<16xf32>
        %get3A_977 = arith.constant 0 : i32
        %get3A_978 = arith.index_cast %get3A_977 : i32 to index
        %get3A_979 = arith.index_cast %add3A_948 : i32 to index
        %get3A_980 = arith.constant 64 : index
        %get3A_981 = tpu.vector_load %arg6[%get3A_978, %get3A_979, %get3A_980] {strides = array<i32>} : memref<3x200x128xf32, #tpu.memory_space<vmem>>, vector<1x1x16xf32>,
        %get3A_982 = vector.shape_cast %get3A_981 : vector<1x1x16xf32> to vector<16xf32>
        %add3A_983 = arith.addf %add3A_923, %get3A_982 : vector<16xf32>
        %get3A_984 = arith.constant 0 : i32
        %get3A_985 = arith.index_cast %get3A_984 : i32 to index
        %get3A_986 = arith.index_cast %add3A_948 : i32 to index
        %get3A_987 = arith.constant 80 : index
        %get3A_988 = tpu.vector_load %arg6[%get3A_985, %get3A_986, %get3A_987] {strides = array<i32>} : memref<3x200x128xf32, #tpu.memory_space<vmem>>, vector<1x1x16xf32>,
        %get3A_989 = vector.shape_cast %get3A_988 : vector<1x1x16xf32> to vector<16xf32>
        %add3A_990 = arith.addf %add3A_930, %get3A_989 : vector<16xf32>
        %get3A_991 = arith.constant 0 : i32
        %get3A_992 = arith.index_cast %get3A_991 : i32 to index
        %get3A_993 = arith.index_cast %add3A_948 : i32 to index
        %get3A_994 = arith.constant 96 : index
        %get3A_995 = tpu.vector_load %arg6[%get3A_992, %get3A_993, %get3A_994] {strides = array<i32>} : memref<3x200x128xf32, #tpu.memory_space<vmem>>, vector<1x1x16xf32>,
        %get3A_996 = vector.shape_cast %get3A_995 : vector<1x1x16xf32> to vector<16xf32>
        %add3A_997 = arith.addf %add3A_937, %get3A_996 : vector<16xf32>
        %get3A_998 = arith.constant 0 : i32
        %get3A_999 = arith.index_cast %get3A_998 : i32 to index
        %get3A_1000 = arith.index_cast %add3A_948 : i32 to index
        %get3A_1001 = arith.constant 112 : index
        %get3A_1002 = tpu.vector_load %arg6[%get3A_999, %get3A_1000, %get3A_1001] {strides = array<i32>} : memref<3x200x128xf32, #tpu.memory_space<vmem>>, vector<1x1x16xf32>,
        %get3A_1003 = vector.shape_cast %get3A_1002 : vector<1x1x16xf32> to vector<16xf32>
        %add3A_1004 = arith.addf %add3A_944, %get3A_1003 : vector<16xf32>
        %mul3A_1005 = arith.constant 8 : i32
        %mul3A_1006 = arith.muli %scan3A_877, %mul3A_1005 : i32
        %add3A_1007 = arith.constant 2 : i32
        %add3A_1008 = arith.addi %mul3A_1006, %add3A_1007 : i32
        %get3A_1009 = arith.constant 0 : i32
        %get3A_1010 = arith.index_cast %get3A_1009 : i32 to index
        %get3A_1011 = arith.index_cast %add3A_1008 : i32 to index
        %get3A_1012 = arith.constant 0 : index
        %get3A_1013 = tpu.vector_load %arg6[%get3A_1010, %get3A_1011, %get3A_1012] {strides = array<i32>} : memref<3x200x128xf32, #tpu.memory_space<vmem>>, vector<1x1x16xf32>,
        %get3A_1014 = vector.shape_cast %get3A_1013 : vector<1x1x16xf32> to vector<16xf32>
        %add3A_1015 = arith.addf %add3A_955, %get3A_1014 : vector<16xf32>
        %get3A_1016 = arith.constant 0 : i32
        %get3A_1017 = arith.index_cast %get3A_1016 : i32 to index
        %get3A_1018 = arith.index_cast %add3A_1008 : i32 to index
        %get3A_1019 = arith.constant 16 : index
        %get3A_1020 = tpu.vector_load %arg6[%get3A_1017, %get3A_1018, %get3A_1019] {strides = array<i32>} : memref<3x200x128xf32, #tpu.memory_space<vmem>>, vector<1x1x16xf32>,
        %get3A_1021 = vector.shape_cast %get3A_1020 : vector<1x1x16xf32> to vector<16xf32>
        %add3A_1022 = arith.addf %add3A_962, %get3A_1021 : vector<16xf32>
        %get3A_1023 = arith.constant 0 : i32
        %get3A_1024 = arith.index_cast %get3A_1023 : i32 to index
        %get3A_1025 = arith.index_cast %add3A_1008 : i32 to index
        %get3A_1026 = arith.constant 32 : index
        %get3A_1027 = tpu.vector_load %arg6[%get3A_1024, %get3A_1025, %get3A_1026] {strides = array<i32>} : memref<3x200x128xf32, #tpu.memory_space<vmem>>, vector<1x1x16xf32>,
        %get3A_1028 = vector.shape_cast %get3A_1027 : vector<1x1x16xf32> to vector<16xf32>
        %add3A_1029 = arith.addf %add3A_969, %get3A_1028 : vector<16xf32>
        %get3A_1030 = arith.constant 0 : i32
        %get3A_1031 = arith.index_cast %get3A_1030 : i32 to index
        %get3A_1032 = arith.index_cast %add3A_1008 : i32 to index
        %get3A_1033 = arith.constant 48 : index
        %get3A_1034 = tpu.vector_load %arg6[%get3A_1031, %get3A_1032, %get3A_1033] {strides = array<i32>} : memref<3x200x128xf32, #tpu.memory_space<vmem>>, vector<1x1x16xf32>,
        %get3A_1035 = vector.shape_cast %get3A_1034 : vector<1x1x16xf32> to vector<16xf32>
        %add3A_1036 = arith.addf %add3A_976, %get3A_1035 : vector<16xf32>
        %get3A_1037 = arith.constant 0 : i32
        %get3A_1038 = arith.index_cast %get3A_1037 : i32 to index
        %get3A_1039 = arith.index_cast %add3A_1008 : i32 to index
        %get3A_1040 = arith.constant 64 : index
        %get3A_1041 = tpu.vector_load %arg6[%get3A_1038, %get3A_1039, %get3A_1040] {strides = array<i32>} : memref<3x200x128xf32, #tpu.memory_space<vmem>>, vector<1x1x16xf32>,
        %get3A_1042 = vector.shape_cast %get3A_1041 : vector<1x1x16xf32> to vector<16xf32>
        %add3A_1043 = arith.addf %add3A_983, %get3A_1042 : vector<16xf32>
        %get3A_1044 = arith.constant 0 : i32
        %get3A_1045 = arith.index_cast %get3A_1044 : i32 to index
        %get3A_1046 = arith.index_cast %add3A_1008 : i32 to index
        %get3A_1047 = arith.constant 80 : index
        %get3A_1048 = tpu.vector_load %arg6[%get3A_1045, %get3A_1046, %get3A_1047] {strides = array<i32>} : memref<3x200x128xf32, #tpu.memory_space<vmem>>, vector<1x1x16xf32>,
        %get3A_1049 = vector.shape_cast %get3A_1048 : vector<1x1x16xf32> to vector<16xf32>
        %add3A_1050 = arith.addf %add3A_990, %get3A_1049 : vector<16xf32>
        %get3A_1051 = arith.constant 0 : i32
        %get3A_1052 = arith.index_cast %get3A_1051 : i32 to index
        %get3A_1053 = arith.index_cast %add3A_1008 : i32 to index
        %get3A_1054 = arith.constant 96 : index
        %get3A_1055 = tpu.vector_load %arg6[%get3A_1052, %get3A_1053, %get3A_1054] {strides = array<i32>} : memref<3x200x128xf32, #tpu.memory_space<vmem>>, vector<1x1x16xf32>,
        %get3A_1056 = vector.shape_cast %get3A_1055 : vector<1x1x16xf32> to vector<16xf32>
        %add3A_1057 = arith.addf %add3A_997, %get3A_1056 : vector<16xf32>
        %get3A_1058 = arith.constant 0 : i32
        %get3A_1059 = arith.index_cast %get3A_1058 : i32 to index
        %get3A_1060 = arith.index_cast %add3A_1008 : i32 to index
        %get3A_1061 = arith.constant 112 : index
        %get3A_1062 = tpu.vector_load %arg6[%get3A_1059, %get3A_1060, %get3A_1061] {strides = array<i32>} : memref<3x200x128xf32, #tpu.memory_space<vmem>>, vector<1x1x16xf32>,
        %get3A_1063 = vector.shape_cast %get3A_1062 : vector<1x1x16xf32> to vector<16xf32>
        %add3A_1064 = arith.addf %add3A_1004, %get3A_1063 : vector<16xf32>
        %mul3A_1065 = arith.constant 8 : i32
        %mul3A_1066 = arith.muli %scan3A_877, %mul3A_1065 : i32
        %add3A_1067 = arith.constant 3 : i32
        %add3A_1068 = arith.addi %mul3A_1066, %add3A_1067 : i32
        %get3A_1069 = arith.constant 0 : i32
        %get3A_1070 = arith.index_cast %get3A_1069 : i32 to index
        %get3A_1071 = arith.index_cast %add3A_1068 : i32 to index
        %get3A_1072 = arith.constant 0 : index
        %get3A_1073 = tpu.vector_load %arg6[%get3A_1070, %get3A_1071, %get3A_1072] {strides = array<i32>} : memref<3x200x128xf32, #tpu.memory_space<vmem>>, vector<1x1x16xf32>,
        %get3A_1074 = vector.shape_cast %get3A_1073 : vector<1x1x16xf32> to vector<16xf32>
        %add3A_1075 = arith.addf %add3A_1015, %get3A_1074 : vector<16xf32>
        %get3A_1076 = arith.constant 0 : i32
        %get3A_1077 = arith.index_cast %get3A_1076 : i32 to index
        %get3A_1078 = arith.index_cast %add3A_1068 : i32 to index
        %get3A_1079 = arith.constant 16 : index
        %get3A_1080 = tpu.vector_load %arg6[%get3A_1077, %get3A_1078, %get3A_1079] {strides = array<i32>} : memref<3x200x128xf32, #tpu.memory_space<vmem>>, vector<1x1x16xf32>,
        %get3A_1081 = vector.shape_cast %get3A_1080 : vector<1x1x16xf32> to vector<16xf32>
        %add3A_1082 = arith.addf %add3A_1022, %get3A_1081 : vector<16xf32>
        %get3A_1083 = arith.constant 0 : i32
        %get3A_1084 = arith.index_cast %get3A_1083 : i32 to index
        %get3A_1085 = arith.index_cast %add3A_1068 : i32 to index
        %get3A_1086 = arith.constant 32 : index
        %get3A_1087 = tpu.vector_load %arg6[%get3A_1084, %get3A_1085, %get3A_1086] {strides = array<i32>} : memref<3x200x128xf32, #tpu.memory_space<vmem>>, vector<1x1x16xf32>,
        %get3A_1088 = vector.shape_cast %get3A_1087 : vector<1x1x16xf32> to vector<16xf32>
        %add3A_1089 = arith.addf %add3A_1029, %get3A_1088 : vector<16xf32>
        %get3A_1090 = arith.constant 0 : i32
        %get3A_1091 = arith.index_cast %get3A_1090 : i32 to index
        %get3A_1092 = arith.index_cast %add3A_1068 : i32 to index
        %get3A_1093 = arith.constant 48 : index
        %get3A_1094 = tpu.vector_load %arg6[%get3A_1091, %get3A_1092, %get3A_1093] {strides = array<i32>} : memref<3x200x128xf32, #tpu.memory_space<vmem>>, vector<1x1x16xf32>,
        %get3A_1095 = vector.shape_cast %get3A_1094 : vector<1x1x16xf32> to vector<16xf32>
        %add3A_1096 = arith.addf %add3A_1036, %get3A_1095 : vector<16xf32>
        %get3A_1097 = arith.constant 0 : i32
        %get3A_1098 = arith.index_cast %get3A_1097 : i32 to index
        %get3A_1099 = arith.index_cast %add3A_1068 : i32 to index
        %get3A_1100 = arith.constant 64 : index
        %get3A_1101 = tpu.vector_load %arg6[%get3A_1098, %get3A_1099, %get3A_1100] {strides = array<i32>} : memref<3x200x128xf32, #tpu.memory_space<vmem>>, vector<1x1x16xf32>,
        %get3A_1102 = vector.shape_cast %get3A_1101 : vector<1x1x16xf32> to vector<16xf32>
        %add3A_1103 = arith.addf %add3A_1043, %get3A_1102 : vector<16xf32>
        %get3A_1104 = arith.constant 0 : i32
        %get3A_1105 = arith.index_cast %get3A_1104 : i32 to index
        %get3A_1106 = arith.index_cast %add3A_1068 : i32 to index
        %get3A_1107 = arith.constant 80 : index
        %get3A_1108 = tpu.vector_load %arg6[%get3A_1105, %get3A_1106, %get3A_1107] {strides = array<i32>} : memref<3x200x128xf32, #tpu.memory_space<vmem>>, vector<1x1x16xf32>,
        %get3A_1109 = vector.shape_cast %get3A_1108 : vector<1x1x16xf32> to vector<16xf32>
        %add3A_1110 = arith.addf %add3A_1050, %get3A_1109 : vector<16xf32>
        %get3A_1111 = arith.constant 0 : i32
        %get3A_1112 = arith.index_cast %get3A_1111 : i32 to index
        %get3A_1113 = arith.index_cast %add3A_1068 : i32 to index
        %get3A_1114 = arith.constant 96 : index
        %get3A_1115 = tpu.vector_load %arg6[%get3A_1112, %get3A_1113, %get3A_1114] {strides = array<i32>} : memref<3x200x128xf32, #tpu.memory_space<vmem>>, vector<1x1x16xf32>,
        %get3A_1116 = vector.shape_cast %get3A_1115 : vector<1x1x16xf32> to vector<16xf32>
        %add3A_1117 = arith.addf %add3A_1057, %get3A_1116 : vector<16xf32>
        %get3A_1118 = arith.constant 0 : i32
        %get3A_1119 = arith.index_cast %get3A_1118 : i32 to index
        %get3A_1120 = arith.index_cast %add3A_1068 : i32 to index
        %get3A_1121 = arith.constant 112 : index
        %get3A_1122 = tpu.vector_load %arg6[%get3A_1119, %get3A_1120, %get3A_1121] {strides = array<i32>} : memref<3x200x128xf32, #tpu.memory_space<vmem>>, vector<1x1x16xf32>,
        %get3A_1123 = vector.shape_cast %get3A_1122 : vector<1x1x16xf32> to vector<16xf32>
        %add3A_1124 = arith.addf %add3A_1064, %get3A_1123 : vector<16xf32>
        %mul3A_1125 = arith.constant 8 : i32
        %mul3A_1126 = arith.muli %scan3A_877, %mul3A_1125 : i32
        %add3A_1127 = arith.constant 4 : i32
        %add3A_1128 = arith.addi %mul3A_1126, %add3A_1127 : i32
        %get3A_1129 = arith.constant 0 : i32
        %get3A_1130 = arith.index_cast %get3A_1129 : i32 to index
        %get3A_1131 = arith.index_cast %add3A_1128 : i32 to index
        %get3A_1132 = arith.constant 0 : index
        %get3A_1133 = tpu.vector_load %arg6[%get3A_1130, %get3A_1131, %get3A_1132] {strides = array<i32>} : memref<3x200x128xf32, #tpu.memory_space<vmem>>, vector<1x1x16xf32>,
        %get3A_1134 = vector.shape_cast %get3A_1133 : vector<1x1x16xf32> to vector<16xf32>
        %add3A_1135 = arith.addf %add3A_1075, %get3A_1134 : vector<16xf32>
        %get3A_1136 = arith.constant 0 : i32
        %get3A_1137 = arith.index_cast %get3A_1136 : i32 to index
        %get3A_1138 = arith.index_cast %add3A_1128 : i32 to index
        %get3A_1139 = arith.constant 16 : index
        %get3A_1140 = tpu.vector_load %arg6[%get3A_1137, %get3A_1138, %get3A_1139] {strides = array<i32>} : memref<3x200x128xf32, #tpu.memory_space<vmem>>, vector<1x1x16xf32>,
        %get3A_1141 = vector.shape_cast %get3A_1140 : vector<1x1x16xf32> to vector<16xf32>
        %add3A_1142 = arith.addf %add3A_1082, %get3A_1141 : vector<16xf32>
        %get3A_1143 = arith.constant 0 : i32
        %get3A_1144 = arith.index_cast %get3A_1143 : i32 to index
        %get3A_1145 = arith.index_cast %add3A_1128 : i32 to index
        %get3A_1146 = arith.constant 32 : index
        %get3A_1147 = tpu.vector_load %arg6[%get3A_1144, %get3A_1145, %get3A_1146] {strides = array<i32>} : memref<3x200x128xf32, #tpu.memory_space<vmem>>, vector<1x1x16xf32>,
        %get3A_1148 = vector.shape_cast %get3A_1147 : vector<1x1x16xf32> to vector<16xf32>
        %add3A_1149 = arith.addf %add3A_1089, %get3A_1148 : vector<16xf32>
        %get3A_1150 = arith.constant 0 : i32
        %get3A_1151 = arith.index_cast %get3A_1150 : i32 to index
        %get3A_1152 = arith.index_cast %add3A_1128 : i32 to index
        %get3A_1153 = arith.constant 48 : index
        %get3A_1154 = tpu.vector_load %arg6[%get3A_1151, %get3A_1152, %get3A_1153] {strides = array<i32>} : memref<3x200x128xf32, #tpu.memory_space<vmem>>, vector<1x1x16xf32>,
        %get3A_1155 = vector.shape_cast %get3A_1154 : vector<1x1x16xf32> to vector<16xf32>
        %add3A_1156 = arith.addf %add3A_1096, %get3A_1155 : vector<16xf32>
        %get3A_1157 = arith.constant 0 : i32
        %get3A_1158 = arith.index_cast %get3A_1157 : i32 to index
        %get3A_1159 = arith.index_cast %add3A_1128 : i32 to index
        %get3A_1160 = arith.constant 64 : index
        %get3A_1161 = tpu.vector_load %arg6[%get3A_1158, %get3A_1159, %get3A_1160] {strides = array<i32>} : memref<3x200x128xf32, #tpu.memory_space<vmem>>, vector<1x1x16xf32>,
        %get3A_1162 = vector.shape_cast %get3A_1161 : vector<1x1x16xf32> to vector<16xf32>
        %add3A_1163 = arith.addf %add3A_1103, %get3A_1162 : vector<16xf32>
        %get3A_1164 = arith.constant 0 : i32
        %get3A_1165 = arith.index_cast %get3A_1164 : i32 to index
        %get3A_1166 = arith.index_cast %add3A_1128 : i32 to index
        %get3A_1167 = arith.constant 80 : index
        %get3A_1168 = tpu.vector_load %arg6[%get3A_1165, %get3A_1166, %get3A_1167] {strides = array<i32>} : memref<3x200x128xf32, #tpu.memory_space<vmem>>, vector<1x1x16xf32>,
        %get3A_1169 = vector.shape_cast %get3A_1168 : vector<1x1x16xf32> to vector<16xf32>
        %add3A_1170 = arith.addf %add3A_1110, %get3A_1169 : vector<16xf32>
        %get3A_1171 = arith.constant 0 : i32
        %get3A_1172 = arith.index_cast %get3A_1171 : i32 to index
        %get3A_1173 = arith.index_cast %add3A_1128 : i32 to index
        %get3A_1174 = arith.constant 96 : index
        %get3A_1175 = tpu.vector_load %arg6[%get3A_1172, %get3A_1173, %get3A_1174] {strides = array<i32>} : memref<3x200x128xf32, #tpu.memory_space<vmem>>, vector<1x1x16xf32>,
        %get3A_1176 = vector.shape_cast %get3A_1175 : vector<1x1x16xf32> to vector<16xf32>
        %add3A_1177 = arith.addf %add3A_1117, %get3A_1176 : vector<16xf32>
        %get3A_1178 = arith.constant 0 : i32
        %get3A_1179 = arith.index_cast %get3A_1178 : i32 to index
        %get3A_1180 = arith.index_cast %add3A_1128 : i32 to index
        %get3A_1181 = arith.constant 112 : index
        %get3A_1182 = tpu.vector_load %arg6[%get3A_1179, %get3A_1180, %get3A_1181] {strides = array<i32>} : memref<3x200x128xf32, #tpu.memory_space<vmem>>, vector<1x1x16xf32>,
        %get3A_1183 = vector.shape_cast %get3A_1182 : vector<1x1x16xf32> to vector<16xf32>
        %add3A_1184 = arith.addf %add3A_1124, %get3A_1183 : vector<16xf32>
        %mul3A_1185 = arith.constant 8 : i32
        %mul3A_1186 = arith.muli %scan3A_877, %mul3A_1185 : i32
        %add3A_1187 = arith.constant 5 : i32
        %add3A_1188 = arith.addi %mul3A_1186, %add3A_1187 : i32
        %get3A_1189 = arith.constant 0 : i32
        %get3A_1190 = arith.index_cast %get3A_1189 : i32 to index
        %get3A_1191 = arith.index_cast %add3A_1188 : i32 to index
        %get3A_1192 = arith.constant 0 : index
        %get3A_1193 = tpu.vector_load %arg6[%get3A_1190, %get3A_1191, %get3A_1192] {strides = array<i32>} : memref<3x200x128xf32, #tpu.memory_space<vmem>>, vector<1x1x16xf32>,
        %get3A_1194 = vector.shape_cast %get3A_1193 : vector<1x1x16xf32> to vector<16xf32>
        %add3A_1195 = arith.addf %add3A_1135, %get3A_1194 : vector<16xf32>
        %get3A_1196 = arith.constant 0 : i32
        %get3A_1197 = arith.index_cast %get3A_1196 : i32 to index
        %get3A_1198 = arith.index_cast %add3A_1188 : i32 to index
        %get3A_1199 = arith.constant 16 : index
        %get3A_1200 = tpu.vector_load %arg6[%get3A_1197, %get3A_1198, %get3A_1199] {strides = array<i32>} : memref<3x200x128xf32, #tpu.memory_space<vmem>>, vector<1x1x16xf32>,
        %get3A_1201 = vector.shape_cast %get3A_1200 : vector<1x1x16xf32> to vector<16xf32>
        %add3A_1202 = arith.addf %add3A_1142, %get3A_1201 : vector<16xf32>
        %get3A_1203 = arith.constant 0 : i32
        %get3A_1204 = arith.index_cast %get3A_1203 : i32 to index
        %get3A_1205 = arith.index_cast %add3A_1188 : i32 to index
        %get3A_1206 = arith.constant 32 : index
        %get3A_1207 = tpu.vector_load %arg6[%get3A_1204, %get3A_1205, %get3A_1206] {strides = array<i32>} : memref<3x200x128xf32, #tpu.memory_space<vmem>>, vector<1x1x16xf32>,
        %get3A_1208 = vector.shape_cast %get3A_1207 : vector<1x1x16xf32> to vector<16xf32>
        %add3A_1209 = arith.addf %add3A_1149, %get3A_1208 : vector<16xf32>
        %get3A_1210 = arith.constant 0 : i32
        %get3A_1211 = arith.index_cast %get3A_1210 : i32 to index
        %get3A_1212 = arith.index_cast %add3A_1188 : i32 to index
        %get3A_1213 = arith.constant 48 : index
        %get3A_1214 = tpu.vector_load %arg6[%get3A_1211, %get3A_1212, %get3A_1213] {strides = array<i32>} : memref<3x200x128xf32, #tpu.memory_space<vmem>>, vector<1x1x16xf32>,
        %get3A_1215 = vector.shape_cast %get3A_1214 : vector<1x1x16xf32> to vector<16xf32>
        %add3A_1216 = arith.addf %add3A_1156, %get3A_1215 : vector<16xf32>
        %get3A_1217 = arith.constant 0 : i32
        %get3A_1218 = arith.index_cast %get3A_1217 : i32 to index
        %get3A_1219 = arith.index_cast %add3A_1188 : i32 to index
        %get3A_1220 = arith.constant 64 : index
        %get3A_1221 = tpu.vector_load %arg6[%get3A_1218, %get3A_1219, %get3A_1220] {strides = array<i32>} : memref<3x200x128xf32, #tpu.memory_space<vmem>>, vector<1x1x16xf32>,
        %get3A_1222 = vector.shape_cast %get3A_1221 : vector<1x1x16xf32> to vector<16xf32>
        %add3A_1223 = arith.addf %add3A_1163, %get3A_1222 : vector<16xf32>
        %get3A_1224 = arith.constant 0 : i32
        %get3A_1225 = arith.index_cast %get3A_1224 : i32 to index
        %get3A_1226 = arith.index_cast %add3A_1188 : i32 to index
        %get3A_1227 = arith.constant 80 : index
        %get3A_1228 = tpu.vector_load %arg6[%get3A_1225, %get3A_1226, %get3A_1227] {strides = array<i32>} : memref<3x200x128xf32, #tpu.memory_space<vmem>>, vector<1x1x16xf32>,
        %get3A_1229 = vector.shape_cast %get3A_1228 : vector<1x1x16xf32> to vector<16xf32>
        %add3A_1230 = arith.addf %add3A_1170, %get3A_1229 : vector<16xf32>
        %get3A_1231 = arith.constant 0 : i32
        %get3A_1232 = arith.index_cast %get3A_1231 : i32 to index
        %get3A_1233 = arith.index_cast %add3A_1188 : i32 to index
        %get3A_1234 = arith.constant 96 : index
        %get3A_1235 = tpu.vector_load %arg6[%get3A_1232, %get3A_1233, %get3A_1234] {strides = array<i32>} : memref<3x200x128xf32, #tpu.memory_space<vmem>>, vector<1x1x16xf32>,
        %get3A_1236 = vector.shape_cast %get3A_1235 : vector<1x1x16xf32> to vector<16xf32>
        %add3A_1237 = arith.addf %add3A_1177, %get3A_1236 : vector<16xf32>
        %get3A_1238 = arith.constant 0 : i32
        %get3A_1239 = arith.index_cast %get3A_1238 : i32 to index
        %get3A_1240 = arith.index_cast %add3A_1188 : i32 to index
        %get3A_1241 = arith.constant 112 : index
        %get3A_1242 = tpu.vector_load %arg6[%get3A_1239, %get3A_1240, %get3A_1241] {strides = array<i32>} : memref<3x200x128xf32, #tpu.memory_space<vmem>>, vector<1x1x16xf32>,
        %get3A_1243 = vector.shape_cast %get3A_1242 : vector<1x1x16xf32> to vector<16xf32>
        %add3A_1244 = arith.addf %add3A_1184, %get3A_1243 : vector<16xf32>
        %mul3A_1245 = arith.constant 8 : i32
        %mul3A_1246 = arith.muli %scan3A_877, %mul3A_1245 : i32
        %add3A_1247 = arith.constant 6 : i32
        %add3A_1248 = arith.addi %mul3A_1246, %add3A_1247 : i32
        %get3A_1249 = arith.constant 0 : i32
        %get3A_1250 = arith.index_cast %get3A_1249 : i32 to index
        %get3A_1251 = arith.index_cast %add3A_1248 : i32 to index
        %get3A_1252 = arith.constant 0 : index
        %get3A_1253 = tpu.vector_load %arg6[%get3A_1250, %get3A_1251, %get3A_1252] {strides = array<i32>} : memref<3x200x128xf32, #tpu.memory_space<vmem>>, vector<1x1x16xf32>,
        %get3A_1254 = vector.shape_cast %get3A_1253 : vector<1x1x16xf32> to vector<16xf32>
        %add3A_1255 = arith.addf %add3A_1195, %get3A_1254 : vector<16xf32>
        %get3A_1256 = arith.constant 0 : i32
        %get3A_1257 = arith.index_cast %get3A_1256 : i32 to index
        %get3A_1258 = arith.index_cast %add3A_1248 : i32 to index
        %get3A_1259 = arith.constant 16 : index
        %get3A_1260 = tpu.vector_load %arg6[%get3A_1257, %get3A_1258, %get3A_1259] {strides = array<i32>} : memref<3x200x128xf32, #tpu.memory_space<vmem>>, vector<1x1x16xf32>,
        %get3A_1261 = vector.shape_cast %get3A_1260 : vector<1x1x16xf32> to vector<16xf32>
        %add3A_1262 = arith.addf %add3A_1202, %get3A_1261 : vector<16xf32>
        %get3A_1263 = arith.constant 0 : i32
        %get3A_1264 = arith.index_cast %get3A_1263 : i32 to index
        %get3A_1265 = arith.index_cast %add3A_1248 : i32 to index
        %get3A_1266 = arith.constant 32 : index
        %get3A_1267 = tpu.vector_load %arg6[%get3A_1264, %get3A_1265, %get3A_1266] {strides = array<i32>} : memref<3x200x128xf32, #tpu.memory_space<vmem>>, vector<1x1x16xf32>,
        %get3A_1268 = vector.shape_cast %get3A_1267 : vector<1x1x16xf32> to vector<16xf32>
        %add3A_1269 = arith.addf %add3A_1209, %get3A_1268 : vector<16xf32>
        %get3A_1270 = arith.constant 0 : i32
        %get3A_1271 = arith.index_cast %get3A_1270 : i32 to index
        %get3A_1272 = arith.index_cast %add3A_1248 : i32 to index
        %get3A_1273 = arith.constant 48 : index
        %get3A_1274 = tpu.vector_load %arg6[%get3A_1271, %get3A_1272, %get3A_1273] {strides = array<i32>} : memref<3x200x128xf32, #tpu.memory_space<vmem>>, vector<1x1x16xf32>,
        %get3A_1275 = vector.shape_cast %get3A_1274 : vector<1x1x16xf32> to vector<16xf32>
        %add3A_1276 = arith.addf %add3A_1216, %get3A_1275 : vector<16xf32>
        %get3A_1277 = arith.constant 0 : i32
        %get3A_1278 = arith.index_cast %get3A_1277 : i32 to index
        %get3A_1279 = arith.index_cast %add3A_1248 : i32 to index
        %get3A_1280 = arith.constant 64 : index
        %get3A_1281 = tpu.vector_load %arg6[%get3A_1278, %get3A_1279, %get3A_1280] {strides = array<i32>} : memref<3x200x128xf32, #tpu.memory_space<vmem>>, vector<1x1x16xf32>,
        %get3A_1282 = vector.shape_cast %get3A_1281 : vector<1x1x16xf32> to vector<16xf32>
        %add3A_1283 = arith.addf %add3A_1223, %get3A_1282 : vector<16xf32>
        %get3A_1284 = arith.constant 0 : i32
        %get3A_1285 = arith.index_cast %get3A_1284 : i32 to index
        %get3A_1286 = arith.index_cast %add3A_1248 : i32 to index
        %get3A_1287 = arith.constant 80 : index
        %get3A_1288 = tpu.vector_load %arg6[%get3A_1285, %get3A_1286, %get3A_1287] {strides = array<i32>} : memref<3x200x128xf32, #tpu.memory_space<vmem>>, vector<1x1x16xf32>,
        %get3A_1289 = vector.shape_cast %get3A_1288 : vector<1x1x16xf32> to vector<16xf32>
        %add3A_1290 = arith.addf %add3A_1230, %get3A_1289 : vector<16xf32>
        %get3A_1291 = arith.constant 0 : i32
        %get3A_1292 = arith.index_cast %get3A_1291 : i32 to index
        %get3A_1293 = arith.index_cast %add3A_1248 : i32 to index
        %get3A_1294 = arith.constant 96 : index
        %get3A_1295 = tpu.vector_load %arg6[%get3A_1292, %get3A_1293, %get3A_1294] {strides = array<i32>} : memref<3x200x128xf32, #tpu.memory_space<vmem>>, vector<1x1x16xf32>,
        %get3A_1296 = vector.shape_cast %get3A_1295 : vector<1x1x16xf32> to vector<16xf32>
        %add3A_1297 = arith.addf %add3A_1237, %get3A_1296 : vector<16xf32>
        %get3A_1298 = arith.constant 0 : i32
        %get3A_1299 = arith.index_cast %get3A_1298 : i32 to index
        %get3A_1300 = arith.index_cast %add3A_1248 : i32 to index
        %get3A_1301 = arith.constant 112 : index
        %get3A_1302 = tpu.vector_load %arg6[%get3A_1299, %get3A_1300, %get3A_1301] {strides = array<i32>} : memref<3x200x128xf32, #tpu.memory_space<vmem>>, vector<1x1x16xf32>,
        %get3A_1303 = vector.shape_cast %get3A_1302 : vector<1x1x16xf32> to vector<16xf32>
        %add3A_1304 = arith.addf %add3A_1244, %get3A_1303 : vector<16xf32>
        %mul3A_1305 = arith.constant 8 : i32
        %mul3A_1306 = arith.muli %scan3A_877, %mul3A_1305 : i32
        %add3A_1307 = arith.constant 7 : i32
        %add3A_1308 = arith.addi %mul3A_1306, %add3A_1307 : i32
        %get3A_1309 = arith.constant 0 : i32
        %get3A_1310 = arith.index_cast %get3A_1309 : i32 to index
        %get3A_1311 = arith.index_cast %add3A_1308 : i32 to index
        %get3A_1312 = arith.constant 0 : index
        %get3A_1313 = tpu.vector_load %arg6[%get3A_1310, %get3A_1311, %get3A_1312] {strides = array<i32>} : memref<3x200x128xf32, #tpu.memory_space<vmem>>, vector<1x1x16xf32>,
        %get3A_1314 = vector.shape_cast %get3A_1313 : vector<1x1x16xf32> to vector<16xf32>
        %add3A_1315 = arith.addf %add3A_1255, %get3A_1314 : vector<16xf32>
        %get3A_1316 = arith.constant 0 : i32
        %get3A_1317 = arith.index_cast %get3A_1316 : i32 to index
        %get3A_1318 = arith.index_cast %add3A_1308 : i32 to index
        %get3A_1319 = arith.constant 16 : index
        %get3A_1320 = tpu.vector_load %arg6[%get3A_1317, %get3A_1318, %get3A_1319] {strides = array<i32>} : memref<3x200x128xf32, #tpu.memory_space<vmem>>, vector<1x1x16xf32>,
        %get3A_1321 = vector.shape_cast %get3A_1320 : vector<1x1x16xf32> to vector<16xf32>
        %add3A_1322 = arith.addf %add3A_1262, %get3A_1321 : vector<16xf32>
        %get3A_1323 = arith.constant 0 : i32
        %get3A_1324 = arith.index_cast %get3A_1323 : i32 to index
        %get3A_1325 = arith.index_cast %add3A_1308 : i32 to index
        %get3A_1326 = arith.constant 32 : index
        %get3A_1327 = tpu.vector_load %arg6[%get3A_1324, %get3A_1325, %get3A_1326] {strides = array<i32>} : memref<3x200x128xf32, #tpu.memory_space<vmem>>, vector<1x1x16xf32>,
        %get3A_1328 = vector.shape_cast %get3A_1327 : vector<1x1x16xf32> to vector<16xf32>
        %add3A_1329 = arith.addf %add3A_1269, %get3A_1328 : vector<16xf32>
        %get3A_1330 = arith.constant 0 : i32
        %get3A_1331 = arith.index_cast %get3A_1330 : i32 to index
        %get3A_1332 = arith.index_cast %add3A_1308 : i32 to index
        %get3A_1333 = arith.constant 48 : index
        %get3A_1334 = tpu.vector_load %arg6[%get3A_1331, %get3A_1332, %get3A_1333] {strides = array<i32>} : memref<3x200x128xf32, #tpu.memory_space<vmem>>, vector<1x1x16xf32>,
        %get3A_1335 = vector.shape_cast %get3A_1334 : vector<1x1x16xf32> to vector<16xf32>
        %add3A_1336 = arith.addf %add3A_1276, %get3A_1335 : vector<16xf32>
        %get3A_1337 = arith.constant 0 : i32
        %get3A_1338 = arith.index_cast %get3A_1337 : i32 to index
        %get3A_1339 = arith.index_cast %add3A_1308 : i32 to index
        %get3A_1340 = arith.constant 64 : index
        %get3A_1341 = tpu.vector_load %arg6[%get3A_1338, %get3A_1339, %get3A_1340] {strides = array<i32>} : memref<3x200x128xf32, #tpu.memory_space<vmem>>, vector<1x1x16xf32>,
        %get3A_1342 = vector.shape_cast %get3A_1341 : vector<1x1x16xf32> to vector<16xf32>
        %add3A_1343 = arith.addf %add3A_1283, %get3A_1342 : vector<16xf32>
        %get3A_1344 = arith.constant 0 : i32
        %get3A_1345 = arith.index_cast %get3A_1344 : i32 to index
        %get3A_1346 = arith.index_cast %add3A_1308 : i32 to index
        %get3A_1347 = arith.constant 80 : index
        %get3A_1348 = tpu.vector_load %arg6[%get3A_1345, %get3A_1346, %get3A_1347] {strides = array<i32>} : memref<3x200x128xf32, #tpu.memory_space<vmem>>, vector<1x1x16xf32>,
        %get3A_1349 = vector.shape_cast %get3A_1348 : vector<1x1x16xf32> to vector<16xf32>
        %add3A_1350 = arith.addf %add3A_1290, %get3A_1349 : vector<16xf32>
        %get3A_1351 = arith.constant 0 : i32
        %get3A_1352 = arith.index_cast %get3A_1351 : i32 to index
        %get3A_1353 = arith.index_cast %add3A_1308 : i32 to index
        %get3A_1354 = arith.constant 96 : index
        %get3A_1355 = tpu.vector_load %arg6[%get3A_1352, %get3A_1353, %get3A_1354] {strides = array<i32>} : memref<3x200x128xf32, #tpu.memory_space<vmem>>, vector<1x1x16xf32>,
        %get3A_1356 = vector.shape_cast %get3A_1355 : vector<1x1x16xf32> to vector<16xf32>
        %add3A_1357 = arith.addf %add3A_1297, %get3A_1356 : vector<16xf32>
        %get3A_1358 = arith.constant 0 : i32
        %get3A_1359 = arith.index_cast %get3A_1358 : i32 to index
        %get3A_1360 = arith.index_cast %add3A_1308 : i32 to index
        %get3A_1361 = arith.constant 112 : index
        %get3A_1362 = tpu.vector_load %arg6[%get3A_1359, %get3A_1360, %get3A_1361] {strides = array<i32>} : memref<3x200x128xf32, #tpu.memory_space<vmem>>, vector<1x1x16xf32>,
        %get3A_1363 = vector.shape_cast %get3A_1362 : vector<1x1x16xf32> to vector<16xf32>
        %add3A_1364 = arith.addf %add3A_1304, %get3A_1363 : vector<16xf32>
        scf.yield %add3A_1315, %add3A_1322, %add3A_1329, %add3A_1336, %add3A_1343, %add3A_1350, %add3A_1357, %add3A_1364 : vector<16xf32>, vector<16xf32>, vector<16xf32>, vector<16xf32>, vector<16xf32>, vector<16xf32>, vector<16xf32>, vector<16xf32>
      }
      %scan3A_600 = arith.constant 25 : i32
      %swap3A_601 = arith.index_cast %add3A_563 : i32 to index
      %swap3A_602 = arith.constant 0 : index
      %swap3A_603 = tpu.vector_load %arg7[%swap3A_601, %swap3A_602] {strides = array<i32>} : memref<128x128xf32, #tpu.memory_space<vmem>>, vector<1x16xf32>,
      %swap3A_604 = vector.shape_cast %swap3A_603 : vector<1x16xf32> to vector<16xf32>
      %swap3A_605 = vector.shape_cast %scan3A_599#0 : vector<16xf32> to vector<1x16xf32>
      tpu.vector_store %arg7[%swap3A_601, %swap3A_602], %swap3A_605 {strides = array<i32>} : memref<128x128xf32, #tpu.memory_space<vmem>>, vector<1x16xf32>,
      %swap3A_606 = arith.index_cast %add3A_563 : i32 to index
      %swap3A_607 = arith.constant 16 : index
      %swap3A_608 = tpu.vector_load %arg7[%swap3A_606, %swap3A_607] {strides = array<i32>} : memref<128x128xf32, #tpu.memory_space<vmem>>, vector<1x16xf32>,
      %swap3A_609 = vector.shape_cast %swap3A_608 : vector<1x16xf32> to vector<16xf32>
      %swap3A_610 = vector.shape_cast %scan3A_599#1 : vector<16xf32> to vector<1x16xf32>
      tpu.vector_store %arg7[%swap3A_606, %swap3A_607], %swap3A_610 {strides = array<i32>} : memref<128x128xf32, #tpu.memory_space<vmem>>, vector<1x16xf32>,
      %swap3A_611 = arith.index_cast %add3A_563 : i32 to index
      %swap3A_612 = arith.constant 32 : index
      %swap3A_613 = tpu.vector_load %arg7[%swap3A_611, %swap3A_612] {strides = array<i32>} : memref<128x128xf32, #tpu.memory_space<vmem>>, vector<1x16xf32>,
      %swap3A_614 = vector.shape_cast %swap3A_613 : vector<1x16xf32> to vector<16xf32>
      %swap3A_615 = vector.shape_cast %scan3A_599#2 : vector<16xf32> to vector<1x16xf32>
      tpu.vector_store %arg7[%swap3A_611, %swap3A_612], %swap3A_615 {strides = array<i32>} : memref<128x128xf32, #tpu.memory_space<vmem>>, vector<1x16xf32>,
      %swap3A_616 = arith.index_cast %add3A_563 : i32 to index
      %swap3A_617 = arith.constant 48 : index
      %swap3A_618 = tpu.vector_load %arg7[%swap3A_616, %swap3A_617] {strides = array<i32>} : memref<128x128xf32, #tpu.memory_space<vmem>>, vector<1x16xf32>,
      %swap3A_619 = vector.shape_cast %swap3A_618 : vector<1x16xf32> to vector<16xf32>
      %swap3A_620 = vector.shape_cast %scan3A_599#3 : vector<16xf32> to vector<1x16xf32>
      tpu.vector_store %arg7[%swap3A_616, %swap3A_617], %swap3A_620 {strides = array<i32>} : memref<128x128xf32, #tpu.memory_space<vmem>>, vector<1x16xf32>,
      %swap3A_621 = arith.index_cast %add3A_563 : i32 to index
      %swap3A_622 = arith.constant 64 : index
      %swap3A_623 = tpu.vector_load %arg7[%swap3A_621, %swap3A_622] {strides = array<i32>} : memref<128x128xf32, #tpu.memory_space<vmem>>, vector<1x16xf32>,
      %swap3A_624 = vector.shape_cast %swap3A_623 : vector<1x16xf32> to vector<16xf32>
      %swap3A_625 = vector.shape_cast %scan3A_599#4 : vector<16xf32> to vector<1x16xf32>
      tpu.vector_store %arg7[%swap3A_621, %swap3A_622], %swap3A_625 {strides = array<i32>} : memref<128x128xf32, #tpu.memory_space<vmem>>, vector<1x16xf32>,
      %swap3A_626 = arith.index_cast %add3A_563 : i32 to index
      %swap3A_627 = arith.constant 80 : index
      %swap3A_628 = tpu.vector_load %arg7[%swap3A_626, %swap3A_627] {strides = array<i32>} : memref<128x128xf32, #tpu.memory_space<vmem>>, vector<1x16xf32>,
      %swap3A_629 = vector.shape_cast %swap3A_628 : vector<1x16xf32> to vector<16xf32>
      %swap3A_630 = vector.shape_cast %scan3A_599#5 : vector<16xf32> to vector<1x16xf32>
      tpu.vector_store %arg7[%swap3A_626, %swap3A_627], %swap3A_630 {strides = array<i32>} : memref<128x128xf32, #tpu.memory_space<vmem>>, vector<1x16xf32>,
      %swap3A_631 = arith.index_cast %add3A_563 : i32 to index
      %swap3A_632 = arith.constant 96 : index
      %swap3A_633 = tpu.vector_load %arg7[%swap3A_631, %swap3A_632] {strides = array<i32>} : memref<128x128xf32, #tpu.memory_space<vmem>>, vector<1x16xf32>,
      %swap3A_634 = vector.shape_cast %swap3A_633 : vector<1x16xf32> to vector<16xf32>
      %swap3A_635 = vector.shape_cast %scan3A_599#6 : vector<16xf32> to vector<1x16xf32>
      tpu.vector_store %arg7[%swap3A_631, %swap3A_632], %swap3A_635 {strides = array<i32>} : memref<128x128xf32, #tpu.memory_space<vmem>>, vector<1x16xf32>,
      %swap3A_636 = arith.index_cast %add3A_563 : i32 to index
      %swap3A_637 = arith.constant 112 : index
      %swap3A_638 = tpu.vector_load %arg7[%swap3A_636, %swap3A_637] {strides = array<i32>} : memref<128x128xf32, #tpu.memory_space<vmem>>, vector<1x16xf32>,
      %swap3A_639 = vector.shape_cast %swap3A_638 : vector<1x16xf32> to vector<16xf32>
      %swap3A_640 = vector.shape_cast %scan3A_599#7 : vector<16xf32> to vector<1x16xf32>
      tpu.vector_store %arg7[%swap3A_636, %swap3A_637], %swap3A_640 {strides = array<i32>} : memref<128x128xf32, #tpu.memory_space<vmem>>, vector<1x16xf32>,
      %add3A_641 = arith.constant 3 : i32
      %add3A_642 = arith.addi %add3A_563, %add3A_641 : i32
      %dma_start3A_643 = arith.constant 0 : i32
      %dma_start3A_644 = arith.constant 0 : i32
      %dma_start3A_645 = arith.constant 0 : i32
      %dma_start3A_646 = arith.constant 0 : i32
      %dma_start3A_647 = tpu.memref_slice %arg6[%dma_start3A_644, %dma_start3A_645, %dma_start3A_646] : memref<3x200x128xf32, #tpu.memory_space<vmem>> -> memref<1x100x128xf32, #tpu.memory_space<vmem>>
      %dma_start3A_648 = tpu.memref_squeeze %dma_start3A_647 : memref<1x100x128xf32, #tpu.memory_space<vmem>> -> memref<100x128xf32, #tpu.memory_space<vmem>>
      %dma_start3A_649 = arith.constant 0 : i32
      %dma_start3A_650 = tpu.memref_slice %arg5[%add3A_642, %dma_start3A_643, %dma_start3A_649] : memref<128x2x100xi32, #tpu.memory_space<vmem>> -> memref<1x1x100xi32, #tpu.memory_space<vmem>>
      %dma_start3A_651 = tpu.memref_squeeze %dma_start3A_650 : memref<1x1x100xi32, #tpu.memory_space<vmem>> -> memref<100xi32, #tpu.memory_space<vmem>>
      %dma_start3A_652 = arith.constant 0 : i32
      %dma_start3A_653 = arith.constant 0 : i32
      %dma_start3A_654 = tpu.memref_slice %arg3[%dma_start3A_652, %dma_start3A_653] : memref<100000x128xf32, #tpu.memory_space<hbm>> -> memref<100000x128xf32, #tpu.memory_space<hbm>>
      tpu.enqueue_indirect_dma source(%dma_start3A_654 : memref<100000x128xf32, #tpu.memory_space<hbm>>) target(%dma_start3A_648 : memref<100x128xf32, #tpu.memory_space<vmem>>) offsets(%dma_start3A_651 : memref<100xi32, #tpu.memory_space<vmem>>) semaphore(%arg8 : memref<!tpu.dma_semaphore, #tpu.memory_space<semaphore_mem>>)
      %dma_start3A_655 = arith.constant 1 : i32
      %dma_start3A_656 = arith.constant 0 : i32
      %dma_start3A_657 = arith.constant 100 : i32
      %dma_start3A_658 = arith.constant 0 : i32
      %dma_start3A_659 = tpu.memref_slice %arg6[%dma_start3A_656, %dma_start3A_657, %dma_start3A_658] : memref<3x200x128xf32, #tpu.memory_space<vmem>> -> memref<1x100x128xf32, #tpu.memory_space<vmem>>
      %dma_start3A_660 = tpu.memref_squeeze %dma_start3A_659 : memref<1x100x128xf32, #tpu.memory_space<vmem>> -> memref<100x128xf32, #tpu.memory_space<vmem>>
      %dma_start3A_661 = arith.constant 0 : i32
      %dma_start3A_662 = tpu.memref_slice %arg5[%add3A_642, %dma_start3A_655, %dma_start3A_661] : memref<128x2x100xi32, #tpu.memory_space<vmem>> -> memref<1x1x100xi32, #tpu.memory_space<vmem>>
      %dma_start3A_663 = tpu.memref_squeeze %dma_start3A_662 : memref<1x1x100xi32, #tpu.memory_space<vmem>> -> memref<100xi32, #tpu.memory_space<vmem>>
      %dma_start3A_664 = arith.constant 0 : i32
      %dma_start3A_665 = arith.constant 0 : i32
      %dma_start3A_666 = tpu.memref_slice %arg3[%dma_start3A_664, %dma_start3A_665] : memref<100000x128xf32, #tpu.memory_space<hbm>> -> memref<100000x128xf32, #tpu.memory_space<hbm>>
      tpu.enqueue_indirect_dma source(%dma_start3A_666 : memref<100000x128xf32, #tpu.memory_space<hbm>>) target(%dma_start3A_660 : memref<100x128xf32, #tpu.memory_space<vmem>>) offsets(%dma_start3A_663 : memref<100xi32, #tpu.memory_space<vmem>>) semaphore(%arg8 : memref<!tpu.dma_semaphore, #tpu.memory_space<semaphore_mem>>)
      %add3A_667 = arith.constant 1 : i32
      %add3A_668 = arith.addi %mul3A_561, %add3A_667 : i32
      %dma_wait3A_669 = arith.constant 1 : i32
      %dma_wait3A_670 = arith.constant 0 : i32
      %dma_wait3A_671 = arith.constant 0 : i32
      %dma_wait3A_672 = tpu.memref_slice %arg6[%dma_wait3A_669, %dma_wait3A_670, %dma_wait3A_671] : memref<3x200x128xf32, #tpu.memory_space<vmem>> -> memref<1x200x128xf32, #tpu.memory_space<vmem>>
      %dma_wait3A_673 = tpu.memref_squeeze %dma_wait3A_672 : memref<1x200x128xf32, #tpu.memory_space<vmem>> -> memref<200x128xf32, #tpu.memory_space<vmem>>
      %dma_wait3A_674 = arith.constant 0 : i32
      %dma_wait3A_675 = arith.constant 0 : i32
      %dma_wait3A_676 = tpu.memref_slice %arg3[%dma_wait3A_674, %dma_wait3A_675] : memref<100000x128xf32, #tpu.memory_space<hbm>> -> memref<200x128xf32, #tpu.memory_space<hbm>>
      %dma_wait3A_677 = arith.constant 0 : i32
      %dma_wait3A_678 = arith.constant 0 : i32
      %dma_wait3A_679 = tpu.memref_slice %arg6[%dma_wait3A_669, %dma_wait3A_677, %dma_wait3A_678] : memref<3x200x128xf32, #tpu.memory_space<vmem>> -> memref<1x200x128xf32, #tpu.memory_space<vmem>>
      %dma_wait3A_680 = tpu.memref_squeeze %dma_wait3A_679 : memref<1x200x128xf32, #tpu.memory_space<vmem>> -> memref<200x128xf32, #tpu.memory_space<vmem>>
      %dma_wait3A_681 = arith.constant 0 : i32
      %dma_wait3A_682 = arith.constant 0 : i32
      %dma_wait3A_683 = tpu.memref_slice %arg3[%dma_wait3A_681, %dma_wait3A_682] : memref<100000x128xf32, #tpu.memory_space<hbm>> -> memref<200x128xf32, #tpu.memory_space<hbm>>
      tpu.wait_dma2 semaphore(%arg9 : memref<!tpu.dma_semaphore, #tpu.memory_space<semaphore_mem>>) src(%dma_wait3A_683 : memref<200x128xf32, #tpu.memory_space<hbm>>) dst(%dma_wait3A_680 : memref<200x128xf32, #tpu.memory_space<vmem>>)
      %broadcast_in_dim3A_684 = arith.constant 0.000000e+00 : f32
      %broadcast_in_dim3A_685 = vector.broadcast %broadcast_in_dim3A_684 : f32 to vector<16xf32>
      %broadcast_in_dim3A_686 = arith.constant 0.000000e+00 : f32
      %broadcast_in_dim3A_687 = vector.broadcast %broadcast_in_dim3A_686 : f32 to vector<16xf32>
      %broadcast_in_dim3A_688 = arith.constant 0.000000e+00 : f32
      %broadcast_in_dim3A_689 = vector.broadcast %broadcast_in_dim3A_688 : f32 to vector<16xf32>
      %broadcast_in_dim3A_690 = arith.constant 0.000000e+00 : f32
      %broadcast_in_dim3A_691 = vector.broadcast %broadcast_in_dim3A_690 : f32 to vector<16xf32>
      %broadcast_in_dim3A_692 = arith.constant 0.000000e+00 : f32
      %broadcast_in_dim3A_693 = vector.broadcast %broadcast_in_dim3A_692 : f32 to vector<16xf32>
      %broadcast_in_dim3A_694 = arith.constant 0.000000e+00 : f32
      %broadcast_in_dim3A_695 = vector.broadcast %broadcast_in_dim3A_694 : f32 to vector<16xf32>
      %broadcast_in_dim3A_696 = arith.constant 0.000000e+00 : f32
      %broadcast_in_dim3A_697 = vector.broadcast %broadcast_in_dim3A_696 : f32 to vector<16xf32>
      %broadcast_in_dim3A_698 = arith.constant 0.000000e+00 : f32
      %broadcast_in_dim3A_699 = vector.broadcast %broadcast_in_dim3A_698 : f32 to vector<16xf32>
      %scan3A_700 = arith.constant 0 : i32
      %scan3A_701 = arith.constant 25 : i32
      %scan3A_702 = arith.addi %scan3A_700, %scan3A_701 : i32
      %scan3A_703 = arith.constant 1 : i32
      %scan3A_704:8 = scf.for %scan3A_877 = %scan3A_700 to %scan3A_702 step %scan3A_703 iter_args(%scan3A_878 = %broadcast_in_dim3A_685, %scan3A_879 = %broadcast_in_dim3A_687, %scan3A_880 = %broadcast_in_dim3A_689, %scan3A_881 = %broadcast_in_dim3A_691, %scan3A_882 = %broadcast_in_dim3A_693, %scan3A_883 = %broadcast_in_dim3A_695, %scan3A_884 = %broadcast_in_dim3A_697, %scan3A_885 = %broadcast_in_dim3A_699) -> (vector<16xf32>, vector<16xf32>, vector<16xf32>, vector<16xf32>, vector<16xf32>, vector<16xf32>, vector<16xf32>, vector<16xf32>)  : i32 {
        %mul3A_886 = arith.constant 8 : i32
        %mul3A_887 = arith.muli %scan3A_877, %mul3A_886 : i32
        %add3A_888 = arith.constant 0 : i32
        %add3A_889 = arith.addi %mul3A_887, %add3A_888 : i32
        %get3A = arith.constant 1 : i32
        %get3A_890 = arith.index_cast %get3A : i32 to index
        %get3A_891 = arith.index_cast %add3A_889 : i32 to index
        %get3A_892 = arith.constant 0 : index
        %get3A_893 = tpu.vector_load %arg6[%get3A_890, %get3A_891, %get3A_892] {strides = array<i32>} : memref<3x200x128xf32, #tpu.memory_space<vmem>>, vector<1x1x16xf32>,
        %get3A_894 = vector.shape_cast %get3A_893 : vector<1x1x16xf32> to vector<16xf32>
        %add3A_895 = arith.addf %scan3A_878, %get3A_894 : vector<16xf32>
        %get3A_896 = arith.constant 1 : i32
        %get3A_897 = arith.index_cast %get3A_896 : i32 to index
        %get3A_898 = arith.index_cast %add3A_889 : i32 to index
        %get3A_899 = arith.constant 16 : index
        %get3A_900 = tpu.vector_load %arg6[%get3A_897, %get3A_898, %get3A_899] {strides = array<i32>} : memref<3x200x128xf32, #tpu.memory_space<vmem>>, vector<1x1x16xf32>,
        %get3A_901 = vector.shape_cast %get3A_900 : vector<1x1x16xf32> to vector<16xf32>
        %add3A_902 = arith.addf %scan3A_879, %get3A_901 : vector<16xf32>
        %get3A_903 = arith.constant 1 : i32
        %get3A_904 = arith.index_cast %get3A_903 : i32 to index
        %get3A_905 = arith.index_cast %add3A_889 : i32 to index
        %get3A_906 = arith.constant 32 : index
        %get3A_907 = tpu.vector_load %arg6[%get3A_904, %get3A_905, %get3A_906] {strides = array<i32>} : memref<3x200x128xf32, #tpu.memory_space<vmem>>, vector<1x1x16xf32>,
        %get3A_908 = vector.shape_cast %get3A_907 : vector<1x1x16xf32> to vector<16xf32>
        %add3A_909 = arith.addf %scan3A_880, %get3A_908 : vector<16xf32>
        %get3A_910 = arith.constant 1 : i32
        %get3A_911 = arith.index_cast %get3A_910 : i32 to index
        %get3A_912 = arith.index_cast %add3A_889 : i32 to index
        %get3A_913 = arith.constant 48 : index
        %get3A_914 = tpu.vector_load %arg6[%get3A_911, %get3A_912, %get3A_913] {strides = array<i32>} : memref<3x200x128xf32, #tpu.memory_space<vmem>>, vector<1x1x16xf32>,
        %get3A_915 = vector.shape_cast %get3A_914 : vector<1x1x16xf32> to vector<16xf32>
        %add3A_916 = arith.addf %scan3A_881, %get3A_915 : vector<16xf32>
        %get3A_917 = arith.constant 1 : i32
        %get3A_918 = arith.index_cast %get3A_917 : i32 to index
        %get3A_919 = arith.index_cast %add3A_889 : i32 to index
        %get3A_920 = arith.constant 64 : index
        %get3A_921 = tpu.vector_load %arg6[%get3A_918, %get3A_919, %get3A_920] {strides = array<i32>} : memref<3x200x128xf32, #tpu.memory_space<vmem>>, vector<1x1x16xf32>,
        %get3A_922 = vector.shape_cast %get3A_921 : vector<1x1x16xf32> to vector<16xf32>
        %add3A_923 = arith.addf %scan3A_882, %get3A_922 : vector<16xf32>
        %get3A_924 = arith.constant 1 : i32
        %get3A_925 = arith.index_cast %get3A_924 : i32 to index
        %get3A_926 = arith.index_cast %add3A_889 : i32 to index
        %get3A_927 = arith.constant 80 : index
        %get3A_928 = tpu.vector_load %arg6[%get3A_925, %get3A_926, %get3A_927] {strides = array<i32>} : memref<3x200x128xf32, #tpu.memory_space<vmem>>, vector<1x1x16xf32>,
        %get3A_929 = vector.shape_cast %get3A_928 : vector<1x1x16xf32> to vector<16xf32>
        %add3A_930 = arith.addf %scan3A_883, %get3A_929 : vector<16xf32>
        %get3A_931 = arith.constant 1 : i32
        %get3A_932 = arith.index_cast %get3A_931 : i32 to index
        %get3A_933 = arith.index_cast %add3A_889 : i32 to index
        %get3A_934 = arith.constant 96 : index
        %get3A_935 = tpu.vector_load %arg6[%get3A_932, %get3A_933, %get3A_934] {strides = array<i32>} : memref<3x200x128xf32, #tpu.memory_space<vmem>>, vector<1x1x16xf32>,
        %get3A_936 = vector.shape_cast %get3A_935 : vector<1x1x16xf32> to vector<16xf32>
        %add3A_937 = arith.addf %scan3A_884, %get3A_936 : vector<16xf32>
        %get3A_938 = arith.constant 1 : i32
        %get3A_939 = arith.index_cast %get3A_938 : i32 to index
        %get3A_940 = arith.index_cast %add3A_889 : i32 to index
        %get3A_941 = arith.constant 112 : index
        %get3A_942 = tpu.vector_load %arg6[%get3A_939, %get3A_940, %get3A_941] {strides = array<i32>} : memref<3x200x128xf32, #tpu.memory_space<vmem>>, vector<1x1x16xf32>,
        %get3A_943 = vector.shape_cast %get3A_942 : vector<1x1x16xf32> to vector<16xf32>
        %add3A_944 = arith.addf %scan3A_885, %get3A_943 : vector<16xf32>
        %mul3A_945 = arith.constant 8 : i32
        %mul3A_946 = arith.muli %scan3A_877, %mul3A_945 : i32
        %add3A_947 = arith.constant 1 : i32
        %add3A_948 = arith.addi %mul3A_946, %add3A_947 : i32
        %get3A_949 = arith.constant 1 : i32
        %get3A_950 = arith.index_cast %get3A_949 : i32 to index
        %get3A_951 = arith.index_cast %add3A_948 : i32 to index
        %get3A_952 = arith.constant 0 : index
        %get3A_953 = tpu.vector_load %arg6[%get3A_950, %get3A_951, %get3A_952] {strides = array<i32>} : memref<3x200x128xf32, #tpu.memory_space<vmem>>, vector<1x1x16xf32>,
        %get3A_954 = vector.shape_cast %get3A_953 : vector<1x1x16xf32> to vector<16xf32>
        %add3A_955 = arith.addf %add3A_895, %get3A_954 : vector<16xf32>
        %get3A_956 = arith.constant 1 : i32
        %get3A_957 = arith.index_cast %get3A_956 : i32 to index
        %get3A_958 = arith.index_cast %add3A_948 : i32 to index
        %get3A_959 = arith.constant 16 : index
        %get3A_960 = tpu.vector_load %arg6[%get3A_957, %get3A_958, %get3A_959] {strides = array<i32>} : memref<3x200x128xf32, #tpu.memory_space<vmem>>, vector<1x1x16xf32>,
        %get3A_961 = vector.shape_cast %get3A_960 : vector<1x1x16xf32> to vector<16xf32>
        %add3A_962 = arith.addf %add3A_902, %get3A_961 : vector<16xf32>
        %get3A_963 = arith.constant 1 : i32
        %get3A_964 = arith.index_cast %get3A_963 : i32 to index
        %get3A_965 = arith.index_cast %add3A_948 : i32 to index
        %get3A_966 = arith.constant 32 : index
        %get3A_967 = tpu.vector_load %arg6[%get3A_964, %get3A_965, %get3A_966] {strides = array<i32>} : memref<3x200x128xf32, #tpu.memory_space<vmem>>, vector<1x1x16xf32>,
        %get3A_968 = vector.shape_cast %get3A_967 : vector<1x1x16xf32> to vector<16xf32>
        %add3A_969 = arith.addf %add3A_909, %get3A_968 : vector<16xf32>
        %get3A_970 = arith.constant 1 : i32
        %get3A_971 = arith.index_cast %get3A_970 : i32 to index
        %get3A_972 = arith.index_cast %add3A_948 : i32 to index
        %get3A_973 = arith.constant 48 : index
        %get3A_974 = tpu.vector_load %arg6[%get3A_971, %get3A_972, %get3A_973] {strides = array<i32>} : memref<3x200x128xf32, #tpu.memory_space<vmem>>, vector<1x1x16xf32>,
        %get3A_975 = vector.shape_cast %get3A_974 : vector<1x1x16xf32> to vector<16xf32>
        %add3A_976 = arith.addf %add3A_916, %get3A_975 : vector<16xf32>
        %get3A_977 = arith.constant 1 : i32
        %get3A_978 = arith.index_cast %get3A_977 : i32 to index
        %get3A_979 = arith.index_cast %add3A_948 : i32 to index
        %get3A_980 = arith.constant 64 : index
        %get3A_981 = tpu.vector_load %arg6[%get3A_978, %get3A_979, %get3A_980] {strides = array<i32>} : memref<3x200x128xf32, #tpu.memory_space<vmem>>, vector<1x1x16xf32>,
        %get3A_982 = vector.shape_cast %get3A_981 : vector<1x1x16xf32> to vector<16xf32>
        %add3A_983 = arith.addf %add3A_923, %get3A_982 : vector<16xf32>
        %get3A_984 = arith.constant 1 : i32
        %get3A_985 = arith.index_cast %get3A_984 : i32 to index
        %get3A_986 = arith.index_cast %add3A_948 : i32 to index
        %get3A_987 = arith.constant 80 : index
        %get3A_988 = tpu.vector_load %arg6[%get3A_985, %get3A_986, %get3A_987] {strides = array<i32>} : memref<3x200x128xf32, #tpu.memory_space<vmem>>, vector<1x1x16xf32>,
        %get3A_989 = vector.shape_cast %get3A_988 : vector<1x1x16xf32> to vector<16xf32>
        %add3A_990 = arith.addf %add3A_930, %get3A_989 : vector<16xf32>
        %get3A_991 = arith.constant 1 : i32
        %get3A_992 = arith.index_cast %get3A_991 : i32 to index
        %get3A_993 = arith.index_cast %add3A_948 : i32 to index
        %get3A_994 = arith.constant 96 : index
        %get3A_995 = tpu.vector_load %arg6[%get3A_992, %get3A_993, %get3A_994] {strides = array<i32>} : memref<3x200x128xf32, #tpu.memory_space<vmem>>, vector<1x1x16xf32>,
        %get3A_996 = vector.shape_cast %get3A_995 : vector<1x1x16xf32> to vector<16xf32>
        %add3A_997 = arith.addf %add3A_937, %get3A_996 : vector<16xf32>
        %get3A_998 = arith.constant 1 : i32
        %get3A_999 = arith.index_cast %get3A_998 : i32 to index
        %get3A_1000 = arith.index_cast %add3A_948 : i32 to index
        %get3A_1001 = arith.constant 112 : index
        %get3A_1002 = tpu.vector_load %arg6[%get3A_999, %get3A_1000, %get3A_1001] {strides = array<i32>} : memref<3x200x128xf32, #tpu.memory_space<vmem>>, vector<1x1x16xf32>,
        %get3A_1003 = vector.shape_cast %get3A_1002 : vector<1x1x16xf32> to vector<16xf32>
        %add3A_1004 = arith.addf %add3A_944, %get3A_1003 : vector<16xf32>
        %mul3A_1005 = arith.constant 8 : i32
        %mul3A_1006 = arith.muli %scan3A_877, %mul3A_1005 : i32
        %add3A_1007 = arith.constant 2 : i32
        %add3A_1008 = arith.addi %mul3A_1006, %add3A_1007 : i32
        %get3A_1009 = arith.constant 1 : i32
        %get3A_1010 = arith.index_cast %get3A_1009 : i32 to index
        %get3A_1011 = arith.index_cast %add3A_1008 : i32 to index
        %get3A_1012 = arith.constant 0 : index
        %get3A_1013 = tpu.vector_load %arg6[%get3A_1010, %get3A_1011, %get3A_1012] {strides = array<i32>} : memref<3x200x128xf32, #tpu.memory_space<vmem>>, vector<1x1x16xf32>,
        %get3A_1014 = vector.shape_cast %get3A_1013 : vector<1x1x16xf32> to vector<16xf32>
        %add3A_1015 = arith.addf %add3A_955, %get3A_1014 : vector<16xf32>
        %get3A_1016 = arith.constant 1 : i32
        %get3A_1017 = arith.index_cast %get3A_1016 : i32 to index
        %get3A_1018 = arith.index_cast %add3A_1008 : i32 to index
        %get3A_1019 = arith.constant 16 : index
        %get3A_1020 = tpu.vector_load %arg6[%get3A_1017, %get3A_1018, %get3A_1019] {strides = array<i32>} : memref<3x200x128xf32, #tpu.memory_space<vmem>>, vector<1x1x16xf32>,
        %get3A_1021 = vector.shape_cast %get3A_1020 : vector<1x1x16xf32> to vector<16xf32>
        %add3A_1022 = arith.addf %add3A_962, %get3A_1021 : vector<16xf32>
        %get3A_1023 = arith.constant 1 : i32
        %get3A_1024 = arith.index_cast %get3A_1023 : i32 to index
        %get3A_1025 = arith.index_cast %add3A_1008 : i32 to index
        %get3A_1026 = arith.constant 32 : index
        %get3A_1027 = tpu.vector_load %arg6[%get3A_1024, %get3A_1025, %get3A_1026] {strides = array<i32>} : memref<3x200x128xf32, #tpu.memory_space<vmem>>, vector<1x1x16xf32>,
        %get3A_1028 = vector.shape_cast %get3A_1027 : vector<1x1x16xf32> to vector<16xf32>
        %add3A_1029 = arith.addf %add3A_969, %get3A_1028 : vector<16xf32>
        %get3A_1030 = arith.constant 1 : i32
        %get3A_1031 = arith.index_cast %get3A_1030 : i32 to index
        %get3A_1032 = arith.index_cast %add3A_1008 : i32 to index
        %get3A_1033 = arith.constant 48 : index
        %get3A_1034 = tpu.vector_load %arg6[%get3A_1031, %get3A_1032, %get3A_1033] {strides = array<i32>} : memref<3x200x128xf32, #tpu.memory_space<vmem>>, vector<1x1x16xf32>,
        %get3A_1035 = vector.shape_cast %get3A_1034 : vector<1x1x16xf32> to vector<16xf32>
        %add3A_1036 = arith.addf %add3A_976, %get3A_1035 : vector<16xf32>
        %get3A_1037 = arith.constant 1 : i32
        %get3A_1038 = arith.index_cast %get3A_1037 : i32 to index
        %get3A_1039 = arith.index_cast %add3A_1008 : i32 to index
        %get3A_1040 = arith.constant 64 : index
        %get3A_1041 = tpu.vector_load %arg6[%get3A_1038, %get3A_1039, %get3A_1040] {strides = array<i32>} : memref<3x200x128xf32, #tpu.memory_space<vmem>>, vector<1x1x16xf32>,
        %get3A_1042 = vector.shape_cast %get3A_1041 : vector<1x1x16xf32> to vector<16xf32>
        %add3A_1043 = arith.addf %add3A_983, %get3A_1042 : vector<16xf32>
        %get3A_1044 = arith.constant 1 : i32
        %get3A_1045 = arith.index_cast %get3A_1044 : i32 to index
        %get3A_1046 = arith.index_cast %add3A_1008 : i32 to index
        %get3A_1047 = arith.constant 80 : index
        %get3A_1048 = tpu.vector_load %arg6[%get3A_1045, %get3A_1046, %get3A_1047] {strides = array<i32>} : memref<3x200x128xf32, #tpu.memory_space<vmem>>, vector<1x1x16xf32>,
        %get3A_1049 = vector.shape_cast %get3A_1048 : vector<1x1x16xf32> to vector<16xf32>
        %add3A_1050 = arith.addf %add3A_990, %get3A_1049 : vector<16xf32>
        %get3A_1051 = arith.constant 1 : i32
        %get3A_1052 = arith.index_cast %get3A_1051 : i32 to index
        %get3A_1053 = arith.index_cast %add3A_1008 : i32 to index
        %get3A_1054 = arith.constant 96 : index
        %get3A_1055 = tpu.vector_load %arg6[%get3A_1052, %get3A_1053, %get3A_1054] {strides = array<i32>} : memref<3x200x128xf32, #tpu.memory_space<vmem>>, vector<1x1x16xf32>,
        %get3A_1056 = vector.shape_cast %get3A_1055 : vector<1x1x16xf32> to vector<16xf32>
        %add3A_1057 = arith.addf %add3A_997, %get3A_1056 : vector<16xf32>
        %get3A_1058 = arith.constant 1 : i32
        %get3A_1059 = arith.index_cast %get3A_1058 : i32 to index
        %get3A_1060 = arith.index_cast %add3A_1008 : i32 to index
        %get3A_1061 = arith.constant 112 : index
        %get3A_1062 = tpu.vector_load %arg6[%get3A_1059, %get3A_1060, %get3A_1061] {strides = array<i32>} : memref<3x200x128xf32, #tpu.memory_space<vmem>>, vector<1x1x16xf32>,
        %get3A_1063 = vector.shape_cast %get3A_1062 : vector<1x1x16xf32> to vector<16xf32>
        %add3A_1064 = arith.addf %add3A_1004, %get3A_1063 : vector<16xf32>
        %mul3A_1065 = arith.constant 8 : i32
        %mul3A_1066 = arith.muli %scan3A_877, %mul3A_1065 : i32
        %add3A_1067 = arith.constant 3 : i32
        %add3A_1068 = arith.addi %mul3A_1066, %add3A_1067 : i32
        %get3A_1069 = arith.constant 1 : i32
        %get3A_1070 = arith.index_cast %get3A_1069 : i32 to index
        %get3A_1071 = arith.index_cast %add3A_1068 : i32 to index
        %get3A_1072 = arith.constant 0 : index
        %get3A_1073 = tpu.vector_load %arg6[%get3A_1070, %get3A_1071, %get3A_1072] {strides = array<i32>} : memref<3x200x128xf32, #tpu.memory_space<vmem>>, vector<1x1x16xf32>,
        %get3A_1074 = vector.shape_cast %get3A_1073 : vector<1x1x16xf32> to vector<16xf32>
        %add3A_1075 = arith.addf %add3A_1015, %get3A_1074 : vector<16xf32>
        %get3A_1076 = arith.constant 1 : i32
        %get3A_1077 = arith.index_cast %get3A_1076 : i32 to index
        %get3A_1078 = arith.index_cast %add3A_1068 : i32 to index
        %get3A_1079 = arith.constant 16 : index
        %get3A_1080 = tpu.vector_load %arg6[%get3A_1077, %get3A_1078, %get3A_1079] {strides = array<i32>} : memref<3x200x128xf32, #tpu.memory_space<vmem>>, vector<1x1x16xf32>,
        %get3A_1081 = vector.shape_cast %get3A_1080 : vector<1x1x16xf32> to vector<16xf32>
        %add3A_1082 = arith.addf %add3A_1022, %get3A_1081 : vector<16xf32>
        %get3A_1083 = arith.constant 1 : i32
        %get3A_1084 = arith.index_cast %get3A_1083 : i32 to index
        %get3A_1085 = arith.index_cast %add3A_1068 : i32 to index
        %get3A_1086 = arith.constant 32 : index
        %get3A_1087 = tpu.vector_load %arg6[%get3A_1084, %get3A_1085, %get3A_1086] {strides = array<i32>} : memref<3x200x128xf32, #tpu.memory_space<vmem>>, vector<1x1x16xf32>,
        %get3A_1088 = vector.shape_cast %get3A_1087 : vector<1x1x16xf32> to vector<16xf32>
        %add3A_1089 = arith.addf %add3A_1029, %get3A_1088 : vector<16xf32>
        %get3A_1090 = arith.constant 1 : i32
        %get3A_1091 = arith.index_cast %get3A_1090 : i32 to index
        %get3A_1092 = arith.index_cast %add3A_1068 : i32 to index
        %get3A_1093 = arith.constant 48 : index
        %get3A_1094 = tpu.vector_load %arg6[%get3A_1091, %get3A_1092, %get3A_1093] {strides = array<i32>} : memref<3x200x128xf32, #tpu.memory_space<vmem>>, vector<1x1x16xf32>,
        %get3A_1095 = vector.shape_cast %get3A_1094 : vector<1x1x16xf32> to vector<16xf32>
        %add3A_1096 = arith.addf %add3A_1036, %get3A_1095 : vector<16xf32>
        %get3A_1097 = arith.constant 1 : i32
        %get3A_1098 = arith.index_cast %get3A_1097 : i32 to index
        %get3A_1099 = arith.index_cast %add3A_1068 : i32 to index
        %get3A_1100 = arith.constant 64 : index
        %get3A_1101 = tpu.vector_load %arg6[%get3A_1098, %get3A_1099, %get3A_1100] {strides = array<i32>} : memref<3x200x128xf32, #tpu.memory_space<vmem>>, vector<1x1x16xf32>,
        %get3A_1102 = vector.shape_cast %get3A_1101 : vector<1x1x16xf32> to vector<16xf32>
        %add3A_1103 = arith.addf %add3A_1043, %get3A_1102 : vector<16xf32>
        %get3A_1104 = arith.constant 1 : i32
        %get3A_1105 = arith.index_cast %get3A_1104 : i32 to index
        %get3A_1106 = arith.index_cast %add3A_1068 : i32 to index
        %get3A_1107 = arith.constant 80 : index
        %get3A_1108 = tpu.vector_load %arg6[%get3A_1105, %get3A_1106, %get3A_1107] {strides = array<i32>} : memref<3x200x128xf32, #tpu.memory_space<vmem>>, vector<1x1x16xf32>,
        %get3A_1109 = vector.shape_cast %get3A_1108 : vector<1x1x16xf32> to vector<16xf32>
        %add3A_1110 = arith.addf %add3A_1050, %get3A_1109 : vector<16xf32>
        %get3A_1111 = arith.constant 1 : i32
        %get3A_1112 = arith.index_cast %get3A_1111 : i32 to index
        %get3A_1113 = arith.index_cast %add3A_1068 : i32 to index
        %get3A_1114 = arith.constant 96 : index
        %get3A_1115 = tpu.vector_load %arg6[%get3A_1112, %get3A_1113, %get3A_1114] {strides = array<i32>} : memref<3x200x128xf32, #tpu.memory_space<vmem>>, vector<1x1x16xf32>,
        %get3A_1116 = vector.shape_cast %get3A_1115 : vector<1x1x16xf32> to vector<16xf32>
        %add3A_1117 = arith.addf %add3A_1057, %get3A_1116 : vector<16xf32>
        %get3A_1118 = arith.constant 1 : i32
        %get3A_1119 = arith.index_cast %get3A_1118 : i32 to index
        %get3A_1120 = arith.index_cast %add3A_1068 : i32 to index
        %get3A_1121 = arith.constant 112 : index
        %get3A_1122 = tpu.vector_load %arg6[%get3A_1119, %get3A_1120, %get3A_1121] {strides = array<i32>} : memref<3x200x128xf32, #tpu.memory_space<vmem>>, vector<1x1x16xf32>,
        %get3A_1123 = vector.shape_cast %get3A_1122 : vector<1x1x16xf32> to vector<16xf32>
        %add3A_1124 = arith.addf %add3A_1064, %get3A_1123 : vector<16xf32>
        %mul3A_1125 = arith.constant 8 : i32
        %mul3A_1126 = arith.muli %scan3A_877, %mul3A_1125 : i32
        %add3A_1127 = arith.constant 4 : i32
        %add3A_1128 = arith.addi %mul3A_1126, %add3A_1127 : i32
        %get3A_1129 = arith.constant 1 : i32
        %get3A_1130 = arith.index_cast %get3A_1129 : i32 to index
        %get3A_1131 = arith.index_cast %add3A_1128 : i32 to index
        %get3A_1132 = arith.constant 0 : index
        %get3A_1133 = tpu.vector_load %arg6[%get3A_1130, %get3A_1131, %get3A_1132] {strides = array<i32>} : memref<3x200x128xf32, #tpu.memory_space<vmem>>, vector<1x1x16xf32>,
        %get3A_1134 = vector.shape_cast %get3A_1133 : vector<1x1x16xf32> to vector<16xf32>
        %add3A_1135 = arith.addf %add3A_1075, %get3A_1134 : vector<16xf32>
        %get3A_1136 = arith.constant 1 : i32
        %get3A_1137 = arith.index_cast %get3A_1136 : i32 to index
        %get3A_1138 = arith.index_cast %add3A_1128 : i32 to index
        %get3A_1139 = arith.constant 16 : index
        %get3A_1140 = tpu.vector_load %arg6[%get3A_1137, %get3A_1138, %get3A_1139] {strides = array<i32>} : memref<3x200x128xf32, #tpu.memory_space<vmem>>, vector<1x1x16xf32>,
        %get3A_1141 = vector.shape_cast %get3A_1140 : vector<1x1x16xf32> to vector<16xf32>
        %add3A_1142 = arith.addf %add3A_1082, %get3A_1141 : vector<16xf32>
        %get3A_1143 = arith.constant 1 : i32
        %get3A_1144 = arith.index_cast %get3A_1143 : i32 to index
        %get3A_1145 = arith.index_cast %add3A_1128 : i32 to index
        %get3A_1146 = arith.constant 32 : index
        %get3A_1147 = tpu.vector_load %arg6[%get3A_1144, %get3A_1145, %get3A_1146] {strides = array<i32>} : memref<3x200x128xf32, #tpu.memory_space<vmem>>, vector<1x1x16xf32>,
        %get3A_1148 = vector.shape_cast %get3A_1147 : vector<1x1x16xf32> to vector<16xf32>
        %add3A_1149 = arith.addf %add3A_1089, %get3A_1148 : vector<16xf32>
        %get3A_1150 = arith.constant 1 : i32
        %get3A_1151 = arith.index_cast %get3A_1150 : i32 to index
        %get3A_1152 = arith.index_cast %add3A_1128 : i32 to index
        %get3A_1153 = arith.constant 48 : index
        %get3A_1154 = tpu.vector_load %arg6[%get3A_1151, %get3A_1152, %get3A_1153] {strides = array<i32>} : memref<3x200x128xf32, #tpu.memory_space<vmem>>, vector<1x1x16xf32>,
        %get3A_1155 = vector.shape_cast %get3A_1154 : vector<1x1x16xf32> to vector<16xf32>
        %add3A_1156 = arith.addf %add3A_1096, %get3A_1155 : vector<16xf32>
        %get3A_1157 = arith.constant 1 : i32
        %get3A_1158 = arith.index_cast %get3A_1157 : i32 to index
        %get3A_1159 = arith.index_cast %add3A_1128 : i32 to index
        %get3A_1160 = arith.constant 64 : index
        %get3A_1161 = tpu.vector_load %arg6[%get3A_1158, %get3A_1159, %get3A_1160] {strides = array<i32>} : memref<3x200x128xf32, #tpu.memory_space<vmem>>, vector<1x1x16xf32>,
        %get3A_1162 = vector.shape_cast %get3A_1161 : vector<1x1x16xf32> to vector<16xf32>
        %add3A_1163 = arith.addf %add3A_1103, %get3A_1162 : vector<16xf32>
        %get3A_1164 = arith.constant 1 : i32
        %get3A_1165 = arith.index_cast %get3A_1164 : i32 to index
        %get3A_1166 = arith.index_cast %add3A_1128 : i32 to index
        %get3A_1167 = arith.constant 80 : index
        %get3A_1168 = tpu.vector_load %arg6[%get3A_1165, %get3A_1166, %get3A_1167] {strides = array<i32>} : memref<3x200x128xf32, #tpu.memory_space<vmem>>, vector<1x1x16xf32>,
        %get3A_1169 = vector.shape_cast %get3A_1168 : vector<1x1x16xf32> to vector<16xf32>
        %add3A_1170 = arith.addf %add3A_1110, %get3A_1169 : vector<16xf32>
        %get3A_1171 = arith.constant 1 : i32
        %get3A_1172 = arith.index_cast %get3A_1171 : i32 to index
        %get3A_1173 = arith.index_cast %add3A_1128 : i32 to index
        %get3A_1174 = arith.constant 96 : index
        %get3A_1175 = tpu.vector_load %arg6[%get3A_1172, %get3A_1173, %get3A_1174] {strides = array<i32>} : memref<3x200x128xf32, #tpu.memory_space<vmem>>, vector<1x1x16xf32>,
        %get3A_1176 = vector.shape_cast %get3A_1175 : vector<1x1x16xf32> to vector<16xf32>
        %add3A_1177 = arith.addf %add3A_1117, %get3A_1176 : vector<16xf32>
        %get3A_1178 = arith.constant 1 : i32
        %get3A_1179 = arith.index_cast %get3A_1178 : i32 to index
        %get3A_1180 = arith.index_cast %add3A_1128 : i32 to index
        %get3A_1181 = arith.constant 112 : index
        %get3A_1182 = tpu.vector_load %arg6[%get3A_1179, %get3A_1180, %get3A_1181] {strides = array<i32>} : memref<3x200x128xf32, #tpu.memory_space<vmem>>, vector<1x1x16xf32>,
        %get3A_1183 = vector.shape_cast %get3A_1182 : vector<1x1x16xf32> to vector<16xf32>
        %add3A_1184 = arith.addf %add3A_1124, %get3A_1183 : vector<16xf32>
        %mul3A_1185 = arith.constant 8 : i32
        %mul3A_1186 = arith.muli %scan3A_877, %mul3A_1185 : i32
        %add3A_1187 = arith.constant 5 : i32
        %add3A_1188 = arith.addi %mul3A_1186, %add3A_1187 : i32
        %get3A_1189 = arith.constant 1 : i32
        %get3A_1190 = arith.index_cast %get3A_1189 : i32 to index
        %get3A_1191 = arith.index_cast %add3A_1188 : i32 to index
        %get3A_1192 = arith.constant 0 : index
        %get3A_1193 = tpu.vector_load %arg6[%get3A_1190, %get3A_1191, %get3A_1192] {strides = array<i32>} : memref<3x200x128xf32, #tpu.memory_space<vmem>>, vector<1x1x16xf32>,
        %get3A_1194 = vector.shape_cast %get3A_1193 : vector<1x1x16xf32> to vector<16xf32>
        %add3A_1195 = arith.addf %add3A_1135, %get3A_1194 : vector<16xf32>
        %get3A_1196 = arith.constant 1 : i32
        %get3A_1197 = arith.index_cast %get3A_1196 : i32 to index
        %get3A_1198 = arith.index_cast %add3A_1188 : i32 to index
        %get3A_1199 = arith.constant 16 : index
        %get3A_1200 = tpu.vector_load %arg6[%get3A_1197, %get3A_1198, %get3A_1199] {strides = array<i32>} : memref<3x200x128xf32, #tpu.memory_space<vmem>>, vector<1x1x16xf32>,
        %get3A_1201 = vector.shape_cast %get3A_1200 : vector<1x1x16xf32> to vector<16xf32>
        %add3A_1202 = arith.addf %add3A_1142, %get3A_1201 : vector<16xf32>
        %get3A_1203 = arith.constant 1 : i32
        %get3A_1204 = arith.index_cast %get3A_1203 : i32 to index
        %get3A_1205 = arith.index_cast %add3A_1188 : i32 to index
        %get3A_1206 = arith.constant 32 : index
        %get3A_1207 = tpu.vector_load %arg6[%get3A_1204, %get3A_1205, %get3A_1206] {strides = array<i32>} : memref<3x200x128xf32, #tpu.memory_space<vmem>>, vector<1x1x16xf32>,
        %get3A_1208 = vector.shape_cast %get3A_1207 : vector<1x1x16xf32> to vector<16xf32>
        %add3A_1209 = arith.addf %add3A_1149, %get3A_1208 : vector<16xf32>
        %get3A_1210 = arith.constant 1 : i32
        %get3A_1211 = arith.index_cast %get3A_1210 : i32 to index
        %get3A_1212 = arith.index_cast %add3A_1188 : i32 to index
        %get3A_1213 = arith.constant 48 : index
        %get3A_1214 = tpu.vector_load %arg6[%get3A_1211, %get3A_1212, %get3A_1213] {strides = array<i32>} : memref<3x200x128xf32, #tpu.memory_space<vmem>>, vector<1x1x16xf32>,
        %get3A_1215 = vector.shape_cast %get3A_1214 : vector<1x1x16xf32> to vector<16xf32>
        %add3A_1216 = arith.addf %add3A_1156, %get3A_1215 : vector<16xf32>
        %get3A_1217 = arith.constant 1 : i32
        %get3A_1218 = arith.index_cast %get3A_1217 : i32 to index
        %get3A_1219 = arith.index_cast %add3A_1188 : i32 to index
        %get3A_1220 = arith.constant 64 : index
        %get3A_1221 = tpu.vector_load %arg6[%get3A_1218, %get3A_1219, %get3A_1220] {strides = array<i32>} : memref<3x200x128xf32, #tpu.memory_space<vmem>>, vector<1x1x16xf32>,
        %get3A_1222 = vector.shape_cast %get3A_1221 : vector<1x1x16xf32> to vector<16xf32>
        %add3A_1223 = arith.addf %add3A_1163, %get3A_1222 : vector<16xf32>
        %get3A_1224 = arith.constant 1 : i32
        %get3A_1225 = arith.index_cast %get3A_1224 : i32 to index
        %get3A_1226 = arith.index_cast %add3A_1188 : i32 to index
        %get3A_1227 = arith.constant 80 : index
        %get3A_1228 = tpu.vector_load %arg6[%get3A_1225, %get3A_1226, %get3A_1227] {strides = array<i32>} : memref<3x200x128xf32, #tpu.memory_space<vmem>>, vector<1x1x16xf32>,
        %get3A_1229 = vector.shape_cast %get3A_1228 : vector<1x1x16xf32> to vector<16xf32>
        %add3A_1230 = arith.addf %add3A_1170, %get3A_1229 : vector<16xf32>
        %get3A_1231 = arith.constant 1 : i32
        %get3A_1232 = arith.index_cast %get3A_1231 : i32 to index
        %get3A_1233 = arith.index_cast %add3A_1188 : i32 to index
        %get3A_1234 = arith.constant 96 : index
        %get3A_1235 = tpu.vector_load %arg6[%get3A_1232, %get3A_1233, %get3A_1234] {strides = array<i32>} : memref<3x200x128xf32, #tpu.memory_space<vmem>>, vector<1x1x16xf32>,
        %get3A_1236 = vector.shape_cast %get3A_1235 : vector<1x1x16xf32> to vector<16xf32>
        %add3A_1237 = arith.addf %add3A_1177, %get3A_1236 : vector<16xf32>
        %get3A_1238 = arith.constant 1 : i32
        %get3A_1239 = arith.index_cast %get3A_1238 : i32 to index
        %get3A_1240 = arith.index_cast %add3A_1188 : i32 to index
        %get3A_1241 = arith.constant 112 : index
        %get3A_1242 = tpu.vector_load %arg6[%get3A_1239, %get3A_1240, %get3A_1241] {strides = array<i32>} : memref<3x200x128xf32, #tpu.memory_space<vmem>>, vector<1x1x16xf32>,
        %get3A_1243 = vector.shape_cast %get3A_1242 : vector<1x1x16xf32> to vector<16xf32>
        %add3A_1244 = arith.addf %add3A_1184, %get3A_1243 : vector<16xf32>
        %mul3A_1245 = arith.constant 8 : i32
        %mul3A_1246 = arith.muli %scan3A_877, %mul3A_1245 : i32
        %add3A_1247 = arith.constant 6 : i32
        %add3A_1248 = arith.addi %mul3A_1246, %add3A_1247 : i32
        %get3A_1249 = arith.constant 1 : i32
        %get3A_1250 = arith.index_cast %get3A_1249 : i32 to index
        %get3A_1251 = arith.index_cast %add3A_1248 : i32 to index
        %get3A_1252 = arith.constant 0 : index
        %get3A_1253 = tpu.vector_load %arg6[%get3A_1250, %get3A_1251, %get3A_1252] {strides = array<i32>} : memref<3x200x128xf32, #tpu.memory_space<vmem>>, vector<1x1x16xf32>,
        %get3A_1254 = vector.shape_cast %get3A_1253 : vector<1x1x16xf32> to vector<16xf32>
        %add3A_1255 = arith.addf %add3A_1195, %get3A_1254 : vector<16xf32>
        %get3A_1256 = arith.constant 1 : i32
        %get3A_1257 = arith.index_cast %get3A_1256 : i32 to index
        %get3A_1258 = arith.index_cast %add3A_1248 : i32 to index
        %get3A_1259 = arith.constant 16 : index
        %get3A_1260 = tpu.vector_load %arg6[%get3A_1257, %get3A_1258, %get3A_1259] {strides = array<i32>} : memref<3x200x128xf32, #tpu.memory_space<vmem>>, vector<1x1x16xf32>,
        %get3A_1261 = vector.shape_cast %get3A_1260 : vector<1x1x16xf32> to vector<16xf32>
        %add3A_1262 = arith.addf %add3A_1202, %get3A_1261 : vector<16xf32>
        %get3A_1263 = arith.constant 1 : i32
        %get3A_1264 = arith.index_cast %get3A_1263 : i32 to index
        %get3A_1265 = arith.index_cast %add3A_1248 : i32 to index
        %get3A_1266 = arith.constant 32 : index
        %get3A_1267 = tpu.vector_load %arg6[%get3A_1264, %get3A_1265, %get3A_1266] {strides = array<i32>} : memref<3x200x128xf32, #tpu.memory_space<vmem>>, vector<1x1x16xf32>,
        %get3A_1268 = vector.shape_cast %get3A_1267 : vector<1x1x16xf32> to vector<16xf32>
        %add3A_1269 = arith.addf %add3A_1209, %get3A_1268 : vector<16xf32>
        %get3A_1270 = arith.constant 1 : i32
        %get3A_1271 = arith.index_cast %get3A_1270 : i32 to index
        %get3A_1272 = arith.index_cast %add3A_1248 : i32 to index
        %get3A_1273 = arith.constant 48 : index
        %get3A_1274 = tpu.vector_load %arg6[%get3A_1271, %get3A_1272, %get3A_1273] {strides = array<i32>} : memref<3x200x128xf32, #tpu.memory_space<vmem>>, vector<1x1x16xf32>,
        %get3A_1275 = vector.shape_cast %get3A_1274 : vector<1x1x16xf32> to vector<16xf32>
        %add3A_1276 = arith.addf %add3A_1216, %get3A_1275 : vector<16xf32>
        %get3A_1277 = arith.constant 1 : i32
        %get3A_1278 = arith.index_cast %get3A_1277 : i32 to index
        %get3A_1279 = arith.index_cast %add3A_1248 : i32 to index
        %get3A_1280 = arith.constant 64 : index
        %get3A_1281 = tpu.vector_load %arg6[%get3A_1278, %get3A_1279, %get3A_1280] {strides = array<i32>} : memref<3x200x128xf32, #tpu.memory_space<vmem>>, vector<1x1x16xf32>,
        %get3A_1282 = vector.shape_cast %get3A_1281 : vector<1x1x16xf32> to vector<16xf32>
        %add3A_1283 = arith.addf %add3A_1223, %get3A_1282 : vector<16xf32>
        %get3A_1284 = arith.constant 1 : i32
        %get3A_1285 = arith.index_cast %get3A_1284 : i32 to index
        %get3A_1286 = arith.index_cast %add3A_1248 : i32 to index
        %get3A_1287 = arith.constant 80 : index
        %get3A_1288 = tpu.vector_load %arg6[%get3A_1285, %get3A_1286, %get3A_1287] {strides = array<i32>} : memref<3x200x128xf32, #tpu.memory_space<vmem>>, vector<1x1x16xf32>,
        %get3A_1289 = vector.shape_cast %get3A_1288 : vector<1x1x16xf32> to vector<16xf32>
        %add3A_1290 = arith.addf %add3A_1230, %get3A_1289 : vector<16xf32>
        %get3A_1291 = arith.constant 1 : i32
        %get3A_1292 = arith.index_cast %get3A_1291 : i32 to index
        %get3A_1293 = arith.index_cast %add3A_1248 : i32 to index
        %get3A_1294 = arith.constant 96 : index
        %get3A_1295 = tpu.vector_load %arg6[%get3A_1292, %get3A_1293, %get3A_1294] {strides = array<i32>} : memref<3x200x128xf32, #tpu.memory_space<vmem>>, vector<1x1x16xf32>,
        %get3A_1296 = vector.shape_cast %get3A_1295 : vector<1x1x16xf32> to vector<16xf32>
        %add3A_1297 = arith.addf %add3A_1237, %get3A_1296 : vector<16xf32>
        %get3A_1298 = arith.constant 1 : i32
        %get3A_1299 = arith.index_cast %get3A_1298 : i32 to index
        %get3A_1300 = arith.index_cast %add3A_1248 : i32 to index
        %get3A_1301 = arith.constant 112 : index
        %get3A_1302 = tpu.vector_load %arg6[%get3A_1299, %get3A_1300, %get3A_1301] {strides = array<i32>} : memref<3x200x128xf32, #tpu.memory_space<vmem>>, vector<1x1x16xf32>,
        %get3A_1303 = vector.shape_cast %get3A_1302 : vector<1x1x16xf32> to vector<16xf32>
        %add3A_1304 = arith.addf %add3A_1244, %get3A_1303 : vector<16xf32>
        %mul3A_1305 = arith.constant 8 : i32
        %mul3A_1306 = arith.muli %scan3A_877, %mul3A_1305 : i32
        %add3A_1307 = arith.constant 7 : i32
        %add3A_1308 = arith.addi %mul3A_1306, %add3A_1307 : i32
        %get3A_1309 = arith.constant 1 : i32
        %get3A_1310 = arith.index_cast %get3A_1309 : i32 to index
        %get3A_1311 = arith.index_cast %add3A_1308 : i32 to index
        %get3A_1312 = arith.constant 0 : index
        %get3A_1313 = tpu.vector_load %arg6[%get3A_1310, %get3A_1311, %get3A_1312] {strides = array<i32>} : memref<3x200x128xf32, #tpu.memory_space<vmem>>, vector<1x1x16xf32>,
        %get3A_1314 = vector.shape_cast %get3A_1313 : vector<1x1x16xf32> to vector<16xf32>
        %add3A_1315 = arith.addf %add3A_1255, %get3A_1314 : vector<16xf32>
        %get3A_1316 = arith.constant 1 : i32
        %get3A_1317 = arith.index_cast %get3A_1316 : i32 to index
        %get3A_1318 = arith.index_cast %add3A_1308 : i32 to index
        %get3A_1319 = arith.constant 16 : index
        %get3A_1320 = tpu.vector_load %arg6[%get3A_1317, %get3A_1318, %get3A_1319] {strides = array<i32>} : memref<3x200x128xf32, #tpu.memory_space<vmem>>, vector<1x1x16xf32>,
        %get3A_1321 = vector.shape_cast %get3A_1320 : vector<1x1x16xf32> to vector<16xf32>
        %add3A_1322 = arith.addf %add3A_1262, %get3A_1321 : vector<16xf32>
        %get3A_1323 = arith.constant 1 : i32
        %get3A_1324 = arith.index_cast %get3A_1323 : i32 to index
        %get3A_1325 = arith.index_cast %add3A_1308 : i32 to index
        %get3A_1326 = arith.constant 32 : index
        %get3A_1327 = tpu.vector_load %arg6[%get3A_1324, %get3A_1325, %get3A_1326] {strides = array<i32>} : memref<3x200x128xf32, #tpu.memory_space<vmem>>, vector<1x1x16xf32>,
        %get3A_1328 = vector.shape_cast %get3A_1327 : vector<1x1x16xf32> to vector<16xf32>
        %add3A_1329 = arith.addf %add3A_1269, %get3A_1328 : vector<16xf32>
        %get3A_1330 = arith.constant 1 : i32
        %get3A_1331 = arith.index_cast %get3A_1330 : i32 to index
        %get3A_1332 = arith.index_cast %add3A_1308 : i32 to index
        %get3A_1333 = arith.constant 48 : index
        %get3A_1334 = tpu.vector_load %arg6[%get3A_1331, %get3A_1332, %get3A_1333] {strides = array<i32>} : memref<3x200x128xf32, #tpu.memory_space<vmem>>, vector<1x1x16xf32>,
        %get3A_1335 = vector.shape_cast %get3A_1334 : vector<1x1x16xf32> to vector<16xf32>
        %add3A_1336 = arith.addf %add3A_1276, %get3A_1335 : vector<16xf32>
        %get3A_1337 = arith.constant 1 : i32
        %get3A_1338 = arith.index_cast %get3A_1337 : i32 to index
        %get3A_1339 = arith.index_cast %add3A_1308 : i32 to index
        %get3A_1340 = arith.constant 64 : index
        %get3A_1341 = tpu.vector_load %arg6[%get3A_1338, %get3A_1339, %get3A_1340] {strides = array<i32>} : memref<3x200x128xf32, #tpu.memory_space<vmem>>, vector<1x1x16xf32>,
        %get3A_1342 = vector.shape_cast %get3A_1341 : vector<1x1x16xf32> to vector<16xf32>
        %add3A_1343 = arith.addf %add3A_1283, %get3A_1342 : vector<16xf32>
        %get3A_1344 = arith.constant 1 : i32
        %get3A_1345 = arith.index_cast %get3A_1344 : i32 to index
        %get3A_1346 = arith.index_cast %add3A_1308 : i32 to index
        %get3A_1347 = arith.constant 80 : index
        %get3A_1348 = tpu.vector_load %arg6[%get3A_1345, %get3A_1346, %get3A_1347] {strides = array<i32>} : memref<3x200x128xf32, #tpu.memory_space<vmem>>, vector<1x1x16xf32>,
        %get3A_1349 = vector.shape_cast %get3A_1348 : vector<1x1x16xf32> to vector<16xf32>
        %add3A_1350 = arith.addf %add3A_1290, %get3A_1349 : vector<16xf32>
        %get3A_1351 = arith.constant 1 : i32
        %get3A_1352 = arith.index_cast %get3A_1351 : i32 to index
        %get3A_1353 = arith.index_cast %add3A_1308 : i32 to index
        %get3A_1354 = arith.constant 96 : index
        %get3A_1355 = tpu.vector_load %arg6[%get3A_1352, %get3A_1353, %get3A_1354] {strides = array<i32>} : memref<3x200x128xf32, #tpu.memory_space<vmem>>, vector<1x1x16xf32>,
        %get3A_1356 = vector.shape_cast %get3A_1355 : vector<1x1x16xf32> to vector<16xf32>
        %add3A_1357 = arith.addf %add3A_1297, %get3A_1356 : vector<16xf32>
        %get3A_1358 = arith.constant 1 : i32
        %get3A_1359 = arith.index_cast %get3A_1358 : i32 to index
        %get3A_1360 = arith.index_cast %add3A_1308 : i32 to index
        %get3A_1361 = arith.constant 112 : index
        %get3A_1362 = tpu.vector_load %arg6[%get3A_1359, %get3A_1360, %get3A_1361] {strides = array<i32>} : memref<3x200x128xf32, #tpu.memory_space<vmem>>, vector<1x1x16xf32>,
        %get3A_1363 = vector.shape_cast %get3A_1362 : vector<1x1x16xf32> to vector<16xf32>
        %add3A_1364 = arith.addf %add3A_1304, %get3A_1363 : vector<16xf32>
        scf.yield %add3A_1315, %add3A_1322, %add3A_1329, %add3A_1336, %add3A_1343, %add3A_1350, %add3A_1357, %add3A_1364 : vector<16xf32>, vector<16xf32>, vector<16xf32>, vector<16xf32>, vector<16xf32>, vector<16xf32>, vector<16xf32>, vector<16xf32>
      }
      %scan3A_705 = arith.constant 25 : i32
      %swap3A_706 = arith.index_cast %add3A_668 : i32 to index
      %swap3A_707 = arith.constant 0 : index
      %swap3A_708 = tpu.vector_load %arg7[%swap3A_706, %swap3A_707] {strides = array<i32>} : memref<128x128xf32, #tpu.memory_space<vmem>>, vector<1x16xf32>,
      %swap3A_709 = vector.shape_cast %swap3A_708 : vector<1x16xf32> to vector<16xf32>
      %swap3A_710 = vector.shape_cast %scan3A_704#0 : vector<16xf32> to vector<1x16xf32>
      tpu.vector_store %arg7[%swap3A_706, %swap3A_707], %swap3A_710 {strides = array<i32>} : memref<128x128xf32, #tpu.memory_space<vmem>>, vector<1x16xf32>,
      %swap3A_711 = arith.index_cast %add3A_668 : i32 to index
      %swap3A_712 = arith.constant 16 : index
      %swap3A_713 = tpu.vector_load %arg7[%swap3A_711, %swap3A_712] {strides = array<i32>} : memref<128x128xf32, #tpu.memory_space<vmem>>, vector<1x16xf32>,
      %swap3A_714 = vector.shape_cast %swap3A_713 : vector<1x16xf32> to vector<16xf32>
      %swap3A_715 = vector.shape_cast %scan3A_704#1 : vector<16xf32> to vector<1x16xf32>
      tpu.vector_store %arg7[%swap3A_711, %swap3A_712], %swap3A_715 {strides = array<i32>} : memref<128x128xf32, #tpu.memory_space<vmem>>, vector<1x16xf32>,
      %swap3A_716 = arith.index_cast %add3A_668 : i32 to index
      %swap3A_717 = arith.constant 32 : index
      %swap3A_718 = tpu.vector_load %arg7[%swap3A_716, %swap3A_717] {strides = array<i32>} : memref<128x128xf32, #tpu.memory_space<vmem>>, vector<1x16xf32>,
      %swap3A_719 = vector.shape_cast %swap3A_718 : vector<1x16xf32> to vector<16xf32>
      %swap3A_720 = vector.shape_cast %scan3A_704#2 : vector<16xf32> to vector<1x16xf32>
      tpu.vector_store %arg7[%swap3A_716, %swap3A_717], %swap3A_720 {strides = array<i32>} : memref<128x128xf32, #tpu.memory_space<vmem>>, vector<1x16xf32>,
      %swap3A_721 = arith.index_cast %add3A_668 : i32 to index
      %swap3A_722 = arith.constant 48 : index
      %swap3A_723 = tpu.vector_load %arg7[%swap3A_721, %swap3A_722] {strides = array<i32>} : memref<128x128xf32, #tpu.memory_space<vmem>>, vector<1x16xf32>,
      %swap3A_724 = vector.shape_cast %swap3A_723 : vector<1x16xf32> to vector<16xf32>
      %swap3A_725 = vector.shape_cast %scan3A_704#3 : vector<16xf32> to vector<1x16xf32>
      tpu.vector_store %arg7[%swap3A_721, %swap3A_722], %swap3A_725 {strides = array<i32>} : memref<128x128xf32, #tpu.memory_space<vmem>>, vector<1x16xf32>,
      %swap3A_726 = arith.index_cast %add3A_668 : i32 to index
      %swap3A_727 = arith.constant 64 : index
      %swap3A_728 = tpu.vector_load %arg7[%swap3A_726, %swap3A_727] {strides = array<i32>} : memref<128x128xf32, #tpu.memory_space<vmem>>, vector<1x16xf32>,
      %swap3A_729 = vector.shape_cast %swap3A_728 : vector<1x16xf32> to vector<16xf32>
      %swap3A_730 = vector.shape_cast %scan3A_704#4 : vector<16xf32> to vector<1x16xf32>
      tpu.vector_store %arg7[%swap3A_726, %swap3A_727], %swap3A_730 {strides = array<i32>} : memref<128x128xf32, #tpu.memory_space<vmem>>, vector<1x16xf32>,
      %swap3A_731 = arith.index_cast %add3A_668 : i32 to index
      %swap3A_732 = arith.constant 80 : index
      %swap3A_733 = tpu.vector_load %arg7[%swap3A_731, %swap3A_732] {strides = array<i32>} : memref<128x128xf32, #tpu.memory_space<vmem>>, vector<1x16xf32>,
      %swap3A_734 = vector.shape_cast %swap3A_733 : vector<1x16xf32> to vector<16xf32>
      %swap3A_735 = vector.shape_cast %scan3A_704#5 : vector<16xf32> to vector<1x16xf32>
      tpu.vector_store %arg7[%swap3A_731, %swap3A_732], %swap3A_735 {strides = array<i32>} : memref<128x128xf32, #tpu.memory_space<vmem>>, vector<1x16xf32>,
      %swap3A_736 = arith.index_cast %add3A_668 : i32 to index
      %swap3A_737 = arith.constant 96 : index
      %swap3A_738 = tpu.vector_load %arg7[%swap3A_736, %swap3A_737] {strides = array<i32>} : memref<128x128xf32, #tpu.memory_space<vmem>>, vector<1x16xf32>,
      %swap3A_739 = vector.shape_cast %swap3A_738 : vector<1x16xf32> to vector<16xf32>
      %swap3A_740 = vector.shape_cast %scan3A_704#6 : vector<16xf32> to vector<1x16xf32>
      tpu.vector_store %arg7[%swap3A_736, %swap3A_737], %swap3A_740 {strides = array<i32>} : memref<128x128xf32, #tpu.memory_space<vmem>>, vector<1x16xf32>,
      %swap3A_741 = arith.index_cast %add3A_668 : i32 to index
      %swap3A_742 = arith.constant 112 : index
      %swap3A_743 = tpu.vector_load %arg7[%swap3A_741, %swap3A_742] {strides = array<i32>} : memref<128x128xf32, #tpu.memory_space<vmem>>, vector<1x16xf32>,
      %swap3A_744 = vector.shape_cast %swap3A_743 : vector<1x16xf32> to vector<16xf32>
      %swap3A_745 = vector.shape_cast %scan3A_704#7 : vector<16xf32> to vector<1x16xf32>
      tpu.vector_store %arg7[%swap3A_741, %swap3A_742], %swap3A_745 {strides = array<i32>} : memref<128x128xf32, #tpu.memory_space<vmem>>, vector<1x16xf32>,
      %add3A_746 = arith.constant 3 : i32
      %add3A_747 = arith.addi %add3A_668, %add3A_746 : i32
      %dma_start3A_748 = arith.constant 0 : i32
      %dma_start3A_749 = arith.constant 1 : i32
      %dma_start3A_750 = arith.constant 0 : i32
      %dma_start3A_751 = arith.constant 0 : i32
      %dma_start3A_752 = tpu.memref_slice %arg6[%dma_start3A_749, %dma_start3A_750, %dma_start3A_751] : memref<3x200x128xf32, #tpu.memory_space<vmem>> -> memref<1x100x128xf32, #tpu.memory_space<vmem>>
      %dma_start3A_753 = tpu.memref_squeeze %dma_start3A_752 : memref<1x100x128xf32, #tpu.memory_space<vmem>> -> memref<100x128xf32, #tpu.memory_space<vmem>>
      %dma_start3A_754 = arith.constant 0 : i32
      %dma_start3A_755 = tpu.memref_slice %arg5[%add3A_747, %dma_start3A_748, %dma_start3A_754] : memref<128x2x100xi32, #tpu.memory_space<vmem>> -> memref<1x1x100xi32, #tpu.memory_space<vmem>>
      %dma_start3A_756 = tpu.memref_squeeze %dma_start3A_755 : memref<1x1x100xi32, #tpu.memory_space<vmem>> -> memref<100xi32, #tpu.memory_space<vmem>>
      %dma_start3A_757 = arith.constant 0 : i32
      %dma_start3A_758 = arith.constant 0 : i32
      %dma_start3A_759 = tpu.memref_slice %arg3[%dma_start3A_757, %dma_start3A_758] : memref<100000x128xf32, #tpu.memory_space<hbm>> -> memref<100000x128xf32, #tpu.memory_space<hbm>>
      tpu.enqueue_indirect_dma source(%dma_start3A_759 : memref<100000x128xf32, #tpu.memory_space<hbm>>) target(%dma_start3A_753 : memref<100x128xf32, #tpu.memory_space<vmem>>) offsets(%dma_start3A_756 : memref<100xi32, #tpu.memory_space<vmem>>) semaphore(%arg9 : memref<!tpu.dma_semaphore, #tpu.memory_space<semaphore_mem>>)
      %dma_start3A_760 = arith.constant 1 : i32
      %dma_start3A_761 = arith.constant 1 : i32
      %dma_start3A_762 = arith.constant 100 : i32
      %dma_start3A_763 = arith.constant 0 : i32
      %dma_start3A_764 = tpu.memref_slice %arg6[%dma_start3A_761, %dma_start3A_762, %dma_start3A_763] : memref<3x200x128xf32, #tpu.memory_space<vmem>> -> memref<1x100x128xf32, #tpu.memory_space<vmem>>
      %dma_start3A_765 = tpu.memref_squeeze %dma_start3A_764 : memref<1x100x128xf32, #tpu.memory_space<vmem>> -> memref<100x128xf32, #tpu.memory_space<vmem>>
      %dma_start3A_766 = arith.constant 0 : i32
      %dma_start3A_767 = tpu.memref_slice %arg5[%add3A_747, %dma_start3A_760, %dma_start3A_766] : memref<128x2x100xi32, #tpu.memory_space<vmem>> -> memref<1x1x100xi32, #tpu.memory_space<vmem>>
      %dma_start3A_768 = tpu.memref_squeeze %dma_start3A_767 : memref<1x1x100xi32, #tpu.memory_space<vmem>> -> memref<100xi32, #tpu.memory_space<vmem>>
      %dma_start3A_769 = arith.constant 0 : i32
      %dma_start3A_770 = arith.constant 0 : i32
      %dma_start3A_771 = tpu.memref_slice %arg3[%dma_start3A_769, %dma_start3A_770] : memref<100000x128xf32, #tpu.memory_space<hbm>> -> memref<100000x128xf32, #tpu.memory_space<hbm>>
      tpu.enqueue_indirect_dma source(%dma_start3A_771 : memref<100000x128xf32, #tpu.memory_space<hbm>>) target(%dma_start3A_765 : memref<100x128xf32, #tpu.memory_space<vmem>>) offsets(%dma_start3A_768 : memref<100xi32, #tpu.memory_space<vmem>>) semaphore(%arg9 : memref<!tpu.dma_semaphore, #tpu.memory_space<semaphore_mem>>)
      %add3A_772 = arith.constant 2 : i32
      %add3A_773 = arith.addi %mul3A_561, %add3A_772 : i32
      %dma_wait3A_774 = arith.constant 2 : i32
      %dma_wait3A_775 = arith.constant 0 : i32
      %dma_wait3A_776 = arith.constant 0 : i32
      %dma_wait3A_777 = tpu.memref_slice %arg6[%dma_wait3A_774, %dma_wait3A_775, %dma_wait3A_776] : memref<3x200x128xf32, #tpu.memory_space<vmem>> -> memref<1x200x128xf32, #tpu.memory_space<vmem>>
      %dma_wait3A_778 = tpu.memref_squeeze %dma_wait3A_777 : memref<1x200x128xf32, #tpu.memory_space<vmem>> -> memref<200x128xf32, #tpu.memory_space<vmem>>
      %dma_wait3A_779 = arith.constant 0 : i32
      %dma_wait3A_780 = arith.constant 0 : i32
      %dma_wait3A_781 = tpu.memref_slice %arg3[%dma_wait3A_779, %dma_wait3A_780] : memref<100000x128xf32, #tpu.memory_space<hbm>> -> memref<200x128xf32, #tpu.memory_space<hbm>>
      %dma_wait3A_782 = arith.constant 0 : i32
      %dma_wait3A_783 = arith.constant 0 : i32
      %dma_wait3A_784 = tpu.memref_slice %arg6[%dma_wait3A_774, %dma_wait3A_782, %dma_wait3A_783] : memref<3x200x128xf32, #tpu.memory_space<vmem>> -> memref<1x200x128xf32, #tpu.memory_space<vmem>>
      %dma_wait3A_785 = tpu.memref_squeeze %dma_wait3A_784 : memref<1x200x128xf32, #tpu.memory_space<vmem>> -> memref<200x128xf32, #tpu.memory_space<vmem>>
      %dma_wait3A_786 = arith.constant 0 : i32
      %dma_wait3A_787 = arith.constant 0 : i32
      %dma_wait3A_788 = tpu.memref_slice %arg3[%dma_wait3A_786, %dma_wait3A_787] : memref<100000x128xf32, #tpu.memory_space<hbm>> -> memref<200x128xf32, #tpu.memory_space<hbm>>
      tpu.wait_dma2 semaphore(%arg10 : memref<!tpu.dma_semaphore, #tpu.memory_space<semaphore_mem>>) src(%dma_wait3A_788 : memref<200x128xf32, #tpu.memory_space<hbm>>) dst(%dma_wait3A_785 : memref<200x128xf32, #tpu.memory_space<vmem>>)
      %broadcast_in_dim3A_789 = arith.constant 0.000000e+00 : f32
      %broadcast_in_dim3A_790 = vector.broadcast %broadcast_in_dim3A_789 : f32 to vector<16xf32>
      %broadcast_in_dim3A_791 = arith.constant 0.000000e+00 : f32
      %broadcast_in_dim3A_792 = vector.broadcast %broadcast_in_dim3A_791 : f32 to vector<16xf32>
      %broadcast_in_dim3A_793 = arith.constant 0.000000e+00 : f32
      %broadcast_in_dim3A_794 = vector.broadcast %broadcast_in_dim3A_793 : f32 to vector<16xf32>
      %broadcast_in_dim3A_795 = arith.constant 0.000000e+00 : f32
      %broadcast_in_dim3A_796 = vector.broadcast %broadcast_in_dim3A_795 : f32 to vector<16xf32>
      %broadcast_in_dim3A_797 = arith.constant 0.000000e+00 : f32
      %broadcast_in_dim3A_798 = vector.broadcast %broadcast_in_dim3A_797 : f32 to vector<16xf32>
      %broadcast_in_dim3A_799 = arith.constant 0.000000e+00 : f32
      %broadcast_in_dim3A_800 = vector.broadcast %broadcast_in_dim3A_799 : f32 to vector<16xf32>
      %broadcast_in_dim3A_801 = arith.constant 0.000000e+00 : f32
      %broadcast_in_dim3A_802 = vector.broadcast %broadcast_in_dim3A_801 : f32 to vector<16xf32>
      %broadcast_in_dim3A_803 = arith.constant 0.000000e+00 : f32
      %broadcast_in_dim3A_804 = vector.broadcast %broadcast_in_dim3A_803 : f32 to vector<16xf32>
      %scan3A_805 = arith.constant 0 : i32
      %scan3A_806 = arith.constant 25 : i32
      %scan3A_807 = arith.addi %scan3A_805, %scan3A_806 : i32
      %scan3A_808 = arith.constant 1 : i32
      %scan3A_809:8 = scf.for %scan3A_877 = %scan3A_805 to %scan3A_807 step %scan3A_808 iter_args(%scan3A_878 = %broadcast_in_dim3A_790, %scan3A_879 = %broadcast_in_dim3A_792, %scan3A_880 = %broadcast_in_dim3A_794, %scan3A_881 = %broadcast_in_dim3A_796, %scan3A_882 = %broadcast_in_dim3A_798, %scan3A_883 = %broadcast_in_dim3A_800, %scan3A_884 = %broadcast_in_dim3A_802, %scan3A_885 = %broadcast_in_dim3A_804) -> (vector<16xf32>, vector<16xf32>, vector<16xf32>, vector<16xf32>, vector<16xf32>, vector<16xf32>, vector<16xf32>, vector<16xf32>)  : i32 {
        %mul3A_886 = arith.constant 8 : i32
        %mul3A_887 = arith.muli %scan3A_877, %mul3A_886 : i32
        %add3A_888 = arith.constant 0 : i32
        %add3A_889 = arith.addi %mul3A_887, %add3A_888 : i32
        %get3A = arith.constant 2 : i32
        %get3A_890 = arith.index_cast %get3A : i32 to index
        %get3A_891 = arith.index_cast %add3A_889 : i32 to index
        %get3A_892 = arith.constant 0 : index
        %get3A_893 = tpu.vector_load %arg6[%get3A_890, %get3A_891, %get3A_892] {strides = array<i32>} : memref<3x200x128xf32, #tpu.memory_space<vmem>>, vector<1x1x16xf32>,
        %get3A_894 = vector.shape_cast %get3A_893 : vector<1x1x16xf32> to vector<16xf32>
        %add3A_895 = arith.addf %scan3A_878, %get3A_894 : vector<16xf32>
        %get3A_896 = arith.constant 2 : i32
        %get3A_897 = arith.index_cast %get3A_896 : i32 to index
        %get3A_898 = arith.index_cast %add3A_889 : i32 to index
        %get3A_899 = arith.constant 16 : index
        %get3A_900 = tpu.vector_load %arg6[%get3A_897, %get3A_898, %get3A_899] {strides = array<i32>} : memref<3x200x128xf32, #tpu.memory_space<vmem>>, vector<1x1x16xf32>,
        %get3A_901 = vector.shape_cast %get3A_900 : vector<1x1x16xf32> to vector<16xf32>
        %add3A_902 = arith.addf %scan3A_879, %get3A_901 : vector<16xf32>
        %get3A_903 = arith.constant 2 : i32
        %get3A_904 = arith.index_cast %get3A_903 : i32 to index
        %get3A_905 = arith.index_cast %add3A_889 : i32 to index
        %get3A_906 = arith.constant 32 : index
        %get3A_907 = tpu.vector_load %arg6[%get3A_904, %get3A_905, %get3A_906] {strides = array<i32>} : memref<3x200x128xf32, #tpu.memory_space<vmem>>, vector<1x1x16xf32>,
        %get3A_908 = vector.shape_cast %get3A_907 : vector<1x1x16xf32> to vector<16xf32>
        %add3A_909 = arith.addf %scan3A_880, %get3A_908 : vector<16xf32>
        %get3A_910 = arith.constant 2 : i32
        %get3A_911 = arith.index_cast %get3A_910 : i32 to index
        %get3A_912 = arith.index_cast %add3A_889 : i32 to index
        %get3A_913 = arith.constant 48 : index
        %get3A_914 = tpu.vector_load %arg6[%get3A_911, %get3A_912, %get3A_913] {strides = array<i32>} : memref<3x200x128xf32, #tpu.memory_space<vmem>>, vector<1x1x16xf32>,
        %get3A_915 = vector.shape_cast %get3A_914 : vector<1x1x16xf32> to vector<16xf32>
        %add3A_916 = arith.addf %scan3A_881, %get3A_915 : vector<16xf32>
        %get3A_917 = arith.constant 2 : i32
        %get3A_918 = arith.index_cast %get3A_917 : i32 to index
        %get3A_919 = arith.index_cast %add3A_889 : i32 to index
        %get3A_920 = arith.constant 64 : index
        %get3A_921 = tpu.vector_load %arg6[%get3A_918, %get3A_919, %get3A_920] {strides = array<i32>} : memref<3x200x128xf32, #tpu.memory_space<vmem>>, vector<1x1x16xf32>,
        %get3A_922 = vector.shape_cast %get3A_921 : vector<1x1x16xf32> to vector<16xf32>
        %add3A_923 = arith.addf %scan3A_882, %get3A_922 : vector<16xf32>
        %get3A_924 = arith.constant 2 : i32
        %get3A_925 = arith.index_cast %get3A_924 : i32 to index
        %get3A_926 = arith.index_cast %add3A_889 : i32 to index
        %get3A_927 = arith.constant 80 : index
        %get3A_928 = tpu.vector_load %arg6[%get3A_925, %get3A_926, %get3A_927] {strides = array<i32>} : memref<3x200x128xf32, #tpu.memory_space<vmem>>, vector<1x1x16xf32>,
        %get3A_929 = vector.shape_cast %get3A_928 : vector<1x1x16xf32> to vector<16xf32>
        %add3A_930 = arith.addf %scan3A_883, %get3A_929 : vector<16xf32>
        %get3A_931 = arith.constant 2 : i32
        %get3A_932 = arith.index_cast %get3A_931 : i32 to index
        %get3A_933 = arith.index_cast %add3A_889 : i32 to index
        %get3A_934 = arith.constant 96 : index
        %get3A_935 = tpu.vector_load %arg6[%get3A_932, %get3A_933, %get3A_934] {strides = array<i32>} : memref<3x200x128xf32, #tpu.memory_space<vmem>>, vector<1x1x16xf32>,
        %get3A_936 = vector.shape_cast %get3A_935 : vector<1x1x16xf32> to vector<16xf32>
        %add3A_937 = arith.addf %scan3A_884, %get3A_936 : vector<16xf32>
        %get3A_938 = arith.constant 2 : i32
        %get3A_939 = arith.index_cast %get3A_938 : i32 to index
        %get3A_940 = arith.index_cast %add3A_889 : i32 to index
        %get3A_941 = arith.constant 112 : index
        %get3A_942 = tpu.vector_load %arg6[%get3A_939, %get3A_940, %get3A_941] {strides = array<i32>} : memref<3x200x128xf32, #tpu.memory_space<vmem>>, vector<1x1x16xf32>,
        %get3A_943 = vector.shape_cast %get3A_942 : vector<1x1x16xf32> to vector<16xf32>
        %add3A_944 = arith.addf %scan3A_885, %get3A_943 : vector<16xf32>
        %mul3A_945 = arith.constant 8 : i32
        %mul3A_946 = arith.muli %scan3A_877, %mul3A_945 : i32
        %add3A_947 = arith.constant 1 : i32
        %add3A_948 = arith.addi %mul3A_946, %add3A_947 : i32
        %get3A_949 = arith.constant 2 : i32
        %get3A_950 = arith.index_cast %get3A_949 : i32 to index
        %get3A_951 = arith.index_cast %add3A_948 : i32 to index
        %get3A_952 = arith.constant 0 : index
        %get3A_953 = tpu.vector_load %arg6[%get3A_950, %get3A_951, %get3A_952] {strides = array<i32>} : memref<3x200x128xf32, #tpu.memory_space<vmem>>, vector<1x1x16xf32>,
        %get3A_954 = vector.shape_cast %get3A_953 : vector<1x1x16xf32> to vector<16xf32>
        %add3A_955 = arith.addf %add3A_895, %get3A_954 : vector<16xf32>
        %get3A_956 = arith.constant 2 : i32
        %get3A_957 = arith.index_cast %get3A_956 : i32 to index
        %get3A_958 = arith.index_cast %add3A_948 : i32 to index
        %get3A_959 = arith.constant 16 : index
        %get3A_960 = tpu.vector_load %arg6[%get3A_957, %get3A_958, %get3A_959] {strides = array<i32>} : memref<3x200x128xf32, #tpu.memory_space<vmem>>, vector<1x1x16xf32>,
        %get3A_961 = vector.shape_cast %get3A_960 : vector<1x1x16xf32> to vector<16xf32>
        %add3A_962 = arith.addf %add3A_902, %get3A_961 : vector<16xf32>
        %get3A_963 = arith.constant 2 : i32
        %get3A_964 = arith.index_cast %get3A_963 : i32 to index
        %get3A_965 = arith.index_cast %add3A_948 : i32 to index
        %get3A_966 = arith.constant 32 : index
        %get3A_967 = tpu.vector_load %arg6[%get3A_964, %get3A_965, %get3A_966] {strides = array<i32>} : memref<3x200x128xf32, #tpu.memory_space<vmem>>, vector<1x1x16xf32>,
        %get3A_968 = vector.shape_cast %get3A_967 : vector<1x1x16xf32> to vector<16xf32>
        %add3A_969 = arith.addf %add3A_909, %get3A_968 : vector<16xf32>
        %get3A_970 = arith.constant 2 : i32
        %get3A_971 = arith.index_cast %get3A_970 : i32 to index
        %get3A_972 = arith.index_cast %add3A_948 : i32 to index
        %get3A_973 = arith.constant 48 : index
        %get3A_974 = tpu.vector_load %arg6[%get3A_971, %get3A_972, %get3A_973] {strides = array<i32>} : memref<3x200x128xf32, #tpu.memory_space<vmem>>, vector<1x1x16xf32>,
        %get3A_975 = vector.shape_cast %get3A_974 : vector<1x1x16xf32> to vector<16xf32>
        %add3A_976 = arith.addf %add3A_916, %get3A_975 : vector<16xf32>
        %get3A_977 = arith.constant 2 : i32
        %get3A_978 = arith.index_cast %get3A_977 : i32 to index
        %get3A_979 = arith.index_cast %add3A_948 : i32 to index
        %get3A_980 = arith.constant 64 : index
        %get3A_981 = tpu.vector_load %arg6[%get3A_978, %get3A_979, %get3A_980] {strides = array<i32>} : memref<3x200x128xf32, #tpu.memory_space<vmem>>, vector<1x1x16xf32>,
        %get3A_982 = vector.shape_cast %get3A_981 : vector<1x1x16xf32> to vector<16xf32>
        %add3A_983 = arith.addf %add3A_923, %get3A_982 : vector<16xf32>
        %get3A_984 = arith.constant 2 : i32
        %get3A_985 = arith.index_cast %get3A_984 : i32 to index
        %get3A_986 = arith.index_cast %add3A_948 : i32 to index
        %get3A_987 = arith.constant 80 : index
        %get3A_988 = tpu.vector_load %arg6[%get3A_985, %get3A_986, %get3A_987] {strides = array<i32>} : memref<3x200x128xf32, #tpu.memory_space<vmem>>, vector<1x1x16xf32>,
        %get3A_989 = vector.shape_cast %get3A_988 : vector<1x1x16xf32> to vector<16xf32>
        %add3A_990 = arith.addf %add3A_930, %get3A_989 : vector<16xf32>
        %get3A_991 = arith.constant 2 : i32
        %get3A_992 = arith.index_cast %get3A_991 : i32 to index
        %get3A_993 = arith.index_cast %add3A_948 : i32 to index
        %get3A_994 = arith.constant 96 : index
        %get3A_995 = tpu.vector_load %arg6[%get3A_992, %get3A_993, %get3A_994] {strides = array<i32>} : memref<3x200x128xf32, #tpu.memory_space<vmem>>, vector<1x1x16xf32>,
        %get3A_996 = vector.shape_cast %get3A_995 : vector<1x1x16xf32> to vector<16xf32>
        %add3A_997 = arith.addf %add3A_937, %get3A_996 : vector<16xf32>
        %get3A_998 = arith.constant 2 : i32
        %get3A_999 = arith.index_cast %get3A_998 : i32 to index
        %get3A_1000 = arith.index_cast %add3A_948 : i32 to index
        %get3A_1001 = arith.constant 112 : index
        %get3A_1002 = tpu.vector_load %arg6[%get3A_999, %get3A_1000, %get3A_1001] {strides = array<i32>} : memref<3x200x128xf32, #tpu.memory_space<vmem>>, vector<1x1x16xf32>,
        %get3A_1003 = vector.shape_cast %get3A_1002 : vector<1x1x16xf32> to vector<16xf32>
        %add3A_1004 = arith.addf %add3A_944, %get3A_1003 : vector<16xf32>
        %mul3A_1005 = arith.constant 8 : i32
        %mul3A_1006 = arith.muli %scan3A_877, %mul3A_1005 : i32
        %add3A_1007 = arith.constant 2 : i32
        %add3A_1008 = arith.addi %mul3A_1006, %add3A_1007 : i32
        %get3A_1009 = arith.constant 2 : i32
        %get3A_1010 = arith.index_cast %get3A_1009 : i32 to index
        %get3A_1011 = arith.index_cast %add3A_1008 : i32 to index
        %get3A_1012 = arith.constant 0 : index
        %get3A_1013 = tpu.vector_load %arg6[%get3A_1010, %get3A_1011, %get3A_1012] {strides = array<i32>} : memref<3x200x128xf32, #tpu.memory_space<vmem>>, vector<1x1x16xf32>,
        %get3A_1014 = vector.shape_cast %get3A_1013 : vector<1x1x16xf32> to vector<16xf32>
        %add3A_1015 = arith.addf %add3A_955, %get3A_1014 : vector<16xf32>
        %get3A_1016 = arith.constant 2 : i32
        %get3A_1017 = arith.index_cast %get3A_1016 : i32 to index
        %get3A_1018 = arith.index_cast %add3A_1008 : i32 to index
        %get3A_1019 = arith.constant 16 : index
        %get3A_1020 = tpu.vector_load %arg6[%get3A_1017, %get3A_1018, %get3A_1019] {strides = array<i32>} : memref<3x200x128xf32, #tpu.memory_space<vmem>>, vector<1x1x16xf32>,
        %get3A_1021 = vector.shape_cast %get3A_1020 : vector<1x1x16xf32> to vector<16xf32>
        %add3A_1022 = arith.addf %add3A_962, %get3A_1021 : vector<16xf32>
        %get3A_1023 = arith.constant 2 : i32
        %get3A_1024 = arith.index_cast %get3A_1023 : i32 to index
        %get3A_1025 = arith.index_cast %add3A_1008 : i32 to index
        %get3A_1026 = arith.constant 32 : index
        %get3A_1027 = tpu.vector_load %arg6[%get3A_1024, %get3A_1025, %get3A_1026] {strides = array<i32>} : memref<3x200x128xf32, #tpu.memory_space<vmem>>, vector<1x1x16xf32>,
        %get3A_1028 = vector.shape_cast %get3A_1027 : vector<1x1x16xf32> to vector<16xf32>
        %add3A_1029 = arith.addf %add3A_969, %get3A_1028 : vector<16xf32>
        %get3A_1030 = arith.constant 2 : i32
        %get3A_1031 = arith.index_cast %get3A_1030 : i32 to index
        %get3A_1032 = arith.index_cast %add3A_1008 : i32 to index
        %get3A_1033 = arith.constant 48 : index
        %get3A_1034 = tpu.vector_load %arg6[%get3A_1031, %get3A_1032, %get3A_1033] {strides = array<i32>} : memref<3x200x128xf32, #tpu.memory_space<vmem>>, vector<1x1x16xf32>,
        %get3A_1035 = vector.shape_cast %get3A_1034 : vector<1x1x16xf32> to vector<16xf32>
        %add3A_1036 = arith.addf %add3A_976, %get3A_1035 : vector<16xf32>
        %get3A_1037 = arith.constant 2 : i32
        %get3A_1038 = arith.index_cast %get3A_1037 : i32 to index
        %get3A_1039 = arith.index_cast %add3A_1008 : i32 to index
        %get3A_1040 = arith.constant 64 : index
        %get3A_1041 = tpu.vector_load %arg6[%get3A_1038, %get3A_1039, %get3A_1040] {strides = array<i32>} : memref<3x200x128xf32, #tpu.memory_space<vmem>>, vector<1x1x16xf32>,
        %get3A_1042 = vector.shape_cast %get3A_1041 : vector<1x1x16xf32> to vector<16xf32>
        %add3A_1043 = arith.addf %add3A_983, %get3A_1042 : vector<16xf32>
        %get3A_1044 = arith.constant 2 : i32
        %get3A_1045 = arith.index_cast %get3A_1044 : i32 to index
        %get3A_1046 = arith.index_cast %add3A_1008 : i32 to index
        %get3A_1047 = arith.constant 80 : index
        %get3A_1048 = tpu.vector_load %arg6[%get3A_1045, %get3A_1046, %get3A_1047] {strides = array<i32>} : memref<3x200x128xf32, #tpu.memory_space<vmem>>, vector<1x1x16xf32>,
        %get3A_1049 = vector.shape_cast %get3A_1048 : vector<1x1x16xf32> to vector<16xf32>
        %add3A_1050 = arith.addf %add3A_990, %get3A_1049 : vector<16xf32>
        %get3A_1051 = arith.constant 2 : i32
        %get3A_1052 = arith.index_cast %get3A_1051 : i32 to index
        %get3A_1053 = arith.index_cast %add3A_1008 : i32 to index
        %get3A_1054 = arith.constant 96 : index
        %get3A_1055 = tpu.vector_load %arg6[%get3A_1052, %get3A_1053, %get3A_1054] {strides = array<i32>} : memref<3x200x128xf32, #tpu.memory_space<vmem>>, vector<1x1x16xf32>,
        %get3A_1056 = vector.shape_cast %get3A_1055 : vector<1x1x16xf32> to vector<16xf32>
        %add3A_1057 = arith.addf %add3A_997, %get3A_1056 : vector<16xf32>
        %get3A_1058 = arith.constant 2 : i32
        %get3A_1059 = arith.index_cast %get3A_1058 : i32 to index
        %get3A_1060 = arith.index_cast %add3A_1008 : i32 to index
        %get3A_1061 = arith.constant 112 : index
        %get3A_1062 = tpu.vector_load %arg6[%get3A_1059, %get3A_1060, %get3A_1061] {strides = array<i32>} : memref<3x200x128xf32, #tpu.memory_space<vmem>>, vector<1x1x16xf32>,
        %get3A_1063 = vector.shape_cast %get3A_1062 : vector<1x1x16xf32> to vector<16xf32>
        %add3A_1064 = arith.addf %add3A_1004, %get3A_1063 : vector<16xf32>
        %mul3A_1065 = arith.constant 8 : i32
        %mul3A_1066 = arith.muli %scan3A_877, %mul3A_1065 : i32
        %add3A_1067 = arith.constant 3 : i32
        %add3A_1068 = arith.addi %mul3A_1066, %add3A_1067 : i32
        %get3A_1069 = arith.constant 2 : i32
        %get3A_1070 = arith.index_cast %get3A_1069 : i32 to index
        %get3A_1071 = arith.index_cast %add3A_1068 : i32 to index
        %get3A_1072 = arith.constant 0 : index
        %get3A_1073 = tpu.vector_load %arg6[%get3A_1070, %get3A_1071, %get3A_1072] {strides = array<i32>} : memref<3x200x128xf32, #tpu.memory_space<vmem>>, vector<1x1x16xf32>,
        %get3A_1074 = vector.shape_cast %get3A_1073 : vector<1x1x16xf32> to vector<16xf32>
        %add3A_1075 = arith.addf %add3A_1015, %get3A_1074 : vector<16xf32>
        %get3A_1076 = arith.constant 2 : i32
        %get3A_1077 = arith.index_cast %get3A_1076 : i32 to index
        %get3A_1078 = arith.index_cast %add3A_1068 : i32 to index
        %get3A_1079 = arith.constant 16 : index
        %get3A_1080 = tpu.vector_load %arg6[%get3A_1077, %get3A_1078, %get3A_1079] {strides = array<i32>} : memref<3x200x128xf32, #tpu.memory_space<vmem>>, vector<1x1x16xf32>,
        %get3A_1081 = vector.shape_cast %get3A_1080 : vector<1x1x16xf32> to vector<16xf32>
        %add3A_1082 = arith.addf %add3A_1022, %get3A_1081 : vector<16xf32>
        %get3A_1083 = arith.constant 2 : i32
        %get3A_1084 = arith.index_cast %get3A_1083 : i32 to index
        %get3A_1085 = arith.index_cast %add3A_1068 : i32 to index
        %get3A_1086 = arith.constant 32 : index
        %get3A_1087 = tpu.vector_load %arg6[%get3A_1084, %get3A_1085, %get3A_1086] {strides = array<i32>} : memref<3x200x128xf32, #tpu.memory_space<vmem>>, vector<1x1x16xf32>,
        %get3A_1088 = vector.shape_cast %get3A_1087 : vector<1x1x16xf32> to vector<16xf32>
        %add3A_1089 = arith.addf %add3A_1029, %get3A_1088 : vector<16xf32>
        %get3A_1090 = arith.constant 2 : i32
        %get3A_1091 = arith.index_cast %get3A_1090 : i32 to index
        %get3A_1092 = arith.index_cast %add3A_1068 : i32 to index
        %get3A_1093 = arith.constant 48 : index
        %get3A_1094 = tpu.vector_load %arg6[%get3A_1091, %get3A_1092, %get3A_1093] {strides = array<i32>} : memref<3x200x128xf32, #tpu.memory_space<vmem>>, vector<1x1x16xf32>,
        %get3A_1095 = vector.shape_cast %get3A_1094 : vector<1x1x16xf32> to vector<16xf32>
        %add3A_1096 = arith.addf %add3A_1036, %get3A_1095 : vector<16xf32>
        %get3A_1097 = arith.constant 2 : i32
        %get3A_1098 = arith.index_cast %get3A_1097 : i32 to index
        %get3A_1099 = arith.index_cast %add3A_1068 : i32 to index
        %get3A_1100 = arith.constant 64 : index
        %get3A_1101 = tpu.vector_load %arg6[%get3A_1098, %get3A_1099, %get3A_1100] {strides = array<i32>} : memref<3x200x128xf32, #tpu.memory_space<vmem>>, vector<1x1x16xf32>,
        %get3A_1102 = vector.shape_cast %get3A_1101 : vector<1x1x16xf32> to vector<16xf32>
        %add3A_1103 = arith.addf %add3A_1043, %get3A_1102 : vector<16xf32>
        %get3A_1104 = arith.constant 2 : i32
        %get3A_1105 = arith.index_cast %get3A_1104 : i32 to index
        %get3A_1106 = arith.index_cast %add3A_1068 : i32 to index
        %get3A_1107 = arith.constant 80 : index
        %get3A_1108 = tpu.vector_load %arg6[%get3A_1105, %get3A_1106, %get3A_1107] {strides = array<i32>} : memref<3x200x128xf32, #tpu.memory_space<vmem>>, vector<1x1x16xf32>,
        %get3A_1109 = vector.shape_cast %get3A_1108 : vector<1x1x16xf32> to vector<16xf32>
        %add3A_1110 = arith.addf %add3A_1050, %get3A_1109 : vector<16xf32>
        %get3A_1111 = arith.constant 2 : i32
        %get3A_1112 = arith.index_cast %get3A_1111 : i32 to index
        %get3A_1113 = arith.index_cast %add3A_1068 : i32 to index
        %get3A_1114 = arith.constant 96 : index
        %get3A_1115 = tpu.vector_load %arg6[%get3A_1112, %get3A_1113, %get3A_1114] {strides = array<i32>} : memref<3x200x128xf32, #tpu.memory_space<vmem>>, vector<1x1x16xf32>,
        %get3A_1116 = vector.shape_cast %get3A_1115 : vector<1x1x16xf32> to vector<16xf32>
        %add3A_1117 = arith.addf %add3A_1057, %get3A_1116 : vector<16xf32>
        %get3A_1118 = arith.constant 2 : i32
        %get3A_1119 = arith.index_cast %get3A_1118 : i32 to index
        %get3A_1120 = arith.index_cast %add3A_1068 : i32 to index
        %get3A_1121 = arith.constant 112 : index
        %get3A_1122 = tpu.vector_load %arg6[%get3A_1119, %get3A_1120, %get3A_1121] {strides = array<i32>} : memref<3x200x128xf32, #tpu.memory_space<vmem>>, vector<1x1x16xf32>,
        %get3A_1123 = vector.shape_cast %get3A_1122 : vector<1x1x16xf32> to vector<16xf32>
        %add3A_1124 = arith.addf %add3A_1064, %get3A_1123 : vector<16xf32>
        %mul3A_1125 = arith.constant 8 : i32
        %mul3A_1126 = arith.muli %scan3A_877, %mul3A_1125 : i32
        %add3A_1127 = arith.constant 4 : i32
        %add3A_1128 = arith.addi %mul3A_1126, %add3A_1127 : i32
        %get3A_1129 = arith.constant 2 : i32
        %get3A_1130 = arith.index_cast %get3A_1129 : i32 to index
        %get3A_1131 = arith.index_cast %add3A_1128 : i32 to index
        %get3A_1132 = arith.constant 0 : index
        %get3A_1133 = tpu.vector_load %arg6[%get3A_1130, %get3A_1131, %get3A_1132] {strides = array<i32>} : memref<3x200x128xf32, #tpu.memory_space<vmem>>, vector<1x1x16xf32>,
        %get3A_1134 = vector.shape_cast %get3A_1133 : vector<1x1x16xf32> to vector<16xf32>
        %add3A_1135 = arith.addf %add3A_1075, %get3A_1134 : vector<16xf32>
        %get3A_1136 = arith.constant 2 : i32
        %get3A_1137 = arith.index_cast %get3A_1136 : i32 to index
        %get3A_1138 = arith.index_cast %add3A_1128 : i32 to index
        %get3A_1139 = arith.constant 16 : index
        %get3A_1140 = tpu.vector_load %arg6[%get3A_1137, %get3A_1138, %get3A_1139] {strides = array<i32>} : memref<3x200x128xf32, #tpu.memory_space<vmem>>, vector<1x1x16xf32>,
        %get3A_1141 = vector.shape_cast %get3A_1140 : vector<1x1x16xf32> to vector<16xf32>
        %add3A_1142 = arith.addf %add3A_1082, %get3A_1141 : vector<16xf32>
        %get3A_1143 = arith.constant 2 : i32
        %get3A_1144 = arith.index_cast %get3A_1143 : i32 to index
        %get3A_1145 = arith.index_cast %add3A_1128 : i32 to index
        %get3A_1146 = arith.constant 32 : index
        %get3A_1147 = tpu.vector_load %arg6[%get3A_1144, %get3A_1145, %get3A_1146] {strides = array<i32>} : memref<3x200x128xf32, #tpu.memory_space<vmem>>, vector<1x1x16xf32>,
        %get3A_1148 = vector.shape_cast %get3A_1147 : vector<1x1x16xf32> to vector<16xf32>
        %add3A_1149 = arith.addf %add3A_1089, %get3A_1148 : vector<16xf32>
        %get3A_1150 = arith.constant 2 : i32
        %get3A_1151 = arith.index_cast %get3A_1150 : i32 to index
        %get3A_1152 = arith.index_cast %add3A_1128 : i32 to index
        %get3A_1153 = arith.constant 48 : index
        %get3A_1154 = tpu.vector_load %arg6[%get3A_1151, %get3A_1152, %get3A_1153] {strides = array<i32>} : memref<3x200x128xf32, #tpu.memory_space<vmem>>, vector<1x1x16xf32>,
        %get3A_1155 = vector.shape_cast %get3A_1154 : vector<1x1x16xf32> to vector<16xf32>
        %add3A_1156 = arith.addf %add3A_1096, %get3A_1155 : vector<16xf32>
        %get3A_1157 = arith.constant 2 : i32
        %get3A_1158 = arith.index_cast %get3A_1157 : i32 to index
        %get3A_1159 = arith.index_cast %add3A_1128 : i32 to index
        %get3A_1160 = arith.constant 64 : index
        %get3A_1161 = tpu.vector_load %arg6[%get3A_1158, %get3A_1159, %get3A_1160] {strides = array<i32>} : memref<3x200x128xf32, #tpu.memory_space<vmem>>, vector<1x1x16xf32>,
        %get3A_1162 = vector.shape_cast %get3A_1161 : vector<1x1x16xf32> to vector<16xf32>
        %add3A_1163 = arith.addf %add3A_1103, %get3A_1162 : vector<16xf32>
        %get3A_1164 = arith.constant 2 : i32
        %get3A_1165 = arith.index_cast %get3A_1164 : i32 to index
        %get3A_1166 = arith.index_cast %add3A_1128 : i32 to index
        %get3A_1167 = arith.constant 80 : index
        %get3A_1168 = tpu.vector_load %arg6[%get3A_1165, %get3A_1166, %get3A_1167] {strides = array<i32>} : memref<3x200x128xf32, #tpu.memory_space<vmem>>, vector<1x1x16xf32>,
        %get3A_1169 = vector.shape_cast %get3A_1168 : vector<1x1x16xf32> to vector<16xf32>
        %add3A_1170 = arith.addf %add3A_1110, %get3A_1169 : vector<16xf32>
        %get3A_1171 = arith.constant 2 : i32
        %get3A_1172 = arith.index_cast %get3A_1171 : i32 to index
        %get3A_1173 = arith.index_cast %add3A_1128 : i32 to index
        %get3A_1174 = arith.constant 96 : index
        %get3A_1175 = tpu.vector_load %arg6[%get3A_1172, %get3A_1173, %get3A_1174] {strides = array<i32>} : memref<3x200x128xf32, #tpu.memory_space<vmem>>, vector<1x1x16xf32>,
        %get3A_1176 = vector.shape_cast %get3A_1175 : vector<1x1x16xf32> to vector<16xf32>
        %add3A_1177 = arith.addf %add3A_1117, %get3A_1176 : vector<16xf32>
        %get3A_1178 = arith.constant 2 : i32
        %get3A_1179 = arith.index_cast %get3A_1178 : i32 to index
        %get3A_1180 = arith.index_cast %add3A_1128 : i32 to index
        %get3A_1181 = arith.constant 112 : index
        %get3A_1182 = tpu.vector_load %arg6[%get3A_1179, %get3A_1180, %get3A_1181] {strides = array<i32>} : memref<3x200x128xf32, #tpu.memory_space<vmem>>, vector<1x1x16xf32>,
        %get3A_1183 = vector.shape_cast %get3A_1182 : vector<1x1x16xf32> to vector<16xf32>
        %add3A_1184 = arith.addf %add3A_1124, %get3A_1183 : vector<16xf32>
        %mul3A_1185 = arith.constant 8 : i32
        %mul3A_1186 = arith.muli %scan3A_877, %mul3A_1185 : i32
        %add3A_1187 = arith.constant 5 : i32
        %add3A_1188 = arith.addi %mul3A_1186, %add3A_1187 : i32
        %get3A_1189 = arith.constant 2 : i32
        %get3A_1190 = arith.index_cast %get3A_1189 : i32 to index
        %get3A_1191 = arith.index_cast %add3A_1188 : i32 to index
        %get3A_1192 = arith.constant 0 : index
        %get3A_1193 = tpu.vector_load %arg6[%get3A_1190, %get3A_1191, %get3A_1192] {strides = array<i32>} : memref<3x200x128xf32, #tpu.memory_space<vmem>>, vector<1x1x16xf32>,
        %get3A_1194 = vector.shape_cast %get3A_1193 : vector<1x1x16xf32> to vector<16xf32>
        %add3A_1195 = arith.addf %add3A_1135, %get3A_1194 : vector<16xf32>
        %get3A_1196 = arith.constant 2 : i32
        %get3A_1197 = arith.index_cast %get3A_1196 : i32 to index
        %get3A_1198 = arith.index_cast %add3A_1188 : i32 to index
        %get3A_1199 = arith.constant 16 : index
        %get3A_1200 = tpu.vector_load %arg6[%get3A_1197, %get3A_1198, %get3A_1199] {strides = array<i32>} : memref<3x200x128xf32, #tpu.memory_space<vmem>>, vector<1x1x16xf32>,
        %get3A_1201 = vector.shape_cast %get3A_1200 : vector<1x1x16xf32> to vector<16xf32>
        %add3A_1202 = arith.addf %add3A_1142, %get3A_1201 : vector<16xf32>
        %get3A_1203 = arith.constant 2 : i32
        %get3A_1204 = arith.index_cast %get3A_1203 : i32 to index
        %get3A_1205 = arith.index_cast %add3A_1188 : i32 to index
        %get3A_1206 = arith.constant 32 : index
        %get3A_1207 = tpu.vector_load %arg6[%get3A_1204, %get3A_1205, %get3A_1206] {strides = array<i32>} : memref<3x200x128xf32, #tpu.memory_space<vmem>>, vector<1x1x16xf32>,
        %get3A_1208 = vector.shape_cast %get3A_1207 : vector<1x1x16xf32> to vector<16xf32>
        %add3A_1209 = arith.addf %add3A_1149, %get3A_1208 : vector<16xf32>
        %get3A_1210 = arith.constant 2 : i32
        %get3A_1211 = arith.index_cast %get3A_1210 : i32 to index
        %get3A_1212 = arith.index_cast %add3A_1188 : i32 to index
        %get3A_1213 = arith.constant 48 : index
        %get3A_1214 = tpu.vector_load %arg6[%get3A_1211, %get3A_1212, %get3A_1213] {strides = array<i32>} : memref<3x200x128xf32, #tpu.memory_space<vmem>>, vector<1x1x16xf32>,
        %get3A_1215 = vector.shape_cast %get3A_1214 : vector<1x1x16xf32> to vector<16xf32>
        %add3A_1216 = arith.addf %add3A_1156, %get3A_1215 : vector<16xf32>
        %get3A_1217 = arith.constant 2 : i32
        %get3A_1218 = arith.index_cast %get3A_1217 : i32 to index
        %get3A_1219 = arith.index_cast %add3A_1188 : i32 to index
        %get3A_1220 = arith.constant 64 : index
        %get3A_1221 = tpu.vector_load %arg6[%get3A_1218, %get3A_1219, %get3A_1220] {strides = array<i32>} : memref<3x200x128xf32, #tpu.memory_space<vmem>>, vector<1x1x16xf32>,
        %get3A_1222 = vector.shape_cast %get3A_1221 : vector<1x1x16xf32> to vector<16xf32>
        %add3A_1223 = arith.addf %add3A_1163, %get3A_1222 : vector<16xf32>
        %get3A_1224 = arith.constant 2 : i32
        %get3A_1225 = arith.index_cast %get3A_1224 : i32 to index
        %get3A_1226 = arith.index_cast %add3A_1188 : i32 to index
        %get3A_1227 = arith.constant 80 : index
        %get3A_1228 = tpu.vector_load %arg6[%get3A_1225, %get3A_1226, %get3A_1227] {strides = array<i32>} : memref<3x200x128xf32, #tpu.memory_space<vmem>>, vector<1x1x16xf32>,
        %get3A_1229 = vector.shape_cast %get3A_1228 : vector<1x1x16xf32> to vector<16xf32>
        %add3A_1230 = arith.addf %add3A_1170, %get3A_1229 : vector<16xf32>
        %get3A_1231 = arith.constant 2 : i32
        %get3A_1232 = arith.index_cast %get3A_1231 : i32 to index
        %get3A_1233 = arith.index_cast %add3A_1188 : i32 to index
        %get3A_1234 = arith.constant 96 : index
        %get3A_1235 = tpu.vector_load %arg6[%get3A_1232, %get3A_1233, %get3A_1234] {strides = array<i32>} : memref<3x200x128xf32, #tpu.memory_space<vmem>>, vector<1x1x16xf32>,
        %get3A_1236 = vector.shape_cast %get3A_1235 : vector<1x1x16xf32> to vector<16xf32>
        %add3A_1237 = arith.addf %add3A_1177, %get3A_1236 : vector<16xf32>
        %get3A_1238 = arith.constant 2 : i32
        %get3A_1239 = arith.index_cast %get3A_1238 : i32 to index
        %get3A_1240 = arith.index_cast %add3A_1188 : i32 to index
        %get3A_1241 = arith.constant 112 : index
        %get3A_1242 = tpu.vector_load %arg6[%get3A_1239, %get3A_1240, %get3A_1241] {strides = array<i32>} : memref<3x200x128xf32, #tpu.memory_space<vmem>>, vector<1x1x16xf32>,
        %get3A_1243 = vector.shape_cast %get3A_1242 : vector<1x1x16xf32> to vector<16xf32>
        %add3A_1244 = arith.addf %add3A_1184, %get3A_1243 : vector<16xf32>
        %mul3A_1245 = arith.constant 8 : i32
        %mul3A_1246 = arith.muli %scan3A_877, %mul3A_1245 : i32
        %add3A_1247 = arith.constant 6 : i32
        %add3A_1248 = arith.addi %mul3A_1246, %add3A_1247 : i32
        %get3A_1249 = arith.constant 2 : i32
        %get3A_1250 = arith.index_cast %get3A_1249 : i32 to index
        %get3A_1251 = arith.index_cast %add3A_1248 : i32 to index
        %get3A_1252 = arith.constant 0 : index
        %get3A_1253 = tpu.vector_load %arg6[%get3A_1250, %get3A_1251, %get3A_1252] {strides = array<i32>} : memref<3x200x128xf32, #tpu.memory_space<vmem>>, vector<1x1x16xf32>,
        %get3A_1254 = vector.shape_cast %get3A_1253 : vector<1x1x16xf32> to vector<16xf32>
        %add3A_1255 = arith.addf %add3A_1195, %get3A_1254 : vector<16xf32>
        %get3A_1256 = arith.constant 2 : i32
        %get3A_1257 = arith.index_cast %get3A_1256 : i32 to index
        %get3A_1258 = arith.index_cast %add3A_1248 : i32 to index
        %get3A_1259 = arith.constant 16 : index
        %get3A_1260 = tpu.vector_load %arg6[%get3A_1257, %get3A_1258, %get3A_1259] {strides = array<i32>} : memref<3x200x128xf32, #tpu.memory_space<vmem>>, vector<1x1x16xf32>,
        %get3A_1261 = vector.shape_cast %get3A_1260 : vector<1x1x16xf32> to vector<16xf32>
        %add3A_1262 = arith.addf %add3A_1202, %get3A_1261 : vector<16xf32>
        %get3A_1263 = arith.constant 2 : i32
        %get3A_1264 = arith.index_cast %get3A_1263 : i32 to index
        %get3A_1265 = arith.index_cast %add3A_1248 : i32 to index
        %get3A_1266 = arith.constant 32 : index
        %get3A_1267 = tpu.vector_load %arg6[%get3A_1264, %get3A_1265, %get3A_1266] {strides = array<i32>} : memref<3x200x128xf32, #tpu.memory_space<vmem>>, vector<1x1x16xf32>,
        %get3A_1268 = vector.shape_cast %get3A_1267 : vector<1x1x16xf32> to vector<16xf32>
        %add3A_1269 = arith.addf %add3A_1209, %get3A_1268 : vector<16xf32>
        %get3A_1270 = arith.constant 2 : i32
        %get3A_1271 = arith.index_cast %get3A_1270 : i32 to index
        %get3A_1272 = arith.index_cast %add3A_1248 : i32 to index
        %get3A_1273 = arith.constant 48 : index
        %get3A_1274 = tpu.vector_load %arg6[%get3A_1271, %get3A_1272, %get3A_1273] {strides = array<i32>} : memref<3x200x128xf32, #tpu.memory_space<vmem>>, vector<1x1x16xf32>,
        %get3A_1275 = vector.shape_cast %get3A_1274 : vector<1x1x16xf32> to vector<16xf32>
        %add3A_1276 = arith.addf %add3A_1216, %get3A_1275 : vector<16xf32>
        %get3A_1277 = arith.constant 2 : i32
        %get3A_1278 = arith.index_cast %get3A_1277 : i32 to index
        %get3A_1279 = arith.index_cast %add3A_1248 : i32 to index
        %get3A_1280 = arith.constant 64 : index
        %get3A_1281 = tpu.vector_load %arg6[%get3A_1278, %get3A_1279, %get3A_1280] {strides = array<i32>} : memref<3x200x128xf32, #tpu.memory_space<vmem>>, vector<1x1x16xf32>,
        %get3A_1282 = vector.shape_cast %get3A_1281 : vector<1x1x16xf32> to vector<16xf32>
        %add3A_1283 = arith.addf %add3A_1223, %get3A_1282 : vector<16xf32>
        %get3A_1284 = arith.constant 2 : i32
        %get3A_1285 = arith.index_cast %get3A_1284 : i32 to index
        %get3A_1286 = arith.index_cast %add3A_1248 : i32 to index
        %get3A_1287 = arith.constant 80 : index
        %get3A_1288 = tpu.vector_load %arg6[%get3A_1285, %get3A_1286, %get3A_1287] {strides = array<i32>} : memref<3x200x128xf32, #tpu.memory_space<vmem>>, vector<1x1x16xf32>,
        %get3A_1289 = vector.shape_cast %get3A_1288 : vector<1x1x16xf32> to vector<16xf32>
        %add3A_1290 = arith.addf %add3A_1230, %get3A_1289 : vector<16xf32>
        %get3A_1291 = arith.constant 2 : i32
        %get3A_1292 = arith.index_cast %get3A_1291 : i32 to index
        %get3A_1293 = arith.index_cast %add3A_1248 : i32 to index
        %get3A_1294 = arith.constant 96 : index
        %get3A_1295 = tpu.vector_load %arg6[%get3A_1292, %get3A_1293, %get3A_1294] {strides = array<i32>} : memref<3x200x128xf32, #tpu.memory_space<vmem>>, vector<1x1x16xf32>,
        %get3A_1296 = vector.shape_cast %get3A_1295 : vector<1x1x16xf32> to vector<16xf32>
        %add3A_1297 = arith.addf %add3A_1237, %get3A_1296 : vector<16xf32>
        %get3A_1298 = arith.constant 2 : i32
        %get3A_1299 = arith.index_cast %get3A_1298 : i32 to index
        %get3A_1300 = arith.index_cast %add3A_1248 : i32 to index
        %get3A_1301 = arith.constant 112 : index
        %get3A_1302 = tpu.vector_load %arg6[%get3A_1299, %get3A_1300, %get3A_1301] {strides = array<i32>} : memref<3x200x128xf32, #tpu.memory_space<vmem>>, vector<1x1x16xf32>,
        %get3A_1303 = vector.shape_cast %get3A_1302 : vector<1x1x16xf32> to vector<16xf32>
        %add3A_1304 = arith.addf %add3A_1244, %get3A_1303 : vector<16xf32>
        %mul3A_1305 = arith.constant 8 : i32
        %mul3A_1306 = arith.muli %scan3A_877, %mul3A_1305 : i32
        %add3A_1307 = arith.constant 7 : i32
        %add3A_1308 = arith.addi %mul3A_1306, %add3A_1307 : i32
        %get3A_1309 = arith.constant 2 : i32
        %get3A_1310 = arith.index_cast %get3A_1309 : i32 to index
        %get3A_1311 = arith.index_cast %add3A_1308 : i32 to index
        %get3A_1312 = arith.constant 0 : index
        %get3A_1313 = tpu.vector_load %arg6[%get3A_1310, %get3A_1311, %get3A_1312] {strides = array<i32>} : memref<3x200x128xf32, #tpu.memory_space<vmem>>, vector<1x1x16xf32>,
        %get3A_1314 = vector.shape_cast %get3A_1313 : vector<1x1x16xf32> to vector<16xf32>
        %add3A_1315 = arith.addf %add3A_1255, %get3A_1314 : vector<16xf32>
        %get3A_1316 = arith.constant 2 : i32
        %get3A_1317 = arith.index_cast %get3A_1316 : i32 to index
        %get3A_1318 = arith.index_cast %add3A_1308 : i32 to index
        %get3A_1319 = arith.constant 16 : index
        %get3A_1320 = tpu.vector_load %arg6[%get3A_1317, %get3A_1318, %get3A_1319] {strides = array<i32>} : memref<3x200x128xf32, #tpu.memory_space<vmem>>, vector<1x1x16xf32>,
        %get3A_1321 = vector.shape_cast %get3A_1320 : vector<1x1x16xf32> to vector<16xf32>
        %add3A_1322 = arith.addf %add3A_1262, %get3A_1321 : vector<16xf32>
        %get3A_1323 = arith.constant 2 : i32
        %get3A_1324 = arith.index_cast %get3A_1323 : i32 to index
        %get3A_1325 = arith.index_cast %add3A_1308 : i32 to index
        %get3A_1326 = arith.constant 32 : index
        %get3A_1327 = tpu.vector_load %arg6[%get3A_1324, %get3A_1325, %get3A_1326] {strides = array<i32>} : memref<3x200x128xf32, #tpu.memory_space<vmem>>, vector<1x1x16xf32>,
        %get3A_1328 = vector.shape_cast %get3A_1327 : vector<1x1x16xf32> to vector<16xf32>
        %add3A_1329 = arith.addf %add3A_1269, %get3A_1328 : vector<16xf32>
        %get3A_1330 = arith.constant 2 : i32
        %get3A_1331 = arith.index_cast %get3A_1330 : i32 to index
        %get3A_1332 = arith.index_cast %add3A_1308 : i32 to index
        %get3A_1333 = arith.constant 48 : index
        %get3A_1334 = tpu.vector_load %arg6[%get3A_1331, %get3A_1332, %get3A_1333] {strides = array<i32>} : memref<3x200x128xf32, #tpu.memory_space<vmem>>, vector<1x1x16xf32>,
        %get3A_1335 = vector.shape_cast %get3A_1334 : vector<1x1x16xf32> to vector<16xf32>
        %add3A_1336 = arith.addf %add3A_1276, %get3A_1335 : vector<16xf32>
        %get3A_1337 = arith.constant 2 : i32
        %get3A_1338 = arith.index_cast %get3A_1337 : i32 to index
        %get3A_1339 = arith.index_cast %add3A_1308 : i32 to index
        %get3A_1340 = arith.constant 64 : index
        %get3A_1341 = tpu.vector_load %arg6[%get3A_1338, %get3A_1339, %get3A_1340] {strides = array<i32>} : memref<3x200x128xf32, #tpu.memory_space<vmem>>, vector<1x1x16xf32>,
        %get3A_1342 = vector.shape_cast %get3A_1341 : vector<1x1x16xf32> to vector<16xf32>
        %add3A_1343 = arith.addf %add3A_1283, %get3A_1342 : vector<16xf32>
        %get3A_1344 = arith.constant 2 : i32
        %get3A_1345 = arith.index_cast %get3A_1344 : i32 to index
        %get3A_1346 = arith.index_cast %add3A_1308 : i32 to index
        %get3A_1347 = arith.constant 80 : index
        %get3A_1348 = tpu.vector_load %arg6[%get3A_1345, %get3A_1346, %get3A_1347] {strides = array<i32>} : memref<3x200x128xf32, #tpu.memory_space<vmem>>, vector<1x1x16xf32>,
        %get3A_1349 = vector.shape_cast %get3A_1348 : vector<1x1x16xf32> to vector<16xf32>
        %add3A_1350 = arith.addf %add3A_1290, %get3A_1349 : vector<16xf32>
        %get3A_1351 = arith.constant 2 : i32
        %get3A_1352 = arith.index_cast %get3A_1351 : i32 to index
        %get3A_1353 = arith.index_cast %add3A_1308 : i32 to index
        %get3A_1354 = arith.constant 96 : index
        %get3A_1355 = tpu.vector_load %arg6[%get3A_1352, %get3A_1353, %get3A_1354] {strides = array<i32>} : memref<3x200x128xf32, #tpu.memory_space<vmem>>, vector<1x1x16xf32>,
        %get3A_1356 = vector.shape_cast %get3A_1355 : vector<1x1x16xf32> to vector<16xf32>
        %add3A_1357 = arith.addf %add3A_1297, %get3A_1356 : vector<16xf32>
        %get3A_1358 = arith.constant 2 : i32
        %get3A_1359 = arith.index_cast %get3A_1358 : i32 to index
        %get3A_1360 = arith.index_cast %add3A_1308 : i32 to index
        %get3A_1361 = arith.constant 112 : index
        %get3A_1362 = tpu.vector_load %arg6[%get3A_1359, %get3A_1360, %get3A_1361] {strides = array<i32>} : memref<3x200x128xf32, #tpu.memory_space<vmem>>, vector<1x1x16xf32>,
        %get3A_1363 = vector.shape_cast %get3A_1362 : vector<1x1x16xf32> to vector<16xf32>
        %add3A_1364 = arith.addf %add3A_1304, %get3A_1363 : vector<16xf32>
        scf.yield %add3A_1315, %add3A_1322, %add3A_1329, %add3A_1336, %add3A_1343, %add3A_1350, %add3A_1357, %add3A_1364 : vector<16xf32>, vector<16xf32>, vector<16xf32>, vector<16xf32>, vector<16xf32>, vector<16xf32>, vector<16xf32>, vector<16xf32>
      }
      %scan3A_810 = arith.constant 25 : i32
      %swap3A_811 = arith.index_cast %add3A_773 : i32 to index
      %swap3A_812 = arith.constant 0 : index
      %swap3A_813 = tpu.vector_load %arg7[%swap3A_811, %swap3A_812] {strides = array<i32>} : memref<128x128xf32, #tpu.memory_space<vmem>>, vector<1x16xf32>,
      %swap3A_814 = vector.shape_cast %swap3A_813 : vector<1x16xf32> to vector<16xf32>
      %swap3A_815 = vector.shape_cast %scan3A_809#0 : vector<16xf32> to vector<1x16xf32>
      tpu.vector_store %arg7[%swap3A_811, %swap3A_812], %swap3A_815 {strides = array<i32>} : memref<128x128xf32, #tpu.memory_space<vmem>>, vector<1x16xf32>,
      %swap3A_816 = arith.index_cast %add3A_773 : i32 to index
      %swap3A_817 = arith.constant 16 : index
      %swap3A_818 = tpu.vector_load %arg7[%swap3A_816, %swap3A_817] {strides = array<i32>} : memref<128x128xf32, #tpu.memory_space<vmem>>, vector<1x16xf32>,
      %swap3A_819 = vector.shape_cast %swap3A_818 : vector<1x16xf32> to vector<16xf32>
      %swap3A_820 = vector.shape_cast %scan3A_809#1 : vector<16xf32> to vector<1x16xf32>
      tpu.vector_store %arg7[%swap3A_816, %swap3A_817], %swap3A_820 {strides = array<i32>} : memref<128x128xf32, #tpu.memory_space<vmem>>, vector<1x16xf32>,
      %swap3A_821 = arith.index_cast %add3A_773 : i32 to index
      %swap3A_822 = arith.constant 32 : index
      %swap3A_823 = tpu.vector_load %arg7[%swap3A_821, %swap3A_822] {strides = array<i32>} : memref<128x128xf32, #tpu.memory_space<vmem>>, vector<1x16xf32>,
      %swap3A_824 = vector.shape_cast %swap3A_823 : vector<1x16xf32> to vector<16xf32>
      %swap3A_825 = vector.shape_cast %scan3A_809#2 : vector<16xf32> to vector<1x16xf32>
      tpu.vector_store %arg7[%swap3A_821, %swap3A_822], %swap3A_825 {strides = array<i32>} : memref<128x128xf32, #tpu.memory_space<vmem>>, vector<1x16xf32>,
      %swap3A_826 = arith.index_cast %add3A_773 : i32 to index
      %swap3A_827 = arith.constant 48 : index
      %swap3A_828 = tpu.vector_load %arg7[%swap3A_826, %swap3A_827] {strides = array<i32>} : memref<128x128xf32, #tpu.memory_space<vmem>>, vector<1x16xf32>,
      %swap3A_829 = vector.shape_cast %swap3A_828 : vector<1x16xf32> to vector<16xf32>
      %swap3A_830 = vector.shape_cast %scan3A_809#3 : vector<16xf32> to vector<1x16xf32>
      tpu.vector_store %arg7[%swap3A_826, %swap3A_827], %swap3A_830 {strides = array<i32>} : memref<128x128xf32, #tpu.memory_space<vmem>>, vector<1x16xf32>,
      %swap3A_831 = arith.index_cast %add3A_773 : i32 to index
      %swap3A_832 = arith.constant 64 : index
      %swap3A_833 = tpu.vector_load %arg7[%swap3A_831, %swap3A_832] {strides = array<i32>} : memref<128x128xf32, #tpu.memory_space<vmem>>, vector<1x16xf32>,
      %swap3A_834 = vector.shape_cast %swap3A_833 : vector<1x16xf32> to vector<16xf32>
      %swap3A_835 = vector.shape_cast %scan3A_809#4 : vector<16xf32> to vector<1x16xf32>
      tpu.vector_store %arg7[%swap3A_831, %swap3A_832], %swap3A_835 {strides = array<i32>} : memref<128x128xf32, #tpu.memory_space<vmem>>, vector<1x16xf32>,
      %swap3A_836 = arith.index_cast %add3A_773 : i32 to index
      %swap3A_837 = arith.constant 80 : index
      %swap3A_838 = tpu.vector_load %arg7[%swap3A_836, %swap3A_837] {strides = array<i32>} : memref<128x128xf32, #tpu.memory_space<vmem>>, vector<1x16xf32>,
      %swap3A_839 = vector.shape_cast %swap3A_838 : vector<1x16xf32> to vector<16xf32>
      %swap3A_840 = vector.shape_cast %scan3A_809#5 : vector<16xf32> to vector<1x16xf32>
      tpu.vector_store %arg7[%swap3A_836, %swap3A_837], %swap3A_840 {strides = array<i32>} : memref<128x128xf32, #tpu.memory_space<vmem>>, vector<1x16xf32>,
      %swap3A_841 = arith.index_cast %add3A_773 : i32 to index
      %swap3A_842 = arith.constant 96 : index
      %swap3A_843 = tpu.vector_load %arg7[%swap3A_841, %swap3A_842] {strides = array<i32>} : memref<128x128xf32, #tpu.memory_space<vmem>>, vector<1x16xf32>,
      %swap3A_844 = vector.shape_cast %swap3A_843 : vector<1x16xf32> to vector<16xf32>
      %swap3A_845 = vector.shape_cast %scan3A_809#6 : vector<16xf32> to vector<1x16xf32>
      tpu.vector_store %arg7[%swap3A_841, %swap3A_842], %swap3A_845 {strides = array<i32>} : memref<128x128xf32, #tpu.memory_space<vmem>>, vector<1x16xf32>,
      %swap3A_846 = arith.index_cast %add3A_773 : i32 to index
      %swap3A_847 = arith.constant 112 : index
      %swap3A_848 = tpu.vector_load %arg7[%swap3A_846, %swap3A_847] {strides = array<i32>} : memref<128x128xf32, #tpu.memory_space<vmem>>, vector<1x16xf32>,
      %swap3A_849 = vector.shape_cast %swap3A_848 : vector<1x16xf32> to vector<16xf32>
      %swap3A_850 = vector.shape_cast %scan3A_809#7 : vector<16xf32> to vector<1x16xf32>
      tpu.vector_store %arg7[%swap3A_846, %swap3A_847], %swap3A_850 {strides = array<i32>} : memref<128x128xf32, #tpu.memory_space<vmem>>, vector<1x16xf32>,
      %add3A_851 = arith.constant 3 : i32
      %add3A_852 = arith.addi %add3A_773, %add3A_851 : i32
      %dma_start3A_853 = arith.constant 0 : i32
      %dma_start3A_854 = arith.constant 2 : i32
      %dma_start3A_855 = arith.constant 0 : i32
      %dma_start3A_856 = arith.constant 0 : i32
      %dma_start3A_857 = tpu.memref_slice %arg6[%dma_start3A_854, %dma_start3A_855, %dma_start3A_856] : memref<3x200x128xf32, #tpu.memory_space<vmem>> -> memref<1x100x128xf32, #tpu.memory_space<vmem>>
      %dma_start3A_858 = tpu.memref_squeeze %dma_start3A_857 : memref<1x100x128xf32, #tpu.memory_space<vmem>> -> memref<100x128xf32, #tpu.memory_space<vmem>>
      %dma_start3A_859 = arith.constant 0 : i32
      %dma_start3A_860 = tpu.memref_slice %arg5[%add3A_852, %dma_start3A_853, %dma_start3A_859] : memref<128x2x100xi32, #tpu.memory_space<vmem>> -> memref<1x1x100xi32, #tpu.memory_space<vmem>>
      %dma_start3A_861 = tpu.memref_squeeze %dma_start3A_860 : memref<1x1x100xi32, #tpu.memory_space<vmem>> -> memref<100xi32, #tpu.memory_space<vmem>>
      %dma_start3A_862 = arith.constant 0 : i32
      %dma_start3A_863 = arith.constant 0 : i32
      %dma_start3A_864 = tpu.memref_slice %arg3[%dma_start3A_862, %dma_start3A_863] : memref<100000x128xf32, #tpu.memory_space<hbm>> -> memref<100000x128xf32, #tpu.memory_space<hbm>>
      tpu.enqueue_indirect_dma source(%dma_start3A_864 : memref<100000x128xf32, #tpu.memory_space<hbm>>) target(%dma_start3A_858 : memref<100x128xf32, #tpu.memory_space<vmem>>) offsets(%dma_start3A_861 : memref<100xi32, #tpu.memory_space<vmem>>) semaphore(%arg10 : memref<!tpu.dma_semaphore, #tpu.memory_space<semaphore_mem>>)
      %dma_start3A_865 = arith.constant 1 : i32
      %dma_start3A_866 = arith.constant 2 : i32
      %dma_start3A_867 = arith.constant 100 : i32
      %dma_start3A_868 = arith.constant 0 : i32
      %dma_start3A_869 = tpu.memref_slice %arg6[%dma_start3A_866, %dma_start3A_867, %dma_start3A_868] : memref<3x200x128xf32, #tpu.memory_space<vmem>> -> memref<1x100x128xf32, #tpu.memory_space<vmem>>
      %dma_start3A_870 = tpu.memref_squeeze %dma_start3A_869 : memref<1x100x128xf32, #tpu.memory_space<vmem>> -> memref<100x128xf32, #tpu.memory_space<vmem>>
      %dma_start3A_871 = arith.constant 0 : i32
      %dma_start3A_872 = tpu.memref_slice %arg5[%add3A_852, %dma_start3A_865, %dma_start3A_871] : memref<128x2x100xi32, #tpu.memory_space<vmem>> -> memref<1x1x100xi32, #tpu.memory_space<vmem>>
      %dma_start3A_873 = tpu.memref_squeeze %dma_start3A_872 : memref<1x1x100xi32, #tpu.memory_space<vmem>> -> memref<100xi32, #tpu.memory_space<vmem>>
      %dma_start3A_874 = arith.constant 0 : i32
      %dma_start3A_875 = arith.constant 0 : i32
      %dma_start3A_876 = tpu.memref_slice %arg3[%dma_start3A_874, %dma_start3A_875] : memref<100000x128xf32, #tpu.memory_space<hbm>> -> memref<100000x128xf32, #tpu.memory_space<hbm>>
      tpu.enqueue_indirect_dma source(%dma_start3A_876 : memref<100000x128xf32, #tpu.memory_space<hbm>>) target(%dma_start3A_870 : memref<100x128xf32, #tpu.memory_space<vmem>>) offsets(%dma_start3A_873 : memref<100xi32, #tpu.memory_space<vmem>>) semaphore(%arg10 : memref<!tpu.dma_semaphore, #tpu.memory_space<semaphore_mem>>)
    }
    %scan3A_84 = arith.constant 41 : i32
    %dma_wait3A = arith.constant 0 : i32
    %dma_wait3A_85 = arith.constant 0 : i32
    %dma_wait3A_86 = arith.constant 0 : i32
    %dma_wait3A_87 = tpu.memref_slice %arg6[%dma_wait3A, %dma_wait3A_85, %dma_wait3A_86] : memref<3x200x128xf32, #tpu.memory_space<vmem>> -> memref<1x200x128xf32, #tpu.memory_space<vmem>>
    %dma_wait3A_88 = tpu.memref_squeeze %dma_wait3A_87 : memref<1x200x128xf32, #tpu.memory_space<vmem>> -> memref<200x128xf32, #tpu.memory_space<vmem>>
    %dma_wait3A_89 = arith.constant 0 : i32
    %dma_wait3A_90 = arith.constant 0 : i32
    %dma_wait3A_91 = tpu.memref_slice %arg3[%dma_wait3A_89, %dma_wait3A_90] : memref<100000x128xf32, #tpu.memory_space<hbm>> -> memref<200x128xf32, #tpu.memory_space<hbm>>
    %dma_wait3A_92 = arith.constant 0 : i32
    %dma_wait3A_93 = arith.constant 0 : i32
    %dma_wait3A_94 = tpu.memref_slice %arg6[%dma_wait3A, %dma_wait3A_92, %dma_wait3A_93] : memref<3x200x128xf32, #tpu.memory_space<vmem>> -> memref<1x200x128xf32, #tpu.memory_space<vmem>>
    %dma_wait3A_95 = tpu.memref_squeeze %dma_wait3A_94 : memref<1x200x128xf32, #tpu.memory_space<vmem>> -> memref<200x128xf32, #tpu.memory_space<vmem>>
    %dma_wait3A_96 = arith.constant 0 : i32
    %dma_wait3A_97 = arith.constant 0 : i32
    %dma_wait3A_98 = tpu.memref_slice %arg3[%dma_wait3A_96, %dma_wait3A_97] : memref<100000x128xf32, #tpu.memory_space<hbm>> -> memref<200x128xf32, #tpu.memory_space<hbm>>
    tpu.wait_dma2 semaphore(%arg8 : memref<!tpu.dma_semaphore, #tpu.memory_space<semaphore_mem>>) src(%dma_wait3A_98 : memref<200x128xf32, #tpu.memory_space<hbm>>) dst(%dma_wait3A_95 : memref<200x128xf32, #tpu.memory_space<vmem>>)
    %broadcast_in_dim3A = arith.constant 0.000000e+00 : f32
    %broadcast_in_dim3A_99 = vector.broadcast %broadcast_in_dim3A : f32 to vector<16xf32>
    %broadcast_in_dim3A_100 = arith.constant 0.000000e+00 : f32
    %broadcast_in_dim3A_101 = vector.broadcast %broadcast_in_dim3A_100 : f32 to vector<16xf32>
    %broadcast_in_dim3A_102 = arith.constant 0.000000e+00 : f32
    %broadcast_in_dim3A_103 = vector.broadcast %broadcast_in_dim3A_102 : f32 to vector<16xf32>
    %broadcast_in_dim3A_104 = arith.constant 0.000000e+00 : f32
    %broadcast_in_dim3A_105 = vector.broadcast %broadcast_in_dim3A_104 : f32 to vector<16xf32>
    %broadcast_in_dim3A_106 = arith.constant 0.000000e+00 : f32
    %broadcast_in_dim3A_107 = vector.broadcast %broadcast_in_dim3A_106 : f32 to vector<16xf32>
    %broadcast_in_dim3A_108 = arith.constant 0.000000e+00 : f32
    %broadcast_in_dim3A_109 = vector.broadcast %broadcast_in_dim3A_108 : f32 to vector<16xf32>
    %broadcast_in_dim3A_110 = arith.constant 0.000000e+00 : f32
    %broadcast_in_dim3A_111 = vector.broadcast %broadcast_in_dim3A_110 : f32 to vector<16xf32>
    %broadcast_in_dim3A_112 = arith.constant 0.000000e+00 : f32
    %broadcast_in_dim3A_113 = vector.broadcast %broadcast_in_dim3A_112 : f32 to vector<16xf32>
    %scan3A_114 = arith.constant 0 : i32
    %scan3A_115 = arith.constant 25 : i32
    %scan3A_116 = arith.addi %scan3A_114, %scan3A_115 : i32
    %scan3A_117 = arith.constant 1 : i32
    %scan3A_118:8 = scf.for %scan3A_559 = %scan3A_114 to %scan3A_116 step %scan3A_117 iter_args(%scan3A_560 = %broadcast_in_dim3A_99, %scan3A_561 = %broadcast_in_dim3A_101, %scan3A_562 = %broadcast_in_dim3A_103, %scan3A_563 = %broadcast_in_dim3A_105, %scan3A_564 = %broadcast_in_dim3A_107, %scan3A_565 = %broadcast_in_dim3A_109, %scan3A_566 = %broadcast_in_dim3A_111, %scan3A_567 = %broadcast_in_dim3A_113) -> (vector<16xf32>, vector<16xf32>, vector<16xf32>, vector<16xf32>, vector<16xf32>, vector<16xf32>, vector<16xf32>, vector<16xf32>)  : i32 {
      %mul3A_568 = arith.constant 8 : i32
      %mul3A_569 = arith.muli %scan3A_559, %mul3A_568 : i32
      %add3A_570 = arith.constant 0 : i32
      %add3A_571 = arith.addi %mul3A_569, %add3A_570 : i32
      %get3A = arith.constant 0 : i32
      %get3A_572 = arith.index_cast %get3A : i32 to index
      %get3A_573 = arith.index_cast %add3A_571 : i32 to index
      %get3A_574 = arith.constant 0 : index
      %get3A_575 = tpu.vector_load %arg6[%get3A_572, %get3A_573, %get3A_574] {strides = array<i32>} : memref<3x200x128xf32, #tpu.memory_space<vmem>>, vector<1x1x16xf32>,
      %get3A_576 = vector.shape_cast %get3A_575 : vector<1x1x16xf32> to vector<16xf32>
      %add3A_577 = arith.addf %scan3A_560, %get3A_576 : vector<16xf32>
      %get3A_578 = arith.constant 0 : i32
      %get3A_579 = arith.index_cast %get3A_578 : i32 to index
      %get3A_580 = arith.index_cast %add3A_571 : i32 to index
      %get3A_581 = arith.constant 16 : index
      %get3A_582 = tpu.vector_load %arg6[%get3A_579, %get3A_580, %get3A_581] {strides = array<i32>} : memref<3x200x128xf32, #tpu.memory_space<vmem>>, vector<1x1x16xf32>,
      %get3A_583 = vector.shape_cast %get3A_582 : vector<1x1x16xf32> to vector<16xf32>
      %add3A_584 = arith.addf %scan3A_561, %get3A_583 : vector<16xf32>
      %get3A_585 = arith.constant 0 : i32
      %get3A_586 = arith.index_cast %get3A_585 : i32 to index
      %get3A_587 = arith.index_cast %add3A_571 : i32 to index
      %get3A_588 = arith.constant 32 : index
      %get3A_589 = tpu.vector_load %arg6[%get3A_586, %get3A_587, %get3A_588] {strides = array<i32>} : memref<3x200x128xf32, #tpu.memory_space<vmem>>, vector<1x1x16xf32>,
      %get3A_590 = vector.shape_cast %get3A_589 : vector<1x1x16xf32> to vector<16xf32>
      %add3A_591 = arith.addf %scan3A_562, %get3A_590 : vector<16xf32>
      %get3A_592 = arith.constant 0 : i32
      %get3A_593 = arith.index_cast %get3A_592 : i32 to index
      %get3A_594 = arith.index_cast %add3A_571 : i32 to index
      %get3A_595 = arith.constant 48 : index
      %get3A_596 = tpu.vector_load %arg6[%get3A_593, %get3A_594, %get3A_595] {strides = array<i32>} : memref<3x200x128xf32, #tpu.memory_space<vmem>>, vector<1x1x16xf32>,
      %get3A_597 = vector.shape_cast %get3A_596 : vector<1x1x16xf32> to vector<16xf32>
      %add3A_598 = arith.addf %scan3A_563, %get3A_597 : vector<16xf32>
      %get3A_599 = arith.constant 0 : i32
      %get3A_600 = arith.index_cast %get3A_599 : i32 to index
      %get3A_601 = arith.index_cast %add3A_571 : i32 to index
      %get3A_602 = arith.constant 64 : index
      %get3A_603 = tpu.vector_load %arg6[%get3A_600, %get3A_601, %get3A_602] {strides = array<i32>} : memref<3x200x128xf32, #tpu.memory_space<vmem>>, vector<1x1x16xf32>,
      %get3A_604 = vector.shape_cast %get3A_603 : vector<1x1x16xf32> to vector<16xf32>
      %add3A_605 = arith.addf %scan3A_564, %get3A_604 : vector<16xf32>
      %get3A_606 = arith.constant 0 : i32
      %get3A_607 = arith.index_cast %get3A_606 : i32 to index
      %get3A_608 = arith.index_cast %add3A_571 : i32 to index
      %get3A_609 = arith.constant 80 : index
      %get3A_610 = tpu.vector_load %arg6[%get3A_607, %get3A_608, %get3A_609] {strides = array<i32>} : memref<3x200x128xf32, #tpu.memory_space<vmem>>, vector<1x1x16xf32>,
      %get3A_611 = vector.shape_cast %get3A_610 : vector<1x1x16xf32> to vector<16xf32>
      %add3A_612 = arith.addf %scan3A_565, %get3A_611 : vector<16xf32>
      %get3A_613 = arith.constant 0 : i32
      %get3A_614 = arith.index_cast %get3A_613 : i32 to index
      %get3A_615 = arith.index_cast %add3A_571 : i32 to index
      %get3A_616 = arith.constant 96 : index
      %get3A_617 = tpu.vector_load %arg6[%get3A_614, %get3A_615, %get3A_616] {strides = array<i32>} : memref<3x200x128xf32, #tpu.memory_space<vmem>>, vector<1x1x16xf32>,
      %get3A_618 = vector.shape_cast %get3A_617 : vector<1x1x16xf32> to vector<16xf32>
      %add3A_619 = arith.addf %scan3A_566, %get3A_618 : vector<16xf32>
      %get3A_620 = arith.constant 0 : i32
      %get3A_621 = arith.index_cast %get3A_620 : i32 to index
      %get3A_622 = arith.index_cast %add3A_571 : i32 to index
      %get3A_623 = arith.constant 112 : index
      %get3A_624 = tpu.vector_load %arg6[%get3A_621, %get3A_622, %get3A_623] {strides = array<i32>} : memref<3x200x128xf32, #tpu.memory_space<vmem>>, vector<1x1x16xf32>,
      %get3A_625 = vector.shape_cast %get3A_624 : vector<1x1x16xf32> to vector<16xf32>
      %add3A_626 = arith.addf %scan3A_567, %get3A_625 : vector<16xf32>
      %mul3A_627 = arith.constant 8 : i32
      %mul3A_628 = arith.muli %scan3A_559, %mul3A_627 : i32
      %add3A_629 = arith.constant 1 : i32
      %add3A_630 = arith.addi %mul3A_628, %add3A_629 : i32
      %get3A_631 = arith.constant 0 : i32
      %get3A_632 = arith.index_cast %get3A_631 : i32 to index
      %get3A_633 = arith.index_cast %add3A_630 : i32 to index
      %get3A_634 = arith.constant 0 : index
      %get3A_635 = tpu.vector_load %arg6[%get3A_632, %get3A_633, %get3A_634] {strides = array<i32>} : memref<3x200x128xf32, #tpu.memory_space<vmem>>, vector<1x1x16xf32>,
      %get3A_636 = vector.shape_cast %get3A_635 : vector<1x1x16xf32> to vector<16xf32>
      %add3A_637 = arith.addf %add3A_577, %get3A_636 : vector<16xf32>
      %get3A_638 = arith.constant 0 : i32
      %get3A_639 = arith.index_cast %get3A_638 : i32 to index
      %get3A_640 = arith.index_cast %add3A_630 : i32 to index
      %get3A_641 = arith.constant 16 : index
      %get3A_642 = tpu.vector_load %arg6[%get3A_639, %get3A_640, %get3A_641] {strides = array<i32>} : memref<3x200x128xf32, #tpu.memory_space<vmem>>, vector<1x1x16xf32>,
      %get3A_643 = vector.shape_cast %get3A_642 : vector<1x1x16xf32> to vector<16xf32>
      %add3A_644 = arith.addf %add3A_584, %get3A_643 : vector<16xf32>
      %get3A_645 = arith.constant 0 : i32
      %get3A_646 = arith.index_cast %get3A_645 : i32 to index
      %get3A_647 = arith.index_cast %add3A_630 : i32 to index
      %get3A_648 = arith.constant 32 : index
      %get3A_649 = tpu.vector_load %arg6[%get3A_646, %get3A_647, %get3A_648] {strides = array<i32>} : memref<3x200x128xf32, #tpu.memory_space<vmem>>, vector<1x1x16xf32>,
      %get3A_650 = vector.shape_cast %get3A_649 : vector<1x1x16xf32> to vector<16xf32>
      %add3A_651 = arith.addf %add3A_591, %get3A_650 : vector<16xf32>
      %get3A_652 = arith.constant 0 : i32
      %get3A_653 = arith.index_cast %get3A_652 : i32 to index
      %get3A_654 = arith.index_cast %add3A_630 : i32 to index
      %get3A_655 = arith.constant 48 : index
      %get3A_656 = tpu.vector_load %arg6[%get3A_653, %get3A_654, %get3A_655] {strides = array<i32>} : memref<3x200x128xf32, #tpu.memory_space<vmem>>, vector<1x1x16xf32>,
      %get3A_657 = vector.shape_cast %get3A_656 : vector<1x1x16xf32> to vector<16xf32>
      %add3A_658 = arith.addf %add3A_598, %get3A_657 : vector<16xf32>
      %get3A_659 = arith.constant 0 : i32
      %get3A_660 = arith.index_cast %get3A_659 : i32 to index
      %get3A_661 = arith.index_cast %add3A_630 : i32 to index
      %get3A_662 = arith.constant 64 : index
      %get3A_663 = tpu.vector_load %arg6[%get3A_660, %get3A_661, %get3A_662] {strides = array<i32>} : memref<3x200x128xf32, #tpu.memory_space<vmem>>, vector<1x1x16xf32>,
      %get3A_664 = vector.shape_cast %get3A_663 : vector<1x1x16xf32> to vector<16xf32>
      %add3A_665 = arith.addf %add3A_605, %get3A_664 : vector<16xf32>
      %get3A_666 = arith.constant 0 : i32
      %get3A_667 = arith.index_cast %get3A_666 : i32 to index
      %get3A_668 = arith.index_cast %add3A_630 : i32 to index
      %get3A_669 = arith.constant 80 : index
      %get3A_670 = tpu.vector_load %arg6[%get3A_667, %get3A_668, %get3A_669] {strides = array<i32>} : memref<3x200x128xf32, #tpu.memory_space<vmem>>, vector<1x1x16xf32>,
      %get3A_671 = vector.shape_cast %get3A_670 : vector<1x1x16xf32> to vector<16xf32>
      %add3A_672 = arith.addf %add3A_612, %get3A_671 : vector<16xf32>
      %get3A_673 = arith.constant 0 : i32
      %get3A_674 = arith.index_cast %get3A_673 : i32 to index
      %get3A_675 = arith.index_cast %add3A_630 : i32 to index
      %get3A_676 = arith.constant 96 : index
      %get3A_677 = tpu.vector_load %arg6[%get3A_674, %get3A_675, %get3A_676] {strides = array<i32>} : memref<3x200x128xf32, #tpu.memory_space<vmem>>, vector<1x1x16xf32>,
      %get3A_678 = vector.shape_cast %get3A_677 : vector<1x1x16xf32> to vector<16xf32>
      %add3A_679 = arith.addf %add3A_619, %get3A_678 : vector<16xf32>
      %get3A_680 = arith.constant 0 : i32
      %get3A_681 = arith.index_cast %get3A_680 : i32 to index
      %get3A_682 = arith.index_cast %add3A_630 : i32 to index
      %get3A_683 = arith.constant 112 : index
      %get3A_684 = tpu.vector_load %arg6[%get3A_681, %get3A_682, %get3A_683] {strides = array<i32>} : memref<3x200x128xf32, #tpu.memory_space<vmem>>, vector<1x1x16xf32>,
      %get3A_685 = vector.shape_cast %get3A_684 : vector<1x1x16xf32> to vector<16xf32>
      %add3A_686 = arith.addf %add3A_626, %get3A_685 : vector<16xf32>
      %mul3A_687 = arith.constant 8 : i32
      %mul3A_688 = arith.muli %scan3A_559, %mul3A_687 : i32
      %add3A_689 = arith.constant 2 : i32
      %add3A_690 = arith.addi %mul3A_688, %add3A_689 : i32
      %get3A_691 = arith.constant 0 : i32
      %get3A_692 = arith.index_cast %get3A_691 : i32 to index
      %get3A_693 = arith.index_cast %add3A_690 : i32 to index
      %get3A_694 = arith.constant 0 : index
      %get3A_695 = tpu.vector_load %arg6[%get3A_692, %get3A_693, %get3A_694] {strides = array<i32>} : memref<3x200x128xf32, #tpu.memory_space<vmem>>, vector<1x1x16xf32>,
      %get3A_696 = vector.shape_cast %get3A_695 : vector<1x1x16xf32> to vector<16xf32>
      %add3A_697 = arith.addf %add3A_637, %get3A_696 : vector<16xf32>
      %get3A_698 = arith.constant 0 : i32
      %get3A_699 = arith.index_cast %get3A_698 : i32 to index
      %get3A_700 = arith.index_cast %add3A_690 : i32 to index
      %get3A_701 = arith.constant 16 : index
      %get3A_702 = tpu.vector_load %arg6[%get3A_699, %get3A_700, %get3A_701] {strides = array<i32>} : memref<3x200x128xf32, #tpu.memory_space<vmem>>, vector<1x1x16xf32>,
      %get3A_703 = vector.shape_cast %get3A_702 : vector<1x1x16xf32> to vector<16xf32>
      %add3A_704 = arith.addf %add3A_644, %get3A_703 : vector<16xf32>
      %get3A_705 = arith.constant 0 : i32
      %get3A_706 = arith.index_cast %get3A_705 : i32 to index
      %get3A_707 = arith.index_cast %add3A_690 : i32 to index
      %get3A_708 = arith.constant 32 : index
      %get3A_709 = tpu.vector_load %arg6[%get3A_706, %get3A_707, %get3A_708] {strides = array<i32>} : memref<3x200x128xf32, #tpu.memory_space<vmem>>, vector<1x1x16xf32>,
      %get3A_710 = vector.shape_cast %get3A_709 : vector<1x1x16xf32> to vector<16xf32>
      %add3A_711 = arith.addf %add3A_651, %get3A_710 : vector<16xf32>
      %get3A_712 = arith.constant 0 : i32
      %get3A_713 = arith.index_cast %get3A_712 : i32 to index
      %get3A_714 = arith.index_cast %add3A_690 : i32 to index
      %get3A_715 = arith.constant 48 : index
      %get3A_716 = tpu.vector_load %arg6[%get3A_713, %get3A_714, %get3A_715] {strides = array<i32>} : memref<3x200x128xf32, #tpu.memory_space<vmem>>, vector<1x1x16xf32>,
      %get3A_717 = vector.shape_cast %get3A_716 : vector<1x1x16xf32> to vector<16xf32>
      %add3A_718 = arith.addf %add3A_658, %get3A_717 : vector<16xf32>
      %get3A_719 = arith.constant 0 : i32
      %get3A_720 = arith.index_cast %get3A_719 : i32 to index
      %get3A_721 = arith.index_cast %add3A_690 : i32 to index
      %get3A_722 = arith.constant 64 : index
      %get3A_723 = tpu.vector_load %arg6[%get3A_720, %get3A_721, %get3A_722] {strides = array<i32>} : memref<3x200x128xf32, #tpu.memory_space<vmem>>, vector<1x1x16xf32>,
      %get3A_724 = vector.shape_cast %get3A_723 : vector<1x1x16xf32> to vector<16xf32>
      %add3A_725 = arith.addf %add3A_665, %get3A_724 : vector<16xf32>
      %get3A_726 = arith.constant 0 : i32
      %get3A_727 = arith.index_cast %get3A_726 : i32 to index
      %get3A_728 = arith.index_cast %add3A_690 : i32 to index
      %get3A_729 = arith.constant 80 : index
      %get3A_730 = tpu.vector_load %arg6[%get3A_727, %get3A_728, %get3A_729] {strides = array<i32>} : memref<3x200x128xf32, #tpu.memory_space<vmem>>, vector<1x1x16xf32>,
      %get3A_731 = vector.shape_cast %get3A_730 : vector<1x1x16xf32> to vector<16xf32>
      %add3A_732 = arith.addf %add3A_672, %get3A_731 : vector<16xf32>
      %get3A_733 = arith.constant 0 : i32
      %get3A_734 = arith.index_cast %get3A_733 : i32 to index
      %get3A_735 = arith.index_cast %add3A_690 : i32 to index
      %get3A_736 = arith.constant 96 : index
      %get3A_737 = tpu.vector_load %arg6[%get3A_734, %get3A_735, %get3A_736] {strides = array<i32>} : memref<3x200x128xf32, #tpu.memory_space<vmem>>, vector<1x1x16xf32>,
      %get3A_738 = vector.shape_cast %get3A_737 : vector<1x1x16xf32> to vector<16xf32>
      %add3A_739 = arith.addf %add3A_679, %get3A_738 : vector<16xf32>
      %get3A_740 = arith.constant 0 : i32
      %get3A_741 = arith.index_cast %get3A_740 : i32 to index
      %get3A_742 = arith.index_cast %add3A_690 : i32 to index
      %get3A_743 = arith.constant 112 : index
      %get3A_744 = tpu.vector_load %arg6[%get3A_741, %get3A_742, %get3A_743] {strides = array<i32>} : memref<3x200x128xf32, #tpu.memory_space<vmem>>, vector<1x1x16xf32>,
      %get3A_745 = vector.shape_cast %get3A_744 : vector<1x1x16xf32> to vector<16xf32>
      %add3A_746 = arith.addf %add3A_686, %get3A_745 : vector<16xf32>
      %mul3A_747 = arith.constant 8 : i32
      %mul3A_748 = arith.muli %scan3A_559, %mul3A_747 : i32
      %add3A_749 = arith.constant 3 : i32
      %add3A_750 = arith.addi %mul3A_748, %add3A_749 : i32
      %get3A_751 = arith.constant 0 : i32
      %get3A_752 = arith.index_cast %get3A_751 : i32 to index
      %get3A_753 = arith.index_cast %add3A_750 : i32 to index
      %get3A_754 = arith.constant 0 : index
      %get3A_755 = tpu.vector_load %arg6[%get3A_752, %get3A_753, %get3A_754] {strides = array<i32>} : memref<3x200x128xf32, #tpu.memory_space<vmem>>, vector<1x1x16xf32>,
      %get3A_756 = vector.shape_cast %get3A_755 : vector<1x1x16xf32> to vector<16xf32>
      %add3A_757 = arith.addf %add3A_697, %get3A_756 : vector<16xf32>
      %get3A_758 = arith.constant 0 : i32
      %get3A_759 = arith.index_cast %get3A_758 : i32 to index
      %get3A_760 = arith.index_cast %add3A_750 : i32 to index
      %get3A_761 = arith.constant 16 : index
      %get3A_762 = tpu.vector_load %arg6[%get3A_759, %get3A_760, %get3A_761] {strides = array<i32>} : memref<3x200x128xf32, #tpu.memory_space<vmem>>, vector<1x1x16xf32>,
      %get3A_763 = vector.shape_cast %get3A_762 : vector<1x1x16xf32> to vector<16xf32>
      %add3A_764 = arith.addf %add3A_704, %get3A_763 : vector<16xf32>
      %get3A_765 = arith.constant 0 : i32
      %get3A_766 = arith.index_cast %get3A_765 : i32 to index
      %get3A_767 = arith.index_cast %add3A_750 : i32 to index
      %get3A_768 = arith.constant 32 : index
      %get3A_769 = tpu.vector_load %arg6[%get3A_766, %get3A_767, %get3A_768] {strides = array<i32>} : memref<3x200x128xf32, #tpu.memory_space<vmem>>, vector<1x1x16xf32>,
      %get3A_770 = vector.shape_cast %get3A_769 : vector<1x1x16xf32> to vector<16xf32>
      %add3A_771 = arith.addf %add3A_711, %get3A_770 : vector<16xf32>
      %get3A_772 = arith.constant 0 : i32
      %get3A_773 = arith.index_cast %get3A_772 : i32 to index
      %get3A_774 = arith.index_cast %add3A_750 : i32 to index
      %get3A_775 = arith.constant 48 : index
      %get3A_776 = tpu.vector_load %arg6[%get3A_773, %get3A_774, %get3A_775] {strides = array<i32>} : memref<3x200x128xf32, #tpu.memory_space<vmem>>, vector<1x1x16xf32>,
      %get3A_777 = vector.shape_cast %get3A_776 : vector<1x1x16xf32> to vector<16xf32>
      %add3A_778 = arith.addf %add3A_718, %get3A_777 : vector<16xf32>
      %get3A_779 = arith.constant 0 : i32
      %get3A_780 = arith.index_cast %get3A_779 : i32 to index
      %get3A_781 = arith.index_cast %add3A_750 : i32 to index
      %get3A_782 = arith.constant 64 : index
      %get3A_783 = tpu.vector_load %arg6[%get3A_780, %get3A_781, %get3A_782] {strides = array<i32>} : memref<3x200x128xf32, #tpu.memory_space<vmem>>, vector<1x1x16xf32>,
      %get3A_784 = vector.shape_cast %get3A_783 : vector<1x1x16xf32> to vector<16xf32>
      %add3A_785 = arith.addf %add3A_725, %get3A_784 : vector<16xf32>
      %get3A_786 = arith.constant 0 : i32
      %get3A_787 = arith.index_cast %get3A_786 : i32 to index
      %get3A_788 = arith.index_cast %add3A_750 : i32 to index
      %get3A_789 = arith.constant 80 : index
      %get3A_790 = tpu.vector_load %arg6[%get3A_787, %get3A_788, %get3A_789] {strides = array<i32>} : memref<3x200x128xf32, #tpu.memory_space<vmem>>, vector<1x1x16xf32>,
      %get3A_791 = vector.shape_cast %get3A_790 : vector<1x1x16xf32> to vector<16xf32>
      %add3A_792 = arith.addf %add3A_732, %get3A_791 : vector<16xf32>
      %get3A_793 = arith.constant 0 : i32
      %get3A_794 = arith.index_cast %get3A_793 : i32 to index
      %get3A_795 = arith.index_cast %add3A_750 : i32 to index
      %get3A_796 = arith.constant 96 : index
      %get3A_797 = tpu.vector_load %arg6[%get3A_794, %get3A_795, %get3A_796] {strides = array<i32>} : memref<3x200x128xf32, #tpu.memory_space<vmem>>, vector<1x1x16xf32>,
      %get3A_798 = vector.shape_cast %get3A_797 : vector<1x1x16xf32> to vector<16xf32>
      %add3A_799 = arith.addf %add3A_739, %get3A_798 : vector<16xf32>
      %get3A_800 = arith.constant 0 : i32
      %get3A_801 = arith.index_cast %get3A_800 : i32 to index
      %get3A_802 = arith.index_cast %add3A_750 : i32 to index
      %get3A_803 = arith.constant 112 : index
      %get3A_804 = tpu.vector_load %arg6[%get3A_801, %get3A_802, %get3A_803] {strides = array<i32>} : memref<3x200x128xf32, #tpu.memory_space<vmem>>, vector<1x1x16xf32>,
      %get3A_805 = vector.shape_cast %get3A_804 : vector<1x1x16xf32> to vector<16xf32>
      %add3A_806 = arith.addf %add3A_746, %get3A_805 : vector<16xf32>
      %mul3A_807 = arith.constant 8 : i32
      %mul3A_808 = arith.muli %scan3A_559, %mul3A_807 : i32
      %add3A_809 = arith.constant 4 : i32
      %add3A_810 = arith.addi %mul3A_808, %add3A_809 : i32
      %get3A_811 = arith.constant 0 : i32
      %get3A_812 = arith.index_cast %get3A_811 : i32 to index
      %get3A_813 = arith.index_cast %add3A_810 : i32 to index
      %get3A_814 = arith.constant 0 : index
      %get3A_815 = tpu.vector_load %arg6[%get3A_812, %get3A_813, %get3A_814] {strides = array<i32>} : memref<3x200x128xf32, #tpu.memory_space<vmem>>, vector<1x1x16xf32>,
      %get3A_816 = vector.shape_cast %get3A_815 : vector<1x1x16xf32> to vector<16xf32>
      %add3A_817 = arith.addf %add3A_757, %get3A_816 : vector<16xf32>
      %get3A_818 = arith.constant 0 : i32
      %get3A_819 = arith.index_cast %get3A_818 : i32 to index
      %get3A_820 = arith.index_cast %add3A_810 : i32 to index
      %get3A_821 = arith.constant 16 : index
      %get3A_822 = tpu.vector_load %arg6[%get3A_819, %get3A_820, %get3A_821] {strides = array<i32>} : memref<3x200x128xf32, #tpu.memory_space<vmem>>, vector<1x1x16xf32>,
      %get3A_823 = vector.shape_cast %get3A_822 : vector<1x1x16xf32> to vector<16xf32>
      %add3A_824 = arith.addf %add3A_764, %get3A_823 : vector<16xf32>
      %get3A_825 = arith.constant 0 : i32
      %get3A_826 = arith.index_cast %get3A_825 : i32 to index
      %get3A_827 = arith.index_cast %add3A_810 : i32 to index
      %get3A_828 = arith.constant 32 : index
      %get3A_829 = tpu.vector_load %arg6[%get3A_826, %get3A_827, %get3A_828] {strides = array<i32>} : memref<3x200x128xf32, #tpu.memory_space<vmem>>, vector<1x1x16xf32>,
      %get3A_830 = vector.shape_cast %get3A_829 : vector<1x1x16xf32> to vector<16xf32>
      %add3A_831 = arith.addf %add3A_771, %get3A_830 : vector<16xf32>
      %get3A_832 = arith.constant 0 : i32
      %get3A_833 = arith.index_cast %get3A_832 : i32 to index
      %get3A_834 = arith.index_cast %add3A_810 : i32 to index
      %get3A_835 = arith.constant 48 : index
      %get3A_836 = tpu.vector_load %arg6[%get3A_833, %get3A_834, %get3A_835] {strides = array<i32>} : memref<3x200x128xf32, #tpu.memory_space<vmem>>, vector<1x1x16xf32>,
      %get3A_837 = vector.shape_cast %get3A_836 : vector<1x1x16xf32> to vector<16xf32>
      %add3A_838 = arith.addf %add3A_778, %get3A_837 : vector<16xf32>
      %get3A_839 = arith.constant 0 : i32
      %get3A_840 = arith.index_cast %get3A_839 : i32 to index
      %get3A_841 = arith.index_cast %add3A_810 : i32 to index
      %get3A_842 = arith.constant 64 : index
      %get3A_843 = tpu.vector_load %arg6[%get3A_840, %get3A_841, %get3A_842] {strides = array<i32>} : memref<3x200x128xf32, #tpu.memory_space<vmem>>, vector<1x1x16xf32>,
      %get3A_844 = vector.shape_cast %get3A_843 : vector<1x1x16xf32> to vector<16xf32>
      %add3A_845 = arith.addf %add3A_785, %get3A_844 : vector<16xf32>
      %get3A_846 = arith.constant 0 : i32
      %get3A_847 = arith.index_cast %get3A_846 : i32 to index
      %get3A_848 = arith.index_cast %add3A_810 : i32 to index
      %get3A_849 = arith.constant 80 : index
      %get3A_850 = tpu.vector_load %arg6[%get3A_847, %get3A_848, %get3A_849] {strides = array<i32>} : memref<3x200x128xf32, #tpu.memory_space<vmem>>, vector<1x1x16xf32>,
      %get3A_851 = vector.shape_cast %get3A_850 : vector<1x1x16xf32> to vector<16xf32>
      %add3A_852 = arith.addf %add3A_792, %get3A_851 : vector<16xf32>
      %get3A_853 = arith.constant 0 : i32
      %get3A_854 = arith.index_cast %get3A_853 : i32 to index
      %get3A_855 = arith.index_cast %add3A_810 : i32 to index
      %get3A_856 = arith.constant 96 : index
      %get3A_857 = tpu.vector_load %arg6[%get3A_854, %get3A_855, %get3A_856] {strides = array<i32>} : memref<3x200x128xf32, #tpu.memory_space<vmem>>, vector<1x1x16xf32>,
      %get3A_858 = vector.shape_cast %get3A_857 : vector<1x1x16xf32> to vector<16xf32>
      %add3A_859 = arith.addf %add3A_799, %get3A_858 : vector<16xf32>
      %get3A_860 = arith.constant 0 : i32
      %get3A_861 = arith.index_cast %get3A_860 : i32 to index
      %get3A_862 = arith.index_cast %add3A_810 : i32 to index
      %get3A_863 = arith.constant 112 : index
      %get3A_864 = tpu.vector_load %arg6[%get3A_861, %get3A_862, %get3A_863] {strides = array<i32>} : memref<3x200x128xf32, #tpu.memory_space<vmem>>, vector<1x1x16xf32>,
      %get3A_865 = vector.shape_cast %get3A_864 : vector<1x1x16xf32> to vector<16xf32>
      %add3A_866 = arith.addf %add3A_806, %get3A_865 : vector<16xf32>
      %mul3A_867 = arith.constant 8 : i32
      %mul3A_868 = arith.muli %scan3A_559, %mul3A_867 : i32
      %add3A_869 = arith.constant 5 : i32
      %add3A_870 = arith.addi %mul3A_868, %add3A_869 : i32
      %get3A_871 = arith.constant 0 : i32
      %get3A_872 = arith.index_cast %get3A_871 : i32 to index
      %get3A_873 = arith.index_cast %add3A_870 : i32 to index
      %get3A_874 = arith.constant 0 : index
      %get3A_875 = tpu.vector_load %arg6[%get3A_872, %get3A_873, %get3A_874] {strides = array<i32>} : memref<3x200x128xf32, #tpu.memory_space<vmem>>, vector<1x1x16xf32>,
      %get3A_876 = vector.shape_cast %get3A_875 : vector<1x1x16xf32> to vector<16xf32>
      %add3A_877 = arith.addf %add3A_817, %get3A_876 : vector<16xf32>
      %get3A_878 = arith.constant 0 : i32
      %get3A_879 = arith.index_cast %get3A_878 : i32 to index
      %get3A_880 = arith.index_cast %add3A_870 : i32 to index
      %get3A_881 = arith.constant 16 : index
      %get3A_882 = tpu.vector_load %arg6[%get3A_879, %get3A_880, %get3A_881] {strides = array<i32>} : memref<3x200x128xf32, #tpu.memory_space<vmem>>, vector<1x1x16xf32>,
      %get3A_883 = vector.shape_cast %get3A_882 : vector<1x1x16xf32> to vector<16xf32>
      %add3A_884 = arith.addf %add3A_824, %get3A_883 : vector<16xf32>
      %get3A_885 = arith.constant 0 : i32
      %get3A_886 = arith.index_cast %get3A_885 : i32 to index
      %get3A_887 = arith.index_cast %add3A_870 : i32 to index
      %get3A_888 = arith.constant 32 : index
      %get3A_889 = tpu.vector_load %arg6[%get3A_886, %get3A_887, %get3A_888] {strides = array<i32>} : memref<3x200x128xf32, #tpu.memory_space<vmem>>, vector<1x1x16xf32>,
      %get3A_890 = vector.shape_cast %get3A_889 : vector<1x1x16xf32> to vector<16xf32>
      %add3A_891 = arith.addf %add3A_831, %get3A_890 : vector<16xf32>
      %get3A_892 = arith.constant 0 : i32
      %get3A_893 = arith.index_cast %get3A_892 : i32 to index
      %get3A_894 = arith.index_cast %add3A_870 : i32 to index
      %get3A_895 = arith.constant 48 : index
      %get3A_896 = tpu.vector_load %arg6[%get3A_893, %get3A_894, %get3A_895] {strides = array<i32>} : memref<3x200x128xf32, #tpu.memory_space<vmem>>, vector<1x1x16xf32>,
      %get3A_897 = vector.shape_cast %get3A_896 : vector<1x1x16xf32> to vector<16xf32>
      %add3A_898 = arith.addf %add3A_838, %get3A_897 : vector<16xf32>
      %get3A_899 = arith.constant 0 : i32
      %get3A_900 = arith.index_cast %get3A_899 : i32 to index
      %get3A_901 = arith.index_cast %add3A_870 : i32 to index
      %get3A_902 = arith.constant 64 : index
      %get3A_903 = tpu.vector_load %arg6[%get3A_900, %get3A_901, %get3A_902] {strides = array<i32>} : memref<3x200x128xf32, #tpu.memory_space<vmem>>, vector<1x1x16xf32>,
      %get3A_904 = vector.shape_cast %get3A_903 : vector<1x1x16xf32> to vector<16xf32>
      %add3A_905 = arith.addf %add3A_845, %get3A_904 : vector<16xf32>
      %get3A_906 = arith.constant 0 : i32
      %get3A_907 = arith.index_cast %get3A_906 : i32 to index
      %get3A_908 = arith.index_cast %add3A_870 : i32 to index
      %get3A_909 = arith.constant 80 : index
      %get3A_910 = tpu.vector_load %arg6[%get3A_907, %get3A_908, %get3A_909] {strides = array<i32>} : memref<3x200x128xf32, #tpu.memory_space<vmem>>, vector<1x1x16xf32>,
      %get3A_911 = vector.shape_cast %get3A_910 : vector<1x1x16xf32> to vector<16xf32>
      %add3A_912 = arith.addf %add3A_852, %get3A_911 : vector<16xf32>
      %get3A_913 = arith.constant 0 : i32
      %get3A_914 = arith.index_cast %get3A_913 : i32 to index
      %get3A_915 = arith.index_cast %add3A_870 : i32 to index
      %get3A_916 = arith.constant 96 : index
      %get3A_917 = tpu.vector_load %arg6[%get3A_914, %get3A_915, %get3A_916] {strides = array<i32>} : memref<3x200x128xf32, #tpu.memory_space<vmem>>, vector<1x1x16xf32>,
      %get3A_918 = vector.shape_cast %get3A_917 : vector<1x1x16xf32> to vector<16xf32>
      %add3A_919 = arith.addf %add3A_859, %get3A_918 : vector<16xf32>
      %get3A_920 = arith.constant 0 : i32
      %get3A_921 = arith.index_cast %get3A_920 : i32 to index
      %get3A_922 = arith.index_cast %add3A_870 : i32 to index
      %get3A_923 = arith.constant 112 : index
      %get3A_924 = tpu.vector_load %arg6[%get3A_921, %get3A_922, %get3A_923] {strides = array<i32>} : memref<3x200x128xf32, #tpu.memory_space<vmem>>, vector<1x1x16xf32>,
      %get3A_925 = vector.shape_cast %get3A_924 : vector<1x1x16xf32> to vector<16xf32>
      %add3A_926 = arith.addf %add3A_866, %get3A_925 : vector<16xf32>
      %mul3A_927 = arith.constant 8 : i32
      %mul3A_928 = arith.muli %scan3A_559, %mul3A_927 : i32
      %add3A_929 = arith.constant 6 : i32
      %add3A_930 = arith.addi %mul3A_928, %add3A_929 : i32
      %get3A_931 = arith.constant 0 : i32
      %get3A_932 = arith.index_cast %get3A_931 : i32 to index
      %get3A_933 = arith.index_cast %add3A_930 : i32 to index
      %get3A_934 = arith.constant 0 : index
      %get3A_935 = tpu.vector_load %arg6[%get3A_932, %get3A_933, %get3A_934] {strides = array<i32>} : memref<3x200x128xf32, #tpu.memory_space<vmem>>, vector<1x1x16xf32>,
      %get3A_936 = vector.shape_cast %get3A_935 : vector<1x1x16xf32> to vector<16xf32>
      %add3A_937 = arith.addf %add3A_877, %get3A_936 : vector<16xf32>
      %get3A_938 = arith.constant 0 : i32
      %get3A_939 = arith.index_cast %get3A_938 : i32 to index
      %get3A_940 = arith.index_cast %add3A_930 : i32 to index
      %get3A_941 = arith.constant 16 : index
      %get3A_942 = tpu.vector_load %arg6[%get3A_939, %get3A_940, %get3A_941] {strides = array<i32>} : memref<3x200x128xf32, #tpu.memory_space<vmem>>, vector<1x1x16xf32>,
      %get3A_943 = vector.shape_cast %get3A_942 : vector<1x1x16xf32> to vector<16xf32>
      %add3A_944 = arith.addf %add3A_884, %get3A_943 : vector<16xf32>
      %get3A_945 = arith.constant 0 : i32
      %get3A_946 = arith.index_cast %get3A_945 : i32 to index
      %get3A_947 = arith.index_cast %add3A_930 : i32 to index
      %get3A_948 = arith.constant 32 : index
      %get3A_949 = tpu.vector_load %arg6[%get3A_946, %get3A_947, %get3A_948] {strides = array<i32>} : memref<3x200x128xf32, #tpu.memory_space<vmem>>, vector<1x1x16xf32>,
      %get3A_950 = vector.shape_cast %get3A_949 : vector<1x1x16xf32> to vector<16xf32>
      %add3A_951 = arith.addf %add3A_891, %get3A_950 : vector<16xf32>
      %get3A_952 = arith.constant 0 : i32
      %get3A_953 = arith.index_cast %get3A_952 : i32 to index
      %get3A_954 = arith.index_cast %add3A_930 : i32 to index
      %get3A_955 = arith.constant 48 : index
      %get3A_956 = tpu.vector_load %arg6[%get3A_953, %get3A_954, %get3A_955] {strides = array<i32>} : memref<3x200x128xf32, #tpu.memory_space<vmem>>, vector<1x1x16xf32>,
      %get3A_957 = vector.shape_cast %get3A_956 : vector<1x1x16xf32> to vector<16xf32>
      %add3A_958 = arith.addf %add3A_898, %get3A_957 : vector<16xf32>
      %get3A_959 = arith.constant 0 : i32
      %get3A_960 = arith.index_cast %get3A_959 : i32 to index
      %get3A_961 = arith.index_cast %add3A_930 : i32 to index
      %get3A_962 = arith.constant 64 : index
      %get3A_963 = tpu.vector_load %arg6[%get3A_960, %get3A_961, %get3A_962] {strides = array<i32>} : memref<3x200x128xf32, #tpu.memory_space<vmem>>, vector<1x1x16xf32>,
      %get3A_964 = vector.shape_cast %get3A_963 : vector<1x1x16xf32> to vector<16xf32>
      %add3A_965 = arith.addf %add3A_905, %get3A_964 : vector<16xf32>
      %get3A_966 = arith.constant 0 : i32
      %get3A_967 = arith.index_cast %get3A_966 : i32 to index
      %get3A_968 = arith.index_cast %add3A_930 : i32 to index
      %get3A_969 = arith.constant 80 : index
      %get3A_970 = tpu.vector_load %arg6[%get3A_967, %get3A_968, %get3A_969] {strides = array<i32>} : memref<3x200x128xf32, #tpu.memory_space<vmem>>, vector<1x1x16xf32>,
      %get3A_971 = vector.shape_cast %get3A_970 : vector<1x1x16xf32> to vector<16xf32>
      %add3A_972 = arith.addf %add3A_912, %get3A_971 : vector<16xf32>
      %get3A_973 = arith.constant 0 : i32
      %get3A_974 = arith.index_cast %get3A_973 : i32 to index
      %get3A_975 = arith.index_cast %add3A_930 : i32 to index
      %get3A_976 = arith.constant 96 : index
      %get3A_977 = tpu.vector_load %arg6[%get3A_974, %get3A_975, %get3A_976] {strides = array<i32>} : memref<3x200x128xf32, #tpu.memory_space<vmem>>, vector<1x1x16xf32>,
      %get3A_978 = vector.shape_cast %get3A_977 : vector<1x1x16xf32> to vector<16xf32>
      %add3A_979 = arith.addf %add3A_919, %get3A_978 : vector<16xf32>
      %get3A_980 = arith.constant 0 : i32
      %get3A_981 = arith.index_cast %get3A_980 : i32 to index
      %get3A_982 = arith.index_cast %add3A_930 : i32 to index
      %get3A_983 = arith.constant 112 : index
      %get3A_984 = tpu.vector_load %arg6[%get3A_981, %get3A_982, %get3A_983] {strides = array<i32>} : memref<3x200x128xf32, #tpu.memory_space<vmem>>, vector<1x1x16xf32>,
      %get3A_985 = vector.shape_cast %get3A_984 : vector<1x1x16xf32> to vector<16xf32>
      %add3A_986 = arith.addf %add3A_926, %get3A_985 : vector<16xf32>
      %mul3A_987 = arith.constant 8 : i32
      %mul3A_988 = arith.muli %scan3A_559, %mul3A_987 : i32
      %add3A_989 = arith.constant 7 : i32
      %add3A_990 = arith.addi %mul3A_988, %add3A_989 : i32
      %get3A_991 = arith.constant 0 : i32
      %get3A_992 = arith.index_cast %get3A_991 : i32 to index
      %get3A_993 = arith.index_cast %add3A_990 : i32 to index
      %get3A_994 = arith.constant 0 : index
      %get3A_995 = tpu.vector_load %arg6[%get3A_992, %get3A_993, %get3A_994] {strides = array<i32>} : memref<3x200x128xf32, #tpu.memory_space<vmem>>, vector<1x1x16xf32>,
      %get3A_996 = vector.shape_cast %get3A_995 : vector<1x1x16xf32> to vector<16xf32>
      %add3A_997 = arith.addf %add3A_937, %get3A_996 : vector<16xf32>
      %get3A_998 = arith.constant 0 : i32
      %get3A_999 = arith.index_cast %get3A_998 : i32 to index
      %get3A_1000 = arith.index_cast %add3A_990 : i32 to index
      %get3A_1001 = arith.constant 16 : index
      %get3A_1002 = tpu.vector_load %arg6[%get3A_999, %get3A_1000, %get3A_1001] {strides = array<i32>} : memref<3x200x128xf32, #tpu.memory_space<vmem>>, vector<1x1x16xf32>,
      %get3A_1003 = vector.shape_cast %get3A_1002 : vector<1x1x16xf32> to vector<16xf32>
      %add3A_1004 = arith.addf %add3A_944, %get3A_1003 : vector<16xf32>
      %get3A_1005 = arith.constant 0 : i32
      %get3A_1006 = arith.index_cast %get3A_1005 : i32 to index
      %get3A_1007 = arith.index_cast %add3A_990 : i32 to index
      %get3A_1008 = arith.constant 32 : index
      %get3A_1009 = tpu.vector_load %arg6[%get3A_1006, %get3A_1007, %get3A_1008] {strides = array<i32>} : memref<3x200x128xf32, #tpu.memory_space<vmem>>, vector<1x1x16xf32>,
      %get3A_1010 = vector.shape_cast %get3A_1009 : vector<1x1x16xf32> to vector<16xf32>
      %add3A_1011 = arith.addf %add3A_951, %get3A_1010 : vector<16xf32>
      %get3A_1012 = arith.constant 0 : i32
      %get3A_1013 = arith.index_cast %get3A_1012 : i32 to index
      %get3A_1014 = arith.index_cast %add3A_990 : i32 to index
      %get3A_1015 = arith.constant 48 : index
      %get3A_1016 = tpu.vector_load %arg6[%get3A_1013, %get3A_1014, %get3A_1015] {strides = array<i32>} : memref<3x200x128xf32, #tpu.memory_space<vmem>>, vector<1x1x16xf32>,
      %get3A_1017 = vector.shape_cast %get3A_1016 : vector<1x1x16xf32> to vector<16xf32>
      %add3A_1018 = arith.addf %add3A_958, %get3A_1017 : vector<16xf32>
      %get3A_1019 = arith.constant 0 : i32
      %get3A_1020 = arith.index_cast %get3A_1019 : i32 to index
      %get3A_1021 = arith.index_cast %add3A_990 : i32 to index
      %get3A_1022 = arith.constant 64 : index
      %get3A_1023 = tpu.vector_load %arg6[%get3A_1020, %get3A_1021, %get3A_1022] {strides = array<i32>} : memref<3x200x128xf32, #tpu.memory_space<vmem>>, vector<1x1x16xf32>,
      %get3A_1024 = vector.shape_cast %get3A_1023 : vector<1x1x16xf32> to vector<16xf32>
      %add3A_1025 = arith.addf %add3A_965, %get3A_1024 : vector<16xf32>
      %get3A_1026 = arith.constant 0 : i32
      %get3A_1027 = arith.index_cast %get3A_1026 : i32 to index
      %get3A_1028 = arith.index_cast %add3A_990 : i32 to index
      %get3A_1029 = arith.constant 80 : index
      %get3A_1030 = tpu.vector_load %arg6[%get3A_1027, %get3A_1028, %get3A_1029] {strides = array<i32>} : memref<3x200x128xf32, #tpu.memory_space<vmem>>, vector<1x1x16xf32>,
      %get3A_1031 = vector.shape_cast %get3A_1030 : vector<1x1x16xf32> to vector<16xf32>
      %add3A_1032 = arith.addf %add3A_972, %get3A_1031 : vector<16xf32>
      %get3A_1033 = arith.constant 0 : i32
      %get3A_1034 = arith.index_cast %get3A_1033 : i32 to index
      %get3A_1035 = arith.index_cast %add3A_990 : i32 to index
      %get3A_1036 = arith.constant 96 : index
      %get3A_1037 = tpu.vector_load %arg6[%get3A_1034, %get3A_1035, %get3A_1036] {strides = array<i32>} : memref<3x200x128xf32, #tpu.memory_space<vmem>>, vector<1x1x16xf32>,
      %get3A_1038 = vector.shape_cast %get3A_1037 : vector<1x1x16xf32> to vector<16xf32>
      %add3A_1039 = arith.addf %add3A_979, %get3A_1038 : vector<16xf32>
      %get3A_1040 = arith.constant 0 : i32
      %get3A_1041 = arith.index_cast %get3A_1040 : i32 to index
      %get3A_1042 = arith.index_cast %add3A_990 : i32 to index
      %get3A_1043 = arith.constant 112 : index
      %get3A_1044 = tpu.vector_load %arg6[%get3A_1041, %get3A_1042, %get3A_1043] {strides = array<i32>} : memref<3x200x128xf32, #tpu.memory_space<vmem>>, vector<1x1x16xf32>,
      %get3A_1045 = vector.shape_cast %get3A_1044 : vector<1x1x16xf32> to vector<16xf32>
      %add3A_1046 = arith.addf %add3A_986, %get3A_1045 : vector<16xf32>
      scf.yield %add3A_997, %add3A_1004, %add3A_1011, %add3A_1018, %add3A_1025, %add3A_1032, %add3A_1039, %add3A_1046 : vector<16xf32>, vector<16xf32>, vector<16xf32>, vector<16xf32>, vector<16xf32>, vector<16xf32>, vector<16xf32>, vector<16xf32>
    }
    %scan3A_119 = arith.constant 25 : i32
    %swap3A = arith.constant 123 : i32
    %swap3A_120 = arith.index_cast %swap3A : i32 to index
    %swap3A_121 = arith.constant 0 : index
    %swap3A_122 = tpu.vector_load %arg7[%swap3A_120, %swap3A_121] {strides = array<i32>} : memref<128x128xf32, #tpu.memory_space<vmem>>, vector<1x16xf32>,
    %swap3A_123 = vector.shape_cast %swap3A_122 : vector<1x16xf32> to vector<16xf32>
    %swap3A_124 = vector.shape_cast %scan3A_118#0 : vector<16xf32> to vector<1x16xf32>
    tpu.vector_store %arg7[%swap3A_120, %swap3A_121], %swap3A_124 {strides = array<i32>} : memref<128x128xf32, #tpu.memory_space<vmem>>, vector<1x16xf32>,
    %swap3A_125 = arith.constant 123 : i32
    %swap3A_126 = arith.index_cast %swap3A_125 : i32 to index
    %swap3A_127 = arith.constant 16 : index
    %swap3A_128 = tpu.vector_load %arg7[%swap3A_126, %swap3A_127] {strides = array<i32>} : memref<128x128xf32, #tpu.memory_space<vmem>>, vector<1x16xf32>,
    %swap3A_129 = vector.shape_cast %swap3A_128 : vector<1x16xf32> to vector<16xf32>
    %swap3A_130 = vector.shape_cast %scan3A_118#1 : vector<16xf32> to vector<1x16xf32>
    tpu.vector_store %arg7[%swap3A_126, %swap3A_127], %swap3A_130 {strides = array<i32>} : memref<128x128xf32, #tpu.memory_space<vmem>>, vector<1x16xf32>,
    %swap3A_131 = arith.constant 123 : i32
    %swap3A_132 = arith.index_cast %swap3A_131 : i32 to index
    %swap3A_133 = arith.constant 32 : index
    %swap3A_134 = tpu.vector_load %arg7[%swap3A_132, %swap3A_133] {strides = array<i32>} : memref<128x128xf32, #tpu.memory_space<vmem>>, vector<1x16xf32>,
    %swap3A_135 = vector.shape_cast %swap3A_134 : vector<1x16xf32> to vector<16xf32>
    %swap3A_136 = vector.shape_cast %scan3A_118#2 : vector<16xf32> to vector<1x16xf32>
    tpu.vector_store %arg7[%swap3A_132, %swap3A_133], %swap3A_136 {strides = array<i32>} : memref<128x128xf32, #tpu.memory_space<vmem>>, vector<1x16xf32>,
    %swap3A_137 = arith.constant 123 : i32
    %swap3A_138 = arith.index_cast %swap3A_137 : i32 to index
    %swap3A_139 = arith.constant 48 : index
    %swap3A_140 = tpu.vector_load %arg7[%swap3A_138, %swap3A_139] {strides = array<i32>} : memref<128x128xf32, #tpu.memory_space<vmem>>, vector<1x16xf32>,
    %swap3A_141 = vector.shape_cast %swap3A_140 : vector<1x16xf32> to vector<16xf32>
    %swap3A_142 = vector.shape_cast %scan3A_118#3 : vector<16xf32> to vector<1x16xf32>
    tpu.vector_store %arg7[%swap3A_138, %swap3A_139], %swap3A_142 {strides = array<i32>} : memref<128x128xf32, #tpu.memory_space<vmem>>, vector<1x16xf32>,
    %swap3A_143 = arith.constant 123 : i32
    %swap3A_144 = arith.index_cast %swap3A_143 : i32 to index
    %swap3A_145 = arith.constant 64 : index
    %swap3A_146 = tpu.vector_load %arg7[%swap3A_144, %swap3A_145] {strides = array<i32>} : memref<128x128xf32, #tpu.memory_space<vmem>>, vector<1x16xf32>,
    %swap3A_147 = vector.shape_cast %swap3A_146 : vector<1x16xf32> to vector<16xf32>
    %swap3A_148 = vector.shape_cast %scan3A_118#4 : vector<16xf32> to vector<1x16xf32>
    tpu.vector_store %arg7[%swap3A_144, %swap3A_145], %swap3A_148 {strides = array<i32>} : memref<128x128xf32, #tpu.memory_space<vmem>>, vector<1x16xf32>,
    %swap3A_149 = arith.constant 123 : i32
    %swap3A_150 = arith.index_cast %swap3A_149 : i32 to index
    %swap3A_151 = arith.constant 80 : index
    %swap3A_152 = tpu.vector_load %arg7[%swap3A_150, %swap3A_151] {strides = array<i32>} : memref<128x128xf32, #tpu.memory_space<vmem>>, vector<1x16xf32>,
    %swap3A_153 = vector.shape_cast %swap3A_152 : vector<1x16xf32> to vector<16xf32>
    %swap3A_154 = vector.shape_cast %scan3A_118#5 : vector<16xf32> to vector<1x16xf32>
    tpu.vector_store %arg7[%swap3A_150, %swap3A_151], %swap3A_154 {strides = array<i32>} : memref<128x128xf32, #tpu.memory_space<vmem>>, vector<1x16xf32>,
    %swap3A_155 = arith.constant 123 : i32
    %swap3A_156 = arith.index_cast %swap3A_155 : i32 to index
    %swap3A_157 = arith.constant 96 : index
    %swap3A_158 = tpu.vector_load %arg7[%swap3A_156, %swap3A_157] {strides = array<i32>} : memref<128x128xf32, #tpu.memory_space<vmem>>, vector<1x16xf32>,
    %swap3A_159 = vector.shape_cast %swap3A_158 : vector<1x16xf32> to vector<16xf32>
    %swap3A_160 = vector.shape_cast %scan3A_118#6 : vector<16xf32> to vector<1x16xf32>
    tpu.vector_store %arg7[%swap3A_156, %swap3A_157], %swap3A_160 {strides = array<i32>} : memref<128x128xf32, #tpu.memory_space<vmem>>, vector<1x16xf32>,
    %swap3A_161 = arith.constant 123 : i32
    %swap3A_162 = arith.index_cast %swap3A_161 : i32 to index
    %swap3A_163 = arith.constant 112 : index
    %swap3A_164 = tpu.vector_load %arg7[%swap3A_162, %swap3A_163] {strides = array<i32>} : memref<128x128xf32, #tpu.memory_space<vmem>>, vector<1x16xf32>,
    %swap3A_165 = vector.shape_cast %swap3A_164 : vector<1x16xf32> to vector<16xf32>
    %swap3A_166 = vector.shape_cast %scan3A_118#7 : vector<16xf32> to vector<1x16xf32>
    tpu.vector_store %arg7[%swap3A_162, %swap3A_163], %swap3A_166 {strides = array<i32>} : memref<128x128xf32, #tpu.memory_space<vmem>>, vector<1x16xf32>,
    %dma_start3A_167 = arith.constant 126 : i32
    %dma_start3A_168 = arith.constant 0 : i32
    %dma_start3A_169 = arith.constant 0 : i32
    %dma_start3A_170 = arith.constant 0 : i32
    %dma_start3A_171 = arith.constant 0 : i32
    %dma_start3A_172 = tpu.memref_slice %arg6[%dma_start3A_169, %dma_start3A_170, %dma_start3A_171] : memref<3x200x128xf32, #tpu.memory_space<vmem>> -> memref<1x100x128xf32, #tpu.memory_space<vmem>>
    %dma_start3A_173 = tpu.memref_squeeze %dma_start3A_172 : memref<1x100x128xf32, #tpu.memory_space<vmem>> -> memref<100x128xf32, #tpu.memory_space<vmem>>
    %dma_start3A_174 = arith.constant 0 : i32
    %dma_start3A_175 = tpu.memref_slice %arg5[%dma_start3A_167, %dma_start3A_168, %dma_start3A_174] : memref<128x2x100xi32, #tpu.memory_space<vmem>> -> memref<1x1x100xi32, #tpu.memory_space<vmem>>
    %dma_start3A_176 = tpu.memref_squeeze %dma_start3A_175 : memref<1x1x100xi32, #tpu.memory_space<vmem>> -> memref<100xi32, #tpu.memory_space<vmem>>
    %dma_start3A_177 = arith.constant 0 : i32
    %dma_start3A_178 = arith.constant 0 : i32
    %dma_start3A_179 = tpu.memref_slice %arg3[%dma_start3A_177, %dma_start3A_178] : memref<100000x128xf32, #tpu.memory_space<hbm>> -> memref<100000x128xf32, #tpu.memory_space<hbm>>
    tpu.enqueue_indirect_dma source(%dma_start3A_179 : memref<100000x128xf32, #tpu.memory_space<hbm>>) target(%dma_start3A_173 : memref<100x128xf32, #tpu.memory_space<vmem>>) offsets(%dma_start3A_176 : memref<100xi32, #tpu.memory_space<vmem>>) semaphore(%arg8 : memref<!tpu.dma_semaphore, #tpu.memory_space<semaphore_mem>>)
    %dma_start3A_180 = arith.constant 126 : i32
    %dma_start3A_181 = arith.constant 1 : i32
    %dma_start3A_182 = arith.constant 0 : i32
    %dma_start3A_183 = arith.constant 100 : i32
    %dma_start3A_184 = arith.constant 0 : i32
    %dma_start3A_185 = tpu.memref_slice %arg6[%dma_start3A_182, %dma_start3A_183, %dma_start3A_184] : memref<3x200x128xf32, #tpu.memory_space<vmem>> -> memref<1x100x128xf32, #tpu.memory_space<vmem>>
    %dma_start3A_186 = tpu.memref_squeeze %dma_start3A_185 : memref<1x100x128xf32, #tpu.memory_space<vmem>> -> memref<100x128xf32, #tpu.memory_space<vmem>>
    %dma_start3A_187 = arith.constant 0 : i32
    %dma_start3A_188 = tpu.memref_slice %arg5[%dma_start3A_180, %dma_start3A_181, %dma_start3A_187] : memref<128x2x100xi32, #tpu.memory_space<vmem>> -> memref<1x1x100xi32, #tpu.memory_space<vmem>>
    %dma_start3A_189 = tpu.memref_squeeze %dma_start3A_188 : memref<1x1x100xi32, #tpu.memory_space<vmem>> -> memref<100xi32, #tpu.memory_space<vmem>>
    %dma_start3A_190 = arith.constant 0 : i32
    %dma_start3A_191 = arith.constant 0 : i32
    %dma_start3A_192 = tpu.memref_slice %arg3[%dma_start3A_190, %dma_start3A_191] : memref<100000x128xf32, #tpu.memory_space<hbm>> -> memref<100000x128xf32, #tpu.memory_space<hbm>>
    tpu.enqueue_indirect_dma source(%dma_start3A_192 : memref<100000x128xf32, #tpu.memory_space<hbm>>) target(%dma_start3A_186 : memref<100x128xf32, #tpu.memory_space<vmem>>) offsets(%dma_start3A_189 : memref<100xi32, #tpu.memory_space<vmem>>) semaphore(%arg8 : memref<!tpu.dma_semaphore, #tpu.memory_space<semaphore_mem>>)
    %dma_wait3A_193 = arith.constant 1 : i32
    %dma_wait3A_194 = arith.constant 0 : i32
    %dma_wait3A_195 = arith.constant 0 : i32
    %dma_wait3A_196 = tpu.memref_slice %arg6[%dma_wait3A_193, %dma_wait3A_194, %dma_wait3A_195] : memref<3x200x128xf32, #tpu.memory_space<vmem>> -> memref<1x200x128xf32, #tpu.memory_space<vmem>>
    %dma_wait3A_197 = tpu.memref_squeeze %dma_wait3A_196 : memref<1x200x128xf32, #tpu.memory_space<vmem>> -> memref<200x128xf32, #tpu.memory_space<vmem>>
    %dma_wait3A_198 = arith.constant 0 : i32
    %dma_wait3A_199 = arith.constant 0 : i32
    %dma_wait3A_200 = tpu.memref_slice %arg3[%dma_wait3A_198, %dma_wait3A_199] : memref<100000x128xf32, #tpu.memory_space<hbm>> -> memref<200x128xf32, #tpu.memory_space<hbm>>
    %dma_wait3A_201 = arith.constant 0 : i32
    %dma_wait3A_202 = arith.constant 0 : i32
    %dma_wait3A_203 = tpu.memref_slice %arg6[%dma_wait3A_193, %dma_wait3A_201, %dma_wait3A_202] : memref<3x200x128xf32, #tpu.memory_space<vmem>> -> memref<1x200x128xf32, #tpu.memory_space<vmem>>
    %dma_wait3A_204 = tpu.memref_squeeze %dma_wait3A_203 : memref<1x200x128xf32, #tpu.memory_space<vmem>> -> memref<200x128xf32, #tpu.memory_space<vmem>>
    %dma_wait3A_205 = arith.constant 0 : i32
    %dma_wait3A_206 = arith.constant 0 : i32
    %dma_wait3A_207 = tpu.memref_slice %arg3[%dma_wait3A_205, %dma_wait3A_206] : memref<100000x128xf32, #tpu.memory_space<hbm>> -> memref<200x128xf32, #tpu.memory_space<hbm>>
    tpu.wait_dma2 semaphore(%arg9 : memref<!tpu.dma_semaphore, #tpu.memory_space<semaphore_mem>>) src(%dma_wait3A_207 : memref<200x128xf32, #tpu.memory_space<hbm>>) dst(%dma_wait3A_204 : memref<200x128xf32, #tpu.memory_space<vmem>>)
    %broadcast_in_dim3A_208 = arith.constant 0.000000e+00 : f32
    %broadcast_in_dim3A_209 = vector.broadcast %broadcast_in_dim3A_208 : f32 to vector<16xf32>
    %broadcast_in_dim3A_210 = arith.constant 0.000000e+00 : f32
    %broadcast_in_dim3A_211 = vector.broadcast %broadcast_in_dim3A_210 : f32 to vector<16xf32>
    %broadcast_in_dim3A_212 = arith.constant 0.000000e+00 : f32
    %broadcast_in_dim3A_213 = vector.broadcast %broadcast_in_dim3A_212 : f32 to vector<16xf32>
    %broadcast_in_dim3A_214 = arith.constant 0.000000e+00 : f32
    %broadcast_in_dim3A_215 = vector.broadcast %broadcast_in_dim3A_214 : f32 to vector<16xf32>
    %broadcast_in_dim3A_216 = arith.constant 0.000000e+00 : f32
    %broadcast_in_dim3A_217 = vector.broadcast %broadcast_in_dim3A_216 : f32 to vector<16xf32>
    %broadcast_in_dim3A_218 = arith.constant 0.000000e+00 : f32
    %broadcast_in_dim3A_219 = vector.broadcast %broadcast_in_dim3A_218 : f32 to vector<16xf32>
    %broadcast_in_dim3A_220 = arith.constant 0.000000e+00 : f32
    %broadcast_in_dim3A_221 = vector.broadcast %broadcast_in_dim3A_220 : f32 to vector<16xf32>
    %broadcast_in_dim3A_222 = arith.constant 0.000000e+00 : f32
    %broadcast_in_dim3A_223 = vector.broadcast %broadcast_in_dim3A_222 : f32 to vector<16xf32>
    %scan3A_224 = arith.constant 0 : i32
    %scan3A_225 = arith.constant 25 : i32
    %scan3A_226 = arith.addi %scan3A_224, %scan3A_225 : i32
    %scan3A_227 = arith.constant 1 : i32
    %scan3A_228:8 = scf.for %scan3A_559 = %scan3A_224 to %scan3A_226 step %scan3A_227 iter_args(%scan3A_560 = %broadcast_in_dim3A_209, %scan3A_561 = %broadcast_in_dim3A_211, %scan3A_562 = %broadcast_in_dim3A_213, %scan3A_563 = %broadcast_in_dim3A_215, %scan3A_564 = %broadcast_in_dim3A_217, %scan3A_565 = %broadcast_in_dim3A_219, %scan3A_566 = %broadcast_in_dim3A_221, %scan3A_567 = %broadcast_in_dim3A_223) -> (vector<16xf32>, vector<16xf32>, vector<16xf32>, vector<16xf32>, vector<16xf32>, vector<16xf32>, vector<16xf32>, vector<16xf32>)  : i32 {
      %mul3A_568 = arith.constant 8 : i32
      %mul3A_569 = arith.muli %scan3A_559, %mul3A_568 : i32
      %add3A_570 = arith.constant 0 : i32
      %add3A_571 = arith.addi %mul3A_569, %add3A_570 : i32
      %get3A = arith.constant 1 : i32
      %get3A_572 = arith.index_cast %get3A : i32 to index
      %get3A_573 = arith.index_cast %add3A_571 : i32 to index
      %get3A_574 = arith.constant 0 : index
      %get3A_575 = tpu.vector_load %arg6[%get3A_572, %get3A_573, %get3A_574] {strides = array<i32>} : memref<3x200x128xf32, #tpu.memory_space<vmem>>, vector<1x1x16xf32>,
      %get3A_576 = vector.shape_cast %get3A_575 : vector<1x1x16xf32> to vector<16xf32>
      %add3A_577 = arith.addf %scan3A_560, %get3A_576 : vector<16xf32>
      %get3A_578 = arith.constant 1 : i32
      %get3A_579 = arith.index_cast %get3A_578 : i32 to index
      %get3A_580 = arith.index_cast %add3A_571 : i32 to index
      %get3A_581 = arith.constant 16 : index
      %get3A_582 = tpu.vector_load %arg6[%get3A_579, %get3A_580, %get3A_581] {strides = array<i32>} : memref<3x200x128xf32, #tpu.memory_space<vmem>>, vector<1x1x16xf32>,
      %get3A_583 = vector.shape_cast %get3A_582 : vector<1x1x16xf32> to vector<16xf32>
      %add3A_584 = arith.addf %scan3A_561, %get3A_583 : vector<16xf32>
      %get3A_585 = arith.constant 1 : i32
      %get3A_586 = arith.index_cast %get3A_585 : i32 to index
      %get3A_587 = arith.index_cast %add3A_571 : i32 to index
      %get3A_588 = arith.constant 32 : index
      %get3A_589 = tpu.vector_load %arg6[%get3A_586, %get3A_587, %get3A_588] {strides = array<i32>} : memref<3x200x128xf32, #tpu.memory_space<vmem>>, vector<1x1x16xf32>,
      %get3A_590 = vector.shape_cast %get3A_589 : vector<1x1x16xf32> to vector<16xf32>
      %add3A_591 = arith.addf %scan3A_562, %get3A_590 : vector<16xf32>
      %get3A_592 = arith.constant 1 : i32
      %get3A_593 = arith.index_cast %get3A_592 : i32 to index
      %get3A_594 = arith.index_cast %add3A_571 : i32 to index
      %get3A_595 = arith.constant 48 : index
      %get3A_596 = tpu.vector_load %arg6[%get3A_593, %get3A_594, %get3A_595] {strides = array<i32>} : memref<3x200x128xf32, #tpu.memory_space<vmem>>, vector<1x1x16xf32>,
      %get3A_597 = vector.shape_cast %get3A_596 : vector<1x1x16xf32> to vector<16xf32>
      %add3A_598 = arith.addf %scan3A_563, %get3A_597 : vector<16xf32>
      %get3A_599 = arith.constant 1 : i32
      %get3A_600 = arith.index_cast %get3A_599 : i32 to index
      %get3A_601 = arith.index_cast %add3A_571 : i32 to index
      %get3A_602 = arith.constant 64 : index
      %get3A_603 = tpu.vector_load %arg6[%get3A_600, %get3A_601, %get3A_602] {strides = array<i32>} : memref<3x200x128xf32, #tpu.memory_space<vmem>>, vector<1x1x16xf32>,
      %get3A_604 = vector.shape_cast %get3A_603 : vector<1x1x16xf32> to vector<16xf32>
      %add3A_605 = arith.addf %scan3A_564, %get3A_604 : vector<16xf32>
      %get3A_606 = arith.constant 1 : i32
      %get3A_607 = arith.index_cast %get3A_606 : i32 to index
      %get3A_608 = arith.index_cast %add3A_571 : i32 to index
      %get3A_609 = arith.constant 80 : index
      %get3A_610 = tpu.vector_load %arg6[%get3A_607, %get3A_608, %get3A_609] {strides = array<i32>} : memref<3x200x128xf32, #tpu.memory_space<vmem>>, vector<1x1x16xf32>,
      %get3A_611 = vector.shape_cast %get3A_610 : vector<1x1x16xf32> to vector<16xf32>
      %add3A_612 = arith.addf %scan3A_565, %get3A_611 : vector<16xf32>
      %get3A_613 = arith.constant 1 : i32
      %get3A_614 = arith.index_cast %get3A_613 : i32 to index
      %get3A_615 = arith.index_cast %add3A_571 : i32 to index
      %get3A_616 = arith.constant 96 : index
      %get3A_617 = tpu.vector_load %arg6[%get3A_614, %get3A_615, %get3A_616] {strides = array<i32>} : memref<3x200x128xf32, #tpu.memory_space<vmem>>, vector<1x1x16xf32>,
      %get3A_618 = vector.shape_cast %get3A_617 : vector<1x1x16xf32> to vector<16xf32>
      %add3A_619 = arith.addf %scan3A_566, %get3A_618 : vector<16xf32>
      %get3A_620 = arith.constant 1 : i32
      %get3A_621 = arith.index_cast %get3A_620 : i32 to index
      %get3A_622 = arith.index_cast %add3A_571 : i32 to index
      %get3A_623 = arith.constant 112 : index
      %get3A_624 = tpu.vector_load %arg6[%get3A_621, %get3A_622, %get3A_623] {strides = array<i32>} : memref<3x200x128xf32, #tpu.memory_space<vmem>>, vector<1x1x16xf32>,
      %get3A_625 = vector.shape_cast %get3A_624 : vector<1x1x16xf32> to vector<16xf32>
      %add3A_626 = arith.addf %scan3A_567, %get3A_625 : vector<16xf32>
      %mul3A_627 = arith.constant 8 : i32
      %mul3A_628 = arith.muli %scan3A_559, %mul3A_627 : i32
      %add3A_629 = arith.constant 1 : i32
      %add3A_630 = arith.addi %mul3A_628, %add3A_629 : i32
      %get3A_631 = arith.constant 1 : i32
      %get3A_632 = arith.index_cast %get3A_631 : i32 to index
      %get3A_633 = arith.index_cast %add3A_630 : i32 to index
      %get3A_634 = arith.constant 0 : index
      %get3A_635 = tpu.vector_load %arg6[%get3A_632, %get3A_633, %get3A_634] {strides = array<i32>} : memref<3x200x128xf32, #tpu.memory_space<vmem>>, vector<1x1x16xf32>,
      %get3A_636 = vector.shape_cast %get3A_635 : vector<1x1x16xf32> to vector<16xf32>
      %add3A_637 = arith.addf %add3A_577, %get3A_636 : vector<16xf32>
      %get3A_638 = arith.constant 1 : i32
      %get3A_639 = arith.index_cast %get3A_638 : i32 to index
      %get3A_640 = arith.index_cast %add3A_630 : i32 to index
      %get3A_641 = arith.constant 16 : index
      %get3A_642 = tpu.vector_load %arg6[%get3A_639, %get3A_640, %get3A_641] {strides = array<i32>} : memref<3x200x128xf32, #tpu.memory_space<vmem>>, vector<1x1x16xf32>,
      %get3A_643 = vector.shape_cast %get3A_642 : vector<1x1x16xf32> to vector<16xf32>
      %add3A_644 = arith.addf %add3A_584, %get3A_643 : vector<16xf32>
      %get3A_645 = arith.constant 1 : i32
      %get3A_646 = arith.index_cast %get3A_645 : i32 to index
      %get3A_647 = arith.index_cast %add3A_630 : i32 to index
      %get3A_648 = arith.constant 32 : index
      %get3A_649 = tpu.vector_load %arg6[%get3A_646, %get3A_647, %get3A_648] {strides = array<i32>} : memref<3x200x128xf32, #tpu.memory_space<vmem>>, vector<1x1x16xf32>,
      %get3A_650 = vector.shape_cast %get3A_649 : vector<1x1x16xf32> to vector<16xf32>
      %add3A_651 = arith.addf %add3A_591, %get3A_650 : vector<16xf32>
      %get3A_652 = arith.constant 1 : i32
      %get3A_653 = arith.index_cast %get3A_652 : i32 to index
      %get3A_654 = arith.index_cast %add3A_630 : i32 to index
      %get3A_655 = arith.constant 48 : index
      %get3A_656 = tpu.vector_load %arg6[%get3A_653, %get3A_654, %get3A_655] {strides = array<i32>} : memref<3x200x128xf32, #tpu.memory_space<vmem>>, vector<1x1x16xf32>,
      %get3A_657 = vector.shape_cast %get3A_656 : vector<1x1x16xf32> to vector<16xf32>
      %add3A_658 = arith.addf %add3A_598, %get3A_657 : vector<16xf32>
      %get3A_659 = arith.constant 1 : i32
      %get3A_660 = arith.index_cast %get3A_659 : i32 to index
      %get3A_661 = arith.index_cast %add3A_630 : i32 to index
      %get3A_662 = arith.constant 64 : index
      %get3A_663 = tpu.vector_load %arg6[%get3A_660, %get3A_661, %get3A_662] {strides = array<i32>} : memref<3x200x128xf32, #tpu.memory_space<vmem>>, vector<1x1x16xf32>,
      %get3A_664 = vector.shape_cast %get3A_663 : vector<1x1x16xf32> to vector<16xf32>
      %add3A_665 = arith.addf %add3A_605, %get3A_664 : vector<16xf32>
      %get3A_666 = arith.constant 1 : i32
      %get3A_667 = arith.index_cast %get3A_666 : i32 to index
      %get3A_668 = arith.index_cast %add3A_630 : i32 to index
      %get3A_669 = arith.constant 80 : index
      %get3A_670 = tpu.vector_load %arg6[%get3A_667, %get3A_668, %get3A_669] {strides = array<i32>} : memref<3x200x128xf32, #tpu.memory_space<vmem>>, vector<1x1x16xf32>,
      %get3A_671 = vector.shape_cast %get3A_670 : vector<1x1x16xf32> to vector<16xf32>
      %add3A_672 = arith.addf %add3A_612, %get3A_671 : vector<16xf32>
      %get3A_673 = arith.constant 1 : i32
      %get3A_674 = arith.index_cast %get3A_673 : i32 to index
      %get3A_675 = arith.index_cast %add3A_630 : i32 to index
      %get3A_676 = arith.constant 96 : index
      %get3A_677 = tpu.vector_load %arg6[%get3A_674, %get3A_675, %get3A_676] {strides = array<i32>} : memref<3x200x128xf32, #tpu.memory_space<vmem>>, vector<1x1x16xf32>,
      %get3A_678 = vector.shape_cast %get3A_677 : vector<1x1x16xf32> to vector<16xf32>
      %add3A_679 = arith.addf %add3A_619, %get3A_678 : vector<16xf32>
      %get3A_680 = arith.constant 1 : i32
      %get3A_681 = arith.index_cast %get3A_680 : i32 to index
      %get3A_682 = arith.index_cast %add3A_630 : i32 to index
      %get3A_683 = arith.constant 112 : index
      %get3A_684 = tpu.vector_load %arg6[%get3A_681, %get3A_682, %get3A_683] {strides = array<i32>} : memref<3x200x128xf32, #tpu.memory_space<vmem>>, vector<1x1x16xf32>,
      %get3A_685 = vector.shape_cast %get3A_684 : vector<1x1x16xf32> to vector<16xf32>
      %add3A_686 = arith.addf %add3A_626, %get3A_685 : vector<16xf32>
      %mul3A_687 = arith.constant 8 : i32
      %mul3A_688 = arith.muli %scan3A_559, %mul3A_687 : i32
      %add3A_689 = arith.constant 2 : i32
      %add3A_690 = arith.addi %mul3A_688, %add3A_689 : i32
      %get3A_691 = arith.constant 1 : i32
      %get3A_692 = arith.index_cast %get3A_691 : i32 to index
      %get3A_693 = arith.index_cast %add3A_690 : i32 to index
      %get3A_694 = arith.constant 0 : index
      %get3A_695 = tpu.vector_load %arg6[%get3A_692, %get3A_693, %get3A_694] {strides = array<i32>} : memref<3x200x128xf32, #tpu.memory_space<vmem>>, vector<1x1x16xf32>,
      %get3A_696 = vector.shape_cast %get3A_695 : vector<1x1x16xf32> to vector<16xf32>
      %add3A_697 = arith.addf %add3A_637, %get3A_696 : vector<16xf32>
      %get3A_698 = arith.constant 1 : i32
      %get3A_699 = arith.index_cast %get3A_698 : i32 to index
      %get3A_700 = arith.index_cast %add3A_690 : i32 to index
      %get3A_701 = arith.constant 16 : index
      %get3A_702 = tpu.vector_load %arg6[%get3A_699, %get3A_700, %get3A_701] {strides = array<i32>} : memref<3x200x128xf32, #tpu.memory_space<vmem>>, vector<1x1x16xf32>,
      %get3A_703 = vector.shape_cast %get3A_702 : vector<1x1x16xf32> to vector<16xf32>
      %add3A_704 = arith.addf %add3A_644, %get3A_703 : vector<16xf32>
      %get3A_705 = arith.constant 1 : i32
      %get3A_706 = arith.index_cast %get3A_705 : i32 to index
      %get3A_707 = arith.index_cast %add3A_690 : i32 to index
      %get3A_708 = arith.constant 32 : index
      %get3A_709 = tpu.vector_load %arg6[%get3A_706, %get3A_707, %get3A_708] {strides = array<i32>} : memref<3x200x128xf32, #tpu.memory_space<vmem>>, vector<1x1x16xf32>,
      %get3A_710 = vector.shape_cast %get3A_709 : vector<1x1x16xf32> to vector<16xf32>
      %add3A_711 = arith.addf %add3A_651, %get3A_710 : vector<16xf32>
      %get3A_712 = arith.constant 1 : i32
      %get3A_713 = arith.index_cast %get3A_712 : i32 to index
      %get3A_714 = arith.index_cast %add3A_690 : i32 to index
      %get3A_715 = arith.constant 48 : index
      %get3A_716 = tpu.vector_load %arg6[%get3A_713, %get3A_714, %get3A_715] {strides = array<i32>} : memref<3x200x128xf32, #tpu.memory_space<vmem>>, vector<1x1x16xf32>,
      %get3A_717 = vector.shape_cast %get3A_716 : vector<1x1x16xf32> to vector<16xf32>
      %add3A_718 = arith.addf %add3A_658, %get3A_717 : vector<16xf32>
      %get3A_719 = arith.constant 1 : i32
      %get3A_720 = arith.index_cast %get3A_719 : i32 to index
      %get3A_721 = arith.index_cast %add3A_690 : i32 to index
      %get3A_722 = arith.constant 64 : index
      %get3A_723 = tpu.vector_load %arg6[%get3A_720, %get3A_721, %get3A_722] {strides = array<i32>} : memref<3x200x128xf32, #tpu.memory_space<vmem>>, vector<1x1x16xf32>,
      %get3A_724 = vector.shape_cast %get3A_723 : vector<1x1x16xf32> to vector<16xf32>
      %add3A_725 = arith.addf %add3A_665, %get3A_724 : vector<16xf32>
      %get3A_726 = arith.constant 1 : i32
      %get3A_727 = arith.index_cast %get3A_726 : i32 to index
      %get3A_728 = arith.index_cast %add3A_690 : i32 to index
      %get3A_729 = arith.constant 80 : index
      %get3A_730 = tpu.vector_load %arg6[%get3A_727, %get3A_728, %get3A_729] {strides = array<i32>} : memref<3x200x128xf32, #tpu.memory_space<vmem>>, vector<1x1x16xf32>,
      %get3A_731 = vector.shape_cast %get3A_730 : vector<1x1x16xf32> to vector<16xf32>
      %add3A_732 = arith.addf %add3A_672, %get3A_731 : vector<16xf32>
      %get3A_733 = arith.constant 1 : i32
      %get3A_734 = arith.index_cast %get3A_733 : i32 to index
      %get3A_735 = arith.index_cast %add3A_690 : i32 to index
      %get3A_736 = arith.constant 96 : index
      %get3A_737 = tpu.vector_load %arg6[%get3A_734, %get3A_735, %get3A_736] {strides = array<i32>} : memref<3x200x128xf32, #tpu.memory_space<vmem>>, vector<1x1x16xf32>,
      %get3A_738 = vector.shape_cast %get3A_737 : vector<1x1x16xf32> to vector<16xf32>
      %add3A_739 = arith.addf %add3A_679, %get3A_738 : vector<16xf32>
      %get3A_740 = arith.constant 1 : i32
      %get3A_741 = arith.index_cast %get3A_740 : i32 to index
      %get3A_742 = arith.index_cast %add3A_690 : i32 to index
      %get3A_743 = arith.constant 112 : index
      %get3A_744 = tpu.vector_load %arg6[%get3A_741, %get3A_742, %get3A_743] {strides = array<i32>} : memref<3x200x128xf32, #tpu.memory_space<vmem>>, vector<1x1x16xf32>,
      %get3A_745 = vector.shape_cast %get3A_744 : vector<1x1x16xf32> to vector<16xf32>
      %add3A_746 = arith.addf %add3A_686, %get3A_745 : vector<16xf32>
      %mul3A_747 = arith.constant 8 : i32
      %mul3A_748 = arith.muli %scan3A_559, %mul3A_747 : i32
      %add3A_749 = arith.constant 3 : i32
      %add3A_750 = arith.addi %mul3A_748, %add3A_749 : i32
      %get3A_751 = arith.constant 1 : i32
      %get3A_752 = arith.index_cast %get3A_751 : i32 to index
      %get3A_753 = arith.index_cast %add3A_750 : i32 to index
      %get3A_754 = arith.constant 0 : index
      %get3A_755 = tpu.vector_load %arg6[%get3A_752, %get3A_753, %get3A_754] {strides = array<i32>} : memref<3x200x128xf32, #tpu.memory_space<vmem>>, vector<1x1x16xf32>,
      %get3A_756 = vector.shape_cast %get3A_755 : vector<1x1x16xf32> to vector<16xf32>
      %add3A_757 = arith.addf %add3A_697, %get3A_756 : vector<16xf32>
      %get3A_758 = arith.constant 1 : i32
      %get3A_759 = arith.index_cast %get3A_758 : i32 to index
      %get3A_760 = arith.index_cast %add3A_750 : i32 to index
      %get3A_761 = arith.constant 16 : index
      %get3A_762 = tpu.vector_load %arg6[%get3A_759, %get3A_760, %get3A_761] {strides = array<i32>} : memref<3x200x128xf32, #tpu.memory_space<vmem>>, vector<1x1x16xf32>,
      %get3A_763 = vector.shape_cast %get3A_762 : vector<1x1x16xf32> to vector<16xf32>
      %add3A_764 = arith.addf %add3A_704, %get3A_763 : vector<16xf32>
      %get3A_765 = arith.constant 1 : i32
      %get3A_766 = arith.index_cast %get3A_765 : i32 to index
      %get3A_767 = arith.index_cast %add3A_750 : i32 to index
      %get3A_768 = arith.constant 32 : index
      %get3A_769 = tpu.vector_load %arg6[%get3A_766, %get3A_767, %get3A_768] {strides = array<i32>} : memref<3x200x128xf32, #tpu.memory_space<vmem>>, vector<1x1x16xf32>,
      %get3A_770 = vector.shape_cast %get3A_769 : vector<1x1x16xf32> to vector<16xf32>
      %add3A_771 = arith.addf %add3A_711, %get3A_770 : vector<16xf32>
      %get3A_772 = arith.constant 1 : i32
      %get3A_773 = arith.index_cast %get3A_772 : i32 to index
      %get3A_774 = arith.index_cast %add3A_750 : i32 to index
      %get3A_775 = arith.constant 48 : index
      %get3A_776 = tpu.vector_load %arg6[%get3A_773, %get3A_774, %get3A_775] {strides = array<i32>} : memref<3x200x128xf32, #tpu.memory_space<vmem>>, vector<1x1x16xf32>,
      %get3A_777 = vector.shape_cast %get3A_776 : vector<1x1x16xf32> to vector<16xf32>
      %add3A_778 = arith.addf %add3A_718, %get3A_777 : vector<16xf32>
      %get3A_779 = arith.constant 1 : i32
      %get3A_780 = arith.index_cast %get3A_779 : i32 to index
      %get3A_781 = arith.index_cast %add3A_750 : i32 to index
      %get3A_782 = arith.constant 64 : index
      %get3A_783 = tpu.vector_load %arg6[%get3A_780, %get3A_781, %get3A_782] {strides = array<i32>} : memref<3x200x128xf32, #tpu.memory_space<vmem>>, vector<1x1x16xf32>,
      %get3A_784 = vector.shape_cast %get3A_783 : vector<1x1x16xf32> to vector<16xf32>
      %add3A_785 = arith.addf %add3A_725, %get3A_784 : vector<16xf32>
      %get3A_786 = arith.constant 1 : i32
      %get3A_787 = arith.index_cast %get3A_786 : i32 to index
      %get3A_788 = arith.index_cast %add3A_750 : i32 to index
      %get3A_789 = arith.constant 80 : index
      %get3A_790 = tpu.vector_load %arg6[%get3A_787, %get3A_788, %get3A_789] {strides = array<i32>} : memref<3x200x128xf32, #tpu.memory_space<vmem>>, vector<1x1x16xf32>,
      %get3A_791 = vector.shape_cast %get3A_790 : vector<1x1x16xf32> to vector<16xf32>
      %add3A_792 = arith.addf %add3A_732, %get3A_791 : vector<16xf32>
      %get3A_793 = arith.constant 1 : i32
      %get3A_794 = arith.index_cast %get3A_793 : i32 to index
      %get3A_795 = arith.index_cast %add3A_750 : i32 to index
      %get3A_796 = arith.constant 96 : index
      %get3A_797 = tpu.vector_load %arg6[%get3A_794, %get3A_795, %get3A_796] {strides = array<i32>} : memref<3x200x128xf32, #tpu.memory_space<vmem>>, vector<1x1x16xf32>,
      %get3A_798 = vector.shape_cast %get3A_797 : vector<1x1x16xf32> to vector<16xf32>
      %add3A_799 = arith.addf %add3A_739, %get3A_798 : vector<16xf32>
      %get3A_800 = arith.constant 1 : i32
      %get3A_801 = arith.index_cast %get3A_800 : i32 to index
      %get3A_802 = arith.index_cast %add3A_750 : i32 to index
      %get3A_803 = arith.constant 112 : index
      %get3A_804 = tpu.vector_load %arg6[%get3A_801, %get3A_802, %get3A_803] {strides = array<i32>} : memref<3x200x128xf32, #tpu.memory_space<vmem>>, vector<1x1x16xf32>,
      %get3A_805 = vector.shape_cast %get3A_804 : vector<1x1x16xf32> to vector<16xf32>
      %add3A_806 = arith.addf %add3A_746, %get3A_805 : vector<16xf32>
      %mul3A_807 = arith.constant 8 : i32
      %mul3A_808 = arith.muli %scan3A_559, %mul3A_807 : i32
      %add3A_809 = arith.constant 4 : i32
      %add3A_810 = arith.addi %mul3A_808, %add3A_809 : i32
      %get3A_811 = arith.constant 1 : i32
      %get3A_812 = arith.index_cast %get3A_811 : i32 to index
      %get3A_813 = arith.index_cast %add3A_810 : i32 to index
      %get3A_814 = arith.constant 0 : index
      %get3A_815 = tpu.vector_load %arg6[%get3A_812, %get3A_813, %get3A_814] {strides = array<i32>} : memref<3x200x128xf32, #tpu.memory_space<vmem>>, vector<1x1x16xf32>,
      %get3A_816 = vector.shape_cast %get3A_815 : vector<1x1x16xf32> to vector<16xf32>
      %add3A_817 = arith.addf %add3A_757, %get3A_816 : vector<16xf32>
      %get3A_818 = arith.constant 1 : i32
      %get3A_819 = arith.index_cast %get3A_818 : i32 to index
      %get3A_820 = arith.index_cast %add3A_810 : i32 to index
      %get3A_821 = arith.constant 16 : index
      %get3A_822 = tpu.vector_load %arg6[%get3A_819, %get3A_820, %get3A_821] {strides = array<i32>} : memref<3x200x128xf32, #tpu.memory_space<vmem>>, vector<1x1x16xf32>,
      %get3A_823 = vector.shape_cast %get3A_822 : vector<1x1x16xf32> to vector<16xf32>
      %add3A_824 = arith.addf %add3A_764, %get3A_823 : vector<16xf32>
      %get3A_825 = arith.constant 1 : i32
      %get3A_826 = arith.index_cast %get3A_825 : i32 to index
      %get3A_827 = arith.index_cast %add3A_810 : i32 to index
      %get3A_828 = arith.constant 32 : index
      %get3A_829 = tpu.vector_load %arg6[%get3A_826, %get3A_827, %get3A_828] {strides = array<i32>} : memref<3x200x128xf32, #tpu.memory_space<vmem>>, vector<1x1x16xf32>,
      %get3A_830 = vector.shape_cast %get3A_829 : vector<1x1x16xf32> to vector<16xf32>
      %add3A_831 = arith.addf %add3A_771, %get3A_830 : vector<16xf32>
      %get3A_832 = arith.constant 1 : i32
      %get3A_833 = arith.index_cast %get3A_832 : i32 to index
      %get3A_834 = arith.index_cast %add3A_810 : i32 to index
      %get3A_835 = arith.constant 48 : index
      %get3A_836 = tpu.vector_load %arg6[%get3A_833, %get3A_834, %get3A_835] {strides = array<i32>} : memref<3x200x128xf32, #tpu.memory_space<vmem>>, vector<1x1x16xf32>,
      %get3A_837 = vector.shape_cast %get3A_836 : vector<1x1x16xf32> to vector<16xf32>
      %add3A_838 = arith.addf %add3A_778, %get3A_837 : vector<16xf32>
      %get3A_839 = arith.constant 1 : i32
      %get3A_840 = arith.index_cast %get3A_839 : i32 to index
      %get3A_841 = arith.index_cast %add3A_810 : i32 to index
      %get3A_842 = arith.constant 64 : index
      %get3A_843 = tpu.vector_load %arg6[%get3A_840, %get3A_841, %get3A_842] {strides = array<i32>} : memref<3x200x128xf32, #tpu.memory_space<vmem>>, vector<1x1x16xf32>,
      %get3A_844 = vector.shape_cast %get3A_843 : vector<1x1x16xf32> to vector<16xf32>
      %add3A_845 = arith.addf %add3A_785, %get3A_844 : vector<16xf32>
      %get3A_846 = arith.constant 1 : i32
      %get3A_847 = arith.index_cast %get3A_846 : i32 to index
      %get3A_848 = arith.index_cast %add3A_810 : i32 to index
      %get3A_849 = arith.constant 80 : index
      %get3A_850 = tpu.vector_load %arg6[%get3A_847, %get3A_848, %get3A_849] {strides = array<i32>} : memref<3x200x128xf32, #tpu.memory_space<vmem>>, vector<1x1x16xf32>,
      %get3A_851 = vector.shape_cast %get3A_850 : vector<1x1x16xf32> to vector<16xf32>
      %add3A_852 = arith.addf %add3A_792, %get3A_851 : vector<16xf32>
      %get3A_853 = arith.constant 1 : i32
      %get3A_854 = arith.index_cast %get3A_853 : i32 to index
      %get3A_855 = arith.index_cast %add3A_810 : i32 to index
      %get3A_856 = arith.constant 96 : index
      %get3A_857 = tpu.vector_load %arg6[%get3A_854, %get3A_855, %get3A_856] {strides = array<i32>} : memref<3x200x128xf32, #tpu.memory_space<vmem>>, vector<1x1x16xf32>,
      %get3A_858 = vector.shape_cast %get3A_857 : vector<1x1x16xf32> to vector<16xf32>
      %add3A_859 = arith.addf %add3A_799, %get3A_858 : vector<16xf32>
      %get3A_860 = arith.constant 1 : i32
      %get3A_861 = arith.index_cast %get3A_860 : i32 to index
      %get3A_862 = arith.index_cast %add3A_810 : i32 to index
      %get3A_863 = arith.constant 112 : index
      %get3A_864 = tpu.vector_load %arg6[%get3A_861, %get3A_862, %get3A_863] {strides = array<i32>} : memref<3x200x128xf32, #tpu.memory_space<vmem>>, vector<1x1x16xf32>,
      %get3A_865 = vector.shape_cast %get3A_864 : vector<1x1x16xf32> to vector<16xf32>
      %add3A_866 = arith.addf %add3A_806, %get3A_865 : vector<16xf32>
      %mul3A_867 = arith.constant 8 : i32
      %mul3A_868 = arith.muli %scan3A_559, %mul3A_867 : i32
      %add3A_869 = arith.constant 5 : i32
      %add3A_870 = arith.addi %mul3A_868, %add3A_869 : i32
      %get3A_871 = arith.constant 1 : i32
      %get3A_872 = arith.index_cast %get3A_871 : i32 to index
      %get3A_873 = arith.index_cast %add3A_870 : i32 to index
      %get3A_874 = arith.constant 0 : index
      %get3A_875 = tpu.vector_load %arg6[%get3A_872, %get3A_873, %get3A_874] {strides = array<i32>} : memref<3x200x128xf32, #tpu.memory_space<vmem>>, vector<1x1x16xf32>,
      %get3A_876 = vector.shape_cast %get3A_875 : vector<1x1x16xf32> to vector<16xf32>
      %add3A_877 = arith.addf %add3A_817, %get3A_876 : vector<16xf32>
      %get3A_878 = arith.constant 1 : i32
      %get3A_879 = arith.index_cast %get3A_878 : i32 to index
      %get3A_880 = arith.index_cast %add3A_870 : i32 to index
      %get3A_881 = arith.constant 16 : index
      %get3A_882 = tpu.vector_load %arg6[%get3A_879, %get3A_880, %get3A_881] {strides = array<i32>} : memref<3x200x128xf32, #tpu.memory_space<vmem>>, vector<1x1x16xf32>,
      %get3A_883 = vector.shape_cast %get3A_882 : vector<1x1x16xf32> to vector<16xf32>
      %add3A_884 = arith.addf %add3A_824, %get3A_883 : vector<16xf32>
      %get3A_885 = arith.constant 1 : i32
      %get3A_886 = arith.index_cast %get3A_885 : i32 to index
      %get3A_887 = arith.index_cast %add3A_870 : i32 to index
      %get3A_888 = arith.constant 32 : index
      %get3A_889 = tpu.vector_load %arg6[%get3A_886, %get3A_887, %get3A_888] {strides = array<i32>} : memref<3x200x128xf32, #tpu.memory_space<vmem>>, vector<1x1x16xf32>,
      %get3A_890 = vector.shape_cast %get3A_889 : vector<1x1x16xf32> to vector<16xf32>
      %add3A_891 = arith.addf %add3A_831, %get3A_890 : vector<16xf32>
      %get3A_892 = arith.constant 1 : i32
      %get3A_893 = arith.index_cast %get3A_892 : i32 to index
      %get3A_894 = arith.index_cast %add3A_870 : i32 to index
      %get3A_895 = arith.constant 48 : index
      %get3A_896 = tpu.vector_load %arg6[%get3A_893, %get3A_894, %get3A_895] {strides = array<i32>} : memref<3x200x128xf32, #tpu.memory_space<vmem>>, vector<1x1x16xf32>,
      %get3A_897 = vector.shape_cast %get3A_896 : vector<1x1x16xf32> to vector<16xf32>
      %add3A_898 = arith.addf %add3A_838, %get3A_897 : vector<16xf32>
      %get3A_899 = arith.constant 1 : i32
      %get3A_900 = arith.index_cast %get3A_899 : i32 to index
      %get3A_901 = arith.index_cast %add3A_870 : i32 to index
      %get3A_902 = arith.constant 64 : index
      %get3A_903 = tpu.vector_load %arg6[%get3A_900, %get3A_901, %get3A_902] {strides = array<i32>} : memref<3x200x128xf32, #tpu.memory_space<vmem>>, vector<1x1x16xf32>,
      %get3A_904 = vector.shape_cast %get3A_903 : vector<1x1x16xf32> to vector<16xf32>
      %add3A_905 = arith.addf %add3A_845, %get3A_904 : vector<16xf32>
      %get3A_906 = arith.constant 1 : i32
      %get3A_907 = arith.index_cast %get3A_906 : i32 to index
      %get3A_908 = arith.index_cast %add3A_870 : i32 to index
      %get3A_909 = arith.constant 80 : index
      %get3A_910 = tpu.vector_load %arg6[%get3A_907, %get3A_908, %get3A_909] {strides = array<i32>} : memref<3x200x128xf32, #tpu.memory_space<vmem>>, vector<1x1x16xf32>,
      %get3A_911 = vector.shape_cast %get3A_910 : vector<1x1x16xf32> to vector<16xf32>
      %add3A_912 = arith.addf %add3A_852, %get3A_911 : vector<16xf32>
      %get3A_913 = arith.constant 1 : i32
      %get3A_914 = arith.index_cast %get3A_913 : i32 to index
      %get3A_915 = arith.index_cast %add3A_870 : i32 to index
      %get3A_916 = arith.constant 96 : index
      %get3A_917 = tpu.vector_load %arg6[%get3A_914, %get3A_915, %get3A_916] {strides = array<i32>} : memref<3x200x128xf32, #tpu.memory_space<vmem>>, vector<1x1x16xf32>,
      %get3A_918 = vector.shape_cast %get3A_917 : vector<1x1x16xf32> to vector<16xf32>
      %add3A_919 = arith.addf %add3A_859, %get3A_918 : vector<16xf32>
      %get3A_920 = arith.constant 1 : i32
      %get3A_921 = arith.index_cast %get3A_920 : i32 to index
      %get3A_922 = arith.index_cast %add3A_870 : i32 to index
      %get3A_923 = arith.constant 112 : index
      %get3A_924 = tpu.vector_load %arg6[%get3A_921, %get3A_922, %get3A_923] {strides = array<i32>} : memref<3x200x128xf32, #tpu.memory_space<vmem>>, vector<1x1x16xf32>,
      %get3A_925 = vector.shape_cast %get3A_924 : vector<1x1x16xf32> to vector<16xf32>
      %add3A_926 = arith.addf %add3A_866, %get3A_925 : vector<16xf32>
      %mul3A_927 = arith.constant 8 : i32
      %mul3A_928 = arith.muli %scan3A_559, %mul3A_927 : i32
      %add3A_929 = arith.constant 6 : i32
      %add3A_930 = arith.addi %mul3A_928, %add3A_929 : i32
      %get3A_931 = arith.constant 1 : i32
      %get3A_932 = arith.index_cast %get3A_931 : i32 to index
      %get3A_933 = arith.index_cast %add3A_930 : i32 to index
      %get3A_934 = arith.constant 0 : index
      %get3A_935 = tpu.vector_load %arg6[%get3A_932, %get3A_933, %get3A_934] {strides = array<i32>} : memref<3x200x128xf32, #tpu.memory_space<vmem>>, vector<1x1x16xf32>,
      %get3A_936 = vector.shape_cast %get3A_935 : vector<1x1x16xf32> to vector<16xf32>
      %add3A_937 = arith.addf %add3A_877, %get3A_936 : vector<16xf32>
      %get3A_938 = arith.constant 1 : i32
      %get3A_939 = arith.index_cast %get3A_938 : i32 to index
      %get3A_940 = arith.index_cast %add3A_930 : i32 to index
      %get3A_941 = arith.constant 16 : index
      %get3A_942 = tpu.vector_load %arg6[%get3A_939, %get3A_940, %get3A_941] {strides = array<i32>} : memref<3x200x128xf32, #tpu.memory_space<vmem>>, vector<1x1x16xf32>,
      %get3A_943 = vector.shape_cast %get3A_942 : vector<1x1x16xf32> to vector<16xf32>
      %add3A_944 = arith.addf %add3A_884, %get3A_943 : vector<16xf32>
      %get3A_945 = arith.constant 1 : i32
      %get3A_946 = arith.index_cast %get3A_945 : i32 to index
      %get3A_947 = arith.index_cast %add3A_930 : i32 to index
      %get3A_948 = arith.constant 32 : index
      %get3A_949 = tpu.vector_load %arg6[%get3A_946, %get3A_947, %get3A_948] {strides = array<i32>} : memref<3x200x128xf32, #tpu.memory_space<vmem>>, vector<1x1x16xf32>,
      %get3A_950 = vector.shape_cast %get3A_949 : vector<1x1x16xf32> to vector<16xf32>
      %add3A_951 = arith.addf %add3A_891, %get3A_950 : vector<16xf32>
      %get3A_952 = arith.constant 1 : i32
      %get3A_953 = arith.index_cast %get3A_952 : i32 to index
      %get3A_954 = arith.index_cast %add3A_930 : i32 to index
      %get3A_955 = arith.constant 48 : index
      %get3A_956 = tpu.vector_load %arg6[%get3A_953, %get3A_954, %get3A_955] {strides = array<i32>} : memref<3x200x128xf32, #tpu.memory_space<vmem>>, vector<1x1x16xf32>,
      %get3A_957 = vector.shape_cast %get3A_956 : vector<1x1x16xf32> to vector<16xf32>
      %add3A_958 = arith.addf %add3A_898, %get3A_957 : vector<16xf32>
      %get3A_959 = arith.constant 1 : i32
      %get3A_960 = arith.index_cast %get3A_959 : i32 to index
      %get3A_961 = arith.index_cast %add3A_930 : i32 to index
      %get3A_962 = arith.constant 64 : index
      %get3A_963 = tpu.vector_load %arg6[%get3A_960, %get3A_961, %get3A_962] {strides = array<i32>} : memref<3x200x128xf32, #tpu.memory_space<vmem>>, vector<1x1x16xf32>,
      %get3A_964 = vector.shape_cast %get3A_963 : vector<1x1x16xf32> to vector<16xf32>
      %add3A_965 = arith.addf %add3A_905, %get3A_964 : vector<16xf32>
      %get3A_966 = arith.constant 1 : i32
      %get3A_967 = arith.index_cast %get3A_966 : i32 to index
      %get3A_968 = arith.index_cast %add3A_930 : i32 to index
      %get3A_969 = arith.constant 80 : index
      %get3A_970 = tpu.vector_load %arg6[%get3A_967, %get3A_968, %get3A_969] {strides = array<i32>} : memref<3x200x128xf32, #tpu.memory_space<vmem>>, vector<1x1x16xf32>,
      %get3A_971 = vector.shape_cast %get3A_970 : vector<1x1x16xf32> to vector<16xf32>
      %add3A_972 = arith.addf %add3A_912, %get3A_971 : vector<16xf32>
      %get3A_973 = arith.constant 1 : i32
      %get3A_974 = arith.index_cast %get3A_973 : i32 to index
      %get3A_975 = arith.index_cast %add3A_930 : i32 to index
      %get3A_976 = arith.constant 96 : index
      %get3A_977 = tpu.vector_load %arg6[%get3A_974, %get3A_975, %get3A_976] {strides = array<i32>} : memref<3x200x128xf32, #tpu.memory_space<vmem>>, vector<1x1x16xf32>,
      %get3A_978 = vector.shape_cast %get3A_977 : vector<1x1x16xf32> to vector<16xf32>
      %add3A_979 = arith.addf %add3A_919, %get3A_978 : vector<16xf32>
      %get3A_980 = arith.constant 1 : i32
      %get3A_981 = arith.index_cast %get3A_980 : i32 to index
      %get3A_982 = arith.index_cast %add3A_930 : i32 to index
      %get3A_983 = arith.constant 112 : index
      %get3A_984 = tpu.vector_load %arg6[%get3A_981, %get3A_982, %get3A_983] {strides = array<i32>} : memref<3x200x128xf32, #tpu.memory_space<vmem>>, vector<1x1x16xf32>,
      %get3A_985 = vector.shape_cast %get3A_984 : vector<1x1x16xf32> to vector<16xf32>
      %add3A_986 = arith.addf %add3A_926, %get3A_985 : vector<16xf32>
      %mul3A_987 = arith.constant 8 : i32
      %mul3A_988 = arith.muli %scan3A_559, %mul3A_987 : i32
      %add3A_989 = arith.constant 7 : i32
      %add3A_990 = arith.addi %mul3A_988, %add3A_989 : i32
      %get3A_991 = arith.constant 1 : i32
      %get3A_992 = arith.index_cast %get3A_991 : i32 to index
      %get3A_993 = arith.index_cast %add3A_990 : i32 to index
      %get3A_994 = arith.constant 0 : index
      %get3A_995 = tpu.vector_load %arg6[%get3A_992, %get3A_993, %get3A_994] {strides = array<i32>} : memref<3x200x128xf32, #tpu.memory_space<vmem>>, vector<1x1x16xf32>,
      %get3A_996 = vector.shape_cast %get3A_995 : vector<1x1x16xf32> to vector<16xf32>
      %add3A_997 = arith.addf %add3A_937, %get3A_996 : vector<16xf32>
      %get3A_998 = arith.constant 1 : i32
      %get3A_999 = arith.index_cast %get3A_998 : i32 to index
      %get3A_1000 = arith.index_cast %add3A_990 : i32 to index
      %get3A_1001 = arith.constant 16 : index
      %get3A_1002 = tpu.vector_load %arg6[%get3A_999, %get3A_1000, %get3A_1001] {strides = array<i32>} : memref<3x200x128xf32, #tpu.memory_space<vmem>>, vector<1x1x16xf32>,
      %get3A_1003 = vector.shape_cast %get3A_1002 : vector<1x1x16xf32> to vector<16xf32>
      %add3A_1004 = arith.addf %add3A_944, %get3A_1003 : vector<16xf32>
      %get3A_1005 = arith.constant 1 : i32
      %get3A_1006 = arith.index_cast %get3A_1005 : i32 to index
      %get3A_1007 = arith.index_cast %add3A_990 : i32 to index
      %get3A_1008 = arith.constant 32 : index
      %get3A_1009 = tpu.vector_load %arg6[%get3A_1006, %get3A_1007, %get3A_1008] {strides = array<i32>} : memref<3x200x128xf32, #tpu.memory_space<vmem>>, vector<1x1x16xf32>,
      %get3A_1010 = vector.shape_cast %get3A_1009 : vector<1x1x16xf32> to vector<16xf32>
      %add3A_1011 = arith.addf %add3A_951, %get3A_1010 : vector<16xf32>
      %get3A_1012 = arith.constant 1 : i32
      %get3A_1013 = arith.index_cast %get3A_1012 : i32 to index
      %get3A_1014 = arith.index_cast %add3A_990 : i32 to index
      %get3A_1015 = arith.constant 48 : index
      %get3A_1016 = tpu.vector_load %arg6[%get3A_1013, %get3A_1014, %get3A_1015] {strides = array<i32>} : memref<3x200x128xf32, #tpu.memory_space<vmem>>, vector<1x1x16xf32>,
      %get3A_1017 = vector.shape_cast %get3A_1016 : vector<1x1x16xf32> to vector<16xf32>
      %add3A_1018 = arith.addf %add3A_958, %get3A_1017 : vector<16xf32>
      %get3A_1019 = arith.constant 1 : i32
      %get3A_1020 = arith.index_cast %get3A_1019 : i32 to index
      %get3A_1021 = arith.index_cast %add3A_990 : i32 to index
      %get3A_1022 = arith.constant 64 : index
      %get3A_1023 = tpu.vector_load %arg6[%get3A_1020, %get3A_1021, %get3A_1022] {strides = array<i32>} : memref<3x200x128xf32, #tpu.memory_space<vmem>>, vector<1x1x16xf32>,
      %get3A_1024 = vector.shape_cast %get3A_1023 : vector<1x1x16xf32> to vector<16xf32>
      %add3A_1025 = arith.addf %add3A_965, %get3A_1024 : vector<16xf32>
      %get3A_1026 = arith.constant 1 : i32
      %get3A_1027 = arith.index_cast %get3A_1026 : i32 to index
      %get3A_1028 = arith.index_cast %add3A_990 : i32 to index
      %get3A_1029 = arith.constant 80 : index
      %get3A_1030 = tpu.vector_load %arg6[%get3A_1027, %get3A_1028, %get3A_1029] {strides = array<i32>} : memref<3x200x128xf32, #tpu.memory_space<vmem>>, vector<1x1x16xf32>,
      %get3A_1031 = vector.shape_cast %get3A_1030 : vector<1x1x16xf32> to vector<16xf32>
      %add3A_1032 = arith.addf %add3A_972, %get3A_1031 : vector<16xf32>
      %get3A_1033 = arith.constant 1 : i32
      %get3A_1034 = arith.index_cast %get3A_1033 : i32 to index
      %get3A_1035 = arith.index_cast %add3A_990 : i32 to index
      %get3A_1036 = arith.constant 96 : index
      %get3A_1037 = tpu.vector_load %arg6[%get3A_1034, %get3A_1035, %get3A_1036] {strides = array<i32>} : memref<3x200x128xf32, #tpu.memory_space<vmem>>, vector<1x1x16xf32>,
      %get3A_1038 = vector.shape_cast %get3A_1037 : vector<1x1x16xf32> to vector<16xf32>
      %add3A_1039 = arith.addf %add3A_979, %get3A_1038 : vector<16xf32>
      %get3A_1040 = arith.constant 1 : i32
      %get3A_1041 = arith.index_cast %get3A_1040 : i32 to index
      %get3A_1042 = arith.index_cast %add3A_990 : i32 to index
      %get3A_1043 = arith.constant 112 : index
      %get3A_1044 = tpu.vector_load %arg6[%get3A_1041, %get3A_1042, %get3A_1043] {strides = array<i32>} : memref<3x200x128xf32, #tpu.memory_space<vmem>>, vector<1x1x16xf32>,
      %get3A_1045 = vector.shape_cast %get3A_1044 : vector<1x1x16xf32> to vector<16xf32>
      %add3A_1046 = arith.addf %add3A_986, %get3A_1045 : vector<16xf32>
      scf.yield %add3A_997, %add3A_1004, %add3A_1011, %add3A_1018, %add3A_1025, %add3A_1032, %add3A_1039, %add3A_1046 : vector<16xf32>, vector<16xf32>, vector<16xf32>, vector<16xf32>, vector<16xf32>, vector<16xf32>, vector<16xf32>, vector<16xf32>
    }
    %scan3A_229 = arith.constant 25 : i32
    %swap3A_230 = arith.constant 124 : i32
    %swap3A_231 = arith.index_cast %swap3A_230 : i32 to index
    %swap3A_232 = arith.constant 0 : index
    %swap3A_233 = tpu.vector_load %arg7[%swap3A_231, %swap3A_232] {strides = array<i32>} : memref<128x128xf32, #tpu.memory_space<vmem>>, vector<1x16xf32>,
    %swap3A_234 = vector.shape_cast %swap3A_233 : vector<1x16xf32> to vector<16xf32>
    %swap3A_235 = vector.shape_cast %scan3A_228#0 : vector<16xf32> to vector<1x16xf32>
    tpu.vector_store %arg7[%swap3A_231, %swap3A_232], %swap3A_235 {strides = array<i32>} : memref<128x128xf32, #tpu.memory_space<vmem>>, vector<1x16xf32>,
    %swap3A_236 = arith.constant 124 : i32
    %swap3A_237 = arith.index_cast %swap3A_236 : i32 to index
    %swap3A_238 = arith.constant 16 : index
    %swap3A_239 = tpu.vector_load %arg7[%swap3A_237, %swap3A_238] {strides = array<i32>} : memref<128x128xf32, #tpu.memory_space<vmem>>, vector<1x16xf32>,
    %swap3A_240 = vector.shape_cast %swap3A_239 : vector<1x16xf32> to vector<16xf32>
    %swap3A_241 = vector.shape_cast %scan3A_228#1 : vector<16xf32> to vector<1x16xf32>
    tpu.vector_store %arg7[%swap3A_237, %swap3A_238], %swap3A_241 {strides = array<i32>} : memref<128x128xf32, #tpu.memory_space<vmem>>, vector<1x16xf32>,
    %swap3A_242 = arith.constant 124 : i32
    %swap3A_243 = arith.index_cast %swap3A_242 : i32 to index
    %swap3A_244 = arith.constant 32 : index
    %swap3A_245 = tpu.vector_load %arg7[%swap3A_243, %swap3A_244] {strides = array<i32>} : memref<128x128xf32, #tpu.memory_space<vmem>>, vector<1x16xf32>,
    %swap3A_246 = vector.shape_cast %swap3A_245 : vector<1x16xf32> to vector<16xf32>
    %swap3A_247 = vector.shape_cast %scan3A_228#2 : vector<16xf32> to vector<1x16xf32>
    tpu.vector_store %arg7[%swap3A_243, %swap3A_244], %swap3A_247 {strides = array<i32>} : memref<128x128xf32, #tpu.memory_space<vmem>>, vector<1x16xf32>,
    %swap3A_248 = arith.constant 124 : i32
    %swap3A_249 = arith.index_cast %swap3A_248 : i32 to index
    %swap3A_250 = arith.constant 48 : index
    %swap3A_251 = tpu.vector_load %arg7[%swap3A_249, %swap3A_250] {strides = array<i32>} : memref<128x128xf32, #tpu.memory_space<vmem>>, vector<1x16xf32>,
    %swap3A_252 = vector.shape_cast %swap3A_251 : vector<1x16xf32> to vector<16xf32>
    %swap3A_253 = vector.shape_cast %scan3A_228#3 : vector<16xf32> to vector<1x16xf32>
    tpu.vector_store %arg7[%swap3A_249, %swap3A_250], %swap3A_253 {strides = array<i32>} : memref<128x128xf32, #tpu.memory_space<vmem>>, vector<1x16xf32>,
    %swap3A_254 = arith.constant 124 : i32
    %swap3A_255 = arith.index_cast %swap3A_254 : i32 to index
    %swap3A_256 = arith.constant 64 : index
    %swap3A_257 = tpu.vector_load %arg7[%swap3A_255, %swap3A_256] {strides = array<i32>} : memref<128x128xf32, #tpu.memory_space<vmem>>, vector<1x16xf32>,
    %swap3A_258 = vector.shape_cast %swap3A_257 : vector<1x16xf32> to vector<16xf32>
    %swap3A_259 = vector.shape_cast %scan3A_228#4 : vector<16xf32> to vector<1x16xf32>
    tpu.vector_store %arg7[%swap3A_255, %swap3A_256], %swap3A_259 {strides = array<i32>} : memref<128x128xf32, #tpu.memory_space<vmem>>, vector<1x16xf32>,
    %swap3A_260 = arith.constant 124 : i32
    %swap3A_261 = arith.index_cast %swap3A_260 : i32 to index
    %swap3A_262 = arith.constant 80 : index
    %swap3A_263 = tpu.vector_load %arg7[%swap3A_261, %swap3A_262] {strides = array<i32>} : memref<128x128xf32, #tpu.memory_space<vmem>>, vector<1x16xf32>,
    %swap3A_264 = vector.shape_cast %swap3A_263 : vector<1x16xf32> to vector<16xf32>
    %swap3A_265 = vector.shape_cast %scan3A_228#5 : vector<16xf32> to vector<1x16xf32>
    tpu.vector_store %arg7[%swap3A_261, %swap3A_262], %swap3A_265 {strides = array<i32>} : memref<128x128xf32, #tpu.memory_space<vmem>>, vector<1x16xf32>,
    %swap3A_266 = arith.constant 124 : i32
    %swap3A_267 = arith.index_cast %swap3A_266 : i32 to index
    %swap3A_268 = arith.constant 96 : index
    %swap3A_269 = tpu.vector_load %arg7[%swap3A_267, %swap3A_268] {strides = array<i32>} : memref<128x128xf32, #tpu.memory_space<vmem>>, vector<1x16xf32>,
    %swap3A_270 = vector.shape_cast %swap3A_269 : vector<1x16xf32> to vector<16xf32>
    %swap3A_271 = vector.shape_cast %scan3A_228#6 : vector<16xf32> to vector<1x16xf32>
    tpu.vector_store %arg7[%swap3A_267, %swap3A_268], %swap3A_271 {strides = array<i32>} : memref<128x128xf32, #tpu.memory_space<vmem>>, vector<1x16xf32>,
    %swap3A_272 = arith.constant 124 : i32
    %swap3A_273 = arith.index_cast %swap3A_272 : i32 to index
    %swap3A_274 = arith.constant 112 : index
    %swap3A_275 = tpu.vector_load %arg7[%swap3A_273, %swap3A_274] {strides = array<i32>} : memref<128x128xf32, #tpu.memory_space<vmem>>, vector<1x16xf32>,
    %swap3A_276 = vector.shape_cast %swap3A_275 : vector<1x16xf32> to vector<16xf32>
    %swap3A_277 = vector.shape_cast %scan3A_228#7 : vector<16xf32> to vector<1x16xf32>
    tpu.vector_store %arg7[%swap3A_273, %swap3A_274], %swap3A_277 {strides = array<i32>} : memref<128x128xf32, #tpu.memory_space<vmem>>, vector<1x16xf32>,
    %dma_start3A_278 = arith.constant 127 : i32
    %dma_start3A_279 = arith.constant 0 : i32
    %dma_start3A_280 = arith.constant 1 : i32
    %dma_start3A_281 = arith.constant 0 : i32
    %dma_start3A_282 = arith.constant 0 : i32
    %dma_start3A_283 = tpu.memref_slice %arg6[%dma_start3A_280, %dma_start3A_281, %dma_start3A_282] : memref<3x200x128xf32, #tpu.memory_space<vmem>> -> memref<1x100x128xf32, #tpu.memory_space<vmem>>
    %dma_start3A_284 = tpu.memref_squeeze %dma_start3A_283 : memref<1x100x128xf32, #tpu.memory_space<vmem>> -> memref<100x128xf32, #tpu.memory_space<vmem>>
    %dma_start3A_285 = arith.constant 0 : i32
    %dma_start3A_286 = tpu.memref_slice %arg5[%dma_start3A_278, %dma_start3A_279, %dma_start3A_285] : memref<128x2x100xi32, #tpu.memory_space<vmem>> -> memref<1x1x100xi32, #tpu.memory_space<vmem>>
    %dma_start3A_287 = tpu.memref_squeeze %dma_start3A_286 : memref<1x1x100xi32, #tpu.memory_space<vmem>> -> memref<100xi32, #tpu.memory_space<vmem>>
    %dma_start3A_288 = arith.constant 0 : i32
    %dma_start3A_289 = arith.constant 0 : i32
    %dma_start3A_290 = tpu.memref_slice %arg3[%dma_start3A_288, %dma_start3A_289] : memref<100000x128xf32, #tpu.memory_space<hbm>> -> memref<100000x128xf32, #tpu.memory_space<hbm>>
    tpu.enqueue_indirect_dma source(%dma_start3A_290 : memref<100000x128xf32, #tpu.memory_space<hbm>>) target(%dma_start3A_284 : memref<100x128xf32, #tpu.memory_space<vmem>>) offsets(%dma_start3A_287 : memref<100xi32, #tpu.memory_space<vmem>>) semaphore(%arg9 : memref<!tpu.dma_semaphore, #tpu.memory_space<semaphore_mem>>)
    %dma_start3A_291 = arith.constant 127 : i32
    %dma_start3A_292 = arith.constant 1 : i32
    %dma_start3A_293 = arith.constant 1 : i32
    %dma_start3A_294 = arith.constant 100 : i32
    %dma_start3A_295 = arith.constant 0 : i32
    %dma_start3A_296 = tpu.memref_slice %arg6[%dma_start3A_293, %dma_start3A_294, %dma_start3A_295] : memref<3x200x128xf32, #tpu.memory_space<vmem>> -> memref<1x100x128xf32, #tpu.memory_space<vmem>>
    %dma_start3A_297 = tpu.memref_squeeze %dma_start3A_296 : memref<1x100x128xf32, #tpu.memory_space<vmem>> -> memref<100x128xf32, #tpu.memory_space<vmem>>
    %dma_start3A_298 = arith.constant 0 : i32
    %dma_start3A_299 = tpu.memref_slice %arg5[%dma_start3A_291, %dma_start3A_292, %dma_start3A_298] : memref<128x2x100xi32, #tpu.memory_space<vmem>> -> memref<1x1x100xi32, #tpu.memory_space<vmem>>
    %dma_start3A_300 = tpu.memref_squeeze %dma_start3A_299 : memref<1x1x100xi32, #tpu.memory_space<vmem>> -> memref<100xi32, #tpu.memory_space<vmem>>
    %dma_start3A_301 = arith.constant 0 : i32
    %dma_start3A_302 = arith.constant 0 : i32
    %dma_start3A_303 = tpu.memref_slice %arg3[%dma_start3A_301, %dma_start3A_302] : memref<100000x128xf32, #tpu.memory_space<hbm>> -> memref<100000x128xf32, #tpu.memory_space<hbm>>
    tpu.enqueue_indirect_dma source(%dma_start3A_303 : memref<100000x128xf32, #tpu.memory_space<hbm>>) target(%dma_start3A_297 : memref<100x128xf32, #tpu.memory_space<vmem>>) offsets(%dma_start3A_300 : memref<100xi32, #tpu.memory_space<vmem>>) semaphore(%arg9 : memref<!tpu.dma_semaphore, #tpu.memory_space<semaphore_mem>>)
    %dma_wait3A_304 = arith.constant 2 : i32
    %dma_wait3A_305 = arith.constant 0 : i32
    %dma_wait3A_306 = arith.constant 0 : i32
    %dma_wait3A_307 = tpu.memref_slice %arg6[%dma_wait3A_304, %dma_wait3A_305, %dma_wait3A_306] : memref<3x200x128xf32, #tpu.memory_space<vmem>> -> memref<1x200x128xf32, #tpu.memory_space<vmem>>
    %dma_wait3A_308 = tpu.memref_squeeze %dma_wait3A_307 : memref<1x200x128xf32, #tpu.memory_space<vmem>> -> memref<200x128xf32, #tpu.memory_space<vmem>>
    %dma_wait3A_309 = arith.constant 0 : i32
    %dma_wait3A_310 = arith.constant 0 : i32
    %dma_wait3A_311 = tpu.memref_slice %arg3[%dma_wait3A_309, %dma_wait3A_310] : memref<100000x128xf32, #tpu.memory_space<hbm>> -> memref<200x128xf32, #tpu.memory_space<hbm>>
    %dma_wait3A_312 = arith.constant 0 : i32
    %dma_wait3A_313 = arith.constant 0 : i32
    %dma_wait3A_314 = tpu.memref_slice %arg6[%dma_wait3A_304, %dma_wait3A_312, %dma_wait3A_313] : memref<3x200x128xf32, #tpu.memory_space<vmem>> -> memref<1x200x128xf32, #tpu.memory_space<vmem>>
    %dma_wait3A_315 = tpu.memref_squeeze %dma_wait3A_314 : memref<1x200x128xf32, #tpu.memory_space<vmem>> -> memref<200x128xf32, #tpu.memory_space<vmem>>
    %dma_wait3A_316 = arith.constant 0 : i32
    %dma_wait3A_317 = arith.constant 0 : i32
    %dma_wait3A_318 = tpu.memref_slice %arg3[%dma_wait3A_316, %dma_wait3A_317] : memref<100000x128xf32, #tpu.memory_space<hbm>> -> memref<200x128xf32, #tpu.memory_space<hbm>>
    tpu.wait_dma2 semaphore(%arg10 : memref<!tpu.dma_semaphore, #tpu.memory_space<semaphore_mem>>) src(%dma_wait3A_318 : memref<200x128xf32, #tpu.memory_space<hbm>>) dst(%dma_wait3A_315 : memref<200x128xf32, #tpu.memory_space<vmem>>)
    %broadcast_in_dim3A_319 = arith.constant 0.000000e+00 : f32
    %broadcast_in_dim3A_320 = vector.broadcast %broadcast_in_dim3A_319 : f32 to vector<16xf32>
    %broadcast_in_dim3A_321 = arith.constant 0.000000e+00 : f32
    %broadcast_in_dim3A_322 = vector.broadcast %broadcast_in_dim3A_321 : f32 to vector<16xf32>
    %broadcast_in_dim3A_323 = arith.constant 0.000000e+00 : f32
    %broadcast_in_dim3A_324 = vector.broadcast %broadcast_in_dim3A_323 : f32 to vector<16xf32>
    %broadcast_in_dim3A_325 = arith.constant 0.000000e+00 : f32
    %broadcast_in_dim3A_326 = vector.broadcast %broadcast_in_dim3A_325 : f32 to vector<16xf32>
    %broadcast_in_dim3A_327 = arith.constant 0.000000e+00 : f32
    %broadcast_in_dim3A_328 = vector.broadcast %broadcast_in_dim3A_327 : f32 to vector<16xf32>
    %broadcast_in_dim3A_329 = arith.constant 0.000000e+00 : f32
    %broadcast_in_dim3A_330 = vector.broadcast %broadcast_in_dim3A_329 : f32 to vector<16xf32>
    %broadcast_in_dim3A_331 = arith.constant 0.000000e+00 : f32
    %broadcast_in_dim3A_332 = vector.broadcast %broadcast_in_dim3A_331 : f32 to vector<16xf32>
    %broadcast_in_dim3A_333 = arith.constant 0.000000e+00 : f32
    %broadcast_in_dim3A_334 = vector.broadcast %broadcast_in_dim3A_333 : f32 to vector<16xf32>
    %scan3A_335 = arith.constant 0 : i32
    %scan3A_336 = arith.constant 25 : i32
    %scan3A_337 = arith.addi %scan3A_335, %scan3A_336 : i32
    %scan3A_338 = arith.constant 1 : i32
    %scan3A_339:8 = scf.for %scan3A_559 = %scan3A_335 to %scan3A_337 step %scan3A_338 iter_args(%scan3A_560 = %broadcast_in_dim3A_320, %scan3A_561 = %broadcast_in_dim3A_322, %scan3A_562 = %broadcast_in_dim3A_324, %scan3A_563 = %broadcast_in_dim3A_326, %scan3A_564 = %broadcast_in_dim3A_328, %scan3A_565 = %broadcast_in_dim3A_330, %scan3A_566 = %broadcast_in_dim3A_332, %scan3A_567 = %broadcast_in_dim3A_334) -> (vector<16xf32>, vector<16xf32>, vector<16xf32>, vector<16xf32>, vector<16xf32>, vector<16xf32>, vector<16xf32>, vector<16xf32>)  : i32 {
      %mul3A_568 = arith.constant 8 : i32
      %mul3A_569 = arith.muli %scan3A_559, %mul3A_568 : i32
      %add3A_570 = arith.constant 0 : i32
      %add3A_571 = arith.addi %mul3A_569, %add3A_570 : i32
      %get3A = arith.constant 2 : i32
      %get3A_572 = arith.index_cast %get3A : i32 to index
      %get3A_573 = arith.index_cast %add3A_571 : i32 to index
      %get3A_574 = arith.constant 0 : index
      %get3A_575 = tpu.vector_load %arg6[%get3A_572, %get3A_573, %get3A_574] {strides = array<i32>} : memref<3x200x128xf32, #tpu.memory_space<vmem>>, vector<1x1x16xf32>,
      %get3A_576 = vector.shape_cast %get3A_575 : vector<1x1x16xf32> to vector<16xf32>
      %add3A_577 = arith.addf %scan3A_560, %get3A_576 : vector<16xf32>
      %get3A_578 = arith.constant 2 : i32
      %get3A_579 = arith.index_cast %get3A_578 : i32 to index
      %get3A_580 = arith.index_cast %add3A_571 : i32 to index
      %get3A_581 = arith.constant 16 : index
      %get3A_582 = tpu.vector_load %arg6[%get3A_579, %get3A_580, %get3A_581] {strides = array<i32>} : memref<3x200x128xf32, #tpu.memory_space<vmem>>, vector<1x1x16xf32>,
      %get3A_583 = vector.shape_cast %get3A_582 : vector<1x1x16xf32> to vector<16xf32>
      %add3A_584 = arith.addf %scan3A_561, %get3A_583 : vector<16xf32>
      %get3A_585 = arith.constant 2 : i32
      %get3A_586 = arith.index_cast %get3A_585 : i32 to index
      %get3A_587 = arith.index_cast %add3A_571 : i32 to index
      %get3A_588 = arith.constant 32 : index
      %get3A_589 = tpu.vector_load %arg6[%get3A_586, %get3A_587, %get3A_588] {strides = array<i32>} : memref<3x200x128xf32, #tpu.memory_space<vmem>>, vector<1x1x16xf32>,
      %get3A_590 = vector.shape_cast %get3A_589 : vector<1x1x16xf32> to vector<16xf32>
      %add3A_591 = arith.addf %scan3A_562, %get3A_590 : vector<16xf32>
      %get3A_592 = arith.constant 2 : i32
      %get3A_593 = arith.index_cast %get3A_592 : i32 to index
      %get3A_594 = arith.index_cast %add3A_571 : i32 to index
      %get3A_595 = arith.constant 48 : index
      %get3A_596 = tpu.vector_load %arg6[%get3A_593, %get3A_594, %get3A_595] {strides = array<i32>} : memref<3x200x128xf32, #tpu.memory_space<vmem>>, vector<1x1x16xf32>,
      %get3A_597 = vector.shape_cast %get3A_596 : vector<1x1x16xf32> to vector<16xf32>
      %add3A_598 = arith.addf %scan3A_563, %get3A_597 : vector<16xf32>
      %get3A_599 = arith.constant 2 : i32
      %get3A_600 = arith.index_cast %get3A_599 : i32 to index
      %get3A_601 = arith.index_cast %add3A_571 : i32 to index
      %get3A_602 = arith.constant 64 : index
      %get3A_603 = tpu.vector_load %arg6[%get3A_600, %get3A_601, %get3A_602] {strides = array<i32>} : memref<3x200x128xf32, #tpu.memory_space<vmem>>, vector<1x1x16xf32>,
      %get3A_604 = vector.shape_cast %get3A_603 : vector<1x1x16xf32> to vector<16xf32>
      %add3A_605 = arith.addf %scan3A_564, %get3A_604 : vector<16xf32>
      %get3A_606 = arith.constant 2 : i32
      %get3A_607 = arith.index_cast %get3A_606 : i32 to index
      %get3A_608 = arith.index_cast %add3A_571 : i32 to index
      %get3A_609 = arith.constant 80 : index
      %get3A_610 = tpu.vector_load %arg6[%get3A_607, %get3A_608, %get3A_609] {strides = array<i32>} : memref<3x200x128xf32, #tpu.memory_space<vmem>>, vector<1x1x16xf32>,
      %get3A_611 = vector.shape_cast %get3A_610 : vector<1x1x16xf32> to vector<16xf32>
      %add3A_612 = arith.addf %scan3A_565, %get3A_611 : vector<16xf32>
      %get3A_613 = arith.constant 2 : i32
      %get3A_614 = arith.index_cast %get3A_613 : i32 to index
      %get3A_615 = arith.index_cast %add3A_571 : i32 to index
      %get3A_616 = arith.constant 96 : index
      %get3A_617 = tpu.vector_load %arg6[%get3A_614, %get3A_615, %get3A_616] {strides = array<i32>} : memref<3x200x128xf32, #tpu.memory_space<vmem>>, vector<1x1x16xf32>,
      %get3A_618 = vector.shape_cast %get3A_617 : vector<1x1x16xf32> to vector<16xf32>
      %add3A_619 = arith.addf %scan3A_566, %get3A_618 : vector<16xf32>
      %get3A_620 = arith.constant 2 : i32
      %get3A_621 = arith.index_cast %get3A_620 : i32 to index
      %get3A_622 = arith.index_cast %add3A_571 : i32 to index
      %get3A_623 = arith.constant 112 : index
      %get3A_624 = tpu.vector_load %arg6[%get3A_621, %get3A_622, %get3A_623] {strides = array<i32>} : memref<3x200x128xf32, #tpu.memory_space<vmem>>, vector<1x1x16xf32>,
      %get3A_625 = vector.shape_cast %get3A_624 : vector<1x1x16xf32> to vector<16xf32>
      %add3A_626 = arith.addf %scan3A_567, %get3A_625 : vector<16xf32>
      %mul3A_627 = arith.constant 8 : i32
      %mul3A_628 = arith.muli %scan3A_559, %mul3A_627 : i32
      %add3A_629 = arith.constant 1 : i32
      %add3A_630 = arith.addi %mul3A_628, %add3A_629 : i32
      %get3A_631 = arith.constant 2 : i32
      %get3A_632 = arith.index_cast %get3A_631 : i32 to index
      %get3A_633 = arith.index_cast %add3A_630 : i32 to index
      %get3A_634 = arith.constant 0 : index
      %get3A_635 = tpu.vector_load %arg6[%get3A_632, %get3A_633, %get3A_634] {strides = array<i32>} : memref<3x200x128xf32, #tpu.memory_space<vmem>>, vector<1x1x16xf32>,
      %get3A_636 = vector.shape_cast %get3A_635 : vector<1x1x16xf32> to vector<16xf32>
      %add3A_637 = arith.addf %add3A_577, %get3A_636 : vector<16xf32>
      %get3A_638 = arith.constant 2 : i32
      %get3A_639 = arith.index_cast %get3A_638 : i32 to index
      %get3A_640 = arith.index_cast %add3A_630 : i32 to index
      %get3A_641 = arith.constant 16 : index
      %get3A_642 = tpu.vector_load %arg6[%get3A_639, %get3A_640, %get3A_641] {strides = array<i32>} : memref<3x200x128xf32, #tpu.memory_space<vmem>>, vector<1x1x16xf32>,
      %get3A_643 = vector.shape_cast %get3A_642 : vector<1x1x16xf32> to vector<16xf32>
      %add3A_644 = arith.addf %add3A_584, %get3A_643 : vector<16xf32>
      %get3A_645 = arith.constant 2 : i32
      %get3A_646 = arith.index_cast %get3A_645 : i32 to index
      %get3A_647 = arith.index_cast %add3A_630 : i32 to index
      %get3A_648 = arith.constant 32 : index
      %get3A_649 = tpu.vector_load %arg6[%get3A_646, %get3A_647, %get3A_648] {strides = array<i32>} : memref<3x200x128xf32, #tpu.memory_space<vmem>>, vector<1x1x16xf32>,
      %get3A_650 = vector.shape_cast %get3A_649 : vector<1x1x16xf32> to vector<16xf32>
      %add3A_651 = arith.addf %add3A_591, %get3A_650 : vector<16xf32>
      %get3A_652 = arith.constant 2 : i32
      %get3A_653 = arith.index_cast %get3A_652 : i32 to index
      %get3A_654 = arith.index_cast %add3A_630 : i32 to index
      %get3A_655 = arith.constant 48 : index
      %get3A_656 = tpu.vector_load %arg6[%get3A_653, %get3A_654, %get3A_655] {strides = array<i32>} : memref<3x200x128xf32, #tpu.memory_space<vmem>>, vector<1x1x16xf32>,
      %get3A_657 = vector.shape_cast %get3A_656 : vector<1x1x16xf32> to vector<16xf32>
      %add3A_658 = arith.addf %add3A_598, %get3A_657 : vector<16xf32>
      %get3A_659 = arith.constant 2 : i32
      %get3A_660 = arith.index_cast %get3A_659 : i32 to index
      %get3A_661 = arith.index_cast %add3A_630 : i32 to index
      %get3A_662 = arith.constant 64 : index
      %get3A_663 = tpu.vector_load %arg6[%get3A_660, %get3A_661, %get3A_662] {strides = array<i32>} : memref<3x200x128xf32, #tpu.memory_space<vmem>>, vector<1x1x16xf32>,
      %get3A_664 = vector.shape_cast %get3A_663 : vector<1x1x16xf32> to vector<16xf32>
      %add3A_665 = arith.addf %add3A_605, %get3A_664 : vector<16xf32>
      %get3A_666 = arith.constant 2 : i32
      %get3A_667 = arith.index_cast %get3A_666 : i32 to index
      %get3A_668 = arith.index_cast %add3A_630 : i32 to index
      %get3A_669 = arith.constant 80 : index
      %get3A_670 = tpu.vector_load %arg6[%get3A_667, %get3A_668, %get3A_669] {strides = array<i32>} : memref<3x200x128xf32, #tpu.memory_space<vmem>>, vector<1x1x16xf32>,
      %get3A_671 = vector.shape_cast %get3A_670 : vector<1x1x16xf32> to vector<16xf32>
      %add3A_672 = arith.addf %add3A_612, %get3A_671 : vector<16xf32>
      %get3A_673 = arith.constant 2 : i32
      %get3A_674 = arith.index_cast %get3A_673 : i32 to index
      %get3A_675 = arith.index_cast %add3A_630 : i32 to index
      %get3A_676 = arith.constant 96 : index
      %get3A_677 = tpu.vector_load %arg6[%get3A_674, %get3A_675, %get3A_676] {strides = array<i32>} : memref<3x200x128xf32, #tpu.memory_space<vmem>>, vector<1x1x16xf32>,
      %get3A_678 = vector.shape_cast %get3A_677 : vector<1x1x16xf32> to vector<16xf32>
      %add3A_679 = arith.addf %add3A_619, %get3A_678 : vector<16xf32>
      %get3A_680 = arith.constant 2 : i32
      %get3A_681 = arith.index_cast %get3A_680 : i32 to index
      %get3A_682 = arith.index_cast %add3A_630 : i32 to index
      %get3A_683 = arith.constant 112 : index
      %get3A_684 = tpu.vector_load %arg6[%get3A_681, %get3A_682, %get3A_683] {strides = array<i32>} : memref<3x200x128xf32, #tpu.memory_space<vmem>>, vector<1x1x16xf32>,
      %get3A_685 = vector.shape_cast %get3A_684 : vector<1x1x16xf32> to vector<16xf32>
      %add3A_686 = arith.addf %add3A_626, %get3A_685 : vector<16xf32>
      %mul3A_687 = arith.constant 8 : i32
      %mul3A_688 = arith.muli %scan3A_559, %mul3A_687 : i32
      %add3A_689 = arith.constant 2 : i32
      %add3A_690 = arith.addi %mul3A_688, %add3A_689 : i32
      %get3A_691 = arith.constant 2 : i32
      %get3A_692 = arith.index_cast %get3A_691 : i32 to index
      %get3A_693 = arith.index_cast %add3A_690 : i32 to index
      %get3A_694 = arith.constant 0 : index
      %get3A_695 = tpu.vector_load %arg6[%get3A_692, %get3A_693, %get3A_694] {strides = array<i32>} : memref<3x200x128xf32, #tpu.memory_space<vmem>>, vector<1x1x16xf32>,
      %get3A_696 = vector.shape_cast %get3A_695 : vector<1x1x16xf32> to vector<16xf32>
      %add3A_697 = arith.addf %add3A_637, %get3A_696 : vector<16xf32>
      %get3A_698 = arith.constant 2 : i32
      %get3A_699 = arith.index_cast %get3A_698 : i32 to index
      %get3A_700 = arith.index_cast %add3A_690 : i32 to index
      %get3A_701 = arith.constant 16 : index
      %get3A_702 = tpu.vector_load %arg6[%get3A_699, %get3A_700, %get3A_701] {strides = array<i32>} : memref<3x200x128xf32, #tpu.memory_space<vmem>>, vector<1x1x16xf32>,
      %get3A_703 = vector.shape_cast %get3A_702 : vector<1x1x16xf32> to vector<16xf32>
      %add3A_704 = arith.addf %add3A_644, %get3A_703 : vector<16xf32>
      %get3A_705 = arith.constant 2 : i32
      %get3A_706 = arith.index_cast %get3A_705 : i32 to index
      %get3A_707 = arith.index_cast %add3A_690 : i32 to index
      %get3A_708 = arith.constant 32 : index
      %get3A_709 = tpu.vector_load %arg6[%get3A_706, %get3A_707, %get3A_708] {strides = array<i32>} : memref<3x200x128xf32, #tpu.memory_space<vmem>>, vector<1x1x16xf32>,
      %get3A_710 = vector.shape_cast %get3A_709 : vector<1x1x16xf32> to vector<16xf32>
      %add3A_711 = arith.addf %add3A_651, %get3A_710 : vector<16xf32>
      %get3A_712 = arith.constant 2 : i32
      %get3A_713 = arith.index_cast %get3A_712 : i32 to index
      %get3A_714 = arith.index_cast %add3A_690 : i32 to index
      %get3A_715 = arith.constant 48 : index
      %get3A_716 = tpu.vector_load %arg6[%get3A_713, %get3A_714, %get3A_715] {strides = array<i32>} : memref<3x200x128xf32, #tpu.memory_space<vmem>>, vector<1x1x16xf32>,
      %get3A_717 = vector.shape_cast %get3A_716 : vector<1x1x16xf32> to vector<16xf32>
      %add3A_718 = arith.addf %add3A_658, %get3A_717 : vector<16xf32>
      %get3A_719 = arith.constant 2 : i32
      %get3A_720 = arith.index_cast %get3A_719 : i32 to index
      %get3A_721 = arith.index_cast %add3A_690 : i32 to index
      %get3A_722 = arith.constant 64 : index
      %get3A_723 = tpu.vector_load %arg6[%get3A_720, %get3A_721, %get3A_722] {strides = array<i32>} : memref<3x200x128xf32, #tpu.memory_space<vmem>>, vector<1x1x16xf32>,
      %get3A_724 = vector.shape_cast %get3A_723 : vector<1x1x16xf32> to vector<16xf32>
      %add3A_725 = arith.addf %add3A_665, %get3A_724 : vector<16xf32>
      %get3A_726 = arith.constant 2 : i32
      %get3A_727 = arith.index_cast %get3A_726 : i32 to index
      %get3A_728 = arith.index_cast %add3A_690 : i32 to index
      %get3A_729 = arith.constant 80 : index
      %get3A_730 = tpu.vector_load %arg6[%get3A_727, %get3A_728, %get3A_729] {strides = array<i32>} : memref<3x200x128xf32, #tpu.memory_space<vmem>>, vector<1x1x16xf32>,
      %get3A_731 = vector.shape_cast %get3A_730 : vector<1x1x16xf32> to vector<16xf32>
      %add3A_732 = arith.addf %add3A_672, %get3A_731 : vector<16xf32>
      %get3A_733 = arith.constant 2 : i32
      %get3A_734 = arith.index_cast %get3A_733 : i32 to index
      %get3A_735 = arith.index_cast %add3A_690 : i32 to index
      %get3A_736 = arith.constant 96 : index
      %get3A_737 = tpu.vector_load %arg6[%get3A_734, %get3A_735, %get3A_736] {strides = array<i32>} : memref<3x200x128xf32, #tpu.memory_space<vmem>>, vector<1x1x16xf32>,
      %get3A_738 = vector.shape_cast %get3A_737 : vector<1x1x16xf32> to vector<16xf32>
      %add3A_739 = arith.addf %add3A_679, %get3A_738 : vector<16xf32>
      %get3A_740 = arith.constant 2 : i32
      %get3A_741 = arith.index_cast %get3A_740 : i32 to index
      %get3A_742 = arith.index_cast %add3A_690 : i32 to index
      %get3A_743 = arith.constant 112 : index
      %get3A_744 = tpu.vector_load %arg6[%get3A_741, %get3A_742, %get3A_743] {strides = array<i32>} : memref<3x200x128xf32, #tpu.memory_space<vmem>>, vector<1x1x16xf32>,
      %get3A_745 = vector.shape_cast %get3A_744 : vector<1x1x16xf32> to vector<16xf32>
      %add3A_746 = arith.addf %add3A_686, %get3A_745 : vector<16xf32>
      %mul3A_747 = arith.constant 8 : i32
      %mul3A_748 = arith.muli %scan3A_559, %mul3A_747 : i32
      %add3A_749 = arith.constant 3 : i32
      %add3A_750 = arith.addi %mul3A_748, %add3A_749 : i32
      %get3A_751 = arith.constant 2 : i32
      %get3A_752 = arith.index_cast %get3A_751 : i32 to index
      %get3A_753 = arith.index_cast %add3A_750 : i32 to index
      %get3A_754 = arith.constant 0 : index
      %get3A_755 = tpu.vector_load %arg6[%get3A_752, %get3A_753, %get3A_754] {strides = array<i32>} : memref<3x200x128xf32, #tpu.memory_space<vmem>>, vector<1x1x16xf32>,
      %get3A_756 = vector.shape_cast %get3A_755 : vector<1x1x16xf32> to vector<16xf32>
      %add3A_757 = arith.addf %add3A_697, %get3A_756 : vector<16xf32>
      %get3A_758 = arith.constant 2 : i32
      %get3A_759 = arith.index_cast %get3A_758 : i32 to index
      %get3A_760 = arith.index_cast %add3A_750 : i32 to index
      %get3A_761 = arith.constant 16 : index
      %get3A_762 = tpu.vector_load %arg6[%get3A_759, %get3A_760, %get3A_761] {strides = array<i32>} : memref<3x200x128xf32, #tpu.memory_space<vmem>>, vector<1x1x16xf32>,
      %get3A_763 = vector.shape_cast %get3A_762 : vector<1x1x16xf32> to vector<16xf32>
      %add3A_764 = arith.addf %add3A_704, %get3A_763 : vector<16xf32>
      %get3A_765 = arith.constant 2 : i32
      %get3A_766 = arith.index_cast %get3A_765 : i32 to index
      %get3A_767 = arith.index_cast %add3A_750 : i32 to index
      %get3A_768 = arith.constant 32 : index
      %get3A_769 = tpu.vector_load %arg6[%get3A_766, %get3A_767, %get3A_768] {strides = array<i32>} : memref<3x200x128xf32, #tpu.memory_space<vmem>>, vector<1x1x16xf32>,
      %get3A_770 = vector.shape_cast %get3A_769 : vector<1x1x16xf32> to vector<16xf32>
      %add3A_771 = arith.addf %add3A_711, %get3A_770 : vector<16xf32>
      %get3A_772 = arith.constant 2 : i32
      %get3A_773 = arith.index_cast %get3A_772 : i32 to index
      %get3A_774 = arith.index_cast %add3A_750 : i32 to index
      %get3A_775 = arith.constant 48 : index
      %get3A_776 = tpu.vector_load %arg6[%get3A_773, %get3A_774, %get3A_775] {strides = array<i32>} : memref<3x200x128xf32, #tpu.memory_space<vmem>>, vector<1x1x16xf32>,
      %get3A_777 = vector.shape_cast %get3A_776 : vector<1x1x16xf32> to vector<16xf32>
      %add3A_778 = arith.addf %add3A_718, %get3A_777 : vector<16xf32>
      %get3A_779 = arith.constant 2 : i32
      %get3A_780 = arith.index_cast %get3A_779 : i32 to index
      %get3A_781 = arith.index_cast %add3A_750 : i32 to index
      %get3A_782 = arith.constant 64 : index
      %get3A_783 = tpu.vector_load %arg6[%get3A_780, %get3A_781, %get3A_782] {strides = array<i32>} : memref<3x200x128xf32, #tpu.memory_space<vmem>>, vector<1x1x16xf32>,
      %get3A_784 = vector.shape_cast %get3A_783 : vector<1x1x16xf32> to vector<16xf32>
      %add3A_785 = arith.addf %add3A_725, %get3A_784 : vector<16xf32>
      %get3A_786 = arith.constant 2 : i32
      %get3A_787 = arith.index_cast %get3A_786 : i32 to index
      %get3A_788 = arith.index_cast %add3A_750 : i32 to index
      %get3A_789 = arith.constant 80 : index
      %get3A_790 = tpu.vector_load %arg6[%get3A_787, %get3A_788, %get3A_789] {strides = array<i32>} : memref<3x200x128xf32, #tpu.memory_space<vmem>>, vector<1x1x16xf32>,
      %get3A_791 = vector.shape_cast %get3A_790 : vector<1x1x16xf32> to vector<16xf32>
      %add3A_792 = arith.addf %add3A_732, %get3A_791 : vector<16xf32>
      %get3A_793 = arith.constant 2 : i32
      %get3A_794 = arith.index_cast %get3A_793 : i32 to index
      %get3A_795 = arith.index_cast %add3A_750 : i32 to index
      %get3A_796 = arith.constant 96 : index
      %get3A_797 = tpu.vector_load %arg6[%get3A_794, %get3A_795, %get3A_796] {strides = array<i32>} : memref<3x200x128xf32, #tpu.memory_space<vmem>>, vector<1x1x16xf32>,
      %get3A_798 = vector.shape_cast %get3A_797 : vector<1x1x16xf32> to vector<16xf32>
      %add3A_799 = arith.addf %add3A_739, %get3A_798 : vector<16xf32>
      %get3A_800 = arith.constant 2 : i32
      %get3A_801 = arith.index_cast %get3A_800 : i32 to index
      %get3A_802 = arith.index_cast %add3A_750 : i32 to index
      %get3A_803 = arith.constant 112 : index
      %get3A_804 = tpu.vector_load %arg6[%get3A_801, %get3A_802, %get3A_803] {strides = array<i32>} : memref<3x200x128xf32, #tpu.memory_space<vmem>>, vector<1x1x16xf32>,
      %get3A_805 = vector.shape_cast %get3A_804 : vector<1x1x16xf32> to vector<16xf32>
      %add3A_806 = arith.addf %add3A_746, %get3A_805 : vector<16xf32>
      %mul3A_807 = arith.constant 8 : i32
      %mul3A_808 = arith.muli %scan3A_559, %mul3A_807 : i32
      %add3A_809 = arith.constant 4 : i32
      %add3A_810 = arith.addi %mul3A_808, %add3A_809 : i32
      %get3A_811 = arith.constant 2 : i32
      %get3A_812 = arith.index_cast %get3A_811 : i32 to index
      %get3A_813 = arith.index_cast %add3A_810 : i32 to index
      %get3A_814 = arith.constant 0 : index
      %get3A_815 = tpu.vector_load %arg6[%get3A_812, %get3A_813, %get3A_814] {strides = array<i32>} : memref<3x200x128xf32, #tpu.memory_space<vmem>>, vector<1x1x16xf32>,
      %get3A_816 = vector.shape_cast %get3A_815 : vector<1x1x16xf32> to vector<16xf32>
      %add3A_817 = arith.addf %add3A_757, %get3A_816 : vector<16xf32>
      %get3A_818 = arith.constant 2 : i32
      %get3A_819 = arith.index_cast %get3A_818 : i32 to index
      %get3A_820 = arith.index_cast %add3A_810 : i32 to index
      %get3A_821 = arith.constant 16 : index
      %get3A_822 = tpu.vector_load %arg6[%get3A_819, %get3A_820, %get3A_821] {strides = array<i32>} : memref<3x200x128xf32, #tpu.memory_space<vmem>>, vector<1x1x16xf32>,
      %get3A_823 = vector.shape_cast %get3A_822 : vector<1x1x16xf32> to vector<16xf32>
      %add3A_824 = arith.addf %add3A_764, %get3A_823 : vector<16xf32>
      %get3A_825 = arith.constant 2 : i32
      %get3A_826 = arith.index_cast %get3A_825 : i32 to index
      %get3A_827 = arith.index_cast %add3A_810 : i32 to index
      %get3A_828 = arith.constant 32 : index
      %get3A_829 = tpu.vector_load %arg6[%get3A_826, %get3A_827, %get3A_828] {strides = array<i32>} : memref<3x200x128xf32, #tpu.memory_space<vmem>>, vector<1x1x16xf32>,
      %get3A_830 = vector.shape_cast %get3A_829 : vector<1x1x16xf32> to vector<16xf32>
      %add3A_831 = arith.addf %add3A_771, %get3A_830 : vector<16xf32>
      %get3A_832 = arith.constant 2 : i32
      %get3A_833 = arith.index_cast %get3A_832 : i32 to index
      %get3A_834 = arith.index_cast %add3A_810 : i32 to index
      %get3A_835 = arith.constant 48 : index
      %get3A_836 = tpu.vector_load %arg6[%get3A_833, %get3A_834, %get3A_835] {strides = array<i32>} : memref<3x200x128xf32, #tpu.memory_space<vmem>>, vector<1x1x16xf32>,
      %get3A_837 = vector.shape_cast %get3A_836 : vector<1x1x16xf32> to vector<16xf32>
      %add3A_838 = arith.addf %add3A_778, %get3A_837 : vector<16xf32>
      %get3A_839 = arith.constant 2 : i32
      %get3A_840 = arith.index_cast %get3A_839 : i32 to index
      %get3A_841 = arith.index_cast %add3A_810 : i32 to index
      %get3A_842 = arith.constant 64 : index
      %get3A_843 = tpu.vector_load %arg6[%get3A_840, %get3A_841, %get3A_842] {strides = array<i32>} : memref<3x200x128xf32, #tpu.memory_space<vmem>>, vector<1x1x16xf32>,
      %get3A_844 = vector.shape_cast %get3A_843 : vector<1x1x16xf32> to vector<16xf32>
      %add3A_845 = arith.addf %add3A_785, %get3A_844 : vector<16xf32>
      %get3A_846 = arith.constant 2 : i32
      %get3A_847 = arith.index_cast %get3A_846 : i32 to index
      %get3A_848 = arith.index_cast %add3A_810 : i32 to index
      %get3A_849 = arith.constant 80 : index
      %get3A_850 = tpu.vector_load %arg6[%get3A_847, %get3A_848, %get3A_849] {strides = array<i32>} : memref<3x200x128xf32, #tpu.memory_space<vmem>>, vector<1x1x16xf32>,
      %get3A_851 = vector.shape_cast %get3A_850 : vector<1x1x16xf32> to vector<16xf32>
      %add3A_852 = arith.addf %add3A_792, %get3A_851 : vector<16xf32>
      %get3A_853 = arith.constant 2 : i32
      %get3A_854 = arith.index_cast %get3A_853 : i32 to index
      %get3A_855 = arith.index_cast %add3A_810 : i32 to index
      %get3A_856 = arith.constant 96 : index
      %get3A_857 = tpu.vector_load %arg6[%get3A_854, %get3A_855, %get3A_856] {strides = array<i32>} : memref<3x200x128xf32, #tpu.memory_space<vmem>>, vector<1x1x16xf32>,
      %get3A_858 = vector.shape_cast %get3A_857 : vector<1x1x16xf32> to vector<16xf32>
      %add3A_859 = arith.addf %add3A_799, %get3A_858 : vector<16xf32>
      %get3A_860 = arith.constant 2 : i32
      %get3A_861 = arith.index_cast %get3A_860 : i32 to index
      %get3A_862 = arith.index_cast %add3A_810 : i32 to index
      %get3A_863 = arith.constant 112 : index
      %get3A_864 = tpu.vector_load %arg6[%get3A_861, %get3A_862, %get3A_863] {strides = array<i32>} : memref<3x200x128xf32, #tpu.memory_space<vmem>>, vector<1x1x16xf32>,
      %get3A_865 = vector.shape_cast %get3A_864 : vector<1x1x16xf32> to vector<16xf32>
      %add3A_866 = arith.addf %add3A_806, %get3A_865 : vector<16xf32>
      %mul3A_867 = arith.constant 8 : i32
      %mul3A_868 = arith.muli %scan3A_559, %mul3A_867 : i32
      %add3A_869 = arith.constant 5 : i32
      %add3A_870 = arith.addi %mul3A_868, %add3A_869 : i32
      %get3A_871 = arith.constant 2 : i32
      %get3A_872 = arith.index_cast %get3A_871 : i32 to index
      %get3A_873 = arith.index_cast %add3A_870 : i32 to index
      %get3A_874 = arith.constant 0 : index
      %get3A_875 = tpu.vector_load %arg6[%get3A_872, %get3A_873, %get3A_874] {strides = array<i32>} : memref<3x200x128xf32, #tpu.memory_space<vmem>>, vector<1x1x16xf32>,
      %get3A_876 = vector.shape_cast %get3A_875 : vector<1x1x16xf32> to vector<16xf32>
      %add3A_877 = arith.addf %add3A_817, %get3A_876 : vector<16xf32>
      %get3A_878 = arith.constant 2 : i32
      %get3A_879 = arith.index_cast %get3A_878 : i32 to index
      %get3A_880 = arith.index_cast %add3A_870 : i32 to index
      %get3A_881 = arith.constant 16 : index
      %get3A_882 = tpu.vector_load %arg6[%get3A_879, %get3A_880, %get3A_881] {strides = array<i32>} : memref<3x200x128xf32, #tpu.memory_space<vmem>>, vector<1x1x16xf32>,
      %get3A_883 = vector.shape_cast %get3A_882 : vector<1x1x16xf32> to vector<16xf32>
      %add3A_884 = arith.addf %add3A_824, %get3A_883 : vector<16xf32>
      %get3A_885 = arith.constant 2 : i32
      %get3A_886 = arith.index_cast %get3A_885 : i32 to index
      %get3A_887 = arith.index_cast %add3A_870 : i32 to index
      %get3A_888 = arith.constant 32 : index
      %get3A_889 = tpu.vector_load %arg6[%get3A_886, %get3A_887, %get3A_888] {strides = array<i32>} : memref<3x200x128xf32, #tpu.memory_space<vmem>>, vector<1x1x16xf32>,
      %get3A_890 = vector.shape_cast %get3A_889 : vector<1x1x16xf32> to vector<16xf32>
      %add3A_891 = arith.addf %add3A_831, %get3A_890 : vector<16xf32>
      %get3A_892 = arith.constant 2 : i32
      %get3A_893 = arith.index_cast %get3A_892 : i32 to index
      %get3A_894 = arith.index_cast %add3A_870 : i32 to index
      %get3A_895 = arith.constant 48 : index
      %get3A_896 = tpu.vector_load %arg6[%get3A_893, %get3A_894, %get3A_895] {strides = array<i32>} : memref<3x200x128xf32, #tpu.memory_space<vmem>>, vector<1x1x16xf32>,
      %get3A_897 = vector.shape_cast %get3A_896 : vector<1x1x16xf32> to vector<16xf32>
      %add3A_898 = arith.addf %add3A_838, %get3A_897 : vector<16xf32>
      %get3A_899 = arith.constant 2 : i32
      %get3A_900 = arith.index_cast %get3A_899 : i32 to index
      %get3A_901 = arith.index_cast %add3A_870 : i32 to index
      %get3A_902 = arith.constant 64 : index
      %get3A_903 = tpu.vector_load %arg6[%get3A_900, %get3A_901, %get3A_902] {strides = array<i32>} : memref<3x200x128xf32, #tpu.memory_space<vmem>>, vector<1x1x16xf32>,
      %get3A_904 = vector.shape_cast %get3A_903 : vector<1x1x16xf32> to vector<16xf32>
      %add3A_905 = arith.addf %add3A_845, %get3A_904 : vector<16xf32>
      %get3A_906 = arith.constant 2 : i32
      %get3A_907 = arith.index_cast %get3A_906 : i32 to index
      %get3A_908 = arith.index_cast %add3A_870 : i32 to index
      %get3A_909 = arith.constant 80 : index
      %get3A_910 = tpu.vector_load %arg6[%get3A_907, %get3A_908, %get3A_909] {strides = array<i32>} : memref<3x200x128xf32, #tpu.memory_space<vmem>>, vector<1x1x16xf32>,
      %get3A_911 = vector.shape_cast %get3A_910 : vector<1x1x16xf32> to vector<16xf32>
      %add3A_912 = arith.addf %add3A_852, %get3A_911 : vector<16xf32>
      %get3A_913 = arith.constant 2 : i32
      %get3A_914 = arith.index_cast %get3A_913 : i32 to index
      %get3A_915 = arith.index_cast %add3A_870 : i32 to index
      %get3A_916 = arith.constant 96 : index
      %get3A_917 = tpu.vector_load %arg6[%get3A_914, %get3A_915, %get3A_916] {strides = array<i32>} : memref<3x200x128xf32, #tpu.memory_space<vmem>>, vector<1x1x16xf32>,
      %get3A_918 = vector.shape_cast %get3A_917 : vector<1x1x16xf32> to vector<16xf32>
      %add3A_919 = arith.addf %add3A_859, %get3A_918 : vector<16xf32>
      %get3A_920 = arith.constant 2 : i32
      %get3A_921 = arith.index_cast %get3A_920 : i32 to index
      %get3A_922 = arith.index_cast %add3A_870 : i32 to index
      %get3A_923 = arith.constant 112 : index
      %get3A_924 = tpu.vector_load %arg6[%get3A_921, %get3A_922, %get3A_923] {strides = array<i32>} : memref<3x200x128xf32, #tpu.memory_space<vmem>>, vector<1x1x16xf32>,
      %get3A_925 = vector.shape_cast %get3A_924 : vector<1x1x16xf32> to vector<16xf32>
      %add3A_926 = arith.addf %add3A_866, %get3A_925 : vector<16xf32>
      %mul3A_927 = arith.constant 8 : i32
      %mul3A_928 = arith.muli %scan3A_559, %mul3A_927 : i32
      %add3A_929 = arith.constant 6 : i32
      %add3A_930 = arith.addi %mul3A_928, %add3A_929 : i32
      %get3A_931 = arith.constant 2 : i32
      %get3A_932 = arith.index_cast %get3A_931 : i32 to index
      %get3A_933 = arith.index_cast %add3A_930 : i32 to index
      %get3A_934 = arith.constant 0 : index
      %get3A_935 = tpu.vector_load %arg6[%get3A_932, %get3A_933, %get3A_934] {strides = array<i32>} : memref<3x200x128xf32, #tpu.memory_space<vmem>>, vector<1x1x16xf32>,
      %get3A_936 = vector.shape_cast %get3A_935 : vector<1x1x16xf32> to vector<16xf32>
      %add3A_937 = arith.addf %add3A_877, %get3A_936 : vector<16xf32>
      %get3A_938 = arith.constant 2 : i32
      %get3A_939 = arith.index_cast %get3A_938 : i32 to index
      %get3A_940 = arith.index_cast %add3A_930 : i32 to index
      %get3A_941 = arith.constant 16 : index
      %get3A_942 = tpu.vector_load %arg6[%get3A_939, %get3A_940, %get3A_941] {strides = array<i32>} : memref<3x200x128xf32, #tpu.memory_space<vmem>>, vector<1x1x16xf32>,
      %get3A_943 = vector.shape_cast %get3A_942 : vector<1x1x16xf32> to vector<16xf32>
      %add3A_944 = arith.addf %add3A_884, %get3A_943 : vector<16xf32>
      %get3A_945 = arith.constant 2 : i32
      %get3A_946 = arith.index_cast %get3A_945 : i32 to index
      %get3A_947 = arith.index_cast %add3A_930 : i32 to index
      %get3A_948 = arith.constant 32 : index
      %get3A_949 = tpu.vector_load %arg6[%get3A_946, %get3A_947, %get3A_948] {strides = array<i32>} : memref<3x200x128xf32, #tpu.memory_space<vmem>>, vector<1x1x16xf32>,
      %get3A_950 = vector.shape_cast %get3A_949 : vector<1x1x16xf32> to vector<16xf32>
      %add3A_951 = arith.addf %add3A_891, %get3A_950 : vector<16xf32>
      %get3A_952 = arith.constant 2 : i32
      %get3A_953 = arith.index_cast %get3A_952 : i32 to index
      %get3A_954 = arith.index_cast %add3A_930 : i32 to index
      %get3A_955 = arith.constant 48 : index
      %get3A_956 = tpu.vector_load %arg6[%get3A_953, %get3A_954, %get3A_955] {strides = array<i32>} : memref<3x200x128xf32, #tpu.memory_space<vmem>>, vector<1x1x16xf32>,
      %get3A_957 = vector.shape_cast %get3A_956 : vector<1x1x16xf32> to vector<16xf32>
      %add3A_958 = arith.addf %add3A_898, %get3A_957 : vector<16xf32>
      %get3A_959 = arith.constant 2 : i32
      %get3A_960 = arith.index_cast %get3A_959 : i32 to index
      %get3A_961 = arith.index_cast %add3A_930 : i32 to index
      %get3A_962 = arith.constant 64 : index
      %get3A_963 = tpu.vector_load %arg6[%get3A_960, %get3A_961, %get3A_962] {strides = array<i32>} : memref<3x200x128xf32, #tpu.memory_space<vmem>>, vector<1x1x16xf32>,
      %get3A_964 = vector.shape_cast %get3A_963 : vector<1x1x16xf32> to vector<16xf32>
      %add3A_965 = arith.addf %add3A_905, %get3A_964 : vector<16xf32>
      %get3A_966 = arith.constant 2 : i32
      %get3A_967 = arith.index_cast %get3A_966 : i32 to index
      %get3A_968 = arith.index_cast %add3A_930 : i32 to index
      %get3A_969 = arith.constant 80 : index
      %get3A_970 = tpu.vector_load %arg6[%get3A_967, %get3A_968, %get3A_969] {strides = array<i32>} : memref<3x200x128xf32, #tpu.memory_space<vmem>>, vector<1x1x16xf32>,
      %get3A_971 = vector.shape_cast %get3A_970 : vector<1x1x16xf32> to vector<16xf32>
      %add3A_972 = arith.addf %add3A_912, %get3A_971 : vector<16xf32>
      %get3A_973 = arith.constant 2 : i32
      %get3A_974 = arith.index_cast %get3A_973 : i32 to index
      %get3A_975 = arith.index_cast %add3A_930 : i32 to index
      %get3A_976 = arith.constant 96 : index
      %get3A_977 = tpu.vector_load %arg6[%get3A_974, %get3A_975, %get3A_976] {strides = array<i32>} : memref<3x200x128xf32, #tpu.memory_space<vmem>>, vector<1x1x16xf32>,
      %get3A_978 = vector.shape_cast %get3A_977 : vector<1x1x16xf32> to vector<16xf32>
      %add3A_979 = arith.addf %add3A_919, %get3A_978 : vector<16xf32>
      %get3A_980 = arith.constant 2 : i32
      %get3A_981 = arith.index_cast %get3A_980 : i32 to index
      %get3A_982 = arith.index_cast %add3A_930 : i32 to index
      %get3A_983 = arith.constant 112 : index
      %get3A_984 = tpu.vector_load %arg6[%get3A_981, %get3A_982, %get3A_983] {strides = array<i32>} : memref<3x200x128xf32, #tpu.memory_space<vmem>>, vector<1x1x16xf32>,
      %get3A_985 = vector.shape_cast %get3A_984 : vector<1x1x16xf32> to vector<16xf32>
      %add3A_986 = arith.addf %add3A_926, %get3A_985 : vector<16xf32>
      %mul3A_987 = arith.constant 8 : i32
      %mul3A_988 = arith.muli %scan3A_559, %mul3A_987 : i32
      %add3A_989 = arith.constant 7 : i32
      %add3A_990 = arith.addi %mul3A_988, %add3A_989 : i32
      %get3A_991 = arith.constant 2 : i32
      %get3A_992 = arith.index_cast %get3A_991 : i32 to index
      %get3A_993 = arith.index_cast %add3A_990 : i32 to index
      %get3A_994 = arith.constant 0 : index
      %get3A_995 = tpu.vector_load %arg6[%get3A_992, %get3A_993, %get3A_994] {strides = array<i32>} : memref<3x200x128xf32, #tpu.memory_space<vmem>>, vector<1x1x16xf32>,
      %get3A_996 = vector.shape_cast %get3A_995 : vector<1x1x16xf32> to vector<16xf32>
      %add3A_997 = arith.addf %add3A_937, %get3A_996 : vector<16xf32>
      %get3A_998 = arith.constant 2 : i32
      %get3A_999 = arith.index_cast %get3A_998 : i32 to index
      %get3A_1000 = arith.index_cast %add3A_990 : i32 to index
      %get3A_1001 = arith.constant 16 : index
      %get3A_1002 = tpu.vector_load %arg6[%get3A_999, %get3A_1000, %get3A_1001] {strides = array<i32>} : memref<3x200x128xf32, #tpu.memory_space<vmem>>, vector<1x1x16xf32>,
      %get3A_1003 = vector.shape_cast %get3A_1002 : vector<1x1x16xf32> to vector<16xf32>
      %add3A_1004 = arith.addf %add3A_944, %get3A_1003 : vector<16xf32>
      %get3A_1005 = arith.constant 2 : i32
      %get3A_1006 = arith.index_cast %get3A_1005 : i32 to index
      %get3A_1007 = arith.index_cast %add3A_990 : i32 to index
      %get3A_1008 = arith.constant 32 : index
      %get3A_1009 = tpu.vector_load %arg6[%get3A_1006, %get3A_1007, %get3A_1008] {strides = array<i32>} : memref<3x200x128xf32, #tpu.memory_space<vmem>>, vector<1x1x16xf32>,
      %get3A_1010 = vector.shape_cast %get3A_1009 : vector<1x1x16xf32> to vector<16xf32>
      %add3A_1011 = arith.addf %add3A_951, %get3A_1010 : vector<16xf32>
      %get3A_1012 = arith.constant 2 : i32
      %get3A_1013 = arith.index_cast %get3A_1012 : i32 to index
      %get3A_1014 = arith.index_cast %add3A_990 : i32 to index
      %get3A_1015 = arith.constant 48 : index
      %get3A_1016 = tpu.vector_load %arg6[%get3A_1013, %get3A_1014, %get3A_1015] {strides = array<i32>} : memref<3x200x128xf32, #tpu.memory_space<vmem>>, vector<1x1x16xf32>,
      %get3A_1017 = vector.shape_cast %get3A_1016 : vector<1x1x16xf32> to vector<16xf32>
      %add3A_1018 = arith.addf %add3A_958, %get3A_1017 : vector<16xf32>
      %get3A_1019 = arith.constant 2 : i32
      %get3A_1020 = arith.index_cast %get3A_1019 : i32 to index
      %get3A_1021 = arith.index_cast %add3A_990 : i32 to index
      %get3A_1022 = arith.constant 64 : index
      %get3A_1023 = tpu.vector_load %arg6[%get3A_1020, %get3A_1021, %get3A_1022] {strides = array<i32>} : memref<3x200x128xf32, #tpu.memory_space<vmem>>, vector<1x1x16xf32>,
      %get3A_1024 = vector.shape_cast %get3A_1023 : vector<1x1x16xf32> to vector<16xf32>
      %add3A_1025 = arith.addf %add3A_965, %get3A_1024 : vector<16xf32>
      %get3A_1026 = arith.constant 2 : i32
      %get3A_1027 = arith.index_cast %get3A_1026 : i32 to index
      %get3A_1028 = arith.index_cast %add3A_990 : i32 to index
      %get3A_1029 = arith.constant 80 : index
      %get3A_1030 = tpu.vector_load %arg6[%get3A_1027, %get3A_1028, %get3A_1029] {strides = array<i32>} : memref<3x200x128xf32, #tpu.memory_space<vmem>>, vector<1x1x16xf32>,
      %get3A_1031 = vector.shape_cast %get3A_1030 : vector<1x1x16xf32> to vector<16xf32>
      %add3A_1032 = arith.addf %add3A_972, %get3A_1031 : vector<16xf32>
      %get3A_1033 = arith.constant 2 : i32
      %get3A_1034 = arith.index_cast %get3A_1033 : i32 to index
      %get3A_1035 = arith.index_cast %add3A_990 : i32 to index
      %get3A_1036 = arith.constant 96 : index
      %get3A_1037 = tpu.vector_load %arg6[%get3A_1034, %get3A_1035, %get3A_1036] {strides = array<i32>} : memref<3x200x128xf32, #tpu.memory_space<vmem>>, vector<1x1x16xf32>,
      %get3A_1038 = vector.shape_cast %get3A_1037 : vector<1x1x16xf32> to vector<16xf32>
      %add3A_1039 = arith.addf %add3A_979, %get3A_1038 : vector<16xf32>
      %get3A_1040 = arith.constant 2 : i32
      %get3A_1041 = arith.index_cast %get3A_1040 : i32 to index
      %get3A_1042 = arith.index_cast %add3A_990 : i32 to index
      %get3A_1043 = arith.constant 112 : index
      %get3A_1044 = tpu.vector_load %arg6[%get3A_1041, %get3A_1042, %get3A_1043] {strides = array<i32>} : memref<3x200x128xf32, #tpu.memory_space<vmem>>, vector<1x1x16xf32>,
      %get3A_1045 = vector.shape_cast %get3A_1044 : vector<1x1x16xf32> to vector<16xf32>
      %add3A_1046 = arith.addf %add3A_986, %get3A_1045 : vector<16xf32>
      scf.yield %add3A_997, %add3A_1004, %add3A_1011, %add3A_1018, %add3A_1025, %add3A_1032, %add3A_1039, %add3A_1046 : vector<16xf32>, vector<16xf32>, vector<16xf32>, vector<16xf32>, vector<16xf32>, vector<16xf32>, vector<16xf32>, vector<16xf32>
    }
    %scan3A_340 = arith.constant 25 : i32
    %swap3A_341 = arith.constant 125 : i32
    %swap3A_342 = arith.index_cast %swap3A_341 : i32 to index
    %swap3A_343 = arith.constant 0 : index
    %swap3A_344 = tpu.vector_load %arg7[%swap3A_342, %swap3A_343] {strides = array<i32>} : memref<128x128xf32, #tpu.memory_space<vmem>>, vector<1x16xf32>,
    %swap3A_345 = vector.shape_cast %swap3A_344 : vector<1x16xf32> to vector<16xf32>
    %swap3A_346 = vector.shape_cast %scan3A_339#0 : vector<16xf32> to vector<1x16xf32>
    tpu.vector_store %arg7[%swap3A_342, %swap3A_343], %swap3A_346 {strides = array<i32>} : memref<128x128xf32, #tpu.memory_space<vmem>>, vector<1x16xf32>,
    %swap3A_347 = arith.constant 125 : i32
    %swap3A_348 = arith.index_cast %swap3A_347 : i32 to index
    %swap3A_349 = arith.constant 16 : index
    %swap3A_350 = tpu.vector_load %arg7[%swap3A_348, %swap3A_349] {strides = array<i32>} : memref<128x128xf32, #tpu.memory_space<vmem>>, vector<1x16xf32>,
    %swap3A_351 = vector.shape_cast %swap3A_350 : vector<1x16xf32> to vector<16xf32>
    %swap3A_352 = vector.shape_cast %scan3A_339#1 : vector<16xf32> to vector<1x16xf32>
    tpu.vector_store %arg7[%swap3A_348, %swap3A_349], %swap3A_352 {strides = array<i32>} : memref<128x128xf32, #tpu.memory_space<vmem>>, vector<1x16xf32>,
    %swap3A_353 = arith.constant 125 : i32
    %swap3A_354 = arith.index_cast %swap3A_353 : i32 to index
    %swap3A_355 = arith.constant 32 : index
    %swap3A_356 = tpu.vector_load %arg7[%swap3A_354, %swap3A_355] {strides = array<i32>} : memref<128x128xf32, #tpu.memory_space<vmem>>, vector<1x16xf32>,
    %swap3A_357 = vector.shape_cast %swap3A_356 : vector<1x16xf32> to vector<16xf32>
    %swap3A_358 = vector.shape_cast %scan3A_339#2 : vector<16xf32> to vector<1x16xf32>
    tpu.vector_store %arg7[%swap3A_354, %swap3A_355], %swap3A_358 {strides = array<i32>} : memref<128x128xf32, #tpu.memory_space<vmem>>, vector<1x16xf32>,
    %swap3A_359 = arith.constant 125 : i32
    %swap3A_360 = arith.index_cast %swap3A_359 : i32 to index
    %swap3A_361 = arith.constant 48 : index
    %swap3A_362 = tpu.vector_load %arg7[%swap3A_360, %swap3A_361] {strides = array<i32>} : memref<128x128xf32, #tpu.memory_space<vmem>>, vector<1x16xf32>,
    %swap3A_363 = vector.shape_cast %swap3A_362 : vector<1x16xf32> to vector<16xf32>
    %swap3A_364 = vector.shape_cast %scan3A_339#3 : vector<16xf32> to vector<1x16xf32>
    tpu.vector_store %arg7[%swap3A_360, %swap3A_361], %swap3A_364 {strides = array<i32>} : memref<128x128xf32, #tpu.memory_space<vmem>>, vector<1x16xf32>,
    %swap3A_365 = arith.constant 125 : i32
    %swap3A_366 = arith.index_cast %swap3A_365 : i32 to index
    %swap3A_367 = arith.constant 64 : index
    %swap3A_368 = tpu.vector_load %arg7[%swap3A_366, %swap3A_367] {strides = array<i32>} : memref<128x128xf32, #tpu.memory_space<vmem>>, vector<1x16xf32>,
    %swap3A_369 = vector.shape_cast %swap3A_368 : vector<1x16xf32> to vector<16xf32>
    %swap3A_370 = vector.shape_cast %scan3A_339#4 : vector<16xf32> to vector<1x16xf32>
    tpu.vector_store %arg7[%swap3A_366, %swap3A_367], %swap3A_370 {strides = array<i32>} : memref<128x128xf32, #tpu.memory_space<vmem>>, vector<1x16xf32>,
    %swap3A_371 = arith.constant 125 : i32
    %swap3A_372 = arith.index_cast %swap3A_371 : i32 to index
    %swap3A_373 = arith.constant 80 : index
    %swap3A_374 = tpu.vector_load %arg7[%swap3A_372, %swap3A_373] {strides = array<i32>} : memref<128x128xf32, #tpu.memory_space<vmem>>, vector<1x16xf32>,
    %swap3A_375 = vector.shape_cast %swap3A_374 : vector<1x16xf32> to vector<16xf32>
    %swap3A_376 = vector.shape_cast %scan3A_339#5 : vector<16xf32> to vector<1x16xf32>
    tpu.vector_store %arg7[%swap3A_372, %swap3A_373], %swap3A_376 {strides = array<i32>} : memref<128x128xf32, #tpu.memory_space<vmem>>, vector<1x16xf32>,
    %swap3A_377 = arith.constant 125 : i32
    %swap3A_378 = arith.index_cast %swap3A_377 : i32 to index
    %swap3A_379 = arith.constant 96 : index
    %swap3A_380 = tpu.vector_load %arg7[%swap3A_378, %swap3A_379] {strides = array<i32>} : memref<128x128xf32, #tpu.memory_space<vmem>>, vector<1x16xf32>,
    %swap3A_381 = vector.shape_cast %swap3A_380 : vector<1x16xf32> to vector<16xf32>
    %swap3A_382 = vector.shape_cast %scan3A_339#6 : vector<16xf32> to vector<1x16xf32>
    tpu.vector_store %arg7[%swap3A_378, %swap3A_379], %swap3A_382 {strides = array<i32>} : memref<128x128xf32, #tpu.memory_space<vmem>>, vector<1x16xf32>,
    %swap3A_383 = arith.constant 125 : i32
    %swap3A_384 = arith.index_cast %swap3A_383 : i32 to index
    %swap3A_385 = arith.constant 112 : index
    %swap3A_386 = tpu.vector_load %arg7[%swap3A_384, %swap3A_385] {strides = array<i32>} : memref<128x128xf32, #tpu.memory_space<vmem>>, vector<1x16xf32>,
    %swap3A_387 = vector.shape_cast %swap3A_386 : vector<1x16xf32> to vector<16xf32>
    %swap3A_388 = vector.shape_cast %scan3A_339#7 : vector<16xf32> to vector<1x16xf32>
    tpu.vector_store %arg7[%swap3A_384, %swap3A_385], %swap3A_388 {strides = array<i32>} : memref<128x128xf32, #tpu.memory_space<vmem>>, vector<1x16xf32>,
    %dma_wait3A_389 = arith.constant 0 : i32
    %dma_wait3A_390 = arith.constant 0 : i32
    %dma_wait3A_391 = arith.constant 0 : i32
    %dma_wait3A_392 = tpu.memref_slice %arg6[%dma_wait3A_389, %dma_wait3A_390, %dma_wait3A_391] : memref<3x200x128xf32, #tpu.memory_space<vmem>> -> memref<1x200x128xf32, #tpu.memory_space<vmem>>
    %dma_wait3A_393 = tpu.memref_squeeze %dma_wait3A_392 : memref<1x200x128xf32, #tpu.memory_space<vmem>> -> memref<200x128xf32, #tpu.memory_space<vmem>>
    %dma_wait3A_394 = arith.constant 0 : i32
    %dma_wait3A_395 = arith.constant 0 : i32
    %dma_wait3A_396 = tpu.memref_slice %arg3[%dma_wait3A_394, %dma_wait3A_395] : memref<100000x128xf32, #tpu.memory_space<hbm>> -> memref<200x128xf32, #tpu.memory_space<hbm>>
    %dma_wait3A_397 = arith.constant 0 : i32
    %dma_wait3A_398 = arith.constant 0 : i32
    %dma_wait3A_399 = tpu.memref_slice %arg6[%dma_wait3A_389, %dma_wait3A_397, %dma_wait3A_398] : memref<3x200x128xf32, #tpu.memory_space<vmem>> -> memref<1x200x128xf32, #tpu.memory_space<vmem>>
    %dma_wait3A_400 = tpu.memref_squeeze %dma_wait3A_399 : memref<1x200x128xf32, #tpu.memory_space<vmem>> -> memref<200x128xf32, #tpu.memory_space<vmem>>
    %dma_wait3A_401 = arith.constant 0 : i32
    %dma_wait3A_402 = arith.constant 0 : i32
    %dma_wait3A_403 = tpu.memref_slice %arg3[%dma_wait3A_401, %dma_wait3A_402] : memref<100000x128xf32, #tpu.memory_space<hbm>> -> memref<200x128xf32, #tpu.memory_space<hbm>>
    tpu.wait_dma2 semaphore(%arg8 : memref<!tpu.dma_semaphore, #tpu.memory_space<semaphore_mem>>) src(%dma_wait3A_403 : memref<200x128xf32, #tpu.memory_space<hbm>>) dst(%dma_wait3A_400 : memref<200x128xf32, #tpu.memory_space<vmem>>)
    %broadcast_in_dim3A_404 = arith.constant 0.000000e+00 : f32
    %broadcast_in_dim3A_405 = vector.broadcast %broadcast_in_dim3A_404 : f32 to vector<16xf32>
    %broadcast_in_dim3A_406 = arith.constant 0.000000e+00 : f32
    %broadcast_in_dim3A_407 = vector.broadcast %broadcast_in_dim3A_406 : f32 to vector<16xf32>
    %broadcast_in_dim3A_408 = arith.constant 0.000000e+00 : f32
    %broadcast_in_dim3A_409 = vector.broadcast %broadcast_in_dim3A_408 : f32 to vector<16xf32>
    %broadcast_in_dim3A_410 = arith.constant 0.000000e+00 : f32
    %broadcast_in_dim3A_411 = vector.broadcast %broadcast_in_dim3A_410 : f32 to vector<16xf32>
    %broadcast_in_dim3A_412 = arith.constant 0.000000e+00 : f32
    %broadcast_in_dim3A_413 = vector.broadcast %broadcast_in_dim3A_412 : f32 to vector<16xf32>
    %broadcast_in_dim3A_414 = arith.constant 0.000000e+00 : f32
    %broadcast_in_dim3A_415 = vector.broadcast %broadcast_in_dim3A_414 : f32 to vector<16xf32>
    %broadcast_in_dim3A_416 = arith.constant 0.000000e+00 : f32
    %broadcast_in_dim3A_417 = vector.broadcast %broadcast_in_dim3A_416 : f32 to vector<16xf32>
    %broadcast_in_dim3A_418 = arith.constant 0.000000e+00 : f32
    %broadcast_in_dim3A_419 = vector.broadcast %broadcast_in_dim3A_418 : f32 to vector<16xf32>
    %scan3A_420 = arith.constant 0 : i32
    %scan3A_421 = arith.constant 25 : i32
    %scan3A_422 = arith.addi %scan3A_420, %scan3A_421 : i32
    %scan3A_423 = arith.constant 1 : i32
    %scan3A_424:8 = scf.for %scan3A_559 = %scan3A_420 to %scan3A_422 step %scan3A_423 iter_args(%scan3A_560 = %broadcast_in_dim3A_405, %scan3A_561 = %broadcast_in_dim3A_407, %scan3A_562 = %broadcast_in_dim3A_409, %scan3A_563 = %broadcast_in_dim3A_411, %scan3A_564 = %broadcast_in_dim3A_413, %scan3A_565 = %broadcast_in_dim3A_415, %scan3A_566 = %broadcast_in_dim3A_417, %scan3A_567 = %broadcast_in_dim3A_419) -> (vector<16xf32>, vector<16xf32>, vector<16xf32>, vector<16xf32>, vector<16xf32>, vector<16xf32>, vector<16xf32>, vector<16xf32>)  : i32 {
      %mul3A_568 = arith.constant 8 : i32
      %mul3A_569 = arith.muli %scan3A_559, %mul3A_568 : i32
      %add3A_570 = arith.constant 0 : i32
      %add3A_571 = arith.addi %mul3A_569, %add3A_570 : i32
      %get3A = arith.constant 0 : i32
      %get3A_572 = arith.index_cast %get3A : i32 to index
      %get3A_573 = arith.index_cast %add3A_571 : i32 to index
      %get3A_574 = arith.constant 0 : index
      %get3A_575 = tpu.vector_load %arg6[%get3A_572, %get3A_573, %get3A_574] {strides = array<i32>} : memref<3x200x128xf32, #tpu.memory_space<vmem>>, vector<1x1x16xf32>,
      %get3A_576 = vector.shape_cast %get3A_575 : vector<1x1x16xf32> to vector<16xf32>
      %add3A_577 = arith.addf %scan3A_560, %get3A_576 : vector<16xf32>
      %get3A_578 = arith.constant 0 : i32
      %get3A_579 = arith.index_cast %get3A_578 : i32 to index
      %get3A_580 = arith.index_cast %add3A_571 : i32 to index
      %get3A_581 = arith.constant 16 : index
      %get3A_582 = tpu.vector_load %arg6[%get3A_579, %get3A_580, %get3A_581] {strides = array<i32>} : memref<3x200x128xf32, #tpu.memory_space<vmem>>, vector<1x1x16xf32>,
      %get3A_583 = vector.shape_cast %get3A_582 : vector<1x1x16xf32> to vector<16xf32>
      %add3A_584 = arith.addf %scan3A_561, %get3A_583 : vector<16xf32>
      %get3A_585 = arith.constant 0 : i32
      %get3A_586 = arith.index_cast %get3A_585 : i32 to index
      %get3A_587 = arith.index_cast %add3A_571 : i32 to index
      %get3A_588 = arith.constant 32 : index
      %get3A_589 = tpu.vector_load %arg6[%get3A_586, %get3A_587, %get3A_588] {strides = array<i32>} : memref<3x200x128xf32, #tpu.memory_space<vmem>>, vector<1x1x16xf32>,
      %get3A_590 = vector.shape_cast %get3A_589 : vector<1x1x16xf32> to vector<16xf32>
      %add3A_591 = arith.addf %scan3A_562, %get3A_590 : vector<16xf32>
      %get3A_592 = arith.constant 0 : i32
      %get3A_593 = arith.index_cast %get3A_592 : i32 to index
      %get3A_594 = arith.index_cast %add3A_571 : i32 to index
      %get3A_595 = arith.constant 48 : index
      %get3A_596 = tpu.vector_load %arg6[%get3A_593, %get3A_594, %get3A_595] {strides = array<i32>} : memref<3x200x128xf32, #tpu.memory_space<vmem>>, vector<1x1x16xf32>,
      %get3A_597 = vector.shape_cast %get3A_596 : vector<1x1x16xf32> to vector<16xf32>
      %add3A_598 = arith.addf %scan3A_563, %get3A_597 : vector<16xf32>
      %get3A_599 = arith.constant 0 : i32
      %get3A_600 = arith.index_cast %get3A_599 : i32 to index
      %get3A_601 = arith.index_cast %add3A_571 : i32 to index
      %get3A_602 = arith.constant 64 : index
      %get3A_603 = tpu.vector_load %arg6[%get3A_600, %get3A_601, %get3A_602] {strides = array<i32>} : memref<3x200x128xf32, #tpu.memory_space<vmem>>, vector<1x1x16xf32>,
      %get3A_604 = vector.shape_cast %get3A_603 : vector<1x1x16xf32> to vector<16xf32>
      %add3A_605 = arith.addf %scan3A_564, %get3A_604 : vector<16xf32>
      %get3A_606 = arith.constant 0 : i32
      %get3A_607 = arith.index_cast %get3A_606 : i32 to index
      %get3A_608 = arith.index_cast %add3A_571 : i32 to index
      %get3A_609 = arith.constant 80 : index
      %get3A_610 = tpu.vector_load %arg6[%get3A_607, %get3A_608, %get3A_609] {strides = array<i32>} : memref<3x200x128xf32, #tpu.memory_space<vmem>>, vector<1x1x16xf32>,
      %get3A_611 = vector.shape_cast %get3A_610 : vector<1x1x16xf32> to vector<16xf32>
      %add3A_612 = arith.addf %scan3A_565, %get3A_611 : vector<16xf32>
      %get3A_613 = arith.constant 0 : i32
      %get3A_614 = arith.index_cast %get3A_613 : i32 to index
      %get3A_615 = arith.index_cast %add3A_571 : i32 to index
      %get3A_616 = arith.constant 96 : index
      %get3A_617 = tpu.vector_load %arg6[%get3A_614, %get3A_615, %get3A_616] {strides = array<i32>} : memref<3x200x128xf32, #tpu.memory_space<vmem>>, vector<1x1x16xf32>,
      %get3A_618 = vector.shape_cast %get3A_617 : vector<1x1x16xf32> to vector<16xf32>
      %add3A_619 = arith.addf %scan3A_566, %get3A_618 : vector<16xf32>
      %get3A_620 = arith.constant 0 : i32
      %get3A_621 = arith.index_cast %get3A_620 : i32 to index
      %get3A_622 = arith.index_cast %add3A_571 : i32 to index
      %get3A_623 = arith.constant 112 : index
      %get3A_624 = tpu.vector_load %arg6[%get3A_621, %get3A_622, %get3A_623] {strides = array<i32>} : memref<3x200x128xf32, #tpu.memory_space<vmem>>, vector<1x1x16xf32>,
      %get3A_625 = vector.shape_cast %get3A_624 : vector<1x1x16xf32> to vector<16xf32>
      %add3A_626 = arith.addf %scan3A_567, %get3A_625 : vector<16xf32>
      %mul3A_627 = arith.constant 8 : i32
      %mul3A_628 = arith.muli %scan3A_559, %mul3A_627 : i32
      %add3A_629 = arith.constant 1 : i32
      %add3A_630 = arith.addi %mul3A_628, %add3A_629 : i32
      %get3A_631 = arith.constant 0 : i32
      %get3A_632 = arith.index_cast %get3A_631 : i32 to index
      %get3A_633 = arith.index_cast %add3A_630 : i32 to index
      %get3A_634 = arith.constant 0 : index
      %get3A_635 = tpu.vector_load %arg6[%get3A_632, %get3A_633, %get3A_634] {strides = array<i32>} : memref<3x200x128xf32, #tpu.memory_space<vmem>>, vector<1x1x16xf32>,
      %get3A_636 = vector.shape_cast %get3A_635 : vector<1x1x16xf32> to vector<16xf32>
      %add3A_637 = arith.addf %add3A_577, %get3A_636 : vector<16xf32>
      %get3A_638 = arith.constant 0 : i32
      %get3A_639 = arith.index_cast %get3A_638 : i32 to index
      %get3A_640 = arith.index_cast %add3A_630 : i32 to index
      %get3A_641 = arith.constant 16 : index
      %get3A_642 = tpu.vector_load %arg6[%get3A_639, %get3A_640, %get3A_641] {strides = array<i32>} : memref<3x200x128xf32, #tpu.memory_space<vmem>>, vector<1x1x16xf32>,
      %get3A_643 = vector.shape_cast %get3A_642 : vector<1x1x16xf32> to vector<16xf32>
      %add3A_644 = arith.addf %add3A_584, %get3A_643 : vector<16xf32>
      %get3A_645 = arith.constant 0 : i32
      %get3A_646 = arith.index_cast %get3A_645 : i32 to index
      %get3A_647 = arith.index_cast %add3A_630 : i32 to index
      %get3A_648 = arith.constant 32 : index
      %get3A_649 = tpu.vector_load %arg6[%get3A_646, %get3A_647, %get3A_648] {strides = array<i32>} : memref<3x200x128xf32, #tpu.memory_space<vmem>>, vector<1x1x16xf32>,
      %get3A_650 = vector.shape_cast %get3A_649 : vector<1x1x16xf32> to vector<16xf32>
      %add3A_651 = arith.addf %add3A_591, %get3A_650 : vector<16xf32>
      %get3A_652 = arith.constant 0 : i32
      %get3A_653 = arith.index_cast %get3A_652 : i32 to index
      %get3A_654 = arith.index_cast %add3A_630 : i32 to index
      %get3A_655 = arith.constant 48 : index
      %get3A_656 = tpu.vector_load %arg6[%get3A_653, %get3A_654, %get3A_655] {strides = array<i32>} : memref<3x200x128xf32, #tpu.memory_space<vmem>>, vector<1x1x16xf32>,
      %get3A_657 = vector.shape_cast %get3A_656 : vector<1x1x16xf32> to vector<16xf32>
      %add3A_658 = arith.addf %add3A_598, %get3A_657 : vector<16xf32>
      %get3A_659 = arith.constant 0 : i32
      %get3A_660 = arith.index_cast %get3A_659 : i32 to index
      %get3A_661 = arith.index_cast %add3A_630 : i32 to index
      %get3A_662 = arith.constant 64 : index
      %get3A_663 = tpu.vector_load %arg6[%get3A_660, %get3A_661, %get3A_662] {strides = array<i32>} : memref<3x200x128xf32, #tpu.memory_space<vmem>>, vector<1x1x16xf32>,
      %get3A_664 = vector.shape_cast %get3A_663 : vector<1x1x16xf32> to vector<16xf32>
      %add3A_665 = arith.addf %add3A_605, %get3A_664 : vector<16xf32>
      %get3A_666 = arith.constant 0 : i32
      %get3A_667 = arith.index_cast %get3A_666 : i32 to index
      %get3A_668 = arith.index_cast %add3A_630 : i32 to index
      %get3A_669 = arith.constant 80 : index
      %get3A_670 = tpu.vector_load %arg6[%get3A_667, %get3A_668, %get3A_669] {strides = array<i32>} : memref<3x200x128xf32, #tpu.memory_space<vmem>>, vector<1x1x16xf32>,
      %get3A_671 = vector.shape_cast %get3A_670 : vector<1x1x16xf32> to vector<16xf32>
      %add3A_672 = arith.addf %add3A_612, %get3A_671 : vector<16xf32>
      %get3A_673 = arith.constant 0 : i32
      %get3A_674 = arith.index_cast %get3A_673 : i32 to index
      %get3A_675 = arith.index_cast %add3A_630 : i32 to index
      %get3A_676 = arith.constant 96 : index
      %get3A_677 = tpu.vector_load %arg6[%get3A_674, %get3A_675, %get3A_676] {strides = array<i32>} : memref<3x200x128xf32, #tpu.memory_space<vmem>>, vector<1x1x16xf32>,
      %get3A_678 = vector.shape_cast %get3A_677 : vector<1x1x16xf32> to vector<16xf32>
      %add3A_679 = arith.addf %add3A_619, %get3A_678 : vector<16xf32>
      %get3A_680 = arith.constant 0 : i32
      %get3A_681 = arith.index_cast %get3A_680 : i32 to index
      %get3A_682 = arith.index_cast %add3A_630 : i32 to index
      %get3A_683 = arith.constant 112 : index
      %get3A_684 = tpu.vector_load %arg6[%get3A_681, %get3A_682, %get3A_683] {strides = array<i32>} : memref<3x200x128xf32, #tpu.memory_space<vmem>>, vector<1x1x16xf32>,
      %get3A_685 = vector.shape_cast %get3A_684 : vector<1x1x16xf32> to vector<16xf32>
      %add3A_686 = arith.addf %add3A_626, %get3A_685 : vector<16xf32>
      %mul3A_687 = arith.constant 8 : i32
      %mul3A_688 = arith.muli %scan3A_559, %mul3A_687 : i32
      %add3A_689 = arith.constant 2 : i32
      %add3A_690 = arith.addi %mul3A_688, %add3A_689 : i32
      %get3A_691 = arith.constant 0 : i32
      %get3A_692 = arith.index_cast %get3A_691 : i32 to index
      %get3A_693 = arith.index_cast %add3A_690 : i32 to index
      %get3A_694 = arith.constant 0 : index
      %get3A_695 = tpu.vector_load %arg6[%get3A_692, %get3A_693, %get3A_694] {strides = array<i32>} : memref<3x200x128xf32, #tpu.memory_space<vmem>>, vector<1x1x16xf32>,
      %get3A_696 = vector.shape_cast %get3A_695 : vector<1x1x16xf32> to vector<16xf32>
      %add3A_697 = arith.addf %add3A_637, %get3A_696 : vector<16xf32>
      %get3A_698 = arith.constant 0 : i32
      %get3A_699 = arith.index_cast %get3A_698 : i32 to index
      %get3A_700 = arith.index_cast %add3A_690 : i32 to index
      %get3A_701 = arith.constant 16 : index
      %get3A_702 = tpu.vector_load %arg6[%get3A_699, %get3A_700, %get3A_701] {strides = array<i32>} : memref<3x200x128xf32, #tpu.memory_space<vmem>>, vector<1x1x16xf32>,
      %get3A_703 = vector.shape_cast %get3A_702 : vector<1x1x16xf32> to vector<16xf32>
      %add3A_704 = arith.addf %add3A_644, %get3A_703 : vector<16xf32>
      %get3A_705 = arith.constant 0 : i32
      %get3A_706 = arith.index_cast %get3A_705 : i32 to index
      %get3A_707 = arith.index_cast %add3A_690 : i32 to index
      %get3A_708 = arith.constant 32 : index
      %get3A_709 = tpu.vector_load %arg6[%get3A_706, %get3A_707, %get3A_708] {strides = array<i32>} : memref<3x200x128xf32, #tpu.memory_space<vmem>>, vector<1x1x16xf32>,
      %get3A_710 = vector.shape_cast %get3A_709 : vector<1x1x16xf32> to vector<16xf32>
      %add3A_711 = arith.addf %add3A_651, %get3A_710 : vector<16xf32>
      %get3A_712 = arith.constant 0 : i32
      %get3A_713 = arith.index_cast %get3A_712 : i32 to index
      %get3A_714 = arith.index_cast %add3A_690 : i32 to index
      %get3A_715 = arith.constant 48 : index
      %get3A_716 = tpu.vector_load %arg6[%get3A_713, %get3A_714, %get3A_715] {strides = array<i32>} : memref<3x200x128xf32, #tpu.memory_space<vmem>>, vector<1x1x16xf32>,
      %get3A_717 = vector.shape_cast %get3A_716 : vector<1x1x16xf32> to vector<16xf32>
      %add3A_718 = arith.addf %add3A_658, %get3A_717 : vector<16xf32>
      %get3A_719 = arith.constant 0 : i32
      %get3A_720 = arith.index_cast %get3A_719 : i32 to index
      %get3A_721 = arith.index_cast %add3A_690 : i32 to index
      %get3A_722 = arith.constant 64 : index
      %get3A_723 = tpu.vector_load %arg6[%get3A_720, %get3A_721, %get3A_722] {strides = array<i32>} : memref<3x200x128xf32, #tpu.memory_space<vmem>>, vector<1x1x16xf32>,
      %get3A_724 = vector.shape_cast %get3A_723 : vector<1x1x16xf32> to vector<16xf32>
      %add3A_725 = arith.addf %add3A_665, %get3A_724 : vector<16xf32>
      %get3A_726 = arith.constant 0 : i32
      %get3A_727 = arith.index_cast %get3A_726 : i32 to index
      %get3A_728 = arith.index_cast %add3A_690 : i32 to index
      %get3A_729 = arith.constant 80 : index
      %get3A_730 = tpu.vector_load %arg6[%get3A_727, %get3A_728, %get3A_729] {strides = array<i32>} : memref<3x200x128xf32, #tpu.memory_space<vmem>>, vector<1x1x16xf32>,
      %get3A_731 = vector.shape_cast %get3A_730 : vector<1x1x16xf32> to vector<16xf32>
      %add3A_732 = arith.addf %add3A_672, %get3A_731 : vector<16xf32>
      %get3A_733 = arith.constant 0 : i32
      %get3A_734 = arith.index_cast %get3A_733 : i32 to index
      %get3A_735 = arith.index_cast %add3A_690 : i32 to index
      %get3A_736 = arith.constant 96 : index
      %get3A_737 = tpu.vector_load %arg6[%get3A_734, %get3A_735, %get3A_736] {strides = array<i32>} : memref<3x200x128xf32, #tpu.memory_space<vmem>>, vector<1x1x16xf32>,
      %get3A_738 = vector.shape_cast %get3A_737 : vector<1x1x16xf32> to vector<16xf32>
      %add3A_739 = arith.addf %add3A_679, %get3A_738 : vector<16xf32>
      %get3A_740 = arith.constant 0 : i32
      %get3A_741 = arith.index_cast %get3A_740 : i32 to index
      %get3A_742 = arith.index_cast %add3A_690 : i32 to index
      %get3A_743 = arith.constant 112 : index
      %get3A_744 = tpu.vector_load %arg6[%get3A_741, %get3A_742, %get3A_743] {strides = array<i32>} : memref<3x200x128xf32, #tpu.memory_space<vmem>>, vector<1x1x16xf32>,
      %get3A_745 = vector.shape_cast %get3A_744 : vector<1x1x16xf32> to vector<16xf32>
      %add3A_746 = arith.addf %add3A_686, %get3A_745 : vector<16xf32>
      %mul3A_747 = arith.constant 8 : i32
      %mul3A_748 = arith.muli %scan3A_559, %mul3A_747 : i32
      %add3A_749 = arith.constant 3 : i32
      %add3A_750 = arith.addi %mul3A_748, %add3A_749 : i32
      %get3A_751 = arith.constant 0 : i32
      %get3A_752 = arith.index_cast %get3A_751 : i32 to index
      %get3A_753 = arith.index_cast %add3A_750 : i32 to index
      %get3A_754 = arith.constant 0 : index
      %get3A_755 = tpu.vector_load %arg6[%get3A_752, %get3A_753, %get3A_754] {strides = array<i32>} : memref<3x200x128xf32, #tpu.memory_space<vmem>>, vector<1x1x16xf32>,
      %get3A_756 = vector.shape_cast %get3A_755 : vector<1x1x16xf32> to vector<16xf32>
      %add3A_757 = arith.addf %add3A_697, %get3A_756 : vector<16xf32>
      %get3A_758 = arith.constant 0 : i32
      %get3A_759 = arith.index_cast %get3A_758 : i32 to index
      %get3A_760 = arith.index_cast %add3A_750 : i32 to index
      %get3A_761 = arith.constant 16 : index
      %get3A_762 = tpu.vector_load %arg6[%get3A_759, %get3A_760, %get3A_761] {strides = array<i32>} : memref<3x200x128xf32, #tpu.memory_space<vmem>>, vector<1x1x16xf32>,
      %get3A_763 = vector.shape_cast %get3A_762 : vector<1x1x16xf32> to vector<16xf32>
      %add3A_764 = arith.addf %add3A_704, %get3A_763 : vector<16xf32>
      %get3A_765 = arith.constant 0 : i32
      %get3A_766 = arith.index_cast %get3A_765 : i32 to index
      %get3A_767 = arith.index_cast %add3A_750 : i32 to index
      %get3A_768 = arith.constant 32 : index
      %get3A_769 = tpu.vector_load %arg6[%get3A_766, %get3A_767, %get3A_768] {strides = array<i32>} : memref<3x200x128xf32, #tpu.memory_space<vmem>>, vector<1x1x16xf32>,
      %get3A_770 = vector.shape_cast %get3A_769 : vector<1x1x16xf32> to vector<16xf32>
      %add3A_771 = arith.addf %add3A_711, %get3A_770 : vector<16xf32>
      %get3A_772 = arith.constant 0 : i32
      %get3A_773 = arith.index_cast %get3A_772 : i32 to index
      %get3A_774 = arith.index_cast %add3A_750 : i32 to index
      %get3A_775 = arith.constant 48 : index
      %get3A_776 = tpu.vector_load %arg6[%get3A_773, %get3A_774, %get3A_775] {strides = array<i32>} : memref<3x200x128xf32, #tpu.memory_space<vmem>>, vector<1x1x16xf32>,
      %get3A_777 = vector.shape_cast %get3A_776 : vector<1x1x16xf32> to vector<16xf32>
      %add3A_778 = arith.addf %add3A_718, %get3A_777 : vector<16xf32>
      %get3A_779 = arith.constant 0 : i32
      %get3A_780 = arith.index_cast %get3A_779 : i32 to index
      %get3A_781 = arith.index_cast %add3A_750 : i32 to index
      %get3A_782 = arith.constant 64 : index
      %get3A_783 = tpu.vector_load %arg6[%get3A_780, %get3A_781, %get3A_782] {strides = array<i32>} : memref<3x200x128xf32, #tpu.memory_space<vmem>>, vector<1x1x16xf32>,
      %get3A_784 = vector.shape_cast %get3A_783 : vector<1x1x16xf32> to vector<16xf32>
      %add3A_785 = arith.addf %add3A_725, %get3A_784 : vector<16xf32>
      %get3A_786 = arith.constant 0 : i32
      %get3A_787 = arith.index_cast %get3A_786 : i32 to index
      %get3A_788 = arith.index_cast %add3A_750 : i32 to index
      %get3A_789 = arith.constant 80 : index
      %get3A_790 = tpu.vector_load %arg6[%get3A_787, %get3A_788, %get3A_789] {strides = array<i32>} : memref<3x200x128xf32, #tpu.memory_space<vmem>>, vector<1x1x16xf32>,
      %get3A_791 = vector.shape_cast %get3A_790 : vector<1x1x16xf32> to vector<16xf32>
      %add3A_792 = arith.addf %add3A_732, %get3A_791 : vector<16xf32>
      %get3A_793 = arith.constant 0 : i32
      %get3A_794 = arith.index_cast %get3A_793 : i32 to index
      %get3A_795 = arith.index_cast %add3A_750 : i32 to index
      %get3A_796 = arith.constant 96 : index
      %get3A_797 = tpu.vector_load %arg6[%get3A_794, %get3A_795, %get3A_796] {strides = array<i32>} : memref<3x200x128xf32, #tpu.memory_space<vmem>>, vector<1x1x16xf32>,
      %get3A_798 = vector.shape_cast %get3A_797 : vector<1x1x16xf32> to vector<16xf32>
      %add3A_799 = arith.addf %add3A_739, %get3A_798 : vector<16xf32>
      %get3A_800 = arith.constant 0 : i32
      %get3A_801 = arith.index_cast %get3A_800 : i32 to index
      %get3A_802 = arith.index_cast %add3A_750 : i32 to index
      %get3A_803 = arith.constant 112 : index
      %get3A_804 = tpu.vector_load %arg6[%get3A_801, %get3A_802, %get3A_803] {strides = array<i32>} : memref<3x200x128xf32, #tpu.memory_space<vmem>>, vector<1x1x16xf32>,
      %get3A_805 = vector.shape_cast %get3A_804 : vector<1x1x16xf32> to vector<16xf32>
      %add3A_806 = arith.addf %add3A_746, %get3A_805 : vector<16xf32>
      %mul3A_807 = arith.constant 8 : i32
      %mul3A_808 = arith.muli %scan3A_559, %mul3A_807 : i32
      %add3A_809 = arith.constant 4 : i32
      %add3A_810 = arith.addi %mul3A_808, %add3A_809 : i32
      %get3A_811 = arith.constant 0 : i32
      %get3A_812 = arith.index_cast %get3A_811 : i32 to index
      %get3A_813 = arith.index_cast %add3A_810 : i32 to index
      %get3A_814 = arith.constant 0 : index
      %get3A_815 = tpu.vector_load %arg6[%get3A_812, %get3A_813, %get3A_814] {strides = array<i32>} : memref<3x200x128xf32, #tpu.memory_space<vmem>>, vector<1x1x16xf32>,
      %get3A_816 = vector.shape_cast %get3A_815 : vector<1x1x16xf32> to vector<16xf32>
      %add3A_817 = arith.addf %add3A_757, %get3A_816 : vector<16xf32>
      %get3A_818 = arith.constant 0 : i32
      %get3A_819 = arith.index_cast %get3A_818 : i32 to index
      %get3A_820 = arith.index_cast %add3A_810 : i32 to index
      %get3A_821 = arith.constant 16 : index
      %get3A_822 = tpu.vector_load %arg6[%get3A_819, %get3A_820, %get3A_821] {strides = array<i32>} : memref<3x200x128xf32, #tpu.memory_space<vmem>>, vector<1x1x16xf32>,
      %get3A_823 = vector.shape_cast %get3A_822 : vector<1x1x16xf32> to vector<16xf32>
      %add3A_824 = arith.addf %add3A_764, %get3A_823 : vector<16xf32>
      %get3A_825 = arith.constant 0 : i32
      %get3A_826 = arith.index_cast %get3A_825 : i32 to index
      %get3A_827 = arith.index_cast %add3A_810 : i32 to index
      %get3A_828 = arith.constant 32 : index
      %get3A_829 = tpu.vector_load %arg6[%get3A_826, %get3A_827, %get3A_828] {strides = array<i32>} : memref<3x200x128xf32, #tpu.memory_space<vmem>>, vector<1x1x16xf32>,
      %get3A_830 = vector.shape_cast %get3A_829 : vector<1x1x16xf32> to vector<16xf32>
      %add3A_831 = arith.addf %add3A_771, %get3A_830 : vector<16xf32>
      %get3A_832 = arith.constant 0 : i32
      %get3A_833 = arith.index_cast %get3A_832 : i32 to index
      %get3A_834 = arith.index_cast %add3A_810 : i32 to index
      %get3A_835 = arith.constant 48 : index
      %get3A_836 = tpu.vector_load %arg6[%get3A_833, %get3A_834, %get3A_835] {strides = array<i32>} : memref<3x200x128xf32, #tpu.memory_space<vmem>>, vector<1x1x16xf32>,
      %get3A_837 = vector.shape_cast %get3A_836 : vector<1x1x16xf32> to vector<16xf32>
      %add3A_838 = arith.addf %add3A_778, %get3A_837 : vector<16xf32>
      %get3A_839 = arith.constant 0 : i32
      %get3A_840 = arith.index_cast %get3A_839 : i32 to index
      %get3A_841 = arith.index_cast %add3A_810 : i32 to index
      %get3A_842 = arith.constant 64 : index
      %get3A_843 = tpu.vector_load %arg6[%get3A_840, %get3A_841, %get3A_842] {strides = array<i32>} : memref<3x200x128xf32, #tpu.memory_space<vmem>>, vector<1x1x16xf32>,
      %get3A_844 = vector.shape_cast %get3A_843 : vector<1x1x16xf32> to vector<16xf32>
      %add3A_845 = arith.addf %add3A_785, %get3A_844 : vector<16xf32>
      %get3A_846 = arith.constant 0 : i32
      %get3A_847 = arith.index_cast %get3A_846 : i32 to index
      %get3A_848 = arith.index_cast %add3A_810 : i32 to index
      %get3A_849 = arith.constant 80 : index
      %get3A_850 = tpu.vector_load %arg6[%get3A_847, %get3A_848, %get3A_849] {strides = array<i32>} : memref<3x200x128xf32, #tpu.memory_space<vmem>>, vector<1x1x16xf32>,
      %get3A_851 = vector.shape_cast %get3A_850 : vector<1x1x16xf32> to vector<16xf32>
      %add3A_852 = arith.addf %add3A_792, %get3A_851 : vector<16xf32>
      %get3A_853 = arith.constant 0 : i32
      %get3A_854 = arith.index_cast %get3A_853 : i32 to index
      %get3A_855 = arith.index_cast %add3A_810 : i32 to index
      %get3A_856 = arith.constant 96 : index
      %get3A_857 = tpu.vector_load %arg6[%get3A_854, %get3A_855, %get3A_856] {strides = array<i32>} : memref<3x200x128xf32, #tpu.memory_space<vmem>>, vector<1x1x16xf32>,
      %get3A_858 = vector.shape_cast %get3A_857 : vector<1x1x16xf32> to vector<16xf32>
      %add3A_859 = arith.addf %add3A_799, %get3A_858 : vector<16xf32>
      %get3A_860 = arith.constant 0 : i32
      %get3A_861 = arith.index_cast %get3A_860 : i32 to index
      %get3A_862 = arith.index_cast %add3A_810 : i32 to index
      %get3A_863 = arith.constant 112 : index
      %get3A_864 = tpu.vector_load %arg6[%get3A_861, %get3A_862, %get3A_863] {strides = array<i32>} : memref<3x200x128xf32, #tpu.memory_space<vmem>>, vector<1x1x16xf32>,
      %get3A_865 = vector.shape_cast %get3A_864 : vector<1x1x16xf32> to vector<16xf32>
      %add3A_866 = arith.addf %add3A_806, %get3A_865 : vector<16xf32>
      %mul3A_867 = arith.constant 8 : i32
      %mul3A_868 = arith.muli %scan3A_559, %mul3A_867 : i32
      %add3A_869 = arith.constant 5 : i32
      %add3A_870 = arith.addi %mul3A_868, %add3A_869 : i32
      %get3A_871 = arith.constant 0 : i32
      %get3A_872 = arith.index_cast %get3A_871 : i32 to index
      %get3A_873 = arith.index_cast %add3A_870 : i32 to index
      %get3A_874 = arith.constant 0 : index
      %get3A_875 = tpu.vector_load %arg6[%get3A_872, %get3A_873, %get3A_874] {strides = array<i32>} : memref<3x200x128xf32, #tpu.memory_space<vmem>>, vector<1x1x16xf32>,
      %get3A_876 = vector.shape_cast %get3A_875 : vector<1x1x16xf32> to vector<16xf32>
      %add3A_877 = arith.addf %add3A_817, %get3A_876 : vector<16xf32>
      %get3A_878 = arith.constant 0 : i32
      %get3A_879 = arith.index_cast %get3A_878 : i32 to index
      %get3A_880 = arith.index_cast %add3A_870 : i32 to index
      %get3A_881 = arith.constant 16 : index
      %get3A_882 = tpu.vector_load %arg6[%get3A_879, %get3A_880, %get3A_881] {strides = array<i32>} : memref<3x200x128xf32, #tpu.memory_space<vmem>>, vector<1x1x16xf32>,
      %get3A_883 = vector.shape_cast %get3A_882 : vector<1x1x16xf32> to vector<16xf32>
      %add3A_884 = arith.addf %add3A_824, %get3A_883 : vector<16xf32>
      %get3A_885 = arith.constant 0 : i32
      %get3A_886 = arith.index_cast %get3A_885 : i32 to index
      %get3A_887 = arith.index_cast %add3A_870 : i32 to index
      %get3A_888 = arith.constant 32 : index
      %get3A_889 = tpu.vector_load %arg6[%get3A_886, %get3A_887, %get3A_888] {strides = array<i32>} : memref<3x200x128xf32, #tpu.memory_space<vmem>>, vector<1x1x16xf32>,
      %get3A_890 = vector.shape_cast %get3A_889 : vector<1x1x16xf32> to vector<16xf32>
      %add3A_891 = arith.addf %add3A_831, %get3A_890 : vector<16xf32>
      %get3A_892 = arith.constant 0 : i32
      %get3A_893 = arith.index_cast %get3A_892 : i32 to index
      %get3A_894 = arith.index_cast %add3A_870 : i32 to index
      %get3A_895 = arith.constant 48 : index
      %get3A_896 = tpu.vector_load %arg6[%get3A_893, %get3A_894, %get3A_895] {strides = array<i32>} : memref<3x200x128xf32, #tpu.memory_space<vmem>>, vector<1x1x16xf32>,
      %get3A_897 = vector.shape_cast %get3A_896 : vector<1x1x16xf32> to vector<16xf32>
      %add3A_898 = arith.addf %add3A_838, %get3A_897 : vector<16xf32>
      %get3A_899 = arith.constant 0 : i32
      %get3A_900 = arith.index_cast %get3A_899 : i32 to index
      %get3A_901 = arith.index_cast %add3A_870 : i32 to index
      %get3A_902 = arith.constant 64 : index
      %get3A_903 = tpu.vector_load %arg6[%get3A_900, %get3A_901, %get3A_902] {strides = array<i32>} : memref<3x200x128xf32, #tpu.memory_space<vmem>>, vector<1x1x16xf32>,
      %get3A_904 = vector.shape_cast %get3A_903 : vector<1x1x16xf32> to vector<16xf32>
      %add3A_905 = arith.addf %add3A_845, %get3A_904 : vector<16xf32>
      %get3A_906 = arith.constant 0 : i32
      %get3A_907 = arith.index_cast %get3A_906 : i32 to index
      %get3A_908 = arith.index_cast %add3A_870 : i32 to index
      %get3A_909 = arith.constant 80 : index
      %get3A_910 = tpu.vector_load %arg6[%get3A_907, %get3A_908, %get3A_909] {strides = array<i32>} : memref<3x200x128xf32, #tpu.memory_space<vmem>>, vector<1x1x16xf32>,
      %get3A_911 = vector.shape_cast %get3A_910 : vector<1x1x16xf32> to vector<16xf32>
      %add3A_912 = arith.addf %add3A_852, %get3A_911 : vector<16xf32>
      %get3A_913 = arith.constant 0 : i32
      %get3A_914 = arith.index_cast %get3A_913 : i32 to index
      %get3A_915 = arith.index_cast %add3A_870 : i32 to index
      %get3A_916 = arith.constant 96 : index
      %get3A_917 = tpu.vector_load %arg6[%get3A_914, %get3A_915, %get3A_916] {strides = array<i32>} : memref<3x200x128xf32, #tpu.memory_space<vmem>>, vector<1x1x16xf32>,
      %get3A_918 = vector.shape_cast %get3A_917 : vector<1x1x16xf32> to vector<16xf32>
      %add3A_919 = arith.addf %add3A_859, %get3A_918 : vector<16xf32>
      %get3A_920 = arith.constant 0 : i32
      %get3A_921 = arith.index_cast %get3A_920 : i32 to index
      %get3A_922 = arith.index_cast %add3A_870 : i32 to index
      %get3A_923 = arith.constant 112 : index
      %get3A_924 = tpu.vector_load %arg6[%get3A_921, %get3A_922, %get3A_923] {strides = array<i32>} : memref<3x200x128xf32, #tpu.memory_space<vmem>>, vector<1x1x16xf32>,
      %get3A_925 = vector.shape_cast %get3A_924 : vector<1x1x16xf32> to vector<16xf32>
      %add3A_926 = arith.addf %add3A_866, %get3A_925 : vector<16xf32>
      %mul3A_927 = arith.constant 8 : i32
      %mul3A_928 = arith.muli %scan3A_559, %mul3A_927 : i32
      %add3A_929 = arith.constant 6 : i32
      %add3A_930 = arith.addi %mul3A_928, %add3A_929 : i32
      %get3A_931 = arith.constant 0 : i32
      %get3A_932 = arith.index_cast %get3A_931 : i32 to index
      %get3A_933 = arith.index_cast %add3A_930 : i32 to index
      %get3A_934 = arith.constant 0 : index
      %get3A_935 = tpu.vector_load %arg6[%get3A_932, %get3A_933, %get3A_934] {strides = array<i32>} : memref<3x200x128xf32, #tpu.memory_space<vmem>>, vector<1x1x16xf32>,
      %get3A_936 = vector.shape_cast %get3A_935 : vector<1x1x16xf32> to vector<16xf32>
      %add3A_937 = arith.addf %add3A_877, %get3A_936 : vector<16xf32>
      %get3A_938 = arith.constant 0 : i32
      %get3A_939 = arith.index_cast %get3A_938 : i32 to index
      %get3A_940 = arith.index_cast %add3A_930 : i32 to index
      %get3A_941 = arith.constant 16 : index
      %get3A_942 = tpu.vector_load %arg6[%get3A_939, %get3A_940, %get3A_941] {strides = array<i32>} : memref<3x200x128xf32, #tpu.memory_space<vmem>>, vector<1x1x16xf32>,
      %get3A_943 = vector.shape_cast %get3A_942 : vector<1x1x16xf32> to vector<16xf32>
      %add3A_944 = arith.addf %add3A_884, %get3A_943 : vector<16xf32>
      %get3A_945 = arith.constant 0 : i32
      %get3A_946 = arith.index_cast %get3A_945 : i32 to index
      %get3A_947 = arith.index_cast %add3A_930 : i32 to index
      %get3A_948 = arith.constant 32 : index
      %get3A_949 = tpu.vector_load %arg6[%get3A_946, %get3A_947, %get3A_948] {strides = array<i32>} : memref<3x200x128xf32, #tpu.memory_space<vmem>>, vector<1x1x16xf32>,
      %get3A_950 = vector.shape_cast %get3A_949 : vector<1x1x16xf32> to vector<16xf32>
      %add3A_951 = arith.addf %add3A_891, %get3A_950 : vector<16xf32>
      %get3A_952 = arith.constant 0 : i32
      %get3A_953 = arith.index_cast %get3A_952 : i32 to index
      %get3A_954 = arith.index_cast %add3A_930 : i32 to index
      %get3A_955 = arith.constant 48 : index
      %get3A_956 = tpu.vector_load %arg6[%get3A_953, %get3A_954, %get3A_955] {strides = array<i32>} : memref<3x200x128xf32, #tpu.memory_space<vmem>>, vector<1x1x16xf32>,
      %get3A_957 = vector.shape_cast %get3A_956 : vector<1x1x16xf32> to vector<16xf32>
      %add3A_958 = arith.addf %add3A_898, %get3A_957 : vector<16xf32>
      %get3A_959 = arith.constant 0 : i32
      %get3A_960 = arith.index_cast %get3A_959 : i32 to index
      %get3A_961 = arith.index_cast %add3A_930 : i32 to index
      %get3A_962 = arith.constant 64 : index
      %get3A_963 = tpu.vector_load %arg6[%get3A_960, %get3A_961, %get3A_962] {strides = array<i32>} : memref<3x200x128xf32, #tpu.memory_space<vmem>>, vector<1x1x16xf32>,
      %get3A_964 = vector.shape_cast %get3A_963 : vector<1x1x16xf32> to vector<16xf32>
      %add3A_965 = arith.addf %add3A_905, %get3A_964 : vector<16xf32>
      %get3A_966 = arith.constant 0 : i32
      %get3A_967 = arith.index_cast %get3A_966 : i32 to index
      %get3A_968 = arith.index_cast %add3A_930 : i32 to index
      %get3A_969 = arith.constant 80 : index
      %get3A_970 = tpu.vector_load %arg6[%get3A_967, %get3A_968, %get3A_969] {strides = array<i32>} : memref<3x200x128xf32, #tpu.memory_space<vmem>>, vector<1x1x16xf32>,
      %get3A_971 = vector.shape_cast %get3A_970 : vector<1x1x16xf32> to vector<16xf32>
      %add3A_972 = arith.addf %add3A_912, %get3A_971 : vector<16xf32>
      %get3A_973 = arith.constant 0 : i32
      %get3A_974 = arith.index_cast %get3A_973 : i32 to index
      %get3A_975 = arith.index_cast %add3A_930 : i32 to index
      %get3A_976 = arith.constant 96 : index
      %get3A_977 = tpu.vector_load %arg6[%get3A_974, %get3A_975, %get3A_976] {strides = array<i32>} : memref<3x200x128xf32, #tpu.memory_space<vmem>>, vector<1x1x16xf32>,
      %get3A_978 = vector.shape_cast %get3A_977 : vector<1x1x16xf32> to vector<16xf32>
      %add3A_979 = arith.addf %add3A_919, %get3A_978 : vector<16xf32>
      %get3A_980 = arith.constant 0 : i32
      %get3A_981 = arith.index_cast %get3A_980 : i32 to index
      %get3A_982 = arith.index_cast %add3A_930 : i32 to index
      %get3A_983 = arith.constant 112 : index
      %get3A_984 = tpu.vector_load %arg6[%get3A_981, %get3A_982, %get3A_983] {strides = array<i32>} : memref<3x200x128xf32, #tpu.memory_space<vmem>>, vector<1x1x16xf32>,
      %get3A_985 = vector.shape_cast %get3A_984 : vector<1x1x16xf32> to vector<16xf32>
      %add3A_986 = arith.addf %add3A_926, %get3A_985 : vector<16xf32>
      %mul3A_987 = arith.constant 8 : i32
      %mul3A_988 = arith.muli %scan3A_559, %mul3A_987 : i32
      %add3A_989 = arith.constant 7 : i32
      %add3A_990 = arith.addi %mul3A_988, %add3A_989 : i32
      %get3A_991 = arith.constant 0 : i32
      %get3A_992 = arith.index_cast %get3A_991 : i32 to index
      %get3A_993 = arith.index_cast %add3A_990 : i32 to index
      %get3A_994 = arith.constant 0 : index
      %get3A_995 = tpu.vector_load %arg6[%get3A_992, %get3A_993, %get3A_994] {strides = array<i32>} : memref<3x200x128xf32, #tpu.memory_space<vmem>>, vector<1x1x16xf32>,
      %get3A_996 = vector.shape_cast %get3A_995 : vector<1x1x16xf32> to vector<16xf32>
      %add3A_997 = arith.addf %add3A_937, %get3A_996 : vector<16xf32>
      %get3A_998 = arith.constant 0 : i32
      %get3A_999 = arith.index_cast %get3A_998 : i32 to index
      %get3A_1000 = arith.index_cast %add3A_990 : i32 to index
      %get3A_1001 = arith.constant 16 : index
      %get3A_1002 = tpu.vector_load %arg6[%get3A_999, %get3A_1000, %get3A_1001] {strides = array<i32>} : memref<3x200x128xf32, #tpu.memory_space<vmem>>, vector<1x1x16xf32>,
      %get3A_1003 = vector.shape_cast %get3A_1002 : vector<1x1x16xf32> to vector<16xf32>
      %add3A_1004 = arith.addf %add3A_944, %get3A_1003 : vector<16xf32>
      %get3A_1005 = arith.constant 0 : i32
      %get3A_1006 = arith.index_cast %get3A_1005 : i32 to index
      %get3A_1007 = arith.index_cast %add3A_990 : i32 to index
      %get3A_1008 = arith.constant 32 : index
      %get3A_1009 = tpu.vector_load %arg6[%get3A_1006, %get3A_1007, %get3A_1008] {strides = array<i32>} : memref<3x200x128xf32, #tpu.memory_space<vmem>>, vector<1x1x16xf32>,
      %get3A_1010 = vector.shape_cast %get3A_1009 : vector<1x1x16xf32> to vector<16xf32>
      %add3A_1011 = arith.addf %add3A_951, %get3A_1010 : vector<16xf32>
      %get3A_1012 = arith.constant 0 : i32
      %get3A_1013 = arith.index_cast %get3A_1012 : i32 to index
      %get3A_1014 = arith.index_cast %add3A_990 : i32 to index
      %get3A_1015 = arith.constant 48 : index
      %get3A_1016 = tpu.vector_load %arg6[%get3A_1013, %get3A_1014, %get3A_1015] {strides = array<i32>} : memref<3x200x128xf32, #tpu.memory_space<vmem>>, vector<1x1x16xf32>,
      %get3A_1017 = vector.shape_cast %get3A_1016 : vector<1x1x16xf32> to vector<16xf32>
      %add3A_1018 = arith.addf %add3A_958, %get3A_1017 : vector<16xf32>
      %get3A_1019 = arith.constant 0 : i32
      %get3A_1020 = arith.index_cast %get3A_1019 : i32 to index
      %get3A_1021 = arith.index_cast %add3A_990 : i32 to index
      %get3A_1022 = arith.constant 64 : index
      %get3A_1023 = tpu.vector_load %arg6[%get3A_1020, %get3A_1021, %get3A_1022] {strides = array<i32>} : memref<3x200x128xf32, #tpu.memory_space<vmem>>, vector<1x1x16xf32>,
      %get3A_1024 = vector.shape_cast %get3A_1023 : vector<1x1x16xf32> to vector<16xf32>
      %add3A_1025 = arith.addf %add3A_965, %get3A_1024 : vector<16xf32>
      %get3A_1026 = arith.constant 0 : i32
      %get3A_1027 = arith.index_cast %get3A_1026 : i32 to index
      %get3A_1028 = arith.index_cast %add3A_990 : i32 to index
      %get3A_1029 = arith.constant 80 : index
      %get3A_1030 = tpu.vector_load %arg6[%get3A_1027, %get3A_1028, %get3A_1029] {strides = array<i32>} : memref<3x200x128xf32, #tpu.memory_space<vmem>>, vector<1x1x16xf32>,
      %get3A_1031 = vector.shape_cast %get3A_1030 : vector<1x1x16xf32> to vector<16xf32>
      %add3A_1032 = arith.addf %add3A_972, %get3A_1031 : vector<16xf32>
      %get3A_1033 = arith.constant 0 : i32
      %get3A_1034 = arith.index_cast %get3A_1033 : i32 to index
      %get3A_1035 = arith.index_cast %add3A_990 : i32 to index
      %get3A_1036 = arith.constant 96 : index
      %get3A_1037 = tpu.vector_load %arg6[%get3A_1034, %get3A_1035, %get3A_1036] {strides = array<i32>} : memref<3x200x128xf32, #tpu.memory_space<vmem>>, vector<1x1x16xf32>,
      %get3A_1038 = vector.shape_cast %get3A_1037 : vector<1x1x16xf32> to vector<16xf32>
      %add3A_1039 = arith.addf %add3A_979, %get3A_1038 : vector<16xf32>
      %get3A_1040 = arith.constant 0 : i32
      %get3A_1041 = arith.index_cast %get3A_1040 : i32 to index
      %get3A_1042 = arith.index_cast %add3A_990 : i32 to index
      %get3A_1043 = arith.constant 112 : index
      %get3A_1044 = tpu.vector_load %arg6[%get3A_1041, %get3A_1042, %get3A_1043] {strides = array<i32>} : memref<3x200x128xf32, #tpu.memory_space<vmem>>, vector<1x1x16xf32>,
      %get3A_1045 = vector.shape_cast %get3A_1044 : vector<1x1x16xf32> to vector<16xf32>
      %add3A_1046 = arith.addf %add3A_986, %get3A_1045 : vector<16xf32>
      scf.yield %add3A_997, %add3A_1004, %add3A_1011, %add3A_1018, %add3A_1025, %add3A_1032, %add3A_1039, %add3A_1046 : vector<16xf32>, vector<16xf32>, vector<16xf32>, vector<16xf32>, vector<16xf32>, vector<16xf32>, vector<16xf32>, vector<16xf32>
    }
    %scan3A_425 = arith.constant 25 : i32
    %swap3A_426 = arith.constant 126 : i32
    %swap3A_427 = arith.index_cast %swap3A_426 : i32 to index
    %swap3A_428 = arith.constant 0 : index
    %swap3A_429 = tpu.vector_load %arg7[%swap3A_427, %swap3A_428] {strides = array<i32>} : memref<128x128xf32, #tpu.memory_space<vmem>>, vector<1x16xf32>,
    %swap3A_430 = vector.shape_cast %swap3A_429 : vector<1x16xf32> to vector<16xf32>
    %swap3A_431 = vector.shape_cast %scan3A_424#0 : vector<16xf32> to vector<1x16xf32>
    tpu.vector_store %arg7[%swap3A_427, %swap3A_428], %swap3A_431 {strides = array<i32>} : memref<128x128xf32, #tpu.memory_space<vmem>>, vector<1x16xf32>,
    %swap3A_432 = arith.constant 126 : i32
    %swap3A_433 = arith.index_cast %swap3A_432 : i32 to index
    %swap3A_434 = arith.constant 16 : index
    %swap3A_435 = tpu.vector_load %arg7[%swap3A_433, %swap3A_434] {strides = array<i32>} : memref<128x128xf32, #tpu.memory_space<vmem>>, vector<1x16xf32>,
    %swap3A_436 = vector.shape_cast %swap3A_435 : vector<1x16xf32> to vector<16xf32>
    %swap3A_437 = vector.shape_cast %scan3A_424#1 : vector<16xf32> to vector<1x16xf32>
    tpu.vector_store %arg7[%swap3A_433, %swap3A_434], %swap3A_437 {strides = array<i32>} : memref<128x128xf32, #tpu.memory_space<vmem>>, vector<1x16xf32>,
    %swap3A_438 = arith.constant 126 : i32
    %swap3A_439 = arith.index_cast %swap3A_438 : i32 to index
    %swap3A_440 = arith.constant 32 : index
    %swap3A_441 = tpu.vector_load %arg7[%swap3A_439, %swap3A_440] {strides = array<i32>} : memref<128x128xf32, #tpu.memory_space<vmem>>, vector<1x16xf32>,
    %swap3A_442 = vector.shape_cast %swap3A_441 : vector<1x16xf32> to vector<16xf32>
    %swap3A_443 = vector.shape_cast %scan3A_424#2 : vector<16xf32> to vector<1x16xf32>
    tpu.vector_store %arg7[%swap3A_439, %swap3A_440], %swap3A_443 {strides = array<i32>} : memref<128x128xf32, #tpu.memory_space<vmem>>, vector<1x16xf32>,
    %swap3A_444 = arith.constant 126 : i32
    %swap3A_445 = arith.index_cast %swap3A_444 : i32 to index
    %swap3A_446 = arith.constant 48 : index
    %swap3A_447 = tpu.vector_load %arg7[%swap3A_445, %swap3A_446] {strides = array<i32>} : memref<128x128xf32, #tpu.memory_space<vmem>>, vector<1x16xf32>,
    %swap3A_448 = vector.shape_cast %swap3A_447 : vector<1x16xf32> to vector<16xf32>
    %swap3A_449 = vector.shape_cast %scan3A_424#3 : vector<16xf32> to vector<1x16xf32>
    tpu.vector_store %arg7[%swap3A_445, %swap3A_446], %swap3A_449 {strides = array<i32>} : memref<128x128xf32, #tpu.memory_space<vmem>>, vector<1x16xf32>,
    %swap3A_450 = arith.constant 126 : i32
    %swap3A_451 = arith.index_cast %swap3A_450 : i32 to index
    %swap3A_452 = arith.constant 64 : index
    %swap3A_453 = tpu.vector_load %arg7[%swap3A_451, %swap3A_452] {strides = array<i32>} : memref<128x128xf32, #tpu.memory_space<vmem>>, vector<1x16xf32>,
    %swap3A_454 = vector.shape_cast %swap3A_453 : vector<1x16xf32> to vector<16xf32>
    %swap3A_455 = vector.shape_cast %scan3A_424#4 : vector<16xf32> to vector<1x16xf32>
    tpu.vector_store %arg7[%swap3A_451, %swap3A_452], %swap3A_455 {strides = array<i32>} : memref<128x128xf32, #tpu.memory_space<vmem>>, vector<1x16xf32>,
    %swap3A_456 = arith.constant 126 : i32
    %swap3A_457 = arith.index_cast %swap3A_456 : i32 to index
    %swap3A_458 = arith.constant 80 : index
    %swap3A_459 = tpu.vector_load %arg7[%swap3A_457, %swap3A_458] {strides = array<i32>} : memref<128x128xf32, #tpu.memory_space<vmem>>, vector<1x16xf32>,
    %swap3A_460 = vector.shape_cast %swap3A_459 : vector<1x16xf32> to vector<16xf32>
    %swap3A_461 = vector.shape_cast %scan3A_424#5 : vector<16xf32> to vector<1x16xf32>
    tpu.vector_store %arg7[%swap3A_457, %swap3A_458], %swap3A_461 {strides = array<i32>} : memref<128x128xf32, #tpu.memory_space<vmem>>, vector<1x16xf32>,
    %swap3A_462 = arith.constant 126 : i32
    %swap3A_463 = arith.index_cast %swap3A_462 : i32 to index
    %swap3A_464 = arith.constant 96 : index
    %swap3A_465 = tpu.vector_load %arg7[%swap3A_463, %swap3A_464] {strides = array<i32>} : memref<128x128xf32, #tpu.memory_space<vmem>>, vector<1x16xf32>,
    %swap3A_466 = vector.shape_cast %swap3A_465 : vector<1x16xf32> to vector<16xf32>
    %swap3A_467 = vector.shape_cast %scan3A_424#6 : vector<16xf32> to vector<1x16xf32>
    tpu.vector_store %arg7[%swap3A_463, %swap3A_464], %swap3A_467 {strides = array<i32>} : memref<128x128xf32, #tpu.memory_space<vmem>>, vector<1x16xf32>,
    %swap3A_468 = arith.constant 126 : i32
    %swap3A_469 = arith.index_cast %swap3A_468 : i32 to index
    %swap3A_470 = arith.constant 112 : index
    %swap3A_471 = tpu.vector_load %arg7[%swap3A_469, %swap3A_470] {strides = array<i32>} : memref<128x128xf32, #tpu.memory_space<vmem>>, vector<1x16xf32>,
    %swap3A_472 = vector.shape_cast %swap3A_471 : vector<1x16xf32> to vector<16xf32>
    %swap3A_473 = vector.shape_cast %scan3A_424#7 : vector<16xf32> to vector<1x16xf32>
    tpu.vector_store %arg7[%swap3A_469, %swap3A_470], %swap3A_473 {strides = array<i32>} : memref<128x128xf32, #tpu.memory_space<vmem>>, vector<1x16xf32>,
    %dma_wait3A_474 = arith.constant 1 : i32
    %dma_wait3A_475 = arith.constant 0 : i32
    %dma_wait3A_476 = arith.constant 0 : i32
    %dma_wait3A_477 = tpu.memref_slice %arg6[%dma_wait3A_474, %dma_wait3A_475, %dma_wait3A_476] : memref<3x200x128xf32, #tpu.memory_space<vmem>> -> memref<1x200x128xf32, #tpu.memory_space<vmem>>
    %dma_wait3A_478 = tpu.memref_squeeze %dma_wait3A_477 : memref<1x200x128xf32, #tpu.memory_space<vmem>> -> memref<200x128xf32, #tpu.memory_space<vmem>>
    %dma_wait3A_479 = arith.constant 0 : i32
    %dma_wait3A_480 = arith.constant 0 : i32
    %dma_wait3A_481 = tpu.memref_slice %arg3[%dma_wait3A_479, %dma_wait3A_480] : memref<100000x128xf32, #tpu.memory_space<hbm>> -> memref<200x128xf32, #tpu.memory_space<hbm>>
    %dma_wait3A_482 = arith.constant 0 : i32
    %dma_wait3A_483 = arith.constant 0 : i32
    %dma_wait3A_484 = tpu.memref_slice %arg6[%dma_wait3A_474, %dma_wait3A_482, %dma_wait3A_483] : memref<3x200x128xf32, #tpu.memory_space<vmem>> -> memref<1x200x128xf32, #tpu.memory_space<vmem>>
    %dma_wait3A_485 = tpu.memref_squeeze %dma_wait3A_484 : memref<1x200x128xf32, #tpu.memory_space<vmem>> -> memref<200x128xf32, #tpu.memory_space<vmem>>
    %dma_wait3A_486 = arith.constant 0 : i32
    %dma_wait3A_487 = arith.constant 0 : i32
    %dma_wait3A_488 = tpu.memref_slice %arg3[%dma_wait3A_486, %dma_wait3A_487] : memref<100000x128xf32, #tpu.memory_space<hbm>> -> memref<200x128xf32, #tpu.memory_space<hbm>>
    tpu.wait_dma2 semaphore(%arg9 : memref<!tpu.dma_semaphore, #tpu.memory_space<semaphore_mem>>) src(%dma_wait3A_488 : memref<200x128xf32, #tpu.memory_space<hbm>>) dst(%dma_wait3A_485 : memref<200x128xf32, #tpu.memory_space<vmem>>)
    %broadcast_in_dim3A_489 = arith.constant 0.000000e+00 : f32
    %broadcast_in_dim3A_490 = vector.broadcast %broadcast_in_dim3A_489 : f32 to vector<16xf32>
    %broadcast_in_dim3A_491 = arith.constant 0.000000e+00 : f32
    %broadcast_in_dim3A_492 = vector.broadcast %broadcast_in_dim3A_491 : f32 to vector<16xf32>
    %broadcast_in_dim3A_493 = arith.constant 0.000000e+00 : f32
    %broadcast_in_dim3A_494 = vector.broadcast %broadcast_in_dim3A_493 : f32 to vector<16xf32>
    %broadcast_in_dim3A_495 = arith.constant 0.000000e+00 : f32
    %broadcast_in_dim3A_496 = vector.broadcast %broadcast_in_dim3A_495 : f32 to vector<16xf32>
    %broadcast_in_dim3A_497 = arith.constant 0.000000e+00 : f32
    %broadcast_in_dim3A_498 = vector.broadcast %broadcast_in_dim3A_497 : f32 to vector<16xf32>
    %broadcast_in_dim3A_499 = arith.constant 0.000000e+00 : f32
    %broadcast_in_dim3A_500 = vector.broadcast %broadcast_in_dim3A_499 : f32 to vector<16xf32>
    %broadcast_in_dim3A_501 = arith.constant 0.000000e+00 : f32
    %broadcast_in_dim3A_502 = vector.broadcast %broadcast_in_dim3A_501 : f32 to vector<16xf32>
    %broadcast_in_dim3A_503 = arith.constant 0.000000e+00 : f32
    %broadcast_in_dim3A_504 = vector.broadcast %broadcast_in_dim3A_503 : f32 to vector<16xf32>
    %scan3A_505 = arith.constant 0 : i32
    %scan3A_506 = arith.constant 25 : i32
    %scan3A_507 = arith.addi %scan3A_505, %scan3A_506 : i32
    %scan3A_508 = arith.constant 1 : i32
    %scan3A_509:8 = scf.for %scan3A_559 = %scan3A_505 to %scan3A_507 step %scan3A_508 iter_args(%scan3A_560 = %broadcast_in_dim3A_490, %scan3A_561 = %broadcast_in_dim3A_492, %scan3A_562 = %broadcast_in_dim3A_494, %scan3A_563 = %broadcast_in_dim3A_496, %scan3A_564 = %broadcast_in_dim3A_498, %scan3A_565 = %broadcast_in_dim3A_500, %scan3A_566 = %broadcast_in_dim3A_502, %scan3A_567 = %broadcast_in_dim3A_504) -> (vector<16xf32>, vector<16xf32>, vector<16xf32>, vector<16xf32>, vector<16xf32>, vector<16xf32>, vector<16xf32>, vector<16xf32>)  : i32 {
      %mul3A_568 = arith.constant 8 : i32
      %mul3A_569 = arith.muli %scan3A_559, %mul3A_568 : i32
      %add3A_570 = arith.constant 0 : i32
      %add3A_571 = arith.addi %mul3A_569, %add3A_570 : i32
      %get3A = arith.constant 1 : i32
      %get3A_572 = arith.index_cast %get3A : i32 to index
      %get3A_573 = arith.index_cast %add3A_571 : i32 to index
      %get3A_574 = arith.constant 0 : index
      %get3A_575 = tpu.vector_load %arg6[%get3A_572, %get3A_573, %get3A_574] {strides = array<i32>} : memref<3x200x128xf32, #tpu.memory_space<vmem>>, vector<1x1x16xf32>,
      %get3A_576 = vector.shape_cast %get3A_575 : vector<1x1x16xf32> to vector<16xf32>
      %add3A_577 = arith.addf %scan3A_560, %get3A_576 : vector<16xf32>
      %get3A_578 = arith.constant 1 : i32
      %get3A_579 = arith.index_cast %get3A_578 : i32 to index
      %get3A_580 = arith.index_cast %add3A_571 : i32 to index
      %get3A_581 = arith.constant 16 : index
      %get3A_582 = tpu.vector_load %arg6[%get3A_579, %get3A_580, %get3A_581] {strides = array<i32>} : memref<3x200x128xf32, #tpu.memory_space<vmem>>, vector<1x1x16xf32>,
      %get3A_583 = vector.shape_cast %get3A_582 : vector<1x1x16xf32> to vector<16xf32>
      %add3A_584 = arith.addf %scan3A_561, %get3A_583 : vector<16xf32>
      %get3A_585 = arith.constant 1 : i32
      %get3A_586 = arith.index_cast %get3A_585 : i32 to index
      %get3A_587 = arith.index_cast %add3A_571 : i32 to index
      %get3A_588 = arith.constant 32 : index
      %get3A_589 = tpu.vector_load %arg6[%get3A_586, %get3A_587, %get3A_588] {strides = array<i32>} : memref<3x200x128xf32, #tpu.memory_space<vmem>>, vector<1x1x16xf32>,
      %get3A_590 = vector.shape_cast %get3A_589 : vector<1x1x16xf32> to vector<16xf32>
      %add3A_591 = arith.addf %scan3A_562, %get3A_590 : vector<16xf32>
      %get3A_592 = arith.constant 1 : i32
      %get3A_593 = arith.index_cast %get3A_592 : i32 to index
      %get3A_594 = arith.index_cast %add3A_571 : i32 to index
      %get3A_595 = arith.constant 48 : index
      %get3A_596 = tpu.vector_load %arg6[%get3A_593, %get3A_594, %get3A_595] {strides = array<i32>} : memref<3x200x128xf32, #tpu.memory_space<vmem>>, vector<1x1x16xf32>,
      %get3A_597 = vector.shape_cast %get3A_596 : vector<1x1x16xf32> to vector<16xf32>
      %add3A_598 = arith.addf %scan3A_563, %get3A_597 : vector<16xf32>
      %get3A_599 = arith.constant 1 : i32
      %get3A_600 = arith.index_cast %get3A_599 : i32 to index
      %get3A_601 = arith.index_cast %add3A_571 : i32 to index
      %get3A_602 = arith.constant 64 : index
      %get3A_603 = tpu.vector_load %arg6[%get3A_600, %get3A_601, %get3A_602] {strides = array<i32>} : memref<3x200x128xf32, #tpu.memory_space<vmem>>, vector<1x1x16xf32>,
      %get3A_604 = vector.shape_cast %get3A_603 : vector<1x1x16xf32> to vector<16xf32>
      %add3A_605 = arith.addf %scan3A_564, %get3A_604 : vector<16xf32>
      %get3A_606 = arith.constant 1 : i32
      %get3A_607 = arith.index_cast %get3A_606 : i32 to index
      %get3A_608 = arith.index_cast %add3A_571 : i32 to index
      %get3A_609 = arith.constant 80 : index
      %get3A_610 = tpu.vector_load %arg6[%get3A_607, %get3A_608, %get3A_609] {strides = array<i32>} : memref<3x200x128xf32, #tpu.memory_space<vmem>>, vector<1x1x16xf32>,
      %get3A_611 = vector.shape_cast %get3A_610 : vector<1x1x16xf32> to vector<16xf32>
      %add3A_612 = arith.addf %scan3A_565, %get3A_611 : vector<16xf32>
      %get3A_613 = arith.constant 1 : i32
      %get3A_614 = arith.index_cast %get3A_613 : i32 to index
      %get3A_615 = arith.index_cast %add3A_571 : i32 to index
      %get3A_616 = arith.constant 96 : index
      %get3A_617 = tpu.vector_load %arg6[%get3A_614, %get3A_615, %get3A_616] {strides = array<i32>} : memref<3x200x128xf32, #tpu.memory_space<vmem>>, vector<1x1x16xf32>,
      %get3A_618 = vector.shape_cast %get3A_617 : vector<1x1x16xf32> to vector<16xf32>
      %add3A_619 = arith.addf %scan3A_566, %get3A_618 : vector<16xf32>
      %get3A_620 = arith.constant 1 : i32
      %get3A_621 = arith.index_cast %get3A_620 : i32 to index
      %get3A_622 = arith.index_cast %add3A_571 : i32 to index
      %get3A_623 = arith.constant 112 : index
      %get3A_624 = tpu.vector_load %arg6[%get3A_621, %get3A_622, %get3A_623] {strides = array<i32>} : memref<3x200x128xf32, #tpu.memory_space<vmem>>, vector<1x1x16xf32>,
      %get3A_625 = vector.shape_cast %get3A_624 : vector<1x1x16xf32> to vector<16xf32>
      %add3A_626 = arith.addf %scan3A_567, %get3A_625 : vector<16xf32>
      %mul3A_627 = arith.constant 8 : i32
      %mul3A_628 = arith.muli %scan3A_559, %mul3A_627 : i32
      %add3A_629 = arith.constant 1 : i32
      %add3A_630 = arith.addi %mul3A_628, %add3A_629 : i32
      %get3A_631 = arith.constant 1 : i32
      %get3A_632 = arith.index_cast %get3A_631 : i32 to index
      %get3A_633 = arith.index_cast %add3A_630 : i32 to index
      %get3A_634 = arith.constant 0 : index
      %get3A_635 = tpu.vector_load %arg6[%get3A_632, %get3A_633, %get3A_634] {strides = array<i32>} : memref<3x200x128xf32, #tpu.memory_space<vmem>>, vector<1x1x16xf32>,
      %get3A_636 = vector.shape_cast %get3A_635 : vector<1x1x16xf32> to vector<16xf32>
      %add3A_637 = arith.addf %add3A_577, %get3A_636 : vector<16xf32>
      %get3A_638 = arith.constant 1 : i32
      %get3A_639 = arith.index_cast %get3A_638 : i32 to index
      %get3A_640 = arith.index_cast %add3A_630 : i32 to index
      %get3A_641 = arith.constant 16 : index
      %get3A_642 = tpu.vector_load %arg6[%get3A_639, %get3A_640, %get3A_641] {strides = array<i32>} : memref<3x200x128xf32, #tpu.memory_space<vmem>>, vector<1x1x16xf32>,
      %get3A_643 = vector.shape_cast %get3A_642 : vector<1x1x16xf32> to vector<16xf32>
      %add3A_644 = arith.addf %add3A_584, %get3A_643 : vector<16xf32>
      %get3A_645 = arith.constant 1 : i32
      %get3A_646 = arith.index_cast %get3A_645 : i32 to index
      %get3A_647 = arith.index_cast %add3A_630 : i32 to index
      %get3A_648 = arith.constant 32 : index
      %get3A_649 = tpu.vector_load %arg6[%get3A_646, %get3A_647, %get3A_648] {strides = array<i32>} : memref<3x200x128xf32, #tpu.memory_space<vmem>>, vector<1x1x16xf32>,
      %get3A_650 = vector.shape_cast %get3A_649 : vector<1x1x16xf32> to vector<16xf32>
      %add3A_651 = arith.addf %add3A_591, %get3A_650 : vector<16xf32>
      %get3A_652 = arith.constant 1 : i32
      %get3A_653 = arith.index_cast %get3A_652 : i32 to index
      %get3A_654 = arith.index_cast %add3A_630 : i32 to index
      %get3A_655 = arith.constant 48 : index
      %get3A_656 = tpu.vector_load %arg6[%get3A_653, %get3A_654, %get3A_655] {strides = array<i32>} : memref<3x200x128xf32, #tpu.memory_space<vmem>>, vector<1x1x16xf32>,
      %get3A_657 = vector.shape_cast %get3A_656 : vector<1x1x16xf32> to vector<16xf32>
      %add3A_658 = arith.addf %add3A_598, %get3A_657 : vector<16xf32>
      %get3A_659 = arith.constant 1 : i32
      %get3A_660 = arith.index_cast %get3A_659 : i32 to index
      %get3A_661 = arith.index_cast %add3A_630 : i32 to index
      %get3A_662 = arith.constant 64 : index
      %get3A_663 = tpu.vector_load %arg6[%get3A_660, %get3A_661, %get3A_662] {strides = array<i32>} : memref<3x200x128xf32, #tpu.memory_space<vmem>>, vector<1x1x16xf32>,
      %get3A_664 = vector.shape_cast %get3A_663 : vector<1x1x16xf32> to vector<16xf32>
      %add3A_665 = arith.addf %add3A_605, %get3A_664 : vector<16xf32>
      %get3A_666 = arith.constant 1 : i32
      %get3A_667 = arith.index_cast %get3A_666 : i32 to index
      %get3A_668 = arith.index_cast %add3A_630 : i32 to index
      %get3A_669 = arith.constant 80 : index
      %get3A_670 = tpu.vector_load %arg6[%get3A_667, %get3A_668, %get3A_669] {strides = array<i32>} : memref<3x200x128xf32, #tpu.memory_space<vmem>>, vector<1x1x16xf32>,
      %get3A_671 = vector.shape_cast %get3A_670 : vector<1x1x16xf32> to vector<16xf32>
      %add3A_672 = arith.addf %add3A_612, %get3A_671 : vector<16xf32>
      %get3A_673 = arith.constant 1 : i32
      %get3A_674 = arith.index_cast %get3A_673 : i32 to index
      %get3A_675 = arith.index_cast %add3A_630 : i32 to index
      %get3A_676 = arith.constant 96 : index
      %get3A_677 = tpu.vector_load %arg6[%get3A_674, %get3A_675, %get3A_676] {strides = array<i32>} : memref<3x200x128xf32, #tpu.memory_space<vmem>>, vector<1x1x16xf32>,
      %get3A_678 = vector.shape_cast %get3A_677 : vector<1x1x16xf32> to vector<16xf32>
      %add3A_679 = arith.addf %add3A_619, %get3A_678 : vector<16xf32>
      %get3A_680 = arith.constant 1 : i32
      %get3A_681 = arith.index_cast %get3A_680 : i32 to index
      %get3A_682 = arith.index_cast %add3A_630 : i32 to index
      %get3A_683 = arith.constant 112 : index
      %get3A_684 = tpu.vector_load %arg6[%get3A_681, %get3A_682, %get3A_683] {strides = array<i32>} : memref<3x200x128xf32, #tpu.memory_space<vmem>>, vector<1x1x16xf32>,
      %get3A_685 = vector.shape_cast %get3A_684 : vector<1x1x16xf32> to vector<16xf32>
      %add3A_686 = arith.addf %add3A_626, %get3A_685 : vector<16xf32>
      %mul3A_687 = arith.constant 8 : i32
      %mul3A_688 = arith.muli %scan3A_559, %mul3A_687 : i32
      %add3A_689 = arith.constant 2 : i32
      %add3A_690 = arith.addi %mul3A_688, %add3A_689 : i32
      %get3A_691 = arith.constant 1 : i32
      %get3A_692 = arith.index_cast %get3A_691 : i32 to index
      %get3A_693 = arith.index_cast %add3A_690 : i32 to index
      %get3A_694 = arith.constant 0 : index
      %get3A_695 = tpu.vector_load %arg6[%get3A_692, %get3A_693, %get3A_694] {strides = array<i32>} : memref<3x200x128xf32, #tpu.memory_space<vmem>>, vector<1x1x16xf32>,
      %get3A_696 = vector.shape_cast %get3A_695 : vector<1x1x16xf32> to vector<16xf32>
      %add3A_697 = arith.addf %add3A_637, %get3A_696 : vector<16xf32>
      %get3A_698 = arith.constant 1 : i32
      %get3A_699 = arith.index_cast %get3A_698 : i32 to index
      %get3A_700 = arith.index_cast %add3A_690 : i32 to index
      %get3A_701 = arith.constant 16 : index
      %get3A_702 = tpu.vector_load %arg6[%get3A_699, %get3A_700, %get3A_701] {strides = array<i32>} : memref<3x200x128xf32, #tpu.memory_space<vmem>>, vector<1x1x16xf32>,
      %get3A_703 = vector.shape_cast %get3A_702 : vector<1x1x16xf32> to vector<16xf32>
      %add3A_704 = arith.addf %add3A_644, %get3A_703 : vector<16xf32>
      %get3A_705 = arith.constant 1 : i32
      %get3A_706 = arith.index_cast %get3A_705 : i32 to index
      %get3A_707 = arith.index_cast %add3A_690 : i32 to index
      %get3A_708 = arith.constant 32 : index
      %get3A_709 = tpu.vector_load %arg6[%get3A_706, %get3A_707, %get3A_708] {strides = array<i32>} : memref<3x200x128xf32, #tpu.memory_space<vmem>>, vector<1x1x16xf32>,
      %get3A_710 = vector.shape_cast %get3A_709 : vector<1x1x16xf32> to vector<16xf32>
      %add3A_711 = arith.addf %add3A_651, %get3A_710 : vector<16xf32>
      %get3A_712 = arith.constant 1 : i32
      %get3A_713 = arith.index_cast %get3A_712 : i32 to index
      %get3A_714 = arith.index_cast %add3A_690 : i32 to index
      %get3A_715 = arith.constant 48 : index
      %get3A_716 = tpu.vector_load %arg6[%get3A_713, %get3A_714, %get3A_715] {strides = array<i32>} : memref<3x200x128xf32, #tpu.memory_space<vmem>>, vector<1x1x16xf32>,
      %get3A_717 = vector.shape_cast %get3A_716 : vector<1x1x16xf32> to vector<16xf32>
      %add3A_718 = arith.addf %add3A_658, %get3A_717 : vector<16xf32>
      %get3A_719 = arith.constant 1 : i32
      %get3A_720 = arith.index_cast %get3A_719 : i32 to index
      %get3A_721 = arith.index_cast %add3A_690 : i32 to index
      %get3A_722 = arith.constant 64 : index
      %get3A_723 = tpu.vector_load %arg6[%get3A_720, %get3A_721, %get3A_722] {strides = array<i32>} : memref<3x200x128xf32, #tpu.memory_space<vmem>>, vector<1x1x16xf32>,
      %get3A_724 = vector.shape_cast %get3A_723 : vector<1x1x16xf32> to vector<16xf32>
      %add3A_725 = arith.addf %add3A_665, %get3A_724 : vector<16xf32>
      %get3A_726 = arith.constant 1 : i32
      %get3A_727 = arith.index_cast %get3A_726 : i32 to index
      %get3A_728 = arith.index_cast %add3A_690 : i32 to index
      %get3A_729 = arith.constant 80 : index
      %get3A_730 = tpu.vector_load %arg6[%get3A_727, %get3A_728, %get3A_729] {strides = array<i32>} : memref<3x200x128xf32, #tpu.memory_space<vmem>>, vector<1x1x16xf32>,
      %get3A_731 = vector.shape_cast %get3A_730 : vector<1x1x16xf32> to vector<16xf32>
      %add3A_732 = arith.addf %add3A_672, %get3A_731 : vector<16xf32>
      %get3A_733 = arith.constant 1 : i32
      %get3A_734 = arith.index_cast %get3A_733 : i32 to index
      %get3A_735 = arith.index_cast %add3A_690 : i32 to index
      %get3A_736 = arith.constant 96 : index
      %get3A_737 = tpu.vector_load %arg6[%get3A_734, %get3A_735, %get3A_736] {strides = array<i32>} : memref<3x200x128xf32, #tpu.memory_space<vmem>>, vector<1x1x16xf32>,
      %get3A_738 = vector.shape_cast %get3A_737 : vector<1x1x16xf32> to vector<16xf32>
      %add3A_739 = arith.addf %add3A_679, %get3A_738 : vector<16xf32>
      %get3A_740 = arith.constant 1 : i32
      %get3A_741 = arith.index_cast %get3A_740 : i32 to index
      %get3A_742 = arith.index_cast %add3A_690 : i32 to index
      %get3A_743 = arith.constant 112 : index
      %get3A_744 = tpu.vector_load %arg6[%get3A_741, %get3A_742, %get3A_743] {strides = array<i32>} : memref<3x200x128xf32, #tpu.memory_space<vmem>>, vector<1x1x16xf32>,
      %get3A_745 = vector.shape_cast %get3A_744 : vector<1x1x16xf32> to vector<16xf32>
      %add3A_746 = arith.addf %add3A_686, %get3A_745 : vector<16xf32>
      %mul3A_747 = arith.constant 8 : i32
      %mul3A_748 = arith.muli %scan3A_559, %mul3A_747 : i32
      %add3A_749 = arith.constant 3 : i32
      %add3A_750 = arith.addi %mul3A_748, %add3A_749 : i32
      %get3A_751 = arith.constant 1 : i32
      %get3A_752 = arith.index_cast %get3A_751 : i32 to index
      %get3A_753 = arith.index_cast %add3A_750 : i32 to index
      %get3A_754 = arith.constant 0 : index
      %get3A_755 = tpu.vector_load %arg6[%get3A_752, %get3A_753, %get3A_754] {strides = array<i32>} : memref<3x200x128xf32, #tpu.memory_space<vmem>>, vector<1x1x16xf32>,
      %get3A_756 = vector.shape_cast %get3A_755 : vector<1x1x16xf32> to vector<16xf32>
      %add3A_757 = arith.addf %add3A_697, %get3A_756 : vector<16xf32>
      %get3A_758 = arith.constant 1 : i32
      %get3A_759 = arith.index_cast %get3A_758 : i32 to index
      %get3A_760 = arith.index_cast %add3A_750 : i32 to index
      %get3A_761 = arith.constant 16 : index
      %get3A_762 = tpu.vector_load %arg6[%get3A_759, %get3A_760, %get3A_761] {strides = array<i32>} : memref<3x200x128xf32, #tpu.memory_space<vmem>>, vector<1x1x16xf32>,
      %get3A_763 = vector.shape_cast %get3A_762 : vector<1x1x16xf32> to vector<16xf32>
      %add3A_764 = arith.addf %add3A_704, %get3A_763 : vector<16xf32>
      %get3A_765 = arith.constant 1 : i32
      %get3A_766 = arith.index_cast %get3A_765 : i32 to index
      %get3A_767 = arith.index_cast %add3A_750 : i32 to index
      %get3A_768 = arith.constant 32 : index
      %get3A_769 = tpu.vector_load %arg6[%get3A_766, %get3A_767, %get3A_768] {strides = array<i32>} : memref<3x200x128xf32, #tpu.memory_space<vmem>>, vector<1x1x16xf32>,
      %get3A_770 = vector.shape_cast %get3A_769 : vector<1x1x16xf32> to vector<16xf32>
      %add3A_771 = arith.addf %add3A_711, %get3A_770 : vector<16xf32>
      %get3A_772 = arith.constant 1 : i32
      %get3A_773 = arith.index_cast %get3A_772 : i32 to index
      %get3A_774 = arith.index_cast %add3A_750 : i32 to index
      %get3A_775 = arith.constant 48 : index
      %get3A_776 = tpu.vector_load %arg6[%get3A_773, %get3A_774, %get3A_775] {strides = array<i32>} : memref<3x200x128xf32, #tpu.memory_space<vmem>>, vector<1x1x16xf32>,
      %get3A_777 = vector.shape_cast %get3A_776 : vector<1x1x16xf32> to vector<16xf32>
      %add3A_778 = arith.addf %add3A_718, %get3A_777 : vector<16xf32>
      %get3A_779 = arith.constant 1 : i32
      %get3A_780 = arith.index_cast %get3A_779 : i32 to index
      %get3A_781 = arith.index_cast %add3A_750 : i32 to index
      %get3A_782 = arith.constant 64 : index
      %get3A_783 = tpu.vector_load %arg6[%get3A_780, %get3A_781, %get3A_782] {strides = array<i32>} : memref<3x200x128xf32, #tpu.memory_space<vmem>>, vector<1x1x16xf32>,
      %get3A_784 = vector.shape_cast %get3A_783 : vector<1x1x16xf32> to vector<16xf32>
      %add3A_785 = arith.addf %add3A_725, %get3A_784 : vector<16xf32>
      %get3A_786 = arith.constant 1 : i32
      %get3A_787 = arith.index_cast %get3A_786 : i32 to index
      %get3A_788 = arith.index_cast %add3A_750 : i32 to index
      %get3A_789 = arith.constant 80 : index
      %get3A_790 = tpu.vector_load %arg6[%get3A_787, %get3A_788, %get3A_789] {strides = array<i32>} : memref<3x200x128xf32, #tpu.memory_space<vmem>>, vector<1x1x16xf32>,
      %get3A_791 = vector.shape_cast %get3A_790 : vector<1x1x16xf32> to vector<16xf32>
      %add3A_792 = arith.addf %add3A_732, %get3A_791 : vector<16xf32>
      %get3A_793 = arith.constant 1 : i32
      %get3A_794 = arith.index_cast %get3A_793 : i32 to index
      %get3A_795 = arith.index_cast %add3A_750 : i32 to index
      %get3A_796 = arith.constant 96 : index
      %get3A_797 = tpu.vector_load %arg6[%get3A_794, %get3A_795, %get3A_796] {strides = array<i32>} : memref<3x200x128xf32, #tpu.memory_space<vmem>>, vector<1x1x16xf32>,
      %get3A_798 = vector.shape_cast %get3A_797 : vector<1x1x16xf32> to vector<16xf32>
      %add3A_799 = arith.addf %add3A_739, %get3A_798 : vector<16xf32>
      %get3A_800 = arith.constant 1 : i32
      %get3A_801 = arith.index_cast %get3A_800 : i32 to index
      %get3A_802 = arith.index_cast %add3A_750 : i32 to index
      %get3A_803 = arith.constant 112 : index
      %get3A_804 = tpu.vector_load %arg6[%get3A_801, %get3A_802, %get3A_803] {strides = array<i32>} : memref<3x200x128xf32, #tpu.memory_space<vmem>>, vector<1x1x16xf32>,
      %get3A_805 = vector.shape_cast %get3A_804 : vector<1x1x16xf32> to vector<16xf32>
      %add3A_806 = arith.addf %add3A_746, %get3A_805 : vector<16xf32>
      %mul3A_807 = arith.constant 8 : i32
      %mul3A_808 = arith.muli %scan3A_559, %mul3A_807 : i32
      %add3A_809 = arith.constant 4 : i32
      %add3A_810 = arith.addi %mul3A_808, %add3A_809 : i32
      %get3A_811 = arith.constant 1 : i32
      %get3A_812 = arith.index_cast %get3A_811 : i32 to index
      %get3A_813 = arith.index_cast %add3A_810 : i32 to index
      %get3A_814 = arith.constant 0 : index
      %get3A_815 = tpu.vector_load %arg6[%get3A_812, %get3A_813, %get3A_814] {strides = array<i32>} : memref<3x200x128xf32, #tpu.memory_space<vmem>>, vector<1x1x16xf32>,
      %get3A_816 = vector.shape_cast %get3A_815 : vector<1x1x16xf32> to vector<16xf32>
      %add3A_817 = arith.addf %add3A_757, %get3A_816 : vector<16xf32>
      %get3A_818 = arith.constant 1 : i32
      %get3A_819 = arith.index_cast %get3A_818 : i32 to index
      %get3A_820 = arith.index_cast %add3A_810 : i32 to index
      %get3A_821 = arith.constant 16 : index
      %get3A_822 = tpu.vector_load %arg6[%get3A_819, %get3A_820, %get3A_821] {strides = array<i32>} : memref<3x200x128xf32, #tpu.memory_space<vmem>>, vector<1x1x16xf32>,
      %get3A_823 = vector.shape_cast %get3A_822 : vector<1x1x16xf32> to vector<16xf32>
      %add3A_824 = arith.addf %add3A_764, %get3A_823 : vector<16xf32>
      %get3A_825 = arith.constant 1 : i32
      %get3A_826 = arith.index_cast %get3A_825 : i32 to index
      %get3A_827 = arith.index_cast %add3A_810 : i32 to index
      %get3A_828 = arith.constant 32 : index
      %get3A_829 = tpu.vector_load %arg6[%get3A_826, %get3A_827, %get3A_828] {strides = array<i32>} : memref<3x200x128xf32, #tpu.memory_space<vmem>>, vector<1x1x16xf32>,
      %get3A_830 = vector.shape_cast %get3A_829 : vector<1x1x16xf32> to vector<16xf32>
      %add3A_831 = arith.addf %add3A_771, %get3A_830 : vector<16xf32>
      %get3A_832 = arith.constant 1 : i32
      %get3A_833 = arith.index_cast %get3A_832 : i32 to index
      %get3A_834 = arith.index_cast %add3A_810 : i32 to index
      %get3A_835 = arith.constant 48 : index
      %get3A_836 = tpu.vector_load %arg6[%get3A_833, %get3A_834, %get3A_835] {strides = array<i32>} : memref<3x200x128xf32, #tpu.memory_space<vmem>>, vector<1x1x16xf32>,
      %get3A_837 = vector.shape_cast %get3A_836 : vector<1x1x16xf32> to vector<16xf32>
      %add3A_838 = arith.addf %add3A_778, %get3A_837 : vector<16xf32>
      %get3A_839 = arith.constant 1 : i32
      %get3A_840 = arith.index_cast %get3A_839 : i32 to index
      %get3A_841 = arith.index_cast %add3A_810 : i32 to index
      %get3A_842 = arith.constant 64 : index
      %get3A_843 = tpu.vector_load %arg6[%get3A_840, %get3A_841, %get3A_842] {strides = array<i32>} : memref<3x200x128xf32, #tpu.memory_space<vmem>>, vector<1x1x16xf32>,
      %get3A_844 = vector.shape_cast %get3A_843 : vector<1x1x16xf32> to vector<16xf32>
      %add3A_845 = arith.addf %add3A_785, %get3A_844 : vector<16xf32>
      %get3A_846 = arith.constant 1 : i32
      %get3A_847 = arith.index_cast %get3A_846 : i32 to index
      %get3A_848 = arith.index_cast %add3A_810 : i32 to index
      %get3A_849 = arith.constant 80 : index
      %get3A_850 = tpu.vector_load %arg6[%get3A_847, %get3A_848, %get3A_849] {strides = array<i32>} : memref<3x200x128xf32, #tpu.memory_space<vmem>>, vector<1x1x16xf32>,
      %get3A_851 = vector.shape_cast %get3A_850 : vector<1x1x16xf32> to vector<16xf32>
      %add3A_852 = arith.addf %add3A_792, %get3A_851 : vector<16xf32>
      %get3A_853 = arith.constant 1 : i32
      %get3A_854 = arith.index_cast %get3A_853 : i32 to index
      %get3A_855 = arith.index_cast %add3A_810 : i32 to index
      %get3A_856 = arith.constant 96 : index
      %get3A_857 = tpu.vector_load %arg6[%get3A_854, %get3A_855, %get3A_856] {strides = array<i32>} : memref<3x200x128xf32, #tpu.memory_space<vmem>>, vector<1x1x16xf32>,
      %get3A_858 = vector.shape_cast %get3A_857 : vector<1x1x16xf32> to vector<16xf32>
      %add3A_859 = arith.addf %add3A_799, %get3A_858 : vector<16xf32>
      %get3A_860 = arith.constant 1 : i32
      %get3A_861 = arith.index_cast %get3A_860 : i32 to index
      %get3A_862 = arith.index_cast %add3A_810 : i32 to index
      %get3A_863 = arith.constant 112 : index
      %get3A_864 = tpu.vector_load %arg6[%get3A_861, %get3A_862, %get3A_863] {strides = array<i32>} : memref<3x200x128xf32, #tpu.memory_space<vmem>>, vector<1x1x16xf32>,
      %get3A_865 = vector.shape_cast %get3A_864 : vector<1x1x16xf32> to vector<16xf32>
      %add3A_866 = arith.addf %add3A_806, %get3A_865 : vector<16xf32>
      %mul3A_867 = arith.constant 8 : i32
      %mul3A_868 = arith.muli %scan3A_559, %mul3A_867 : i32
      %add3A_869 = arith.constant 5 : i32
      %add3A_870 = arith.addi %mul3A_868, %add3A_869 : i32
      %get3A_871 = arith.constant 1 : i32
      %get3A_872 = arith.index_cast %get3A_871 : i32 to index
      %get3A_873 = arith.index_cast %add3A_870 : i32 to index
      %get3A_874 = arith.constant 0 : index
      %get3A_875 = tpu.vector_load %arg6[%get3A_872, %get3A_873, %get3A_874] {strides = array<i32>} : memref<3x200x128xf32, #tpu.memory_space<vmem>>, vector<1x1x16xf32>,
      %get3A_876 = vector.shape_cast %get3A_875 : vector<1x1x16xf32> to vector<16xf32>
      %add3A_877 = arith.addf %add3A_817, %get3A_876 : vector<16xf32>
      %get3A_878 = arith.constant 1 : i32
      %get3A_879 = arith.index_cast %get3A_878 : i32 to index
      %get3A_880 = arith.index_cast %add3A_870 : i32 to index
      %get3A_881 = arith.constant 16 : index
      %get3A_882 = tpu.vector_load %arg6[%get3A_879, %get3A_880, %get3A_881] {strides = array<i32>} : memref<3x200x128xf32, #tpu.memory_space<vmem>>, vector<1x1x16xf32>,
      %get3A_883 = vector.shape_cast %get3A_882 : vector<1x1x16xf32> to vector<16xf32>
      %add3A_884 = arith.addf %add3A_824, %get3A_883 : vector<16xf32>
      %get3A_885 = arith.constant 1 : i32
      %get3A_886 = arith.index_cast %get3A_885 : i32 to index
      %get3A_887 = arith.index_cast %add3A_870 : i32 to index
      %get3A_888 = arith.constant 32 : index
      %get3A_889 = tpu.vector_load %arg6[%get3A_886, %get3A_887, %get3A_888] {strides = array<i32>} : memref<3x200x128xf32, #tpu.memory_space<vmem>>, vector<1x1x16xf32>,
      %get3A_890 = vector.shape_cast %get3A_889 : vector<1x1x16xf32> to vector<16xf32>
      %add3A_891 = arith.addf %add3A_831, %get3A_890 : vector<16xf32>
      %get3A_892 = arith.constant 1 : i32
      %get3A_893 = arith.index_cast %get3A_892 : i32 to index
      %get3A_894 = arith.index_cast %add3A_870 : i32 to index
      %get3A_895 = arith.constant 48 : index
      %get3A_896 = tpu.vector_load %arg6[%get3A_893, %get3A_894, %get3A_895] {strides = array<i32>} : memref<3x200x128xf32, #tpu.memory_space<vmem>>, vector<1x1x16xf32>,
      %get3A_897 = vector.shape_cast %get3A_896 : vector<1x1x16xf32> to vector<16xf32>
      %add3A_898 = arith.addf %add3A_838, %get3A_897 : vector<16xf32>
      %get3A_899 = arith.constant 1 : i32
      %get3A_900 = arith.index_cast %get3A_899 : i32 to index
      %get3A_901 = arith.index_cast %add3A_870 : i32 to index
      %get3A_902 = arith.constant 64 : index
      %get3A_903 = tpu.vector_load %arg6[%get3A_900, %get3A_901, %get3A_902] {strides = array<i32>} : memref<3x200x128xf32, #tpu.memory_space<vmem>>, vector<1x1x16xf32>,
      %get3A_904 = vector.shape_cast %get3A_903 : vector<1x1x16xf32> to vector<16xf32>
      %add3A_905 = arith.addf %add3A_845, %get3A_904 : vector<16xf32>
      %get3A_906 = arith.constant 1 : i32
      %get3A_907 = arith.index_cast %get3A_906 : i32 to index
      %get3A_908 = arith.index_cast %add3A_870 : i32 to index
      %get3A_909 = arith.constant 80 : index
      %get3A_910 = tpu.vector_load %arg6[%get3A_907, %get3A_908, %get3A_909] {strides = array<i32>} : memref<3x200x128xf32, #tpu.memory_space<vmem>>, vector<1x1x16xf32>,
      %get3A_911 = vector.shape_cast %get3A_910 : vector<1x1x16xf32> to vector<16xf32>
      %add3A_912 = arith.addf %add3A_852, %get3A_911 : vector<16xf32>
      %get3A_913 = arith.constant 1 : i32
      %get3A_914 = arith.index_cast %get3A_913 : i32 to index
      %get3A_915 = arith.index_cast %add3A_870 : i32 to index
      %get3A_916 = arith.constant 96 : index
      %get3A_917 = tpu.vector_load %arg6[%get3A_914, %get3A_915, %get3A_916] {strides = array<i32>} : memref<3x200x128xf32, #tpu.memory_space<vmem>>, vector<1x1x16xf32>,
      %get3A_918 = vector.shape_cast %get3A_917 : vector<1x1x16xf32> to vector<16xf32>
      %add3A_919 = arith.addf %add3A_859, %get3A_918 : vector<16xf32>
      %get3A_920 = arith.constant 1 : i32
      %get3A_921 = arith.index_cast %get3A_920 : i32 to index
      %get3A_922 = arith.index_cast %add3A_870 : i32 to index
      %get3A_923 = arith.constant 112 : index
      %get3A_924 = tpu.vector_load %arg6[%get3A_921, %get3A_922, %get3A_923] {strides = array<i32>} : memref<3x200x128xf32, #tpu.memory_space<vmem>>, vector<1x1x16xf32>,
      %get3A_925 = vector.shape_cast %get3A_924 : vector<1x1x16xf32> to vector<16xf32>
      %add3A_926 = arith.addf %add3A_866, %get3A_925 : vector<16xf32>
      %mul3A_927 = arith.constant 8 : i32
      %mul3A_928 = arith.muli %scan3A_559, %mul3A_927 : i32
      %add3A_929 = arith.constant 6 : i32
      %add3A_930 = arith.addi %mul3A_928, %add3A_929 : i32
      %get3A_931 = arith.constant 1 : i32
      %get3A_932 = arith.index_cast %get3A_931 : i32 to index
      %get3A_933 = arith.index_cast %add3A_930 : i32 to index
      %get3A_934 = arith.constant 0 : index
      %get3A_935 = tpu.vector_load %arg6[%get3A_932, %get3A_933, %get3A_934] {strides = array<i32>} : memref<3x200x128xf32, #tpu.memory_space<vmem>>, vector<1x1x16xf32>,
      %get3A_936 = vector.shape_cast %get3A_935 : vector<1x1x16xf32> to vector<16xf32>
      %add3A_937 = arith.addf %add3A_877, %get3A_936 : vector<16xf32>
      %get3A_938 = arith.constant 1 : i32
      %get3A_939 = arith.index_cast %get3A_938 : i32 to index
      %get3A_940 = arith.index_cast %add3A_930 : i32 to index
      %get3A_941 = arith.constant 16 : index
      %get3A_942 = tpu.vector_load %arg6[%get3A_939, %get3A_940, %get3A_941] {strides = array<i32>} : memref<3x200x128xf32, #tpu.memory_space<vmem>>, vector<1x1x16xf32>,
      %get3A_943 = vector.shape_cast %get3A_942 : vector<1x1x16xf32> to vector<16xf32>
      %add3A_944 = arith.addf %add3A_884, %get3A_943 : vector<16xf32>
      %get3A_945 = arith.constant 1 : i32
      %get3A_946 = arith.index_cast %get3A_945 : i32 to index
      %get3A_947 = arith.index_cast %add3A_930 : i32 to index
      %get3A_948 = arith.constant 32 : index
      %get3A_949 = tpu.vector_load %arg6[%get3A_946, %get3A_947, %get3A_948] {strides = array<i32>} : memref<3x200x128xf32, #tpu.memory_space<vmem>>, vector<1x1x16xf32>,
      %get3A_950 = vector.shape_cast %get3A_949 : vector<1x1x16xf32> to vector<16xf32>
      %add3A_951 = arith.addf %add3A_891, %get3A_950 : vector<16xf32>
      %get3A_952 = arith.constant 1 : i32
      %get3A_953 = arith.index_cast %get3A_952 : i32 to index
      %get3A_954 = arith.index_cast %add3A_930 : i32 to index
      %get3A_955 = arith.constant 48 : index
      %get3A_956 = tpu.vector_load %arg6[%get3A_953, %get3A_954, %get3A_955] {strides = array<i32>} : memref<3x200x128xf32, #tpu.memory_space<vmem>>, vector<1x1x16xf32>,
      %get3A_957 = vector.shape_cast %get3A_956 : vector<1x1x16xf32> to vector<16xf32>
      %add3A_958 = arith.addf %add3A_898, %get3A_957 : vector<16xf32>
      %get3A_959 = arith.constant 1 : i32
      %get3A_960 = arith.index_cast %get3A_959 : i32 to index
      %get3A_961 = arith.index_cast %add3A_930 : i32 to index
      %get3A_962 = arith.constant 64 : index
      %get3A_963 = tpu.vector_load %arg6[%get3A_960, %get3A_961, %get3A_962] {strides = array<i32>} : memref<3x200x128xf32, #tpu.memory_space<vmem>>, vector<1x1x16xf32>,
      %get3A_964 = vector.shape_cast %get3A_963 : vector<1x1x16xf32> to vector<16xf32>
      %add3A_965 = arith.addf %add3A_905, %get3A_964 : vector<16xf32>
      %get3A_966 = arith.constant 1 : i32
      %get3A_967 = arith.index_cast %get3A_966 : i32 to index
      %get3A_968 = arith.index_cast %add3A_930 : i32 to index
      %get3A_969 = arith.constant 80 : index
      %get3A_970 = tpu.vector_load %arg6[%get3A_967, %get3A_968, %get3A_969] {strides = array<i32>} : memref<3x200x128xf32, #tpu.memory_space<vmem>>, vector<1x1x16xf32>,
      %get3A_971 = vector.shape_cast %get3A_970 : vector<1x1x16xf32> to vector<16xf32>
      %add3A_972 = arith.addf %add3A_912, %get3A_971 : vector<16xf32>
      %get3A_973 = arith.constant 1 : i32
      %get3A_974 = arith.index_cast %get3A_973 : i32 to index
      %get3A_975 = arith.index_cast %add3A_930 : i32 to index
      %get3A_976 = arith.constant 96 : index
      %get3A_977 = tpu.vector_load %arg6[%get3A_974, %get3A_975, %get3A_976] {strides = array<i32>} : memref<3x200x128xf32, #tpu.memory_space<vmem>>, vector<1x1x16xf32>,
      %get3A_978 = vector.shape_cast %get3A_977 : vector<1x1x16xf32> to vector<16xf32>
      %add3A_979 = arith.addf %add3A_919, %get3A_978 : vector<16xf32>
      %get3A_980 = arith.constant 1 : i32
      %get3A_981 = arith.index_cast %get3A_980 : i32 to index
      %get3A_982 = arith.index_cast %add3A_930 : i32 to index
      %get3A_983 = arith.constant 112 : index
      %get3A_984 = tpu.vector_load %arg6[%get3A_981, %get3A_982, %get3A_983] {strides = array<i32>} : memref<3x200x128xf32, #tpu.memory_space<vmem>>, vector<1x1x16xf32>,
      %get3A_985 = vector.shape_cast %get3A_984 : vector<1x1x16xf32> to vector<16xf32>
      %add3A_986 = arith.addf %add3A_926, %get3A_985 : vector<16xf32>
      %mul3A_987 = arith.constant 8 : i32
      %mul3A_988 = arith.muli %scan3A_559, %mul3A_987 : i32
      %add3A_989 = arith.constant 7 : i32
      %add3A_990 = arith.addi %mul3A_988, %add3A_989 : i32
      %get3A_991 = arith.constant 1 : i32
      %get3A_992 = arith.index_cast %get3A_991 : i32 to index
      %get3A_993 = arith.index_cast %add3A_990 : i32 to index
      %get3A_994 = arith.constant 0 : index
      %get3A_995 = tpu.vector_load %arg6[%get3A_992, %get3A_993, %get3A_994] {strides = array<i32>} : memref<3x200x128xf32, #tpu.memory_space<vmem>>, vector<1x1x16xf32>,
      %get3A_996 = vector.shape_cast %get3A_995 : vector<1x1x16xf32> to vector<16xf32>
      %add3A_997 = arith.addf %add3A_937, %get3A_996 : vector<16xf32>
      %get3A_998 = arith.constant 1 : i32
      %get3A_999 = arith.index_cast %get3A_998 : i32 to index
      %get3A_1000 = arith.index_cast %add3A_990 : i32 to index
      %get3A_1001 = arith.constant 16 : index
      %get3A_1002 = tpu.vector_load %arg6[%get3A_999, %get3A_1000, %get3A_1001] {strides = array<i32>} : memref<3x200x128xf32, #tpu.memory_space<vmem>>, vector<1x1x16xf32>,
      %get3A_1003 = vector.shape_cast %get3A_1002 : vector<1x1x16xf32> to vector<16xf32>
      %add3A_1004 = arith.addf %add3A_944, %get3A_1003 : vector<16xf32>
      %get3A_1005 = arith.constant 1 : i32
      %get3A_1006 = arith.index_cast %get3A_1005 : i32 to index
      %get3A_1007 = arith.index_cast %add3A_990 : i32 to index
      %get3A_1008 = arith.constant 32 : index
      %get3A_1009 = tpu.vector_load %arg6[%get3A_1006, %get3A_1007, %get3A_1008] {strides = array<i32>} : memref<3x200x128xf32, #tpu.memory_space<vmem>>, vector<1x1x16xf32>,
      %get3A_1010 = vector.shape_cast %get3A_1009 : vector<1x1x16xf32> to vector<16xf32>
      %add3A_1011 = arith.addf %add3A_951, %get3A_1010 : vector<16xf32>
      %get3A_1012 = arith.constant 1 : i32
      %get3A_1013 = arith.index_cast %get3A_1012 : i32 to index
      %get3A_1014 = arith.index_cast %add3A_990 : i32 to index
      %get3A_1015 = arith.constant 48 : index
      %get3A_1016 = tpu.vector_load %arg6[%get3A_1013, %get3A_1014, %get3A_1015] {strides = array<i32>} : memref<3x200x128xf32, #tpu.memory_space<vmem>>, vector<1x1x16xf32>,
      %get3A_1017 = vector.shape_cast %get3A_1016 : vector<1x1x16xf32> to vector<16xf32>
      %add3A_1018 = arith.addf %add3A_958, %get3A_1017 : vector<16xf32>
      %get3A_1019 = arith.constant 1 : i32
      %get3A_1020 = arith.index_cast %get3A_1019 : i32 to index
      %get3A_1021 = arith.index_cast %add3A_990 : i32 to index
      %get3A_1022 = arith.constant 64 : index
      %get3A_1023 = tpu.vector_load %arg6[%get3A_1020, %get3A_1021, %get3A_1022] {strides = array<i32>} : memref<3x200x128xf32, #tpu.memory_space<vmem>>, vector<1x1x16xf32>,
      %get3A_1024 = vector.shape_cast %get3A_1023 : vector<1x1x16xf32> to vector<16xf32>
      %add3A_1025 = arith.addf %add3A_965, %get3A_1024 : vector<16xf32>
      %get3A_1026 = arith.constant 1 : i32
      %get3A_1027 = arith.index_cast %get3A_1026 : i32 to index
      %get3A_1028 = arith.index_cast %add3A_990 : i32 to index
      %get3A_1029 = arith.constant 80 : index
      %get3A_1030 = tpu.vector_load %arg6[%get3A_1027, %get3A_1028, %get3A_1029] {strides = array<i32>} : memref<3x200x128xf32, #tpu.memory_space<vmem>>, vector<1x1x16xf32>,
      %get3A_1031 = vector.shape_cast %get3A_1030 : vector<1x1x16xf32> to vector<16xf32>
      %add3A_1032 = arith.addf %add3A_972, %get3A_1031 : vector<16xf32>
      %get3A_1033 = arith.constant 1 : i32
      %get3A_1034 = arith.index_cast %get3A_1033 : i32 to index
      %get3A_1035 = arith.index_cast %add3A_990 : i32 to index
      %get3A_1036 = arith.constant 96 : index
      %get3A_1037 = tpu.vector_load %arg6[%get3A_1034, %get3A_1035, %get3A_1036] {strides = array<i32>} : memref<3x200x128xf32, #tpu.memory_space<vmem>>, vector<1x1x16xf32>,
      %get3A_1038 = vector.shape_cast %get3A_1037 : vector<1x1x16xf32> to vector<16xf32>
      %add3A_1039 = arith.addf %add3A_979, %get3A_1038 : vector<16xf32>
      %get3A_1040 = arith.constant 1 : i32
      %get3A_1041 = arith.index_cast %get3A_1040 : i32 to index
      %get3A_1042 = arith.index_cast %add3A_990 : i32 to index
      %get3A_1043 = arith.constant 112 : index
      %get3A_1044 = tpu.vector_load %arg6[%get3A_1041, %get3A_1042, %get3A_1043] {strides = array<i32>} : memref<3x200x128xf32, #tpu.memory_space<vmem>>, vector<1x1x16xf32>,
      %get3A_1045 = vector.shape_cast %get3A_1044 : vector<1x1x16xf32> to vector<16xf32>
      %add3A_1046 = arith.addf %add3A_986, %get3A_1045 : vector<16xf32>
      scf.yield %add3A_997, %add3A_1004, %add3A_1011, %add3A_1018, %add3A_1025, %add3A_1032, %add3A_1039, %add3A_1046 : vector<16xf32>, vector<16xf32>, vector<16xf32>, vector<16xf32>, vector<16xf32>, vector<16xf32>, vector<16xf32>, vector<16xf32>
    }
    %scan3A_510 = arith.constant 25 : i32
    %swap3A_511 = arith.constant 127 : i32
    %swap3A_512 = arith.index_cast %swap3A_511 : i32 to index
    %swap3A_513 = arith.constant 0 : index
    %swap3A_514 = tpu.vector_load %arg7[%swap3A_512, %swap3A_513] {strides = array<i32>} : memref<128x128xf32, #tpu.memory_space<vmem>>, vector<1x16xf32>,
    %swap3A_515 = vector.shape_cast %swap3A_514 : vector<1x16xf32> to vector<16xf32>
    %swap3A_516 = vector.shape_cast %scan3A_509#0 : vector<16xf32> to vector<1x16xf32>
    tpu.vector_store %arg7[%swap3A_512, %swap3A_513], %swap3A_516 {strides = array<i32>} : memref<128x128xf32, #tpu.memory_space<vmem>>, vector<1x16xf32>,
    %swap3A_517 = arith.constant 127 : i32
    %swap3A_518 = arith.index_cast %swap3A_517 : i32 to index
    %swap3A_519 = arith.constant 16 : index
    %swap3A_520 = tpu.vector_load %arg7[%swap3A_518, %swap3A_519] {strides = array<i32>} : memref<128x128xf32, #tpu.memory_space<vmem>>, vector<1x16xf32>,
    %swap3A_521 = vector.shape_cast %swap3A_520 : vector<1x16xf32> to vector<16xf32>
    %swap3A_522 = vector.shape_cast %scan3A_509#1 : vector<16xf32> to vector<1x16xf32>
    tpu.vector_store %arg7[%swap3A_518, %swap3A_519], %swap3A_522 {strides = array<i32>} : memref<128x128xf32, #tpu.memory_space<vmem>>, vector<1x16xf32>,
    %swap3A_523 = arith.constant 127 : i32
    %swap3A_524 = arith.index_cast %swap3A_523 : i32 to index
    %swap3A_525 = arith.constant 32 : index
    %swap3A_526 = tpu.vector_load %arg7[%swap3A_524, %swap3A_525] {strides = array<i32>} : memref<128x128xf32, #tpu.memory_space<vmem>>, vector<1x16xf32>,
    %swap3A_527 = vector.shape_cast %swap3A_526 : vector<1x16xf32> to vector<16xf32>
    %swap3A_528 = vector.shape_cast %scan3A_509#2 : vector<16xf32> to vector<1x16xf32>
    tpu.vector_store %arg7[%swap3A_524, %swap3A_525], %swap3A_528 {strides = array<i32>} : memref<128x128xf32, #tpu.memory_space<vmem>>, vector<1x16xf32>,
    %swap3A_529 = arith.constant 127 : i32
    %swap3A_530 = arith.index_cast %swap3A_529 : i32 to index
    %swap3A_531 = arith.constant 48 : index
    %swap3A_532 = tpu.vector_load %arg7[%swap3A_530, %swap3A_531] {strides = array<i32>} : memref<128x128xf32, #tpu.memory_space<vmem>>, vector<1x16xf32>,
    %swap3A_533 = vector.shape_cast %swap3A_532 : vector<1x16xf32> to vector<16xf32>
    %swap3A_534 = vector.shape_cast %scan3A_509#3 : vector<16xf32> to vector<1x16xf32>
    tpu.vector_store %arg7[%swap3A_530, %swap3A_531], %swap3A_534 {strides = array<i32>} : memref<128x128xf32, #tpu.memory_space<vmem>>, vector<1x16xf32>,
    %swap3A_535 = arith.constant 127 : i32
    %swap3A_536 = arith.index_cast %swap3A_535 : i32 to index
    %swap3A_537 = arith.constant 64 : index
    %swap3A_538 = tpu.vector_load %arg7[%swap3A_536, %swap3A_537] {strides = array<i32>} : memref<128x128xf32, #tpu.memory_space<vmem>>, vector<1x16xf32>,
    %swap3A_539 = vector.shape_cast %swap3A_538 : vector<1x16xf32> to vector<16xf32>
    %swap3A_540 = vector.shape_cast %scan3A_509#4 : vector<16xf32> to vector<1x16xf32>
    tpu.vector_store %arg7[%swap3A_536, %swap3A_537], %swap3A_540 {strides = array<i32>} : memref<128x128xf32, #tpu.memory_space<vmem>>, vector<1x16xf32>,
    %swap3A_541 = arith.constant 127 : i32
    %swap3A_542 = arith.index_cast %swap3A_541 : i32 to index
    %swap3A_543 = arith.constant 80 : index
    %swap3A_544 = tpu.vector_load %arg7[%swap3A_542, %swap3A_543] {strides = array<i32>} : memref<128x128xf32, #tpu.memory_space<vmem>>, vector<1x16xf32>,
    %swap3A_545 = vector.shape_cast %swap3A_544 : vector<1x16xf32> to vector<16xf32>
    %swap3A_546 = vector.shape_cast %scan3A_509#5 : vector<16xf32> to vector<1x16xf32>
    tpu.vector_store %arg7[%swap3A_542, %swap3A_543], %swap3A_546 {strides = array<i32>} : memref<128x128xf32, #tpu.memory_space<vmem>>, vector<1x16xf32>,
    %swap3A_547 = arith.constant 127 : i32
    %swap3A_548 = arith.index_cast %swap3A_547 : i32 to index
    %swap3A_549 = arith.constant 96 : index
    %swap3A_550 = tpu.vector_load %arg7[%swap3A_548, %swap3A_549] {strides = array<i32>} : memref<128x128xf32, #tpu.memory_space<vmem>>, vector<1x16xf32>,
    %swap3A_551 = vector.shape_cast %swap3A_550 : vector<1x16xf32> to vector<16xf32>
    %swap3A_552 = vector.shape_cast %scan3A_509#6 : vector<16xf32> to vector<1x16xf32>
    tpu.vector_store %arg7[%swap3A_548, %swap3A_549], %swap3A_552 {strides = array<i32>} : memref<128x128xf32, #tpu.memory_space<vmem>>, vector<1x16xf32>,
    %swap3A_553 = arith.constant 127 : i32
    %swap3A_554 = arith.index_cast %swap3A_553 : i32 to index
    %swap3A_555 = arith.constant 112 : index
    %swap3A_556 = tpu.vector_load %arg7[%swap3A_554, %swap3A_555] {strides = array<i32>} : memref<128x128xf32, #tpu.memory_space<vmem>>, vector<1x16xf32>,
    %swap3A_557 = vector.shape_cast %swap3A_556 : vector<1x16xf32> to vector<16xf32>
    %swap3A_558 = vector.shape_cast %scan3A_509#7 : vector<16xf32> to vector<1x16xf32>
    tpu.vector_store %arg7[%swap3A_554, %swap3A_555], %swap3A_558 {strides = array<i32>} : memref<128x128xf32, #tpu.memory_space<vmem>>, vector<1x16xf32>,
    "tpu.region"() ({
      %run_scoped3A = tpu.sem_alloc : memref<!tpu.dma_semaphore, #tpu.memory_space<semaphore_mem>>
      %dma_start3A_559 = arith.constant 0 : i32
      %dma_start3A_560 = tpu.memref_slice %arg4[%mul3A_2, %dma_start3A_559] : memref<4096x128xf32, #tpu.memory_space<hbm>> -> memref<128x128xf32, #tpu.memory_space<hbm>>
      %dma_start3A_561 = arith.constant 0 : i32
      %dma_start3A_562 = tpu.memref_slice %arg4[%mul3A_2, %dma_start3A_561] : memref<4096x128xf32, #tpu.memory_space<hbm>> -> memref<128x128xf32, #tpu.memory_space<hbm>>
      tpu.enqueue_dma source(%arg7 : memref<128x128xf32, #tpu.memory_space<vmem>>) target(%dma_start3A_562 : memref<128x128xf32, #tpu.memory_space<hbm>>) target_semaphore(%run_scoped3A : memref<!tpu.dma_semaphore, #tpu.memory_space<semaphore_mem>>)
      %dma_wait3A_563 = arith.constant 0 : i32
      %dma_wait3A_564 = tpu.memref_slice %arg4[%mul3A_2, %dma_wait3A_563] : memref<4096x128xf32, #tpu.memory_space<hbm>> -> memref<128x128xf32, #tpu.memory_space<hbm>>
      %dma_wait3A_565 = arith.constant 0 : i32
      %dma_wait3A_566 = tpu.memref_slice %arg4[%mul3A_2, %dma_wait3A_565] : memref<4096x128xf32, #tpu.memory_space<hbm>> -> memref<128x128xf32, #tpu.memory_space<hbm>>
      tpu.wait_dma2 semaphore(%run_scoped3A : memref<!tpu.dma_semaphore, #tpu.memory_space<semaphore_mem>>) src(%arg7 : memref<128x128xf32, #tpu.memory_space<vmem>>) dst(%dma_wait3A_566 : memref<128x128xf32, #tpu.memory_space<hbm>>)
      tpu.yield
    }) : () -> ()
    return
  }
}

module attributes {stable_mosaic.version = 14 : i64} {
  func.func @_mlp_body(%arg0: memref<4096x128xf32, #tpu.memory_space<vmem>>, %arg1: memref<128x128xf32, #tpu.memory_space<vmem>>, %arg2: memref<1x128xf32, #tpu.memory_space<vmem>>, %arg3: memref<128x64xf32, #tpu.memory_space<vmem>>, %arg4: memref<1x64xf32, #tpu.memory_space<vmem>>, %arg5: memref<64x3xf32, #tpu.memory_space<vmem>>, %arg6: memref<1x3xf32, #tpu.memory_space<vmem>>, %arg7: memref<4096x3xf32, #tpu.memory_space<vmem>>) attributes {dimension_semantics = [], scalar_prefetch = 0 : i64, scratch_operands = 0 : i64, tpu.core_type = #tpu.core_type<tc>} {
    %get3A = arith.constant 0 : index
    %get3A_0 = arith.constant 0 : index
    %get3A_1 = vector.load %arg0[%get3A, %get3A_0] : memref<4096x128xf32, #tpu.memory_space<vmem>>, vector<4096x128xf32>
    %mul3A = arith.constant 5.000000e-03 : f32
    %mul3A_2 = vector.broadcast %mul3A : f32 to vector<4096x128xf32>
    %mul3A_3 = arith.mulf %get3A_1, %mul3A_2 : vector<4096x128xf32>
    %get3A_4 = arith.constant 0 : index
    %get3A_5 = arith.constant 0 : index
    %get3A_6 = vector.load %arg1[%get3A_4, %get3A_5] : memref<128x128xf32, #tpu.memory_space<vmem>>, vector<128x128xf32>
    %dot_general3A = arith.constant dense<0.000000e+00> : vector<4096x128xf32>
    %dot_general3A_7 = tpu.matmul %mul3A_3, %get3A_6, %dot_general3A {dimension_numbers = #tpu.dot_dimension_numbers<[1], [0], [0], [1], [0, 0, 1, 1], [], []>, transpose_lhs_hint = false} : vector<4096x128xf32>, vector<128x128xf32>, vector<4096x128xf32> -> vector<4096x128xf32>
    %get3A_8 = arith.constant 0 : index
    %get3A_9 = arith.constant 0 : index
    %get3A_10 = vector.load %arg2[%get3A_8, %get3A_9] : memref<1x128xf32, #tpu.memory_space<vmem>>, vector<1x128xf32>
    %add3A = vector.broadcast %get3A_10 : vector<1x128xf32> to vector<4096x128xf32>
    %add3A_11 = arith.addf %dot_general3A_7, %add3A : vector<4096x128xf32>
    %max3A = arith.constant 0.000000e+00 : f32
    %max3A_12 = vector.broadcast %max3A : f32 to vector<4096x128xf32>
    %max3A_13 = arith.maximumf %add3A_11, %max3A_12 : vector<4096x128xf32>
    %get3A_14 = arith.constant 0 : index
    %get3A_15 = arith.constant 0 : index
    %get3A_16 = vector.load %arg3[%get3A_14, %get3A_15] : memref<128x64xf32, #tpu.memory_space<vmem>>, vector<128x64xf32>
    %dot_general3A_17 = arith.constant dense<0.000000e+00> : vector<4096x64xf32>
    %dot_general3A_18 = tpu.matmul %max3A_13, %get3A_16, %dot_general3A_17 {dimension_numbers = #tpu.dot_dimension_numbers<[1], [0], [0], [1], [0, 0, 1, 1], [], []>, transpose_lhs_hint = false} : vector<4096x128xf32>, vector<128x64xf32>, vector<4096x64xf32> -> vector<4096x64xf32>
    %get3A_19 = arith.constant 0 : index
    %get3A_20 = arith.constant 0 : index
    %get3A_21 = vector.load %arg4[%get3A_19, %get3A_20] : memref<1x64xf32, #tpu.memory_space<vmem>>, vector<1x64xf32>
    %add3A_22 = vector.broadcast %get3A_21 : vector<1x64xf32> to vector<4096x64xf32>
    %add3A_23 = arith.addf %dot_general3A_18, %add3A_22 : vector<4096x64xf32>
    %max3A_24 = arith.constant 0.000000e+00 : f32
    %max3A_25 = vector.broadcast %max3A_24 : f32 to vector<4096x64xf32>
    %max3A_26 = arith.maximumf %add3A_23, %max3A_25 : vector<4096x64xf32>
    %get3A_27 = arith.constant 0 : index
    %get3A_28 = arith.constant 0 : index
    %get3A_29 = vector.load %arg5[%get3A_27, %get3A_28] : memref<64x3xf32, #tpu.memory_space<vmem>>, vector<64x3xf32>
    %dot_general3A_30 = arith.constant dense<0.000000e+00> : vector<4096x3xf32>
    %dot_general3A_31 = tpu.matmul %max3A_26, %get3A_29, %dot_general3A_30 {dimension_numbers = #tpu.dot_dimension_numbers<[1], [0], [0], [1], [0, 0, 1, 1], [], []>, transpose_lhs_hint = false} : vector<4096x64xf32>, vector<64x3xf32>, vector<4096x3xf32> -> vector<4096x3xf32>
    %get3A_32 = arith.constant 0 : index
    %get3A_33 = arith.constant 0 : index
    %get3A_34 = vector.load %arg6[%get3A_32, %get3A_33] : memref<1x3xf32, #tpu.memory_space<vmem>>, vector<1x3xf32>
    %add3A_35 = vector.broadcast %get3A_34 : vector<1x3xf32> to vector<4096x3xf32>
    %add3A_36 = arith.addf %dot_general3A_31, %add3A_35 : vector<4096x3xf32>
    %swap3A = arith.constant 0 : index
    %swap3A_37 = arith.constant 0 : index
    %swap3A_38 = vector.load %arg7[%swap3A, %swap3A_37] : memref<4096x3xf32, #tpu.memory_space<vmem>>, vector<4096x3xf32>
    tpu.vector_store %arg7[%swap3A, %swap3A_37], %add3A_36 {strides = array<i32>} : memref<4096x3xf32, #tpu.memory_space<vmem>>, vector<4096x3xf32>,
    return
  }
}

</mosaic_0001>

<sc_bundles>
// kernel: kernel.4.cloned.1.call-start
scs
__scs_entry_jumppad:
0x0: {  	(pc) =	sbr.rel $0x88, $3  }
0x1: {  	(tag) =	ssettag $0x0;
	lr =	simm.s32 $0x1  }
0x2: {  	[smem:$0x3F99] =	sst lr;
	_ =	strace $0xD0000000  }
0x3: {  	_ = 	snop  }
0x4: {  	_ = 	snop  }
0x5: {  	_ = 	snop  }
0x6: {  	_ = 	snop  }
0x7: {  	_ = 	snop  }
__scs_overlays_trampoline_lowered:
0x8: {  	[smem:$0x3FA8] =	sst s0  }
0x9: {  	[smem:$0x3FA9] =	sst s1  }
0xa: {  	[smem:$0x3FAA] =	sst s2  }
0xb: {  	[smem:$0x3FAB] =	sst s3  }
0xc: {  	[smem:$0x3FAC] =	sst s4  }
0xd: {  	[smem:$0x3FAD] =	sst s5  }
0xe: {  	[smem:$0x3FAE] =	sst s6  }
0xf: {  	[smem:$0x3FAF] =	sst s7  }
0x10: {  	[smem:$0x3FB0] =	sst s8  }
0x11: {  	[smem:$0x3FB1] =	sst s9;
	s0 =	simm.s32 @!p0 $0x0  }
0x12: {  	s1 =	sld [smem:$0x3F97];
	s0 =	simm.s32 @p0 $0x1  }
0x13: {  	[smem:$0x3FB2] =	sst s0;
	s0 =	simm.s32 @!p1 $0x0  }
0x14: {  	s2 =	sld [smem:$0x3F96];
	s0 =	simm.s32 @p1 $0x1  }
0x15: {  	[smem:$0x3FB3] =	sst s0;
	s0 =	simm.s32 @!p2 $0x0  }
0x16: {  	s3 =	sld [smem:$0x3FDB];
	s0 =	simm.s32 @p2 $0x1  }
0x17: {  	s4 =	simm.s32 $0x1BF5;
	[smem:$0x3FB5] =	sst s0  }
0x18: {  	s0 =	sld [smem:$0x3F98];
	_ =	swait.ge [sflag:s4], $0x0  }
0x19: {  	s7 =	sld [smem:$0x3F99]  }
0x1a: {  	s8 =	sadd.s32 $0xFFFFE003, lr  }
0x1b: {  	s9 =	sadd.s32 $0xFFFFFEF7, lr;
	s5 =	simm.s32 $0xFFFFFFFF;
	p2 =	slt.u32 s8, $0xFFFFF086  }
0x1c: {  	p1 =	slt.u32 s9, $0xF7A;
	s5 =	simm.s32 @!p2 $0x0  }
0x1d: {  	s5 =	simm.s32 @p1 $0x1;
	p0 =	seq.s32 s7, s2  }
0x1e: {  	s7 =	smul.u32 @!p0 $0xF7A, s2;
	p2 =	seq.s32 @!p0 s5, $0x0  }
0x1f: {  	s9 =	smul.u32 $0xF7A, s1;
	s8 =	simm.s32 @!p0 $0x1BF5;
	p2 =	por !p2, p0  }
0x20: {  	[sflag:s8] =	ssyncset.s32 @!p0 $0xFFFFF086;
	s6 =	sadd.s32 @!p0 s3, s7;
	s7 =	simm.s32 @!p0 $0x108  }
0x21: {  	s3 =	sadd.s32 s3, s9;
	s6 =	sadd.s32 @!p0 $0x88, s6;
	s7 =	simm.s32 @p2 $0x1082  }
0x22: {  	[simem:s7], [sflag:s8] =	dma.local @!p0 [hbm:s6], $0xF7A  }
0x23: {  	s9 =	sor.u32 $0xD0000000, s2;
	s6 =	simm.s32 $0x108;
	_ =	swait.ge @!p0 [sflag:s8], $0x0  }
0x24: {  	s3 =	sadd.s32 $0x88, s3;
	s6 =	simm.s32 @!p1 $0x1082;
	[sflag:s4] =	ssyncset.s32 $0xFFFFF086  }
0x25: {  	[simem:s6], [sflag:s4] =	dma.local [hbm:s3], $0xF7A  }
0x26: {  	[smem:$0x3F99] =	sst s1;
	(tag) =	ssettag s2;
	_ =	strace s9  }
0x27: {  	s1 =	sld [smem:$0x3FA9]  }
0x28: {  	s2 =	sld [smem:$0x3FAA]  }
0x29: {  	s4 =	sld [smem:$0x3FAC]  }
0x2a: {  	p0 =	seq.s32 s5, $0x0;
	s5 =	sld [smem:$0x3FAD]  }
0x2b: {  	s6 =	sld [smem:$0x3FAE]  }
0x2c: {  	s7 =	sld [smem:$0x3FAF]  }
0x2d: {  	s3 =	simm.s32 $0x108;
	s8 =	sld [smem:$0x3FB0]  }
0x2e: {  	s3 =	simm.s32 @!p0 $0x1082;
	s9 =	sld [smem:$0x3FB1]  }
0x2f: {  	lr =	sadd.s32 s0, s3;
	s0 =	sld [smem:$0x3FA8]  }
0x30: {  	s3 =	sld [smem:$0x3FAB]  }
0x31: {  	[smem:$0x3FB4] =	sst s10  }
0x32: {  	s10 =	sld [smem:$0x3FB2];
	_ =	sdelay $0x3  }
0x33: {  	p0 =	seq.s32 s10, $0x1;
	s10 =	sld [smem:$0x3FB4];
	_ =	sdelay $0x3  }
0x34: {  	[smem:$0x3FB4] =	sst s10  }
0x35: {  	s10 =	sld [smem:$0x3FB3];
	_ =	sdelay $0x3  }
0x36: {  	p1 =	seq.s32 s10, $0x1;
	s10 =	sld [smem:$0x3FB4];
	_ =	sdelay $0x3  }
0x37: {  	[smem:$0x3FB4] =	sst s10  }
0x38: {  	s10 =	sld [smem:$0x3FB5]  }
0x39: {  	_ = 	snop;
	(pc) =	sbr.ind lr, $3  }
0x3a: {  	_ = 	snop  }
0x3b: {  	_ = 	snop  }
0x3c: {  	p2 =	seq.s32 s10, $0x1;
	s10 =	sld [smem:$0x3FB4]  }
0x3d: {  	_ =	shalt  }
0x3e: {  	_ =	shalt  }
0x3f: {  	_ =	shalt  }
0x40: {  	_ =	shalt  }
0x41: {  	_ =	shalt  }
0x42: {  	_ =	shalt  }
0x43: {  	_ =	shalt  }
0x44: {  	_ =	shalt  }
0x45: {  	_ =	shalt  }
0x46: {  	_ =	shalt  }
0x47: {  	_ =	shalt  }
0x48: {  	_ =	shalt  }
0x49: {  	_ =	shalt  }
0x4a: {  	_ =	shalt  }
0x4b: {  	_ =	shalt  }
0x4c: {  	_ =	shalt  }
0x4d: {  	_ =	shalt  }
0x4e: {  	_ =	shalt  }
0x4f: {  	_ =	shalt  }
0x50: {  	_ =	shalt  }
0x51: {  	_ =	shalt  }
0x52: {  	_ =	shalt  }
0x53: {  	_ =	shalt  }
0x54: {  	_ =	shalt  }
0x55: {  	_ =	shalt  }
0x56: {  	_ =	shalt  }
0x57: {  	_ =	shalt  }
0x58: {  	_ =	shalt  }
0x59: {  	_ =	shalt  }
0x5a: {  	_ =	shalt  }
0x5b: {  	_ =	shalt  }
0x5c: {  	_ =	shalt  }
0x5d: {  	_ =	shalt  }
0x5e: {  	_ =	shalt  }
0x5f: {  	_ =	shalt  }
0x60: {  	_ =	shalt  }
0x61: {  	_ =	shalt  }
0x62: {  	_ =	shalt  }
0x63: {  	_ =	shalt  }
0x64: {  	_ =	shalt  }
0x65: {  	_ =	shalt  }
0x66: {  	_ =	shalt  }
0x67: {  	_ =	shalt  }
0x68: {  	_ =	shalt  }
0x69: {  	_ =	shalt  }
0x6a: {  	_ =	shalt  }
0x6b: {  	_ =	shalt  }
0x6c: {  	_ =	shalt  }
0x6d: {  	_ =	shalt  }
0x6e: {  	_ =	shalt  }
0x6f: {  	_ =	shalt  }
0x70: {  	_ =	shalt  }
0x71: {  	_ =	shalt  }
0x72: {  	_ =	shalt  }
0x73: {  	_ =	shalt  }
0x74: {  	_ =	shalt  }
0x75: {  	_ =	shalt  }
0x76: {  	_ =	shalt  }
0x77: {  	_ =	shalt  }
0x78: {  	_ =	shalt  }
0x79: {  	_ =	shalt  }
0x7a: {  	_ =	shalt  }
0x7b: {  	_ =	shalt  }
0x7c: {  	_ =	shalt  }
0x7d: {  	_ =	shalt  }
0x7e: {  	_ =	shalt  }
0x7f: {  	_ =	shalt  }
0x80: {  	_ =	shalt  }
0x81: {  	_ =	shalt  }
0x82: {  	_ =	shalt  }
0x83: {  	_ =	shalt  }
0x84: {  	_ =	shalt  }
0x85: {  	_ =	shalt  }
0x86: {  	_ =	shalt  }
0x87: {  	_ =	shalt  }
.Lfunc_end0:
.L_simem_size_0:
called_computation_lowered:
.L_overlay_start_0:
0x88: {  	s2 =	sld [smem:$0x3FD9]  }
0x89: {  	s3 =	sld [smem:$0x3FFE];
	_ =	sdelay $0x1  }
0x8a: {  	s1 =	srdreg.scid  }
0x8b: {  	s0 =	sand.u32 $0x1, s1  }
0x8c: {  	s17 =	sshll.u32 s0, $0xA;
	s2 =	sadd.s32 s3, s2  }
0x8d: {  	s2 =	sadd.s32 s2, s17  }
0x8e: {  	[smem:$0x3FC0] =	sst s2  }
0x8f: {  	_ = 	snop  }
0x90: {  	s2 =	sld [smem:$0x3FC8];
	(tm) =	ssettm $0x1  }
0x91: {  	s18 =	sld [smem:$0x3FFB];
	_ =	sdelay $0x3  }
0x92: {  	_ =	strace s18  }
0x93: {  	s3 =	sld [smem:$0x3FFC];
	_ =	sdelay $0x3  }
0x94: {  	_ =	strace s3  }
0x95: {  	s3 =	sld [smem:$0x3FFD];
	_ =	sdelay $0x3  }
0x96: {  	_ =	strace s3  }
0x97: {  	_ =	strace $0x8FFFFFFF  }
0x98: {  	s19 =	sld [smem:$0x3FDB];
	_ =	sdelay $0x1  }
0x99: {  	s4 =	simm.s32 $_scs_section_size  }
0x9a: {  	s5 =	simm.s32 $_size__tile_overlayer_lowered;
	s6 =	simm.s32 $_tile_overlayer_lowered  }
0x9b: {  	s22 =	simm.s32 $0x1BFF;
	s21 =	sshll.u32 s6, $0x1;
	s3 =	sadd.s32 s4, s19  }
0x9c: {  	s7 =	simm.s32 $0x0;
	s20 =	sshll.u32 s5, $0x1;
	s5 =	sadd.s32 s21, s3  }
0x9d: {  	[timem:s7], [sflag:s22] =	dma.local [hbm:s5], s20  }
0x9e: {  	_ =	swait.ge [sflag:s22], s20  }
0x9f: {  	s4 =	ssub.s32 $0x0, s20;
	[sflag:s22] =	ssyncset.done $0x0  }
0xa0: {  	[sflag:s22] =	ssyncadd.s32 s4;
	_ =	sdelay $0x1  }
0xa1: {  	s23 =	simm.s32 $0x1B8B  }
0xa2: {  	_ =	swait.ge [sflag:s23], $0x1  }
0xa3: {  	[sflag:s23] =	ssyncset.done $0x0  }
0xa4: {  	s25 =	simm.s32 $0x1B8E;
	s24 =	sld [smem:$0x3FFE];
	[sflag:s23] =	ssyncadd.s32 $0xFFFFFFFF  }
0xa5: {  	s26 =	simm.s32 $execute0_lowered;
	[smem:$0x3FD2] =	sst s25  }
0xa6: {  	s5 =	sshll.u32 s26, $0x1;
	_ =	strace $0x80000046;
	[dreg:$0x1] =	wrdreg $0xFFFFFFFF  }
0xa7: {  	s28 =	simm.s32 $_size_execute0_lowered;
	s3 =	sadd.s32 s3, s5;
	[dreg:$0x0] =	wrdreg $0x0  }
0xa8: {  	s5 =	sshll.u32 s28, $0x1;
	[dreg:$0x2] =	wrdreg s3  }
0xa9: {  	[dreg:$0x3] =	wrdreg s5  }
0xaa: {  	[dreg:$0x4] =	wrdreg $0xC0  }
0xab: {  	_ =	task [dreg:s7], $0x5FFFF  }
0xac: {  	[dreg:$0x1] =	wrdreg $0xFFFFFFFF  }
0xad: {  	[dreg:$0x0] =	wrdreg $0x60  }
0xae: {  	[dreg:$0x2] =	wrdreg s24  }
0xaf: {  	[dreg:$0x3] =	wrdreg s2  }
0xb0: {  	[dreg:$0x4] =	wrdreg $0x9  }
0xb1: {  	_ =	task.clear_ibuf [dreg:s7], $0x5FFFF;
	_ =	strace $0x90000046  }
0xb2: {  	s29 =	simm.s32 $0x9;
	_ =	strace $0x80000048  }
0xb3: {  	_ =	swait.ge [sflag:s29], $0x1  }
0xb4: {  	[sflag:s29] =	ssyncadd.s32 $0xFFFFFFFF  }
0xb5: {  	_ =	strace $0x90000048  }
0xb6: {  	_ =	sfence  }
0xb7: {  	s30 =	sld [smem:$0x0];
	_ =	sdelay $0x2  }
0xb8: {  	s31 =	sshll.u32 s1, $0xD;
	s1 =	sshrl.u32 s1, $0x2  }
0xb9: {  	s3 =	sand.u32 $0x4000, s31;
	s1 =	sadd.s32 s1, s30  }
0xba: {  	s0 =	sor.u32 s3, s0;
	s1 =	sshll.u32 s1, $0x11  }
0xbb: {  	s0 =	sor.u32 s1, s0  }
0xbc: {  	s0 =	sadd.s32 $0x8F2B, s0  }
0xbd: {  	[sflag:s0] =	ssyncadd.remote.s32 $0x1  }
0xbe: {  	_ =	sfence.sel $0xFFFF  }
0xbf: {  	[dreg:$0x0] =	wrdreg $0xFFFFFFFF;
	(pc) =	sbr.abs _section_cstart, $3  }
0xc0: {  	[dreg:$0x1] =	wrdreg $0xFFFFFFFF  }
0xc1: {  	_ =	task.clear_ibuf [dreg:s7], $0x2FFFF;
	_ =	strace $0x9FFFFFFF  }
0xc2: {  	(tm) =	ssettm $0x7FFFFFFF  }
0xc3: {  	_ =	shalt  }
tec
execute0_lowered:
.L_overlay_start_1:
0x0: {  	(tag) =	ssettag $0x1  }
0x1: {  	s0 =	rddreg [dreg:$0x0]  }
0x2: {  	s2 =	rddreg [dreg:$0x1];
	s1 =	srdreg.scid  }
0x3: {  	s4 =	stileid.u32;
	s3 =	simm.s32 $0x0;
	s7 =	simm.s32 $0x4  }
0x4: {  	s8 =	simm.s32 $0x64;
	s9 =	simm.s32 $0x8000;
	s11 =	simm.s32 $0xB200  }
0x5: {  	s12 =	simm.s32 $0x100;
	s13 =	simm.s32 $0xE400;
	s14 =	simm.s32 $0x180  }
0x6: {  	s15 =	simm.s32 $0x11600;
	s16 =	simm.s32 $0x200;
	s17 =	simm.s32 $0x14800  }
0x7: {  	s18 =	simm.s32 $0x280;
	s19 =	simm.s32 $0x17A00;
	s20 =	simm.s32 $0x1  }
0x8: {  	s21 =	simm.s32 $0x2;
	s22 =	simm.s32 $0x3;
	s23 =	simm.s32 $0x7E00  }
0x9: {  	s24 =	simm.s32 $0x7E80;
	s25 =	simm.s32 $0x7F00;
	s26 =	simm.s32 $0x7F80  }
0xa: {  	s28 =	simm.s32 $0x1AC00;
	s29 =	simm.s32 $0x0;
	s1 =	sand.u32 $0x1, s1  }
0xb: {  	s4 =	sshll.u32 s4, $0x8;
	[smem:$0x7FF] =	sst s3;
	s5 =	sshll.u32 s1, $0x7  }
0xc: {  	_ =	strace $0x80000047;
	s1 =	ssub.s32 $0x2, s1;
	s4 =	sor.u32 s5, s4  }
0xd: {  	s6 =	sshrl.u32 s1, $0x1;
	s5 =	sshll.u32 s4, $0x5;
	s4 =	sshll.u32 s4, $0x4  }
0xe: {  	s1 =	ssub.s32 s1, s6;
	s5 =	sadd.s32 s5, s0;
	s0 =	sadd.s32 s4, s0  }
0xf: {  	s6 =	smax.u32 s1, $0x1;
	s4 =	sadd.s32 $0x1200, s5;
	s5 =	sadd.s32 $0x21200, s0  }
.LBB2_1:
0x10: {  	[tilespmem:s3], [sflag:$0x4] =	stream.linear.gather [hbm4b:s4+s3], $0x8000, $0x38;
	[tilespmem:$0x1EC00] =	vst v63  }
0x11: {  	_ =	swait.ge [sflag:s7], $0x8000  }
0x12: {  	[sflag:s7] =	ssyncset.done $0x0  }
0x13: {  	[sflag:s7] =	ssyncadd.s32 $0xFFFF8000  }
0x14: {  	[tilespmem:s9], [sflag:$0x1] =	stream.indirect.gather [hbm4b:s2+s8], $0x80, s3, s8, $0xb8;
	[tilespmem:$0x1EC00] =	vst v63  }
0x15: {  	s0 =	simm.s32 $0x80  }
0x16: {  	[tilespmem:s11], [sflag:$0x1] =	stream.indirect.gather [hbm4b:s2+s8], $0x80, s0, s8, $0xb8;
	[tilespmem:$0x1EC00] =	vst v63  }
0x17: {  	_ = 	snop  }
0x18: {  	[tilespmem:s13], [sflag:$0x2] =	stream.indirect.gather [hbm4b:s2+s8], $0x80, s12, s8, $0xb8;
	[tilespmem:$0x1EC00] =	vst v63  }
0x19: {  	_ = 	snop  }
0x1a: {  	[tilespmem:s15], [sflag:$0x2] =	stream.indirect.gather [hbm4b:s2+s8], $0x80, s14, s8, $0xb8;
	[tilespmem:$0x1EC00] =	vst v63  }
0x1b: {  	_ = 	snop  }
0x1c: {  	[tilespmem:s17], [sflag:$0x3] =	stream.indirect.gather [hbm4b:s2+s8], $0x80, s16, s8, $0xb8;
	[tilespmem:$0x1EC00] =	vst v63  }
0x1d: {  	s30 =	simm.s32 $0x0  }
0x1e: {  	[tilespmem:s19], [sflag:$0x3] =	stream.indirect.gather [hbm4b:s2+s8], $0x80, s18, s8, $0xb8;
	[tilespmem:$0x1EC00] =	vst v63  }
.LBB2_2:
0x1f: {  	_ =	swait.ge [sflag:s20], $0x6400  }
0x20: {  	[sflag:s20] =	ssyncset.done $0x0  }
0x21: {  	s0 =	simm.s32 $0x0;
	[sflag:s20] =	ssyncadd.s32 $0xFFFF9C00  }
0x22: {  	v6 =	vld [tilespmem:s0+$0x8380]  }
0x23: {  	v7 =	vld [tilespmem:s0+$0x8390]  }
0x24: {  	v8 =	vld [tilespmem:s0+$0x83A0]  }
0x25: {  	v9 =	vld [tilespmem:s0+$0x83B0]  }
0x26: {  	v0 =	vld [tilespmem:s0+$0x83C0]  }
0x27: {  	v1 =	vld [tilespmem:s0+$0x83D0]  }
0x28: {  	v14 =	vld [tilespmem:s0+$0x8300]  }
0x29: {  	v16 =	vld [tilespmem:s0+$0x8310]  }
0x2a: {  	v13 =	vld [tilespmem:s0+$0x8320]  }
0x2b: {  	v15 =	vld [tilespmem:s0+$0x8330]  }
0x2c: {  	v3 =	vld [tilespmem:s0+$0x8340]  }
0x2d: {  	v2 =	vld [tilespmem:s0+$0x8350]  }
0x2e: {  	v17 =	vld [tilespmem:s0+$0x8280]  }
0x2f: {  	v18 =	vld [tilespmem:s0+$0x8290]  }
0x30: {  	v19 =	vld [tilespmem:s0+$0x82A0]  }
0x31: {  	v24 =	vld [tilespmem:s0+$0x82B0]  }
0x32: {  	v4 =	vld [tilespmem:s0+$0x82C0]  }
0x33: {  	v5 =	vld [tilespmem:s0+$0x82D0]  }
0x34: {  	v21 =	vld [tilespmem:s0+$0x8200]  }
0x35: {  	v22 =	vld [tilespmem:s0+$0x8210]  }
0x36: {  	v23 =	vld [tilespmem:s0+$0x8220]  }
0x37: {  	v30 =	vld [tilespmem:s0+$0x8230]  }
0x38: {  	v10 =	vld [tilespmem:s0+$0x8240]  }
0x39: {  	v27 =	vld [tilespmem:s0+$0x8180]  }
0x3a: {  	v28 =	vld [tilespmem:s0+$0x8190]  }
0x3b: {  	v25 =	vld [tilespmem:s0+$0x8100]  }
0x3c: {  	v26 =	vld [tilespmem:s0+$0x8110]  }
0x3d: {  	v11 =	vld [tilespmem:s0+$0x8080]  }
0x3e: {  	v20 =	vld [tilespmem:s0+$0x8090]  }
0x3f: {  	v29 =	vld [tilespmem:s0+$0x8000]  }
0x40: {  	v31 =	vld [tilespmem:s0+$0x8010]  }
0x41: {  	v32 =	vld [tilespmem:s0+$0x8020]  }
0x42: {  	v33 =	vld [tilespmem:s0+$0x8030]  }
0x43: {  	v34 =	vld [tilespmem:s0+$0x80A0]  }
0x44: {  	v35 =	vld [tilespmem:s0+$0x80B0]  }
0x45: {  	v12 =	vimm.f32 $0.0e+00;
	v36 =	vld [tilespmem:s0+$0x8120]  }
0x46: {  	v37 =	vld [tilespmem:s0+$0x8130];
	v29 =	vadd.f32 v29, v12;
	v31 =	vadd.f32 v31, v12  }
0x47: {  	v38 =	vld [tilespmem:s0+$0x81A0];
	v32 =	vadd.f32 v32, v12;
	v33 =	vadd.f32 v33, v12  }
0x48: {  	v39 =	vld [tilespmem:s0+$0x81B0];
	v29 =	vadd.f32 v11, v29;
	v31 =	vadd.f32 v20, v31  }
0x49: {  	v11 =	vld [tilespmem:s0+$0x8250];
	v32 =	vadd.f32 v34, v32;
	v33 =	vadd.f32 v35, v33  }
0x4a: {  	v20 =	vld [tilespmem:s0+$0x81C0];
	v29 =	vadd.f32 v25, v29;
	v31 =	vadd.f32 v26, v31  }
0x4b: {  	v25 =	vld [tilespmem:s0+$0x81D0];
	v32 =	vadd.f32 v36, v32;
	v33 =	vadd.f32 v37, v33  }
0x4c: {  	v26 =	vld [tilespmem:s0+$0x8140];
	v29 =	vadd.f32 v27, v29;
	v31 =	vadd.f32 v28, v31  }
0x4d: {  	v27 =	vld [tilespmem:s0+$0x8150];
	v32 =	vadd.f32 v38, v32;
	v33 =	vadd.f32 v39, v33  }
0x4e: {  	v28 =	vld [tilespmem:s0+$0x80C0];
	v21 =	vadd.f32 v21, v29;
	v22 =	vadd.f32 v22, v31  }
0x4f: {  	v29 =	vld [tilespmem:s0+$0x80D0];
	v23 =	vadd.f32 v23, v32;
	v63 =	vadd.f32 v30, v33  }
0x50: {  	v30 =	vld [tilespmem:s0+$0x8040];
	v21 =	vadd.f32 v17, v21;
	v22 =	vadd.f32 v18, v22  }
0x51: {  	v31 =	vld [tilespmem:s0+$0x8050];
	v23 =	vadd.f32 v19, v23;
	v24 =	vadd.f32 v24, v63  }
0x52: {  	s1 =	simm.s32 $0x1000;
	v32 =	vld [tilespmem:s0+$0x8060];
	v19 =	vimm.f32 $0.0e+00;
	v18 =	vimm.f32 $0.0e+00;
	v17 =	vimm.f32 $0.0e+00  }
.LBB2_3:
0x53: {  	p0 =	sne.s32 s1, $0x18000;
	v33 =	vld [tilespmem:s0+$0x8070];
	v14 =	vadd.f32 v14, v21;
	v16 =	vadd.f32 v16, v22  }
0x54: {  	v34 =	vld [tilespmem:s0+$0x80E0];
	v13 =	vadd.f32 v13, v23;
	v15 =	vadd.f32 v15, v24  }
0x55: {  	v35 =	vld [tilespmem:s0+$0x80F0];
	v21 =	vadd.f32 v6, v14;
	v22 =	vadd.f32 v7, v16  }
0x56: {  	v6 =	vld [tilespmem:s0+$0x8160];
	v23 =	vadd.f32 v8, v13;
	v24 =	vadd.f32 v9, v15  }
0x57: {  	v7 =	vadd.f32 v30, v12;
	v8 =	vadd.f32 v31, v19;
	v9 =	vld [tilespmem:s0+$0x8170]  }
0x58: {  	v12 =	vadd.f32 v32, v18;
	v13 =	vadd.f32 v33, v17;
	v14 =	vld [tilespmem:s0+$0x81E0]  }
0x59: {  	v7 =	vadd.f32 v28, v7;
	v8 =	vadd.f32 v29, v8;
	v15 =	vld [tilespmem:s0+$0x81F0]  }
0x5a: {  	v12 =	vadd.f32 v34, v12;
	v13 =	vadd.f32 v35, v13;
	v16 =	vld [tilespmem:s0+$0x8260]  }
0x5b: {  	v7 =	vadd.f32 v26, v7;
	v8 =	vadd.f32 v27, v8;
	v17 =	vld [tilespmem:s0+$0x8270]  }
0x5c: {  	v6 =	vadd.f32 v6, v12;
	v9 =	vadd.f32 v9, v13;
	v12 =	vld [tilespmem:s0+$0x82E0]  }
0x5d: {  	v7 =	vadd.f32 v20, v7;
	v8 =	vadd.f32 v25, v8;
	v13 =	vld [tilespmem:s0+$0x82F0]  }
0x5e: {  	v6 =	vadd.f32 v14, v6;
	v9 =	vadd.f32 v15, v9;
	v14 =	vld [tilespmem:s0+$0x8360]  }
0x5f: {  	v7 =	vadd.f32 v10, v7;
	v8 =	vadd.f32 v11, v8;
	v10 =	vld [tilespmem:s0+$0x8370]  }
0x60: {  	v11 =	vadd.f32 v16, v6;
	v9 =	vadd.f32 v17, v9;
	v15 =	vld [tilespmem:s0+$0x83E0]  }
0x61: {  	v4 =	vadd.f32 v4, v7;
	v5 =	vadd.f32 v5, v8;
	v16 =	vld [tilespmem:s0+$0x83F0];
	s0 =	sshra.s32 s1, $0x2  }
0x62: {  	v11 =	vadd.f32 v12, v11;
	v6 =	vld [tilespmem:s0+$0x8380];
	v9 =	vadd.f32 v13, v9  }
0x63: {  	v3 =	vadd.f32 v3, v4;
	v2 =	vadd.f32 v2, v5;
	v7 =	vld [tilespmem:s0+$0x8390]  }
0x64: {  	v4 =	vadd.f32 v14, v11;
	v8 =	vld [tilespmem:s0+$0x83A0];
	v5 =	vadd.f32 v10, v9  }
0x65: {  	v12 =	vadd.f32 v0, v3;
	v19 =	vadd.f32 v1, v2;
	v9 =	vld [tilespmem:s0+$0x83B0]  }
0x66: {  	v18 =	vadd.f32 v15, v4;
	v0 =	vld [tilespmem:s0+$0x83C0];
	v17 =	vadd.f32 v16, v5  }
0x67: {  	v1 =	vld [tilespmem:s0+$0x83D0]  }
0x68: {  	v14 =	vld [tilespmem:s0+$0x8300]  }
0x69: {  	v16 =	vld [tilespmem:s0+$0x8310]  }
0x6a: {  	v13 =	vld [tilespmem:s0+$0x8320]  }
0x6b: {  	v15 =	vld [tilespmem:s0+$0x8330]  }
0x6c: {  	v3 =	vld [tilespmem:s0+$0x8340]  }
0x6d: {  	v2 =	vld [tilespmem:s0+$0x8350]  }
0x6e: {  	v32 =	vld [tilespmem:s0+$0x8280]  }
0x6f: {  	v33 =	vld [tilespmem:s0+$0x8290]  }
0x70: {  	v34 =	vld [tilespmem:s0+$0x82A0]  }
0x71: {  	v35 =	vld [tilespmem:s0+$0x82B0]  }
0x72: {  	v4 =	vld [tilespmem:s0+$0x82C0]  }
0x73: {  	v5 =	vld [tilespmem:s0+$0x82D0]  }
0x74: {  	v30 =	vld [tilespmem:s0+$0x8200]  }
0x75: {  	v31 =	vld [tilespmem:s0+$0x8210]  }
0x76: {  	v36 =	vld [tilespmem:s0+$0x8220]  }
0x77: {  	v37 =	vld [tilespmem:s0+$0x8230]  }
0x78: {  	v10 =	vld [tilespmem:s0+$0x8240]  }
0x79: {  	v11 =	vld [tilespmem:s0+$0x8250]  }
0x7a: {  	v28 =	vld [tilespmem:s0+$0x8180]  }
0x7b: {  	v29 =	vld [tilespmem:s0+$0x8190]  }
0x7c: {  	v25 =	vld [tilespmem:s0+$0x8100]  }
0x7d: {  	v26 =	vld [tilespmem:s0+$0x8110]  }
0x7e: {  	v20 =	vld [tilespmem:s0+$0x8080]  }
0x7f: {  	v27 =	vld [tilespmem:s0+$0x8090]  }
0x80: {  	v38 =	vld [tilespmem:s0+$0x8000]  }
0x81: {  	v39 =	vld [tilespmem:s0+$0x8010]  }
0x82: {  	v40 =	vld [tilespmem:s0+$0x8020]  }
0x83: {  	v41 =	vld [tilespmem:s0+$0x8030]  }
0x84: {  	v42 =	vld [tilespmem:s0+$0x80A0]  }
0x85: {  	v43 =	vld [tilespmem:s0+$0x80B0]  }
0x86: {  	v44 =	vld [tilespmem:s0+$0x8120]  }
0x87: {  	v21 =	vadd.f32 v38, v21;
	v22 =	vadd.f32 v39, v22;
	v38 =	vld [tilespmem:s0+$0x8130]  }
0x88: {  	v23 =	vadd.f32 v40, v23;
	v24 =	vadd.f32 v41, v24;
	v39 =	vld [tilespmem:s0+$0x81A0]  }
0x89: {  	v21 =	vadd.f32 v20, v21;
	v22 =	vadd.f32 v27, v22;
	v40 =	vld [tilespmem:s0+$0x81B0]  }
0x8a: {  	v23 =	vadd.f32 v42, v23;
	v24 =	vadd.f32 v43, v24;
	v20 =	vld [tilespmem:s0+$0x81C0]  }
0x8b: {  	v21 =	vadd.f32 v25, v21;
	v22 =	vadd.f32 v26, v22;
	v25 =	vld [tilespmem:s0+$0x81D0]  }
0x8c: {  	v23 =	vadd.f32 v44, v23;
	v24 =	vadd.f32 v38, v24;
	v26 =	vld [tilespmem:s0+$0x8140]  }
0x8d: {  	v21 =	vadd.f32 v28, v21;
	v22 =	vadd.f32 v29, v22;
	v27 =	vld [tilespmem:s0+$0x8150]  }
.Ltmp0:
0x8e: {  	v23 =	vadd.f32 v39, v23;
	v28 =	vld [tilespmem:s0+$0x80C0];
	v24 =	vadd.f32 v40, v24;
	(pc) =	sbr.rel @p0 .LBB2_3-.Ltmp0, $4  }
0x8f: {  	v21 =	vadd.f32 v30, v21;
	v22 =	vadd.f32 v31, v22;
	v29 =	vld [tilespmem:s0+$0x80D0]  }
0x90: {  	v23 =	vadd.f32 v36, v23;
	v30 =	vld [tilespmem:s0+$0x8040];
	v24 =	vadd.f32 v37, v24  }
0x91: {  	v21 =	vadd.f32 v32, v21;
	v22 =	vadd.f32 v33, v22;
	v31 =	vld [tilespmem:s0+$0x8050]  }
0x92: {  	s1 =	sadd.s32 $0x1000, s1;
	v23 =	vadd.f32 v34, v23;
	v32 =	vld [tilespmem:s0+$0x8060];
	v24 =	vadd.f32 v35, v24  }
0x93: {  	v14 =	vadd.f32 v14, v21;
	v16 =	vadd.f32 v16, v22  }
0x94: {  	v33 =	vld [tilespmem:s0+$0x8070];
	v13 =	vadd.f32 v13, v23;
	v15 =	vadd.f32 v15, v24  }
0x95: {  	v21 =	vld [tilespmem:s0+$0x80E0];
	v6 =	vadd.f32 v6, v14;
	v7 =	vadd.f32 v7, v16  }
0x96: {  	v22 =	vld [tilespmem:s0+$0x80F0];
	v12 =	vadd.f32 v30, v12;
	v8 =	vadd.f32 v8, v13  }
0x97: {  	v14 =	vld [tilespmem:s0+$0x8160];
	v9 =	vadd.f32 v9, v15;
	v13 =	vadd.f32 v31, v19  }
0x98: {  	v15 =	vld [tilespmem:s0+$0x8170];
	v16 =	vadd.f32 v32, v18;
	v12 =	vadd.f32 v28, v12  }
0x99: {  	v18 =	vld [tilespmem:s0+$0x81E0];
	v17 =	vadd.f32 v33, v17;
	v13 =	vadd.f32 v29, v13  }
0x9a: {  	v19 =	vld [tilespmem:s0+$0x81F0];
	v16 =	vadd.f32 v21, v16;
	v12 =	vadd.f32 v26, v12  }
0x9b: {  	v21 =	vld [tilespmem:s0+$0x8260];
	v17 =	vadd.f32 v22, v17;
	v13 =	vadd.f32 v27, v13  }
0x9c: {  	v22 =	vld [tilespmem:s0+$0x8270];
	v14 =	vadd.f32 v14, v16;
	v12 =	vadd.f32 v20, v12  }
0x9d: {  	v16 =	vld [tilespmem:s0+$0x82E0];
	v15 =	vadd.f32 v15, v17;
	v13 =	vadd.f32 v25, v13  }
0x9e: {  	v17 =	vld [tilespmem:s0+$0x82F0];
	v14 =	vadd.f32 v18, v14;
	v10 =	vadd.f32 v10, v12  }
0x9f: {  	s1 =	smul.u32 $0x600, s30;
	v18 =	vld [tilespmem:s0+$0x8360];
	v12 =	vadd.f32 v19, v15;
	v11 =	vadd.f32 v11, v13  }
0xa0: {  	v13 =	vld [tilespmem:s0+$0x8370];
	v14 =	vadd.f32 v21, v14;
	v4 =	vadd.f32 v4, v10  }
0xa1: {  	s31 =	sshra.s32 s1, $0x2;
	v15 =	vld [tilespmem:s0+$0x83E0];
	v10 =	vadd.f32 v22, v12;
	v5 =	vadd.f32 v5, v11  }
0xa2: {  	v11 =	vld [tilespmem:s0+$0x83F0];
	[tilespmem:s31+$0x1AC00] =	vst v6;
	v12 =	vadd.f32 v16, v14;
	v3 =	vadd.f32 v3, v4  }
0xa3: {  	[tilespmem:s31+$0x1AC10] =	vst v7;
	v4 =	vadd.f32 v17, v10;
	v2 =	vadd.f32 v2, v5  }
0xa4: {  	[tilespmem:s31+$0x1AC20] =	vst v8;
	v5 =	vadd.f32 v18, v12;
	v0 =	vadd.f32 v0, v3  }
0xa5: {  	[tilespmem:s31+$0x1AC30] =	vst v9;
	v3 =	vadd.f32 v13, v4;
	v1 =	vadd.f32 v1, v2  }
0xa6: {  	s1 =	smul.u32 $0xC00, s30;
	v2 =	vadd.f32 v15, v5;
	[tilespmem:s31+$0x1AC40] =	vst v0  }
0xa7: {  	v0 =	vadd.f32 v11, v3;
	[tilespmem:s31+$0x1AC50] =	vst v1  }
0xa8: {  	s0 =	sshra.s32 s1, $0x2;
	[tilespmem:s31+$0x1AC60] =	vst v2  }
0xa9: {  	s10 =	sadd.s32 $0x300, s0;
	[tilespmem:s31+$0x1AC70] =	vst v0  }
0xaa: {  	[tilespmem:s9], [sflag:$0x1] =	stream.indirect.gather [hbm4b:s2+s8], $0x80, s10, s8, $0xb8;
	[tilespmem:$0x1EC00] =	vst v63  }
0xab: {  	s10 =	sadd.s32 $0x380, s0  }
0xac: {  	[tilespmem:s11], [sflag:$0x1] =	stream.indirect.gather [hbm4b:s2+s8], $0x80, s10, s8, $0xb8;
	[tilespmem:$0x1EC00] =	vst v63  }
0xad: {  	_ =	swait.ge [sflag:s21], $0x6400  }
0xae: {  	[sflag:s21] =	ssyncset.done $0x0  }
0xaf: {  	s1 =	simm.s32 $0x0;
	[sflag:s21] =	ssyncadd.s32 $0xFFFF9C00  }
0xb0: {  	v6 =	vld [tilespmem:s1+$0xE780]  }
0xb1: {  	v7 =	vld [tilespmem:s1+$0xE790]  }
0xb2: {  	v8 =	vld [tilespmem:s1+$0xE7A0]  }
0xb3: {  	v9 =	vld [tilespmem:s1+$0xE7B0]  }
0xb4: {  	v0 =	vld [tilespmem:s1+$0xE7C0]  }
0xb5: {  	v1 =	vld [tilespmem:s1+$0xE7D0]  }
0xb6: {  	v14 =	vld [tilespmem:s1+$0xE700]  }
0xb7: {  	v16 =	vld [tilespmem:s1+$0xE710]  }
0xb8: {  	v13 =	vld [tilespmem:s1+$0xE720]  }
0xb9: {  	v15 =	vld [tilespmem:s1+$0xE730]  }
0xba: {  	v3 =	vld [tilespmem:s1+$0xE740]  }
0xbb: {  	v2 =	vld [tilespmem:s1+$0xE750]  }
0xbc: {  	v17 =	vld [tilespmem:s1+$0xE680]  }
0xbd: {  	v18 =	vld [tilespmem:s1+$0xE690]  }
0xbe: {  	v19 =	vld [tilespmem:s1+$0xE6A0]  }
0xbf: {  	v24 =	vld [tilespmem:s1+$0xE6B0]  }
0xc0: {  	v4 =	vld [tilespmem:s1+$0xE6C0]  }
0xc1: {  	v5 =	vld [tilespmem:s1+$0xE6D0]  }
0xc2: {  	v21 =	vld [tilespmem:s1+$0xE600]  }
0xc3: {  	v22 =	vld [tilespmem:s1+$0xE610]  }
0xc4: {  	v23 =	vld [tilespmem:s1+$0xE620]  }
0xc5: {  	v30 =	vld [tilespmem:s1+$0xE630]  }
0xc6: {  	v10 =	vld [tilespmem:s1+$0xE640]  }
0xc7: {  	v27 =	vld [tilespmem:s1+$0xE580]  }
0xc8: {  	v28 =	vld [tilespmem:s1+$0xE590]  }
0xc9: {  	v25 =	vld [tilespmem:s1+$0xE500]  }
0xca: {  	v26 =	vld [tilespmem:s1+$0xE510]  }
0xcb: {  	v11 =	vld [tilespmem:s1+$0xE480]  }
0xcc: {  	v20 =	vld [tilespmem:s1+$0xE490]  }
0xcd: {  	v29 =	vld [tilespmem:s1+$0xE400]  }
0xce: {  	v31 =	vld [tilespmem:s1+$0xE410]  }
0xcf: {  	v61 =	vld [tilespmem:s1+$0xE420]  }
0xd0: {  	v62 =	vld [tilespmem:s1+$0xE430]  }
0xd1: {  	v34 =	vld [tilespmem:s1+$0xE4A0]  }
0xd2: {  	v35 =	vld [tilespmem:s1+$0xE4B0]  }
0xd3: {  	v12 =	vimm.f32 $0.0e+00;
	v36 =	vld [tilespmem:s1+$0xE520]  }
0xd4: {  	v37 =	vld [tilespmem:s1+$0xE530];
	v29 =	vadd.f32 v29, v12;
	v31 =	vadd.f32 v31, v12  }
0xd5: {  	v38 =	vld [tilespmem:s1+$0xE5A0];
	v32 =	vadd.f32 v61, v12;
	v33 =	vadd.f32 v62, v12  }
0xd6: {  	v39 =	vld [tilespmem:s1+$0xE5B0];
	v29 =	vadd.f32 v11, v29;
	v31 =	vadd.f32 v20, v31  }
0xd7: {  	v11 =	vld [tilespmem:s1+$0xE650];
	v32 =	vadd.f32 v34, v32;
	v33 =	vadd.f32 v35, v33  }
0xd8: {  	v20 =	vld [tilespmem:s1+$0xE5C0];
	v29 =	vadd.f32 v25, v29;
	v31 =	vadd.f32 v26, v31  }
0xd9: {  	v25 =	vld [tilespmem:s1+$0xE5D0];
	v32 =	vadd.f32 v36, v32;
	v33 =	vadd.f32 v37, v33  }
0xda: {  	v26 =	vld [tilespmem:s1+$0xE540];
	v29 =	vadd.f32 v27, v29;
	v31 =	vadd.f32 v28, v31  }
0xdb: {  	v27 =	vld [tilespmem:s1+$0xE550];
	v32 =	vadd.f32 v38, v32;
	v33 =	vadd.f32 v39, v33  }
0xdc: {  	v28 =	vld [tilespmem:s1+$0xE4C0];
	v21 =	vadd.f32 v21, v29;
	v22 =	vadd.f32 v22, v31  }
0xdd: {  	v29 =	vld [tilespmem:s1+$0xE4D0];
	v23 =	vadd.f32 v23, v32;
	v63 =	vadd.f32 v30, v33  }
0xde: {  	v30 =	vld [tilespmem:s1+$0xE440];
	v21 =	vadd.f32 v17, v21;
	v22 =	vadd.f32 v18, v22  }
0xdf: {  	v31 =	vld [tilespmem:s1+$0xE450];
	v23 =	vadd.f32 v19, v23;
	v24 =	vadd.f32 v24, v63  }
0xe0: {  	s10 =	simm.s32 $0x1000;
	v32 =	vld [tilespmem:s1+$0xE460];
	v19 =	vimm.f32 $0.0e+00;
	v18 =	vimm.f32 $0.0e+00;
	v17 =	vimm.f32 $0.0e+00  }
.LBB2_5:
0xe1: {  	p0 =	sne.s32 s10, $0x18000;
	v33 =	vld [tilespmem:s1+$0xE470];
	v14 =	vadd.f32 v14, v21;
	v16 =	vadd.f32 v16, v22  }
0xe2: {  	v34 =	vld [tilespmem:s1+$0xE4E0];
	v13 =	vadd.f32 v13, v23;
	v15 =	vadd.f32 v15, v24  }
0xe3: {  	v35 =	vld [tilespmem:s1+$0xE4F0];
	v21 =	vadd.f32 v6, v14;
	v22 =	vadd.f32 v7, v16  }
0xe4: {  	v6 =	vld [tilespmem:s1+$0xE560];
	v23 =	vadd.f32 v8, v13;
	v24 =	vadd.f32 v9, v15  }
0xe5: {  	v7 =	vadd.f32 v30, v12;
	v8 =	vadd.f32 v31, v19;
	v9 =	vld [tilespmem:s1+$0xE570]  }
0xe6: {  	v12 =	vadd.f32 v32, v18;
	v13 =	vadd.f32 v33, v17;
	v14 =	vld [tilespmem:s1+$0xE5E0]  }
0xe7: {  	v7 =	vadd.f32 v28, v7;
	v8 =	vadd.f32 v29, v8;
	v15 =	vld [tilespmem:s1+$0xE5F0]  }
0xe8: {  	v12 =	vadd.f32 v34, v12;
	v13 =	vadd.f32 v35, v13;
	v16 =	vld [tilespmem:s1+$0xE660]  }
0xe9: {  	v7 =	vadd.f32 v26, v7;
	v8 =	vadd.f32 v27, v8;
	v17 =	vld [tilespmem:s1+$0xE670]  }
0xea: {  	v6 =	vadd.f32 v6, v12;
	v9 =	vadd.f32 v9, v13;
	v12 =	vld [tilespmem:s1+$0xE6E0]  }
0xeb: {  	v7 =	vadd.f32 v20, v7;
	v8 =	vadd.f32 v25, v8;
	v13 =	vld [tilespmem:s1+$0xE6F0]  }
0xec: {  	v6 =	vadd.f32 v14, v6;
	v9 =	vadd.f32 v15, v9;
	v14 =	vld [tilespmem:s1+$0xE760]  }
0xed: {  	v7 =	vadd.f32 v10, v7;
	v8 =	vadd.f32 v11, v8;
	v10 =	vld [tilespmem:s1+$0xE770]  }
0xee: {  	v11 =	vadd.f32 v16, v6;
	v9 =	vadd.f32 v17, v9;
	v15 =	vld [tilespmem:s1+$0xE7E0]  }
0xef: {  	v4 =	vadd.f32 v4, v7;
	v5 =	vadd.f32 v5, v8;
	v16 =	vld [tilespmem:s1+$0xE7F0];
	s1 =	sshra.s32 s10, $0x2  }
0xf0: {  	v11 =	vadd.f32 v12, v11;
	v6 =	vld [tilespmem:s1+$0xE780];
	v9 =	vadd.f32 v13, v9  }
0xf1: {  	v3 =	vadd.f32 v3, v4;
	v2 =	vadd.f32 v2, v5;
	v7 =	vld [tilespmem:s1+$0xE790]  }
0xf2: {  	v4 =	vadd.f32 v14, v11;
	v8 =	vld [tilespmem:s1+$0xE7A0];
	v5 =	vadd.f32 v10, v9  }
0xf3: {  	v12 =	vadd.f32 v0, v3;
	v19 =	vadd.f32 v1, v2;
	v9 =	vld [tilespmem:s1+$0xE7B0]  }
0xf4: {  	v18 =	vadd.f32 v15, v4;
	v0 =	vld [tilespmem:s1+$0xE7C0];
	v17 =	vadd.f32 v16, v5  }
0xf5: {  	v1 =	vld [tilespmem:s1+$0xE7D0]  }
0xf6: {  	v14 =	vld [tilespmem:s1+$0xE700]  }
0xf7: {  	v16 =	vld [tilespmem:s1+$0xE710]  }
0xf8: {  	v13 =	vld [tilespmem:s1+$0xE720]  }
0xf9: {  	v15 =	vld [tilespmem:s1+$0xE730]  }
0xfa: {  	v3 =	vld [tilespmem:s1+$0xE740]  }
0xfb: {  	v2 =	vld [tilespmem:s1+$0xE750]  }
0xfc: {  	v32 =	vld [tilespmem:s1+$0xE680]  }
0xfd: {  	v33 =	vld [tilespmem:s1+$0xE690]  }
0xfe: {  	v34 =	vld [tilespmem:s1+$0xE6A0]  }
0xff: {  	v35 =	vld [tilespmem:s1+$0xE6B0]  }
0x100: {  	v4 =	vld [tilespmem:s1+$0xE6C0]  }
0x101: {  	v5 =	vld [tilespmem:s1+$0xE6D0]  }
0x102: {  	v30 =	vld [tilespmem:s1+$0xE600]  }
0x103: {  	v31 =	vld [tilespmem:s1+$0xE610]  }
0x104: {  	v36 =	vld [tilespmem:s1+$0xE620]  }
0x105: {  	v37 =	vld [tilespmem:s1+$0xE630]  }
0x106: {  	v10 =	vld [tilespmem:s1+$0xE640]  }
0x107: {  	v11 =	vld [tilespmem:s1+$0xE650]  }
0x108: {  	v28 =	vld [tilespmem:s1+$0xE580]  }
0x109: {  	v29 =	vld [tilespmem:s1+$0xE590]  }
0x10a: {  	v25 =	vld [tilespmem:s1+$0xE500]  }
0x10b: {  	v26 =	vld [tilespmem:s1+$0xE510]  }
0x10c: {  	v20 =	vld [tilespmem:s1+$0xE480]  }
0x10d: {  	v27 =	vld [tilespmem:s1+$0xE490]  }
0x10e: {  	v38 =	vld [tilespmem:s1+$0xE400]  }
0x10f: {  	v39 =	vld [tilespmem:s1+$0xE410]  }
0x110: {  	v40 =	vld [tilespmem:s1+$0xE420]  }
0x111: {  	v41 =	vld [tilespmem:s1+$0xE430]  }
0x112: {  	v42 =	vld [tilespmem:s1+$0xE4A0]  }
0x113: {  	v43 =	vld [tilespmem:s1+$0xE4B0]  }
0x114: {  	v44 =	vld [tilespmem:s1+$0xE520]  }
0x115: {  	v21 =	vadd.f32 v38, v21;
	v22 =	vadd.f32 v39, v22;
	v38 =	vld [tilespmem:s1+$0xE530]  }
0x116: {  	v23 =	vadd.f32 v40, v23;
	v24 =	vadd.f32 v41, v24;
	v39 =	vld [tilespmem:s1+$0xE5A0]  }
0x117: {  	v21 =	vadd.f32 v20, v21;
	v22 =	vadd.f32 v27, v22;
	v40 =	vld [tilespmem:s1+$0xE5B0]  }
0x118: {  	v23 =	vadd.f32 v42, v23;
	v24 =	vadd.f32 v43, v24;
	v20 =	vld [tilespmem:s1+$0xE5C0]  }
0x119: {  	v21 =	vadd.f32 v25, v21;
	v22 =	vadd.f32 v26, v22;
	v25 =	vld [tilespmem:s1+$0xE5D0]  }
0x11a: {  	v23 =	vadd.f32 v44, v23;
	v24 =	vadd.f32 v38, v24;
	v26 =	vld [tilespmem:s1+$0xE540]  }
0x11b: {  	v21 =	vadd.f32 v28, v21;
	v22 =	vadd.f32 v29, v22;
	v27 =	vld [tilespmem:s1+$0xE550]  }
.Ltmp1:
0x11c: {  	v23 =	vadd.f32 v39, v23;
	v28 =	vld [tilespmem:s1+$0xE4C0];
	v24 =	vadd.f32 v40, v24;
	(pc) =	sbr.rel @p0 .LBB2_5-.Ltmp1, $4  }
0x11d: {  	v21 =	vadd.f32 v30, v21;
	v22 =	vadd.f32 v31, v22;
	v29 =	vld [tilespmem:s1+$0xE4D0]  }
0x11e: {  	v23 =	vadd.f32 v36, v23;
	v30 =	vld [tilespmem:s1+$0xE440];
	v24 =	vadd.f32 v37, v24  }
0x11f: {  	v21 =	vadd.f32 v32, v21;
	v22 =	vadd.f32 v33, v22;
	v31 =	vld [tilespmem:s1+$0xE450]  }
0x120: {  	s10 =	sadd.s32 $0x1000, s10;
	v23 =	vadd.f32 v34, v23;
	v32 =	vld [tilespmem:s1+$0xE460];
	v24 =	vadd.f32 v35, v24  }
0x121: {  	v14 =	vadd.f32 v14, v21;
	v16 =	vadd.f32 v16, v22  }
0x122: {  	v33 =	vld [tilespmem:s1+$0xE470];
	v13 =	vadd.f32 v13, v23;
	v15 =	vadd.f32 v15, v24  }
0x123: {  	v21 =	vld [tilespmem:s1+$0xE4E0];
	v6 =	vadd.f32 v6, v14;
	v7 =	vadd.f32 v7, v16  }
0x124: {  	v22 =	vld [tilespmem:s1+$0xE4F0];
	v12 =	vadd.f32 v30, v12;
	v8 =	vadd.f32 v8, v13  }
0x125: {  	v14 =	vld [tilespmem:s1+$0xE560];
	v9 =	vadd.f32 v9, v15;
	v13 =	vadd.f32 v31, v19  }
0x126: {  	v15 =	vld [tilespmem:s1+$0xE570];
	v16 =	vadd.f32 v32, v18;
	v12 =	vadd.f32 v28, v12  }
0x127: {  	v18 =	vld [tilespmem:s1+$0xE5E0];
	v17 =	vadd.f32 v33, v17;
	v13 =	vadd.f32 v29, v13  }
0x128: {  	v19 =	vld [tilespmem:s1+$0xE5F0];
	v16 =	vadd.f32 v21, v16;
	v12 =	vadd.f32 v26, v12  }
0x129: {  	v21 =	vld [tilespmem:s1+$0xE660];
	v17 =	vadd.f32 v22, v17;
	v13 =	vadd.f32 v27, v13  }
0x12a: {  	v22 =	vld [tilespmem:s1+$0xE670];
	v14 =	vadd.f32 v14, v16;
	v12 =	vadd.f32 v20, v12  }
0x12b: {  	v16 =	vld [tilespmem:s1+$0xE6E0];
	v15 =	vadd.f32 v15, v17;
	v13 =	vadd.f32 v25, v13  }
0x12c: {  	v17 =	vld [tilespmem:s1+$0xE6F0];
	v14 =	vadd.f32 v18, v14;
	v10 =	vadd.f32 v10, v12  }
0x12d: {  	v18 =	vld [tilespmem:s1+$0xE760];
	v12 =	vadd.f32 v19, v15;
	v11 =	vadd.f32 v11, v13  }
0x12e: {  	v13 =	vld [tilespmem:s1+$0xE770];
	v14 =	vadd.f32 v21, v14;
	v4 =	vadd.f32 v4, v10  }
0x12f: {  	v15 =	vld [tilespmem:s1+$0xE7E0];
	v10 =	vadd.f32 v22, v12;
	v5 =	vadd.f32 v5, v11  }
0x130: {  	v11 =	vld [tilespmem:s1+$0xE7F0];
	[tilespmem:s31+$0x1AC80] =	vst v6;
	v12 =	vadd.f32 v16, v14;
	v3 =	vadd.f32 v3, v4  }
0x131: {  	[tilespmem:s31+$0x1AC90] =	vst v7;
	v4 =	vadd.f32 v17, v10;
	v2 =	vadd.f32 v2, v5  }
0x132: {  	[tilespmem:s31+$0x1ACA0] =	vst v8;
	v5 =	vadd.f32 v18, v12;
	v0 =	vadd.f32 v0, v3  }
0x133: {  	[tilespmem:s31+$0x1ACB0] =	vst v9;
	v3 =	vadd.f32 v13, v4;
	v1 =	vadd.f32 v1, v2  }
0x134: {  	v2 =	vadd.f32 v15, v5;
	[tilespmem:s31+$0x1ACC0] =	vst v0  }
0x135: {  	v0 =	vadd.f32 v11, v3;
	[tilespmem:s31+$0x1ACD0] =	vst v1  }
0x136: {  	[tilespmem:s31+$0x1ACE0] =	vst v2  }
0x137: {  	s10 =	sadd.s32 $0x400, s0;
	[tilespmem:s31+$0x1ACF0] =	vst v0  }
0x138: {  	[tilespmem:s13], [sflag:$0x2] =	stream.indirect.gather [hbm4b:s2+s8], $0x80, s10, s8, $0xb8;
	[tilespmem:$0x1EC00] =	vst v63  }
0x139: {  	s10 =	sadd.s32 $0x480, s0  }
0x13a: {  	[tilespmem:s15], [sflag:$0x2] =	stream.indirect.gather [hbm4b:s2+s8], $0x80, s10, s8, $0xb8;
	[tilespmem:$0x1EC00] =	vst v63  }
0x13b: {  	_ =	swait.ge [sflag:s22], $0x6400  }
0x13c: {  	[sflag:s22] =	ssyncset.done $0x0  }
0x13d: {  	s1 =	simm.s32 $0x0;
	[sflag:s22] =	ssyncadd.s32 $0xFFFF9C00  }
0x13e: {  	v6 =	vld [tilespmem:s1+$0x14B80]  }
0x13f: {  	v7 =	vld [tilespmem:s1+$0x14B90]  }
0x140: {  	v8 =	vld [tilespmem:s1+$0x14BA0]  }
0x141: {  	v9 =	vld [tilespmem:s1+$0x14BB0]  }
0x142: {  	v0 =	vld [tilespmem:s1+$0x14BC0]  }
0x143: {  	v1 =	vld [tilespmem:s1+$0x14BD0]  }
0x144: {  	v14 =	vld [tilespmem:s1+$0x14B00]  }
0x145: {  	v16 =	vld [tilespmem:s1+$0x14B10]  }
0x146: {  	v13 =	vld [tilespmem:s1+$0x14B20]  }
0x147: {  	v15 =	vld [tilespmem:s1+$0x14B30]  }
0x148: {  	v3 =	vld [tilespmem:s1+$0x14B40]  }
0x149: {  	v2 =	vld [tilespmem:s1+$0x14B50]  }
0x14a: {  	v17 =	vld [tilespmem:s1+$0x14A80]  }
0x14b: {  	v18 =	vld [tilespmem:s1+$0x14A90]  }
0x14c: {  	v19 =	vld [tilespmem:s1+$0x14AA0]  }
0x14d: {  	v24 =	vld [tilespmem:s1+$0x14AB0]  }
0x14e: {  	v4 =	vld [tilespmem:s1+$0x14AC0]  }
0x14f: {  	v5 =	vld [tilespmem:s1+$0x14AD0]  }
0x150: {  	v21 =	vld [tilespmem:s1+$0x14A00]  }
0x151: {  	v22 =	vld [tilespmem:s1+$0x14A10]  }
0x152: {  	v23 =	vld [tilespmem:s1+$0x14A20]  }
0x153: {  	v30 =	vld [tilespmem:s1+$0x14A30]  }
0x154: {  	v10 =	vld [tilespmem:s1+$0x14A40]  }
0x155: {  	v27 =	vld [tilespmem:s1+$0x14980]  }
0x156: {  	v28 =	vld [tilespmem:s1+$0x14990]  }
0x157: {  	v25 =	vld [tilespmem:s1+$0x14900]  }
0x158: {  	v26 =	vld [tilespmem:s1+$0x14910]  }
0x159: {  	v11 =	vld [tilespmem:s1+$0x14880]  }
0x15a: {  	v20 =	vld [tilespmem:s1+$0x14890]  }
0x15b: {  	v29 =	vld [tilespmem:s1+$0x14800]  }
0x15c: {  	v31 =	vld [tilespmem:s1+$0x14810]  }
0x15d: {  	v61 =	vld [tilespmem:s1+$0x14820]  }
0x15e: {  	v62 =	vld [tilespmem:s1+$0x14830]  }
0x15f: {  	v34 =	vld [tilespmem:s1+$0x148A0]  }
0x160: {  	v35 =	vld [tilespmem:s1+$0x148B0]  }
0x161: {  	v12 =	vimm.f32 $0.0e+00;
	v36 =	vld [tilespmem:s1+$0x14920]  }
0x162: {  	v37 =	vld [tilespmem:s1+$0x14930];
	v29 =	vadd.f32 v29, v12;
	v31 =	vadd.f32 v31, v12  }
0x163: {  	v38 =	vld [tilespmem:s1+$0x149A0];
	v32 =	vadd.f32 v61, v12;
	v33 =	vadd.f32 v62, v12  }
0x164: {  	v39 =	vld [tilespmem:s1+$0x149B0];
	v29 =	vadd.f32 v11, v29;
	v31 =	vadd.f32 v20, v31  }
0x165: {  	v11 =	vld [tilespmem:s1+$0x14A50];
	v32 =	vadd.f32 v34, v32;
	v33 =	vadd.f32 v35, v33  }
0x166: {  	v20 =	vld [tilespmem:s1+$0x149C0];
	v29 =	vadd.f32 v25, v29;
	v31 =	vadd.f32 v26, v31  }
0x167: {  	v25 =	vld [tilespmem:s1+$0x149D0];
	v32 =	vadd.f32 v36, v32;
	v33 =	vadd.f32 v37, v33  }
0x168: {  	v26 =	vld [tilespmem:s1+$0x14940];
	v29 =	vadd.f32 v27, v29;
	v31 =	vadd.f32 v28, v31  }
0x169: {  	v27 =	vld [tilespmem:s1+$0x14950];
	v32 =	vadd.f32 v38, v32;
	v33 =	vadd.f32 v39, v33  }
0x16a: {  	v28 =	vld [tilespmem:s1+$0x148C0];
	v21 =	vadd.f32 v21, v29;
	v22 =	vadd.f32 v22, v31  }
0x16b: {  	v29 =	vld [tilespmem:s1+$0x148D0];
	v23 =	vadd.f32 v23, v32;
	v63 =	vadd.f32 v30, v33  }
0x16c: {  	v30 =	vld [tilespmem:s1+$0x14840];
	v21 =	vadd.f32 v17, v21;
	v22 =	vadd.f32 v18, v22  }
0x16d: {  	v31 =	vld [tilespmem:s1+$0x14850];
	v23 =	vadd.f32 v19, v23;
	v24 =	vadd.f32 v24, v63  }
0x16e: {  	s10 =	simm.s32 $0x1000;
	v32 =	vld [tilespmem:s1+$0x14860];
	v19 =	vimm.f32 $0.0e+00;
	v18 =	vimm.f32 $0.0e+00;
	v17 =	vimm.f32 $0.0e+00  }
.LBB2_7:
0x16f: {  	p0 =	sne.s32 s10, $0x18000;
	v33 =	vld [tilespmem:s1+$0x14870];
	v14 =	vadd.f32 v14, v21;
	v16 =	vadd.f32 v16, v22  }
0x170: {  	v34 =	vld [tilespmem:s1+$0x148E0];
	v13 =	vadd.f32 v13, v23;
	v15 =	vadd.f32 v15, v24  }
0x171: {  	v35 =	vld [tilespmem:s1+$0x148F0];
	v21 =	vadd.f32 v6, v14;
	v22 =	vadd.f32 v7, v16  }
0x172: {  	v6 =	vld [tilespmem:s1+$0x14960];
	v23 =	vadd.f32 v8, v13;
	v24 =	vadd.f32 v9, v15  }
0x173: {  	v7 =	vadd.f32 v30, v12;
	v8 =	vadd.f32 v31, v19;
	v9 =	vld [tilespmem:s1+$0x14970]  }
0x174: {  	v12 =	vadd.f32 v32, v18;
	v13 =	vadd.f32 v33, v17;
	v14 =	vld [tilespmem:s1+$0x149E0]  }
0x175: {  	v7 =	vadd.f32 v28, v7;
	v8 =	vadd.f32 v29, v8;
	v15 =	vld [tilespmem:s1+$0x149F0]  }
0x176: {  	v12 =	vadd.f32 v34, v12;
	v13 =	vadd.f32 v35, v13;
	v16 =	vld [tilespmem:s1+$0x14A60]  }
0x177: {  	v7 =	vadd.f32 v26, v7;
	v8 =	vadd.f32 v27, v8;
	v17 =	vld [tilespmem:s1+$0x14A70]  }
0x178: {  	v6 =	vadd.f32 v6, v12;
	v9 =	vadd.f32 v9, v13;
	v12 =	vld [tilespmem:s1+$0x14AE0]  }
0x179: {  	v7 =	vadd.f32 v20, v7;
	v8 =	vadd.f32 v25, v8;
	v13 =	vld [tilespmem:s1+$0x14AF0]  }
0x17a: {  	v6 =	vadd.f32 v14, v6;
	v9 =	vadd.f32 v15, v9;
	v14 =	vld [tilespmem:s1+$0x14B60]  }
0x17b: {  	v7 =	vadd.f32 v10, v7;
	v8 =	vadd.f32 v11, v8;
	v10 =	vld [tilespmem:s1+$0x14B70]  }
0x17c: {  	v11 =	vadd.f32 v16, v6;
	v9 =	vadd.f32 v17, v9;
	v15 =	vld [tilespmem:s1+$0x14BE0]  }
0x17d: {  	v4 =	vadd.f32 v4, v7;
	v5 =	vadd.f32 v5, v8;
	v16 =	vld [tilespmem:s1+$0x14BF0];
	s1 =	sshra.s32 s10, $0x2  }
0x17e: {  	v11 =	vadd.f32 v12, v11;
	v6 =	vld [tilespmem:s1+$0x14B80];
	v9 =	vadd.f32 v13, v9  }
0x17f: {  	v3 =	vadd.f32 v3, v4;
	v2 =	vadd.f32 v2, v5;
	v7 =	vld [tilespmem:s1+$0x14B90]  }
0x180: {  	v4 =	vadd.f32 v14, v11;
	v8 =	vld [tilespmem:s1+$0x14BA0];
	v5 =	vadd.f32 v10, v9  }
0x181: {  	v12 =	vadd.f32 v0, v3;
	v19 =	vadd.f32 v1, v2;
	v9 =	vld [tilespmem:s1+$0x14BB0]  }
0x182: {  	v18 =	vadd.f32 v15, v4;
	v0 =	vld [tilespmem:s1+$0x14BC0];
	v17 =	vadd.f32 v16, v5  }
0x183: {  	v1 =	vld [tilespmem:s1+$0x14BD0]  }
0x184: {  	v14 =	vld [tilespmem:s1+$0x14B00]  }
0x185: {  	v16 =	vld [tilespmem:s1+$0x14B10]  }
0x186: {  	v13 =	vld [tilespmem:s1+$0x14B20]  }
0x187: {  	v15 =	vld [tilespmem:s1+$0x14B30]  }
0x188: {  	v3 =	vld [tilespmem:s1+$0x14B40]  }
0x189: {  	v2 =	vld [tilespmem:s1+$0x14B50]  }
0x18a: {  	v32 =	vld [tilespmem:s1+$0x14A80]  }
0x18b: {  	v33 =	vld [tilespmem:s1+$0x14A90]  }
0x18c: {  	v34 =	vld [tilespmem:s1+$0x14AA0]  }
0x18d: {  	v35 =	vld [tilespmem:s1+$0x14AB0]  }
0x18e: {  	v4 =	vld [tilespmem:s1+$0x14AC0]  }
0x18f: {  	v5 =	vld [tilespmem:s1+$0x14AD0]  }
0x190: {  	v30 =	vld [tilespmem:s1+$0x14A00]  }
0x191: {  	v31 =	vld [tilespmem:s1+$0x14A10]  }
0x192: {  	v36 =	vld [tilespmem:s1+$0x14A20]  }
0x193: {  	v37 =	vld [tilespmem:s1+$0x14A30]  }
0x194: {  	v10 =	vld [tilespmem:s1+$0x14A40]  }
0x195: {  	v11 =	vld [tilespmem:s1+$0x14A50]  }
0x196: {  	v28 =	vld [tilespmem:s1+$0x14980]  }
0x197: {  	v29 =	vld [tilespmem:s1+$0x14990]  }
0x198: {  	v25 =	vld [tilespmem:s1+$0x14900]  }
0x199: {  	v26 =	vld [tilespmem:s1+$0x14910]  }
0x19a: {  	v20 =	vld [tilespmem:s1+$0x14880]  }
0x19b: {  	v27 =	vld [tilespmem:s1+$0x14890]  }
0x19c: {  	v38 =	vld [tilespmem:s1+$0x14800]  }
0x19d: {  	v39 =	vld [tilespmem:s1+$0x14810]  }
0x19e: {  	v40 =	vld [tilespmem:s1+$0x14820]  }
0x19f: {  	v41 =	vld [tilespmem:s1+$0x14830]  }
0x1a0: {  	v42 =	vld [tilespmem:s1+$0x148A0]  }
0x1a1: {  	v43 =	vld [tilespmem:s1+$0x148B0]  }
0x1a2: {  	v44 =	vld [tilespmem:s1+$0x14920]  }
0x1a3: {  	v21 =	vadd.f32 v38, v21;
	v22 =	vadd.f32 v39, v22;
	v38 =	vld [tilespmem:s1+$0x14930]  }
0x1a4: {  	v23 =	vadd.f32 v40, v23;
	v24 =	vadd.f32 v41, v24;
	v39 =	vld [tilespmem:s1+$0x149A0]  }
0x1a5: {  	v21 =	vadd.f32 v20, v21;
	v22 =	vadd.f32 v27, v22;
	v40 =	vld [tilespmem:s1+$0x149B0]  }
0x1a6: {  	v23 =	vadd.f32 v42, v23;
	v24 =	vadd.f32 v43, v24;
	v20 =	vld [tilespmem:s1+$0x149C0]  }
0x1a7: {  	v21 =	vadd.f32 v25, v21;
	v22 =	vadd.f32 v26, v22;
	v25 =	vld [tilespmem:s1+$0x149D0]  }
0x1a8: {  	v23 =	vadd.f32 v44, v23;
	v24 =	vadd.f32 v38, v24;
	v26 =	vld [tilespmem:s1+$0x14940]  }
0x1a9: {  	v21 =	vadd.f32 v28, v21;
	v22 =	vadd.f32 v29, v22;
	v27 =	vld [tilespmem:s1+$0x14950]  }
.Ltmp2:
0x1aa: {  	v23 =	vadd.f32 v39, v23;
	v28 =	vld [tilespmem:s1+$0x148C0];
	v24 =	vadd.f32 v40, v24;
	(pc) =	sbr.rel @p0 .LBB2_7-.Ltmp2, $4  }
0x1ab: {  	v21 =	vadd.f32 v30, v21;
	v22 =	vadd.f32 v31, v22;
	v29 =	vld [tilespmem:s1+$0x148D0]  }
0x1ac: {  	v23 =	vadd.f32 v36, v23;
	v30 =	vld [tilespmem:s1+$0x14840];
	v24 =	vadd.f32 v37, v24  }
0x1ad: {  	v21 =	vadd.f32 v32, v21;
	v22 =	vadd.f32 v33, v22;
	v31 =	vld [tilespmem:s1+$0x14850]  }
0x1ae: {  	s10 =	sadd.s32 $0x1000, s10;
	v23 =	vadd.f32 v34, v23;
	v32 =	vld [tilespmem:s1+$0x14860];
	v24 =	vadd.f32 v35, v24  }
0x1af: {  	v14 =	vadd.f32 v14, v21;
	v16 =	vadd.f32 v16, v22  }
0x1b0: {  	v33 =	vld [tilespmem:s1+$0x14870];
	v13 =	vadd.f32 v13, v23;
	v15 =	vadd.f32 v15, v24  }
0x1b1: {  	v40 =	vld [tilespmem:s1+$0x148E0];
	v6 =	vadd.f32 v6, v14;
	v7 =	vadd.f32 v7, v16  }
0x1b2: {  	v41 =	vld [tilespmem:s1+$0x148F0];
	v12 =	vadd.f32 v30, v12;
	v8 =	vadd.f32 v8, v13  }
0x1b3: {  	v42 =	vld [tilespmem:s1+$0x14960];
	v9 =	vadd.f32 v9, v15;
	v43 =	vadd.f32 v31, v19  }
0x1b4: {  	v44 =	vld [tilespmem:s1+$0x14970];
	v45 =	vadd.f32 v32, v18;
	v12 =	vadd.f32 v28, v12  }
0x1b5: {  	v46 =	vld [tilespmem:s1+$0x149E0];
	v17 =	vadd.f32 v33, v17;
	v13 =	vadd.f32 v29, v43  }
0x1b6: {  	v47 =	vld [tilespmem:s1+$0x149F0];
	v16 =	vadd.f32 v40, v45;
	v12 =	vadd.f32 v26, v12  }
0x1b7: {  	v48 =	vld [tilespmem:s1+$0x14A60];
	v17 =	vadd.f32 v41, v17;
	v13 =	vadd.f32 v27, v13  }
0x1b8: {  	v49 =	vld [tilespmem:s1+$0x14A70];
	v14 =	vadd.f32 v42, v16;
	v12 =	vadd.f32 v20, v12  }
0x1b9: {  	v50 =	vld [tilespmem:s1+$0x14AE0];
	v15 =	vadd.f32 v44, v17;
	v13 =	vadd.f32 v25, v13  }
0x1ba: {  	v51 =	vld [tilespmem:s1+$0x14AF0];
	v14 =	vadd.f32 v46, v14;
	v10 =	vadd.f32 v10, v12  }
0x1bb: {  	v52 =	vld [tilespmem:s1+$0x14B60];
	v53 =	vadd.f32 v47, v15;
	v11 =	vadd.f32 v11, v13  }
0x1bc: {  	v54 =	vld [tilespmem:s1+$0x14B70];
	v14 =	vadd.f32 v48, v14;
	v4 =	vadd.f32 v4, v10  }
0x1bd: {  	v55 =	vld [tilespmem:s1+$0x14BE0];
	v56 =	vadd.f32 v49, v53;
	v5 =	vadd.f32 v5, v11  }
0x1be: {  	v57 =	vld [tilespmem:s1+$0x14BF0];
	[tilespmem:s31+$0x1AD00] =	vst v6;
	v58 =	vadd.f32 v50, v14;
	v3 =	vadd.f32 v3, v4  }
0x1bf: {  	[tilespmem:s31+$0x1AD10] =	vst v7;
	v59 =	vadd.f32 v51, v56;
	v2 =	vadd.f32 v2, v5  }
0x1c0: {  	[tilespmem:s31+$0x1AD20] =	vst v8;
	v60 =	vadd.f32 v52, v58;
	v0 =	vadd.f32 v0, v3  }
0x1c1: {  	[tilespmem:s31+$0x1AD30] =	vst v9;
	v61 =	vadd.f32 v54, v59;
	v1 =	vadd.f32 v1, v2  }
0x1c2: {  	s30 =	sadd.s32 $0x1, s30;
	v62 =	vadd.f32 v55, v60;
	[tilespmem:s31+$0x1AD40] =	vst v0  }
0x1c3: {  	p0 =	sne.s32 s30, $0x29;
	v63 =	vadd.f32 v57, v61;
	[tilespmem:s31+$0x1AD50] =	vst v1  }
.Ltmp3:
0x1c4: {  	[tilespmem:s31+$0x1AD60] =	vst v62;
	(pc) =	sbr.rel @p0 .LBB2_2-.Ltmp3, $4  }
0x1c5: {  	s10 =	sadd.s32 $0x500, s0;
	[tilespmem:s31+$0x1AD70] =	vst v63  }
0x1c6: {  	[tilespmem:s17], [sflag:$0x3] =	stream.indirect.gather [hbm4b:s2+s8], $0x80, s10, s8, $0xb8;
	[tilespmem:$0x1EC00] =	vst v63  }
0x1c7: {  	s31 =	sadd.s32 $0x580, s0  }
0x1c8: {  	[tilespmem:s19], [sflag:$0x3] =	stream.indirect.gather [hbm4b:s2+s8], $0x80, s31, s8, $0xb8;
	[tilespmem:$0x1EC00] =	vst v63  }
0x1c9: {  	_ =	swait.ge [sflag:s20], $0x6400  }
0x1ca: {  	[sflag:s20] =	ssyncset.done $0x0  }
0x1cb: {  	s0 =	simm.s32 $0x0;
	[sflag:s20] =	ssyncadd.s32 $0xFFFF9C00  }
0x1cc: {  	v6 =	vld [tilespmem:s0+$0x8380]  }
0x1cd: {  	v7 =	vld [tilespmem:s0+$0x8390]  }
0x1ce: {  	v8 =	vld [tilespmem:s0+$0x83A0]  }
0x1cf: {  	v9 =	vld [tilespmem:s0+$0x83B0]  }
0x1d0: {  	v0 =	vld [tilespmem:s0+$0x83C0]  }
0x1d1: {  	v1 =	vld [tilespmem:s0+$0x83D0]  }
0x1d2: {  	v14 =	vld [tilespmem:s0+$0x8300]  }
0x1d3: {  	v16 =	vld [tilespmem:s0+$0x8310]  }
0x1d4: {  	v13 =	vld [tilespmem:s0+$0x8320]  }
0x1d5: {  	v15 =	vld [tilespmem:s0+$0x8330]  }
0x1d6: {  	v3 =	vld [tilespmem:s0+$0x8340]  }
0x1d7: {  	v2 =	vld [tilespmem:s0+$0x8350]  }
0x1d8: {  	v17 =	vld [tilespmem:s0+$0x8280]  }
0x1d9: {  	v18 =	vld [tilespmem:s0+$0x8290]  }
0x1da: {  	v19 =	vld [tilespmem:s0+$0x82A0]  }
0x1db: {  	v24 =	vld [tilespmem:s0+$0x82B0]  }
0x1dc: {  	v4 =	vld [tilespmem:s0+$0x82C0]  }
0x1dd: {  	v5 =	vld [tilespmem:s0+$0x82D0]  }
0x1de: {  	v21 =	vld [tilespmem:s0+$0x8200]  }
0x1df: {  	v22 =	vld [tilespmem:s0+$0x8210]  }
0x1e0: {  	v23 =	vld [tilespmem:s0+$0x8220]  }
0x1e1: {  	v30 =	vld [tilespmem:s0+$0x8230]  }
0x1e2: {  	v10 =	vld [tilespmem:s0+$0x8240]  }
0x1e3: {  	v27 =	vld [tilespmem:s0+$0x8180]  }
0x1e4: {  	v28 =	vld [tilespmem:s0+$0x8190]  }
0x1e5: {  	v25 =	vld [tilespmem:s0+$0x8100]  }
0x1e6: {  	v26 =	vld [tilespmem:s0+$0x8110]  }
0x1e7: {  	v11 =	vld [tilespmem:s0+$0x8080]  }
0x1e8: {  	v20 =	vld [tilespmem:s0+$0x8090]  }
0x1e9: {  	v29 =	vld [tilespmem:s0+$0x8000]  }
0x1ea: {  	v31 =	vld [tilespmem:s0+$0x8010]  }
0x1eb: {  	v32 =	vld [tilespmem:s0+$0x8020]  }
0x1ec: {  	v33 =	vld [tilespmem:s0+$0x8030]  }
0x1ed: {  	v34 =	vld [tilespmem:s0+$0x80A0]  }
0x1ee: {  	v35 =	vld [tilespmem:s0+$0x80B0]  }
0x1ef: {  	v12 =	vimm.f32 $0.0e+00;
	v36 =	vld [tilespmem:s0+$0x8120]  }
0x1f0: {  	v37 =	vld [tilespmem:s0+$0x8130];
	v29 =	vadd.f32 v29, v12;
	v31 =	vadd.f32 v31, v12  }
0x1f1: {  	v38 =	vld [tilespmem:s0+$0x81A0];
	v32 =	vadd.f32 v32, v12;
	v33 =	vadd.f32 v33, v12  }
0x1f2: {  	v39 =	vld [tilespmem:s0+$0x81B0];
	v29 =	vadd.f32 v11, v29;
	v31 =	vadd.f32 v20, v31  }
0x1f3: {  	v11 =	vld [tilespmem:s0+$0x8250];
	v32 =	vadd.f32 v34, v32;
	v33 =	vadd.f32 v35, v33  }
0x1f4: {  	v20 =	vld [tilespmem:s0+$0x81C0];
	v29 =	vadd.f32 v25, v29;
	v31 =	vadd.f32 v26, v31  }
0x1f5: {  	v25 =	vld [tilespmem:s0+$0x81D0];
	v32 =	vadd.f32 v36, v32;
	v33 =	vadd.f32 v37, v33  }
0x1f6: {  	v26 =	vld [tilespmem:s0+$0x8140];
	v29 =	vadd.f32 v27, v29;
	v31 =	vadd.f32 v28, v31  }
0x1f7: {  	v27 =	vld [tilespmem:s0+$0x8150];
	v32 =	vadd.f32 v38, v32;
	v33 =	vadd.f32 v39, v33  }
0x1f8: {  	v28 =	vld [tilespmem:s0+$0x80C0];
	v21 =	vadd.f32 v21, v29;
	v22 =	vadd.f32 v22, v31  }
0x1f9: {  	v29 =	vld [tilespmem:s0+$0x80D0];
	v23 =	vadd.f32 v23, v32;
	v63 =	vadd.f32 v30, v33  }
0x1fa: {  	v30 =	vld [tilespmem:s0+$0x8040];
	v21 =	vadd.f32 v17, v21;
	v22 =	vadd.f32 v18, v22  }
0x1fb: {  	v31 =	vld [tilespmem:s0+$0x8050];
	v23 =	vadd.f32 v19, v23;
	v24 =	vadd.f32 v24, v63  }
0x1fc: {  	s1 =	simm.s32 $0x1000;
	v32 =	vld [tilespmem:s0+$0x8060];
	v19 =	vimm.f32 $0.0e+00;
	v18 =	vimm.f32 $0.0e+00;
	v17 =	vimm.f32 $0.0e+00  }
.LBB2_10:
0x1fd: {  	p0 =	sne.s32 s1, $0x18000;
	v33 =	vld [tilespmem:s0+$0x8070];
	v14 =	vadd.f32 v14, v21;
	v16 =	vadd.f32 v16, v22  }
0x1fe: {  	v34 =	vld [tilespmem:s0+$0x80E0];
	v13 =	vadd.f32 v13, v23;
	v15 =	vadd.f32 v15, v24  }
0x1ff: {  	v35 =	vld [tilespmem:s0+$0x80F0];
	v21 =	vadd.f32 v6, v14;
	v22 =	vadd.f32 v7, v16  }
0x200: {  	v6 =	vld [tilespmem:s0+$0x8160];
	v23 =	vadd.f32 v8, v13;
	v24 =	vadd.f32 v9, v15  }
0x201: {  	v7 =	vadd.f32 v30, v12;
	v8 =	vadd.f32 v31, v19;
	v9 =	vld [tilespmem:s0+$0x8170]  }
0x202: {  	v12 =	vadd.f32 v32, v18;
	v13 =	vadd.f32 v33, v17;
	v14 =	vld [tilespmem:s0+$0x81E0]  }
0x203: {  	v7 =	vadd.f32 v28, v7;
	v8 =	vadd.f32 v29, v8;
	v15 =	vld [tilespmem:s0+$0x81F0]  }
0x204: {  	v12 =	vadd.f32 v34, v12;
	v13 =	vadd.f32 v35, v13;
	v16 =	vld [tilespmem:s0+$0x8260]  }
0x205: {  	v7 =	vadd.f32 v26, v7;
	v8 =	vadd.f32 v27, v8;
	v17 =	vld [tilespmem:s0+$0x8270]  }
0x206: {  	v6 =	vadd.f32 v6, v12;
	v9 =	vadd.f32 v9, v13;
	v12 =	vld [tilespmem:s0+$0x82E0]  }
0x207: {  	v7 =	vadd.f32 v20, v7;
	v8 =	vadd.f32 v25, v8;
	v13 =	vld [tilespmem:s0+$0x82F0]  }
0x208: {  	v6 =	vadd.f32 v14, v6;
	v9 =	vadd.f32 v15, v9;
	v14 =	vld [tilespmem:s0+$0x8360]  }
0x209: {  	v7 =	vadd.f32 v10, v7;
	v8 =	vadd.f32 v11, v8;
	v10 =	vld [tilespmem:s0+$0x8370]  }
0x20a: {  	v11 =	vadd.f32 v16, v6;
	v9 =	vadd.f32 v17, v9;
	v15 =	vld [tilespmem:s0+$0x83E0]  }
0x20b: {  	v4 =	vadd.f32 v4, v7;
	v5 =	vadd.f32 v5, v8;
	v16 =	vld [tilespmem:s0+$0x83F0];
	s0 =	sshra.s32 s1, $0x2  }
0x20c: {  	v11 =	vadd.f32 v12, v11;
	v6 =	vld [tilespmem:s0+$0x8380];
	v9 =	vadd.f32 v13, v9  }
0x20d: {  	v3 =	vadd.f32 v3, v4;
	v2 =	vadd.f32 v2, v5;
	v7 =	vld [tilespmem:s0+$0x8390]  }
0x20e: {  	v4 =	vadd.f32 v14, v11;
	v8 =	vld [tilespmem:s0+$0x83A0];
	v5 =	vadd.f32 v10, v9  }
0x20f: {  	v12 =	vadd.f32 v0, v3;
	v19 =	vadd.f32 v1, v2;
	v9 =	vld [tilespmem:s0+$0x83B0]  }
0x210: {  	v18 =	vadd.f32 v15, v4;
	v0 =	vld [tilespmem:s0+$0x83C0];
	v17 =	vadd.f32 v16, v5  }
0x211: {  	v1 =	vld [tilespmem:s0+$0x83D0]  }
0x212: {  	v14 =	vld [tilespmem:s0+$0x8300]  }
0x213: {  	v16 =	vld [tilespmem:s0+$0x8310]  }
0x214: {  	v13 =	vld [tilespmem:s0+$0x8320]  }
0x215: {  	v15 =	vld [tilespmem:s0+$0x8330]  }
0x216: {  	v3 =	vld [tilespmem:s0+$0x8340]  }
0x217: {  	v2 =	vld [tilespmem:s0+$0x8350]  }
0x218: {  	v32 =	vld [tilespmem:s0+$0x8280]  }
0x219: {  	v33 =	vld [tilespmem:s0+$0x8290]  }
0x21a: {  	v34 =	vld [tilespmem:s0+$0x82A0]  }
0x21b: {  	v35 =	vld [tilespmem:s0+$0x82B0]  }
0x21c: {  	v4 =	vld [tilespmem:s0+$0x82C0]  }
0x21d: {  	v5 =	vld [tilespmem:s0+$0x82D0]  }
0x21e: {  	v30 =	vld [tilespmem:s0+$0x8200]  }
0x21f: {  	v31 =	vld [tilespmem:s0+$0x8210]  }
0x220: {  	v36 =	vld [tilespmem:s0+$0x8220]  }
0x221: {  	v37 =	vld [tilespmem:s0+$0x8230]  }
0x222: {  	v10 =	vld [tilespmem:s0+$0x8240]  }
0x223: {  	v11 =	vld [tilespmem:s0+$0x8250]  }
0x224: {  	v28 =	vld [tilespmem:s0+$0x8180]  }
0x225: {  	v29 =	vld [tilespmem:s0+$0x8190]  }
0x226: {  	v25 =	vld [tilespmem:s0+$0x8100]  }
0x227: {  	v26 =	vld [tilespmem:s0+$0x8110]  }
0x228: {  	v20 =	vld [tilespmem:s0+$0x8080]  }
0x229: {  	v27 =	vld [tilespmem:s0+$0x8090]  }
0x22a: {  	v38 =	vld [tilespmem:s0+$0x8000]  }
0x22b: {  	v39 =	vld [tilespmem:s0+$0x8010]  }
0x22c: {  	v40 =	vld [tilespmem:s0+$0x8020]  }
0x22d: {  	v41 =	vld [tilespmem:s0+$0x8030]  }
0x22e: {  	v42 =	vld [tilespmem:s0+$0x80A0]  }
0x22f: {  	v43 =	vld [tilespmem:s0+$0x80B0]  }
0x230: {  	v44 =	vld [tilespmem:s0+$0x8120]  }
0x231: {  	v21 =	vadd.f32 v38, v21;
	v22 =	vadd.f32 v39, v22;
	v38 =	vld [tilespmem:s0+$0x8130]  }
0x232: {  	v23 =	vadd.f32 v40, v23;
	v24 =	vadd.f32 v41, v24;
	v39 =	vld [tilespmem:s0+$0x81A0]  }
0x233: {  	v21 =	vadd.f32 v20, v21;
	v22 =	vadd.f32 v27, v22;
	v40 =	vld [tilespmem:s0+$0x81B0]  }
0x234: {  	v23 =	vadd.f32 v42, v23;
	v24 =	vadd.f32 v43, v24;
	v20 =	vld [tilespmem:s0+$0x81C0]  }
0x235: {  	v21 =	vadd.f32 v25, v21;
	v22 =	vadd.f32 v26, v22;
	v25 =	vld [tilespmem:s0+$0x81D0]  }
0x236: {  	v23 =	vadd.f32 v44, v23;
	v24 =	vadd.f32 v38, v24;
	v26 =	vld [tilespmem:s0+$0x8140]  }
0x237: {  	v21 =	vadd.f32 v28, v21;
	v22 =	vadd.f32 v29, v22;
	v27 =	vld [tilespmem:s0+$0x8150]  }
.Ltmp4:
0x238: {  	v23 =	vadd.f32 v39, v23;
	v28 =	vld [tilespmem:s0+$0x80C0];
	v24 =	vadd.f32 v40, v24;
	(pc) =	sbr.rel @p0 .LBB2_10-.Ltmp4, $4  }
0x239: {  	v21 =	vadd.f32 v30, v21;
	v22 =	vadd.f32 v31, v22;
	v29 =	vld [tilespmem:s0+$0x80D0]  }
0x23a: {  	v23 =	vadd.f32 v36, v23;
	v30 =	vld [tilespmem:s0+$0x8040];
	v24 =	vadd.f32 v37, v24  }
0x23b: {  	v21 =	vadd.f32 v32, v21;
	v22 =	vadd.f32 v33, v22;
	v31 =	vld [tilespmem:s0+$0x8050]  }
0x23c: {  	s1 =	sadd.s32 $0x1000, s1;
	v23 =	vadd.f32 v34, v23;
	v32 =	vld [tilespmem:s0+$0x8060];
	v24 =	vadd.f32 v35, v24  }
0x23d: {  	v14 =	vadd.f32 v14, v21;
	v16 =	vadd.f32 v16, v22  }
0x23e: {  	v33 =	vld [tilespmem:s0+$0x8070];
	v13 =	vadd.f32 v13, v23;
	v15 =	vadd.f32 v15, v24  }
0x23f: {  	v21 =	vld [tilespmem:s0+$0x80E0];
	v6 =	vadd.f32 v6, v14;
	v7 =	vadd.f32 v7, v16  }
0x240: {  	v22 =	vld [tilespmem:s0+$0x80F0];
	v12 =	vadd.f32 v30, v12;
	v8 =	vadd.f32 v8, v13  }
0x241: {  	v14 =	vld [tilespmem:s0+$0x8160];
	v9 =	vadd.f32 v9, v15;
	v13 =	vadd.f32 v31, v19  }
0x242: {  	v15 =	vld [tilespmem:s0+$0x8170];
	v16 =	vadd.f32 v32, v18;
	v12 =	vadd.f32 v28, v12  }
0x243: {  	v18 =	vld [tilespmem:s0+$0x81E0];
	v17 =	vadd.f32 v33, v17;
	v13 =	vadd.f32 v29, v13  }
0x244: {  	v19 =	vld [tilespmem:s0+$0x81F0];
	v16 =	vadd.f32 v21, v16;
	v12 =	vadd.f32 v26, v12  }
0x245: {  	v21 =	vld [tilespmem:s0+$0x8260];
	v17 =	vadd.f32 v22, v17;
	v13 =	vadd.f32 v27, v13  }
0x246: {  	v22 =	vld [tilespmem:s0+$0x8270];
	v14 =	vadd.f32 v14, v16;
	v12 =	vadd.f32 v20, v12  }
0x247: {  	v16 =	vld [tilespmem:s0+$0x82E0];
	v15 =	vadd.f32 v15, v17;
	v13 =	vadd.f32 v25, v13  }
0x248: {  	v17 =	vld [tilespmem:s0+$0x82F0];
	v14 =	vadd.f32 v18, v14;
	v10 =	vadd.f32 v10, v12  }
0x249: {  	v18 =	vld [tilespmem:s0+$0x8360];
	v12 =	vadd.f32 v19, v15;
	v11 =	vadd.f32 v11, v13  }
0x24a: {  	v13 =	vld [tilespmem:s0+$0x8370];
	v14 =	vadd.f32 v21, v14;
	v4 =	vadd.f32 v4, v10  }
0x24b: {  	v15 =	vld [tilespmem:s0+$0x83E0];
	v10 =	vadd.f32 v22, v12;
	v5 =	vadd.f32 v5, v11  }
0x24c: {  	v11 =	vld [tilespmem:s0+$0x83F0];
	[tilespmem:$0x1E980] =	vst v6;
	v12 =	vadd.f32 v16, v14;
	v3 =	vadd.f32 v3, v4  }
0x24d: {  	[tilespmem:$0x1E990] =	vst v7;
	v4 =	vadd.f32 v17, v10;
	v2 =	vadd.f32 v2, v5  }
0x24e: {  	[tilespmem:$0x1E9A0] =	vst v8;
	v5 =	vadd.f32 v18, v12;
	v0 =	vadd.f32 v0, v3  }
0x24f: {  	[tilespmem:$0x1E9B0] =	vst v9;
	v3 =	vadd.f32 v13, v4;
	v1 =	vadd.f32 v1, v2  }
0x250: {  	v2 =	vadd.f32 v15, v5;
	[tilespmem:$0x1E9C0] =	vst v0  }
0x251: {  	v0 =	vadd.f32 v11, v3;
	[tilespmem:$0x1E9D0] =	vst v1  }
0x252: {  	[tilespmem:$0x1E9E0] =	vst v2  }
0x253: {  	[tilespmem:$0x1E9F0] =	vst v0  }
0x254: {  	[tilespmem:s9], [sflag:$0x1] =	stream.indirect.gather [hbm4b:s2+s8], $0x80, s23, s8, $0xb8;
	[tilespmem:$0x1EC00] =	vst v63  }
0x255: {  	_ = 	snop  }
0x256: {  	[tilespmem:s11], [sflag:$0x1] =	stream.indirect.gather [hbm4b:s2+s8], $0x80, s24, s8, $0xb8;
	[tilespmem:$0x1EC00] =	vst v63  }
0x257: {  	_ =	swait.ge [sflag:s21], $0x6400  }
0x258: {  	[sflag:s21] =	ssyncset.done $0x0  }
0x259: {  	s0 =	simm.s32 $0x0;
	[sflag:s21] =	ssyncadd.s32 $0xFFFF9C00  }
0x25a: {  	v6 =	vld [tilespmem:s0+$0xE780]  }
0x25b: {  	v7 =	vld [tilespmem:s0+$0xE790]  }
0x25c: {  	v8 =	vld [tilespmem:s0+$0xE7A0]  }
0x25d: {  	v9 =	vld [tilespmem:s0+$0xE7B0]  }
0x25e: {  	v0 =	vld [tilespmem:s0+$0xE7C0]  }
0x25f: {  	v1 =	vld [tilespmem:s0+$0xE7D0]  }
0x260: {  	v14 =	vld [tilespmem:s0+$0xE700]  }
0x261: {  	v16 =	vld [tilespmem:s0+$0xE710]  }
0x262: {  	v13 =	vld [tilespmem:s0+$0xE720]  }
0x263: {  	v15 =	vld [tilespmem:s0+$0xE730]  }
0x264: {  	v3 =	vld [tilespmem:s0+$0xE740]  }
0x265: {  	v2 =	vld [tilespmem:s0+$0xE750]  }
0x266: {  	v17 =	vld [tilespmem:s0+$0xE680]  }
0x267: {  	v18 =	vld [tilespmem:s0+$0xE690]  }
0x268: {  	v19 =	vld [tilespmem:s0+$0xE6A0]  }
0x269: {  	v24 =	vld [tilespmem:s0+$0xE6B0]  }
0x26a: {  	v4 =	vld [tilespmem:s0+$0xE6C0]  }
0x26b: {  	v5 =	vld [tilespmem:s0+$0xE6D0]  }
0x26c: {  	v21 =	vld [tilespmem:s0+$0xE600]  }
0x26d: {  	v22 =	vld [tilespmem:s0+$0xE610]  }
0x26e: {  	v23 =	vld [tilespmem:s0+$0xE620]  }
0x26f: {  	v30 =	vld [tilespmem:s0+$0xE630]  }
0x270: {  	v10 =	vld [tilespmem:s0+$0xE640]  }
0x271: {  	v27 =	vld [tilespmem:s0+$0xE580]  }
0x272: {  	v28 =	vld [tilespmem:s0+$0xE590]  }
0x273: {  	v25 =	vld [tilespmem:s0+$0xE500]  }
0x274: {  	v26 =	vld [tilespmem:s0+$0xE510]  }
0x275: {  	v11 =	vld [tilespmem:s0+$0xE480]  }
0x276: {  	v20 =	vld [tilespmem:s0+$0xE490]  }
0x277: {  	v29 =	vld [tilespmem:s0+$0xE400]  }
0x278: {  	v31 =	vld [tilespmem:s0+$0xE410]  }
0x279: {  	v61 =	vld [tilespmem:s0+$0xE420]  }
0x27a: {  	v62 =	vld [tilespmem:s0+$0xE430]  }
0x27b: {  	v34 =	vld [tilespmem:s0+$0xE4A0]  }
0x27c: {  	v35 =	vld [tilespmem:s0+$0xE4B0]  }
0x27d: {  	v12 =	vimm.f32 $0.0e+00;
	v36 =	vld [tilespmem:s0+$0xE520]  }
0x27e: {  	v37 =	vld [tilespmem:s0+$0xE530];
	v29 =	vadd.f32 v29, v12;
	v31 =	vadd.f32 v31, v12  }
0x27f: {  	v38 =	vld [tilespmem:s0+$0xE5A0];
	v32 =	vadd.f32 v61, v12;
	v33 =	vadd.f32 v62, v12  }
0x280: {  	v39 =	vld [tilespmem:s0+$0xE5B0];
	v29 =	vadd.f32 v11, v29;
	v31 =	vadd.f32 v20, v31  }
0x281: {  	v11 =	vld [tilespmem:s0+$0xE650];
	v32 =	vadd.f32 v34, v32;
	v33 =	vadd.f32 v35, v33  }
0x282: {  	v20 =	vld [tilespmem:s0+$0xE5C0];
	v29 =	vadd.f32 v25, v29;
	v31 =	vadd.f32 v26, v31  }
0x283: {  	v25 =	vld [tilespmem:s0+$0xE5D0];
	v32 =	vadd.f32 v36, v32;
	v33 =	vadd.f32 v37, v33  }
0x284: {  	v26 =	vld [tilespmem:s0+$0xE540];
	v29 =	vadd.f32 v27, v29;
	v31 =	vadd.f32 v28, v31  }
0x285: {  	v27 =	vld [tilespmem:s0+$0xE550];
	v32 =	vadd.f32 v38, v32;
	v33 =	vadd.f32 v39, v33  }
0x286: {  	v28 =	vld [tilespmem:s0+$0xE4C0];
	v21 =	vadd.f32 v21, v29;
	v22 =	vadd.f32 v22, v31  }
0x287: {  	v29 =	vld [tilespmem:s0+$0xE4D0];
	v23 =	vadd.f32 v23, v32;
	v63 =	vadd.f32 v30, v33  }
0x288: {  	v30 =	vld [tilespmem:s0+$0xE440];
	v21 =	vadd.f32 v17, v21;
	v22 =	vadd.f32 v18, v22  }
0x289: {  	v31 =	vld [tilespmem:s0+$0xE450];
	v23 =	vadd.f32 v19, v23;
	v24 =	vadd.f32 v24, v63  }
0x28a: {  	s1 =	simm.s32 $0x1000;
	v32 =	vld [tilespmem:s0+$0xE460];
	v19 =	vimm.f32 $0.0e+00;
	v18 =	vimm.f32 $0.0e+00;
	v17 =	vimm.f32 $0.0e+00  }
.LBB2_12:
0x28b: {  	p0 =	sne.s32 s1, $0x18000;
	v33 =	vld [tilespmem:s0+$0xE470];
	v14 =	vadd.f32 v14, v21;
	v16 =	vadd.f32 v16, v22  }
0x28c: {  	v34 =	vld [tilespmem:s0+$0xE4E0];
	v13 =	vadd.f32 v13, v23;
	v15 =	vadd.f32 v15, v24  }
0x28d: {  	v35 =	vld [tilespmem:s0+$0xE4F0];
	v21 =	vadd.f32 v6, v14;
	v22 =	vadd.f32 v7, v16  }
0x28e: {  	v6 =	vld [tilespmem:s0+$0xE560];
	v23 =	vadd.f32 v8, v13;
	v24 =	vadd.f32 v9, v15  }
0x28f: {  	v7 =	vadd.f32 v30, v12;
	v8 =	vadd.f32 v31, v19;
	v9 =	vld [tilespmem:s0+$0xE570]  }
0x290: {  	v12 =	vadd.f32 v32, v18;
	v13 =	vadd.f32 v33, v17;
	v14 =	vld [tilespmem:s0+$0xE5E0]  }
0x291: {  	v7 =	vadd.f32 v28, v7;
	v8 =	vadd.f32 v29, v8;
	v15 =	vld [tilespmem:s0+$0xE5F0]  }
0x292: {  	v12 =	vadd.f32 v34, v12;
	v13 =	vadd.f32 v35, v13;
	v16 =	vld [tilespmem:s0+$0xE660]  }
0x293: {  	v7 =	vadd.f32 v26, v7;
	v8 =	vadd.f32 v27, v8;
	v17 =	vld [tilespmem:s0+$0xE670]  }
0x294: {  	v6 =	vadd.f32 v6, v12;
	v9 =	vadd.f32 v9, v13;
	v12 =	vld [tilespmem:s0+$0xE6E0]  }
0x295: {  	v7 =	vadd.f32 v20, v7;
	v8 =	vadd.f32 v25, v8;
	v13 =	vld [tilespmem:s0+$0xE6F0]  }
0x296: {  	v6 =	vadd.f32 v14, v6;
	v9 =	vadd.f32 v15, v9;
	v14 =	vld [tilespmem:s0+$0xE760]  }
0x297: {  	v7 =	vadd.f32 v10, v7;
	v8 =	vadd.f32 v11, v8;
	v10 =	vld [tilespmem:s0+$0xE770]  }
0x298: {  	v11 =	vadd.f32 v16, v6;
	v9 =	vadd.f32 v17, v9;
	v15 =	vld [tilespmem:s0+$0xE7E0]  }
0x299: {  	v4 =	vadd.f32 v4, v7;
	v5 =	vadd.f32 v5, v8;
	v16 =	vld [tilespmem:s0+$0xE7F0];
	s0 =	sshra.s32 s1, $0x2  }
0x29a: {  	v11 =	vadd.f32 v12, v11;
	v6 =	vld [tilespmem:s0+$0xE780];
	v9 =	vadd.f32 v13, v9  }
0x29b: {  	v3 =	vadd.f32 v3, v4;
	v2 =	vadd.f32 v2, v5;
	v7 =	vld [tilespmem:s0+$0xE790]  }
0x29c: {  	v4 =	vadd.f32 v14, v11;
	v8 =	vld [tilespmem:s0+$0xE7A0];
	v5 =	vadd.f32 v10, v9  }
0x29d: {  	v12 =	vadd.f32 v0, v3;
	v19 =	vadd.f32 v1, v2;
	v9 =	vld [tilespmem:s0+$0xE7B0]  }
0x29e: {  	v18 =	vadd.f32 v15, v4;
	v0 =	vld [tilespmem:s0+$0xE7C0];
	v17 =	vadd.f32 v16, v5  }
0x29f: {  	v1 =	vld [tilespmem:s0+$0xE7D0]  }
0x2a0: {  	v14 =	vld [tilespmem:s0+$0xE700]  }
0x2a1: {  	v16 =	vld [tilespmem:s0+$0xE710]  }
0x2a2: {  	v13 =	vld [tilespmem:s0+$0xE720]  }
0x2a3: {  	v15 =	vld [tilespmem:s0+$0xE730]  }
0x2a4: {  	v3 =	vld [tilespmem:s0+$0xE740]  }
0x2a5: {  	v2 =	vld [tilespmem:s0+$0xE750]  }
0x2a6: {  	v32 =	vld [tilespmem:s0+$0xE680]  }
0x2a7: {  	v33 =	vld [tilespmem:s0+$0xE690]  }
0x2a8: {  	v34 =	vld [tilespmem:s0+$0xE6A0]  }
0x2a9: {  	v35 =	vld [tilespmem:s0+$0xE6B0]  }
0x2aa: {  	v4 =	vld [tilespmem:s0+$0xE6C0]  }
0x2ab: {  	v5 =	vld [tilespmem:s0+$0xE6D0]  }
0x2ac: {  	v30 =	vld [tilespmem:s0+$0xE600]  }
0x2ad: {  	v31 =	vld [tilespmem:s0+$0xE610]  }
0x2ae: {  	v36 =	vld [tilespmem:s0+$0xE620]  }
0x2af: {  	v37 =	vld [tilespmem:s0+$0xE630]  }
0x2b0: {  	v10 =	vld [tilespmem:s0+$0xE640]  }
0x2b1: {  	v11 =	vld [tilespmem:s0+$0xE650]  }
0x2b2: {  	v28 =	vld [tilespmem:s0+$0xE580]  }
0x2b3: {  	v29 =	vld [tilespmem:s0+$0xE590]  }
0x2b4: {  	v25 =	vld [tilespmem:s0+$0xE500]  }
0x2b5: {  	v26 =	vld [tilespmem:s0+$0xE510]  }
0x2b6: {  	v20 =	vld [tilespmem:s0+$0xE480]  }
0x2b7: {  	v27 =	vld [tilespmem:s0+$0xE490]  }
0x2b8: {  	v38 =	vld [tilespmem:s0+$0xE400]  }
0x2b9: {  	v39 =	vld [tilespmem:s0+$0xE410]  }
0x2ba: {  	v40 =	vld [tilespmem:s0+$0xE420]  }
0x2bb: {  	v41 =	vld [tilespmem:s0+$0xE430]  }
0x2bc: {  	v42 =	vld [tilespmem:s0+$0xE4A0]  }
0x2bd: {  	v43 =	vld [tilespmem:s0+$0xE4B0]  }
0x2be: {  	v44 =	vld [tilespmem:s0+$0xE520]  }
0x2bf: {  	v21 =	vadd.f32 v38, v21;
	v22 =	vadd.f32 v39, v22;
	v38 =	vld [tilespmem:s0+$0xE530]  }
0x2c0: {  	v23 =	vadd.f32 v40, v23;
	v24 =	vadd.f32 v41, v24;
	v39 =	vld [tilespmem:s0+$0xE5A0]  }
0x2c1: {  	v21 =	vadd.f32 v20, v21;
	v22 =	vadd.f32 v27, v22;
	v40 =	vld [tilespmem:s0+$0xE5B0]  }
0x2c2: {  	v23 =	vadd.f32 v42, v23;
	v24 =	vadd.f32 v43, v24;
	v20 =	vld [tilespmem:s0+$0xE5C0]  }
0x2c3: {  	v21 =	vadd.f32 v25, v21;
	v22 =	vadd.f32 v26, v22;
	v25 =	vld [tilespmem:s0+$0xE5D0]  }
0x2c4: {  	v23 =	vadd.f32 v44, v23;
	v24 =	vadd.f32 v38, v24;
	v26 =	vld [tilespmem:s0+$0xE540]  }
0x2c5: {  	v21 =	vadd.f32 v28, v21;
	v22 =	vadd.f32 v29, v22;
	v27 =	vld [tilespmem:s0+$0xE550]  }
.Ltmp5:
0x2c6: {  	v23 =	vadd.f32 v39, v23;
	v28 =	vld [tilespmem:s0+$0xE4C0];
	v24 =	vadd.f32 v40, v24;
	(pc) =	sbr.rel @p0 .LBB2_12-.Ltmp5, $4  }
0x2c7: {  	v21 =	vadd.f32 v30, v21;
	v22 =	vadd.f32 v31, v22;
	v29 =	vld [tilespmem:s0+$0xE4D0]  }
0x2c8: {  	v23 =	vadd.f32 v36, v23;
	v30 =	vld [tilespmem:s0+$0xE440];
	v24 =	vadd.f32 v37, v24  }
0x2c9: {  	v21 =	vadd.f32 v32, v21;
	v22 =	vadd.f32 v33, v22;
	v31 =	vld [tilespmem:s0+$0xE450]  }
0x2ca: {  	s1 =	sadd.s32 $0x1000, s1;
	v23 =	vadd.f32 v34, v23;
	v32 =	vld [tilespmem:s0+$0xE460];
	v24 =	vadd.f32 v35, v24  }
0x2cb: {  	v14 =	vadd.f32 v14, v21;
	v16 =	vadd.f32 v16, v22  }
0x2cc: {  	v33 =	vld [tilespmem:s0+$0xE470];
	v13 =	vadd.f32 v13, v23;
	v15 =	vadd.f32 v15, v24  }
0x2cd: {  	v21 =	vld [tilespmem:s0+$0xE4E0];
	v6 =	vadd.f32 v6, v14;
	v7 =	vadd.f32 v7, v16  }
0x2ce: {  	v22 =	vld [tilespmem:s0+$0xE4F0];
	v12 =	vadd.f32 v30, v12;
	v8 =	vadd.f32 v8, v13  }
0x2cf: {  	v14 =	vld [tilespmem:s0+$0xE560];
	v9 =	vadd.f32 v9, v15;
	v13 =	vadd.f32 v31, v19  }
0x2d0: {  	v15 =	vld [tilespmem:s0+$0xE570];
	v16 =	vadd.f32 v32, v18;
	v12 =	vadd.f32 v28, v12  }
0x2d1: {  	v18 =	vld [tilespmem:s0+$0xE5E0];
	v17 =	vadd.f32 v33, v17;
	v13 =	vadd.f32 v29, v13  }
0x2d2: {  	v19 =	vld [tilespmem:s0+$0xE5F0];
	v16 =	vadd.f32 v21, v16;
	v12 =	vadd.f32 v26, v12  }
0x2d3: {  	v21 =	vld [tilespmem:s0+$0xE660];
	v17 =	vadd.f32 v22, v17;
	v13 =	vadd.f32 v27, v13  }
0x2d4: {  	v22 =	vld [tilespmem:s0+$0xE670];
	v14 =	vadd.f32 v14, v16;
	v12 =	vadd.f32 v20, v12  }
0x2d5: {  	v16 =	vld [tilespmem:s0+$0xE6E0];
	v15 =	vadd.f32 v15, v17;
	v13 =	vadd.f32 v25, v13  }
0x2d6: {  	v17 =	vld [tilespmem:s0+$0xE6F0];
	v14 =	vadd.f32 v18, v14;
	v10 =	vadd.f32 v10, v12  }
0x2d7: {  	v18 =	vld [tilespmem:s0+$0xE760];
	v12 =	vadd.f32 v19, v15;
	v11 =	vadd.f32 v11, v13  }
0x2d8: {  	v13 =	vld [tilespmem:s0+$0xE770];
	v14 =	vadd.f32 v21, v14;
	v4 =	vadd.f32 v4, v10  }
0x2d9: {  	v15 =	vld [tilespmem:s0+$0xE7E0];
	v10 =	vadd.f32 v22, v12;
	v5 =	vadd.f32 v5, v11  }
0x2da: {  	v11 =	vld [tilespmem:s0+$0xE7F0];
	[tilespmem:$0x1EA00] =	vst v6;
	v12 =	vadd.f32 v16, v14;
	v3 =	vadd.f32 v3, v4  }
0x2db: {  	[tilespmem:$0x1EA10] =	vst v7;
	v4 =	vadd.f32 v17, v10;
	v2 =	vadd.f32 v2, v5  }
0x2dc: {  	[tilespmem:$0x1EA20] =	vst v8;
	v5 =	vadd.f32 v18, v12;
	v0 =	vadd.f32 v0, v3  }
0x2dd: {  	[tilespmem:$0x1EA30] =	vst v9;
	v3 =	vadd.f32 v13, v4;
	v1 =	vadd.f32 v1, v2  }
0x2de: {  	v2 =	vadd.f32 v15, v5;
	[tilespmem:$0x1EA40] =	vst v0  }
0x2df: {  	v0 =	vadd.f32 v11, v3;
	[tilespmem:$0x1EA50] =	vst v1  }
0x2e0: {  	[tilespmem:$0x1EA60] =	vst v2  }
0x2e1: {  	[tilespmem:$0x1EA70] =	vst v0  }
0x2e2: {  	[tilespmem:s13], [sflag:$0x2] =	stream.indirect.gather [hbm4b:s2+s8], $0x80, s25, s8, $0xb8;
	[tilespmem:$0x1EC00] =	vst v63  }
0x2e3: {  	_ = 	snop  }
0x2e4: {  	[tilespmem:s15], [sflag:$0x2] =	stream.indirect.gather [hbm4b:s2+s8], $0x80, s26, s8, $0xb8;
	[tilespmem:$0x1EC00] =	vst v63  }
0x2e5: {  	_ =	swait.ge [sflag:s22], $0x6400  }
0x2e6: {  	[sflag:s22] =	ssyncset.done $0x0  }
0x2e7: {  	s0 =	simm.s32 $0x0;
	[sflag:s22] =	ssyncadd.s32 $0xFFFF9C00  }
0x2e8: {  	v6 =	vld [tilespmem:s0+$0x14B80]  }
0x2e9: {  	v7 =	vld [tilespmem:s0+$0x14B90]  }
0x2ea: {  	v8 =	vld [tilespmem:s0+$0x14BA0]  }
0x2eb: {  	v9 =	vld [tilespmem:s0+$0x14BB0]  }
0x2ec: {  	v0 =	vld [tilespmem:s0+$0x14BC0]  }
0x2ed: {  	v1 =	vld [tilespmem:s0+$0x14BD0]  }
0x2ee: {  	v14 =	vld [tilespmem:s0+$0x14B00]  }
0x2ef: {  	v16 =	vld [tilespmem:s0+$0x14B10]  }
0x2f0: {  	v13 =	vld [tilespmem:s0+$0x14B20]  }
0x2f1: {  	v15 =	vld [tilespmem:s0+$0x14B30]  }
0x2f2: {  	v3 =	vld [tilespmem:s0+$0x14B40]  }
0x2f3: {  	v2 =	vld [tilespmem:s0+$0x14B50]  }
0x2f4: {  	v17 =	vld [tilespmem:s0+$0x14A80]  }
0x2f5: {  	v18 =	vld [tilespmem:s0+$0x14A90]  }
0x2f6: {  	v19 =	vld [tilespmem:s0+$0x14AA0]  }
0x2f7: {  	v24 =	vld [tilespmem:s0+$0x14AB0]  }
0x2f8: {  	v4 =	vld [tilespmem:s0+$0x14AC0]  }
0x2f9: {  	v5 =	vld [tilespmem:s0+$0x14AD0]  }
0x2fa: {  	v21 =	vld [tilespmem:s0+$0x14A00]  }
0x2fb: {  	v22 =	vld [tilespmem:s0+$0x14A10]  }
0x2fc: {  	v23 =	vld [tilespmem:s0+$0x14A20]  }
0x2fd: {  	v30 =	vld [tilespmem:s0+$0x14A30]  }
0x2fe: {  	v10 =	vld [tilespmem:s0+$0x14A40]  }
0x2ff: {  	v27 =	vld [tilespmem:s0+$0x14980]  }
0x300: {  	v28 =	vld [tilespmem:s0+$0x14990]  }
0x301: {  	v25 =	vld [tilespmem:s0+$0x14900]  }
0x302: {  	v26 =	vld [tilespmem:s0+$0x14910]  }
0x303: {  	v11 =	vld [tilespmem:s0+$0x14880]  }
0x304: {  	v20 =	vld [tilespmem:s0+$0x14890]  }
0x305: {  	v29 =	vld [tilespmem:s0+$0x14800]  }
0x306: {  	v31 =	vld [tilespmem:s0+$0x14810]  }
0x307: {  	v61 =	vld [tilespmem:s0+$0x14820]  }
0x308: {  	v62 =	vld [tilespmem:s0+$0x14830]  }
0x309: {  	v34 =	vld [tilespmem:s0+$0x148A0]  }
0x30a: {  	v35 =	vld [tilespmem:s0+$0x148B0]  }
0x30b: {  	v12 =	vimm.f32 $0.0e+00;
	v36 =	vld [tilespmem:s0+$0x14920]  }
0x30c: {  	v37 =	vld [tilespmem:s0+$0x14930];
	v29 =	vadd.f32 v29, v12;
	v31 =	vadd.f32 v31, v12  }
0x30d: {  	v38 =	vld [tilespmem:s0+$0x149A0];
	v32 =	vadd.f32 v61, v12;
	v33 =	vadd.f32 v62, v12  }
0x30e: {  	v39 =	vld [tilespmem:s0+$0x149B0];
	v29 =	vadd.f32 v11, v29;
	v31 =	vadd.f32 v20, v31  }
0x30f: {  	v11 =	vld [tilespmem:s0+$0x14A50];
	v32 =	vadd.f32 v34, v32;
	v33 =	vadd.f32 v35, v33  }
0x310: {  	v20 =	vld [tilespmem:s0+$0x149C0];
	v29 =	vadd.f32 v25, v29;
	v31 =	vadd.f32 v26, v31  }
0x311: {  	v25 =	vld [tilespmem:s0+$0x149D0];
	v32 =	vadd.f32 v36, v32;
	v33 =	vadd.f32 v37, v33  }
0x312: {  	v26 =	vld [tilespmem:s0+$0x14940];
	v29 =	vadd.f32 v27, v29;
	v31 =	vadd.f32 v28, v31  }
0x313: {  	v27 =	vld [tilespmem:s0+$0x14950];
	v32 =	vadd.f32 v38, v32;
	v33 =	vadd.f32 v39, v33  }
0x314: {  	v28 =	vld [tilespmem:s0+$0x148C0];
	v21 =	vadd.f32 v21, v29;
	v22 =	vadd.f32 v22, v31  }
0x315: {  	v29 =	vld [tilespmem:s0+$0x148D0];
	v23 =	vadd.f32 v23, v32;
	v63 =	vadd.f32 v30, v33  }
0x316: {  	v30 =	vld [tilespmem:s0+$0x14840];
	v21 =	vadd.f32 v17, v21;
	v22 =	vadd.f32 v18, v22  }
0x317: {  	v31 =	vld [tilespmem:s0+$0x14850];
	v23 =	vadd.f32 v19, v23;
	v24 =	vadd.f32 v24, v63  }
0x318: {  	s1 =	simm.s32 $0x1000;
	v32 =	vld [tilespmem:s0+$0x14860];
	v19 =	vimm.f32 $0.0e+00;
	v18 =	vimm.f32 $0.0e+00;
	v17 =	vimm.f32 $0.0e+00  }
.LBB2_14:
0x319: {  	p0 =	sne.s32 s1, $0x18000;
	v33 =	vld [tilespmem:s0+$0x14870];
	v14 =	vadd.f32 v14, v21;
	v16 =	vadd.f32 v16, v22  }
0x31a: {  	v34 =	vld [tilespmem:s0+$0x148E0];
	v13 =	vadd.f32 v13, v23;
	v15 =	vadd.f32 v15, v24  }
0x31b: {  	v35 =	vld [tilespmem:s0+$0x148F0];
	v21 =	vadd.f32 v6, v14;
	v22 =	vadd.f32 v7, v16  }
0x31c: {  	v6 =	vld [tilespmem:s0+$0x14960];
	v23 =	vadd.f32 v8, v13;
	v24 =	vadd.f32 v9, v15  }
0x31d: {  	v7 =	vadd.f32 v30, v12;
	v8 =	vadd.f32 v31, v19;
	v9 =	vld [tilespmem:s0+$0x14970]  }
0x31e: {  	v12 =	vadd.f32 v32, v18;
	v13 =	vadd.f32 v33, v17;
	v14 =	vld [tilespmem:s0+$0x149E0]  }
0x31f: {  	v7 =	vadd.f32 v28, v7;
	v8 =	vadd.f32 v29, v8;
	v15 =	vld [tilespmem:s0+$0x149F0]  }
0x320: {  	v12 =	vadd.f32 v34, v12;
	v13 =	vadd.f32 v35, v13;
	v16 =	vld [tilespmem:s0+$0x14A60]  }
0x321: {  	v7 =	vadd.f32 v26, v7;
	v8 =	vadd.f32 v27, v8;
	v17 =	vld [tilespmem:s0+$0x14A70]  }
0x322: {  	v6 =	vadd.f32 v6, v12;
	v9 =	vadd.f32 v9, v13;
	v12 =	vld [tilespmem:s0+$0x14AE0]  }
0x323: {  	v7 =	vadd.f32 v20, v7;
	v8 =	vadd.f32 v25, v8;
	v13 =	vld [tilespmem:s0+$0x14AF0]  }
0x324: {  	v6 =	vadd.f32 v14, v6;
	v9 =	vadd.f32 v15, v9;
	v14 =	vld [tilespmem:s0+$0x14B60]  }
0x325: {  	v7 =	vadd.f32 v10, v7;
	v8 =	vadd.f32 v11, v8;
	v10 =	vld [tilespmem:s0+$0x14B70]  }
0x326: {  	v11 =	vadd.f32 v16, v6;
	v9 =	vadd.f32 v17, v9;
	v15 =	vld [tilespmem:s0+$0x14BE0]  }
0x327: {  	v4 =	vadd.f32 v4, v7;
	v5 =	vadd.f32 v5, v8;
	v16 =	vld [tilespmem:s0+$0x14BF0];
	s0 =	sshra.s32 s1, $0x2  }
0x328: {  	v11 =	vadd.f32 v12, v11;
	v6 =	vld [tilespmem:s0+$0x14B80];
	v9 =	vadd.f32 v13, v9  }
0x329: {  	v3 =	vadd.f32 v3, v4;
	v2 =	vadd.f32 v2, v5;
	v7 =	vld [tilespmem:s0+$0x14B90]  }
0x32a: {  	v4 =	vadd.f32 v14, v11;
	v8 =	vld [tilespmem:s0+$0x14BA0];
	v5 =	vadd.f32 v10, v9  }
0x32b: {  	v12 =	vadd.f32 v0, v3;
	v19 =	vadd.f32 v1, v2;
	v9 =	vld [tilespmem:s0+$0x14BB0]  }
0x32c: {  	v18 =	vadd.f32 v15, v4;
	v0 =	vld [tilespmem:s0+$0x14BC0];
	v17 =	vadd.f32 v16, v5  }
0x32d: {  	v1 =	vld [tilespmem:s0+$0x14BD0]  }
0x32e: {  	v14 =	vld [tilespmem:s0+$0x14B00]  }
0x32f: {  	v16 =	vld [tilespmem:s0+$0x14B10]  }
0x330: {  	v13 =	vld [tilespmem:s0+$0x14B20]  }
0x331: {  	v15 =	vld [tilespmem:s0+$0x14B30]  }
0x332: {  	v3 =	vld [tilespmem:s0+$0x14B40]  }
0x333: {  	v2 =	vld [tilespmem:s0+$0x14B50]  }
0x334: {  	v32 =	vld [tilespmem:s0+$0x14A80]  }
0x335: {  	v33 =	vld [tilespmem:s0+$0x14A90]  }
0x336: {  	v34 =	vld [tilespmem:s0+$0x14AA0]  }
0x337: {  	v35 =	vld [tilespmem:s0+$0x14AB0]  }
0x338: {  	v4 =	vld [tilespmem:s0+$0x14AC0]  }
0x339: {  	v5 =	vld [tilespmem:s0+$0x14AD0]  }
0x33a: {  	v30 =	vld [tilespmem:s0+$0x14A00]  }
0x33b: {  	v31 =	vld [tilespmem:s0+$0x14A10]  }
0x33c: {  	v36 =	vld [tilespmem:s0+$0x14A20]  }
0x33d: {  	v37 =	vld [tilespmem:s0+$0x14A30]  }
0x33e: {  	v10 =	vld [tilespmem:s0+$0x14A40]  }
0x33f: {  	v11 =	vld [tilespmem:s0+$0x14A50]  }
0x340: {  	v28 =	vld [tilespmem:s0+$0x14980]  }
0x341: {  	v29 =	vld [tilespmem:s0+$0x14990]  }
0x342: {  	v25 =	vld [tilespmem:s0+$0x14900]  }
0x343: {  	v26 =	vld [tilespmem:s0+$0x14910]  }
0x344: {  	v20 =	vld [tilespmem:s0+$0x14880]  }
0x345: {  	v27 =	vld [tilespmem:s0+$0x14890]  }
0x346: {  	v38 =	vld [tilespmem:s0+$0x14800]  }
0x347: {  	v39 =	vld [tilespmem:s0+$0x14810]  }
0x348: {  	v40 =	vld [tilespmem:s0+$0x14820]  }
0x349: {  	v41 =	vld [tilespmem:s0+$0x14830]  }
0x34a: {  	v42 =	vld [tilespmem:s0+$0x148A0]  }
0x34b: {  	v43 =	vld [tilespmem:s0+$0x148B0]  }
0x34c: {  	v44 =	vld [tilespmem:s0+$0x14920]  }
0x34d: {  	v21 =	vadd.f32 v38, v21;
	v22 =	vadd.f32 v39, v22;
	v38 =	vld [tilespmem:s0+$0x14930]  }
0x34e: {  	v23 =	vadd.f32 v40, v23;
	v24 =	vadd.f32 v41, v24;
	v39 =	vld [tilespmem:s0+$0x149A0]  }
0x34f: {  	v21 =	vadd.f32 v20, v21;
	v22 =	vadd.f32 v27, v22;
	v40 =	vld [tilespmem:s0+$0x149B0]  }
0x350: {  	v23 =	vadd.f32 v42, v23;
	v24 =	vadd.f32 v43, v24;
	v20 =	vld [tilespmem:s0+$0x149C0]  }
0x351: {  	v21 =	vadd.f32 v25, v21;
	v22 =	vadd.f32 v26, v22;
	v25 =	vld [tilespmem:s0+$0x149D0]  }
0x352: {  	v23 =	vadd.f32 v44, v23;
	v24 =	vadd.f32 v38, v24;
	v26 =	vld [tilespmem:s0+$0x14940]  }
0x353: {  	v21 =	vadd.f32 v28, v21;
	v22 =	vadd.f32 v29, v22;
	v27 =	vld [tilespmem:s0+$0x14950]  }
.Ltmp6:
0x354: {  	v23 =	vadd.f32 v39, v23;
	v28 =	vld [tilespmem:s0+$0x148C0];
	v24 =	vadd.f32 v40, v24;
	(pc) =	sbr.rel @p0 .LBB2_14-.Ltmp6, $4  }
0x355: {  	v21 =	vadd.f32 v30, v21;
	v22 =	vadd.f32 v31, v22;
	v29 =	vld [tilespmem:s0+$0x148D0]  }
0x356: {  	v23 =	vadd.f32 v36, v23;
	v30 =	vld [tilespmem:s0+$0x14840];
	v24 =	vadd.f32 v37, v24  }
0x357: {  	v21 =	vadd.f32 v32, v21;
	v22 =	vadd.f32 v33, v22;
	v31 =	vld [tilespmem:s0+$0x14850]  }
0x358: {  	s1 =	sadd.s32 $0x1000, s1;
	v23 =	vadd.f32 v34, v23;
	v32 =	vld [tilespmem:s0+$0x14860];
	v24 =	vadd.f32 v35, v24  }
0x359: {  	v14 =	vadd.f32 v14, v21;
	v16 =	vadd.f32 v16, v22  }
0x35a: {  	v33 =	vld [tilespmem:s0+$0x14870];
	v13 =	vadd.f32 v13, v23;
	v15 =	vadd.f32 v15, v24  }
0x35b: {  	v21 =	vld [tilespmem:s0+$0x148E0];
	v6 =	vadd.f32 v6, v14;
	v7 =	vadd.f32 v7, v16  }
0x35c: {  	v22 =	vld [tilespmem:s0+$0x148F0];
	v12 =	vadd.f32 v30, v12;
	v8 =	vadd.f32 v8, v13  }
0x35d: {  	v14 =	vld [tilespmem:s0+$0x14960];
	v9 =	vadd.f32 v9, v15;
	v13 =	vadd.f32 v31, v19  }
0x35e: {  	v15 =	vld [tilespmem:s0+$0x14970];
	v16 =	vadd.f32 v32, v18;
	v12 =	vadd.f32 v28, v12  }
0x35f: {  	v18 =	vld [tilespmem:s0+$0x149E0];
	v17 =	vadd.f32 v33, v17;
	v13 =	vadd.f32 v29, v13  }
0x360: {  	v19 =	vld [tilespmem:s0+$0x149F0];
	v16 =	vadd.f32 v21, v16;
	v12 =	vadd.f32 v26, v12  }
0x361: {  	v21 =	vld [tilespmem:s0+$0x14A60];
	v17 =	vadd.f32 v22, v17;
	v13 =	vadd.f32 v27, v13  }
0x362: {  	v22 =	vld [tilespmem:s0+$0x14A70];
	v14 =	vadd.f32 v14, v16;
	v12 =	vadd.f32 v20, v12  }
0x363: {  	v16 =	vld [tilespmem:s0+$0x14AE0];
	v15 =	vadd.f32 v15, v17;
	v13 =	vadd.f32 v25, v13  }
0x364: {  	v17 =	vld [tilespmem:s0+$0x14AF0];
	v14 =	vadd.f32 v18, v14;
	v10 =	vadd.f32 v10, v12  }
0x365: {  	v18 =	vld [tilespmem:s0+$0x14B60];
	v12 =	vadd.f32 v19, v15;
	v11 =	vadd.f32 v11, v13  }
0x366: {  	v13 =	vld [tilespmem:s0+$0x14B70];
	v14 =	vadd.f32 v21, v14;
	v4 =	vadd.f32 v4, v10  }
0x367: {  	v15 =	vld [tilespmem:s0+$0x14BE0];
	v10 =	vadd.f32 v22, v12;
	v5 =	vadd.f32 v5, v11  }
0x368: {  	v11 =	vld [tilespmem:s0+$0x14BF0];
	[tilespmem:$0x1EA80] =	vst v6;
	v12 =	vadd.f32 v16, v14;
	v3 =	vadd.f32 v3, v4  }
0x369: {  	[tilespmem:$0x1EA90] =	vst v7;
	v4 =	vadd.f32 v17, v10;
	v2 =	vadd.f32 v2, v5  }
0x36a: {  	[tilespmem:$0x1EAA0] =	vst v8;
	v5 =	vadd.f32 v18, v12;
	v0 =	vadd.f32 v0, v3  }
0x36b: {  	[tilespmem:$0x1EAB0] =	vst v9;
	v3 =	vadd.f32 v13, v4;
	v1 =	vadd.f32 v1, v2  }
0x36c: {  	v2 =	vadd.f32 v15, v5;
	[tilespmem:$0x1EAC0] =	vst v0  }
0x36d: {  	v0 =	vadd.f32 v11, v3;
	[tilespmem:$0x1EAD0] =	vst v1  }
0x36e: {  	[tilespmem:$0x1EAE0] =	vst v2  }
0x36f: {  	[tilespmem:$0x1EAF0] =	vst v0  }
0x370: {  	_ =	swait.ge [sflag:s20], $0x6400  }
0x371: {  	[sflag:s20] =	ssyncset.done $0x0  }
0x372: {  	s0 =	simm.s32 $0x0;
	[sflag:s20] =	ssyncadd.s32 $0xFFFF9C00  }
0x373: {  	v6 =	vld [tilespmem:s0+$0x8380]  }
0x374: {  	v7 =	vld [tilespmem:s0+$0x8390]  }
0x375: {  	v8 =	vld [tilespmem:s0+$0x83A0]  }
0x376: {  	v9 =	vld [tilespmem:s0+$0x83B0]  }
0x377: {  	v0 =	vld [tilespmem:s0+$0x83C0]  }
0x378: {  	v1 =	vld [tilespmem:s0+$0x83D0]  }
0x379: {  	v14 =	vld [tilespmem:s0+$0x8300]  }
0x37a: {  	v16 =	vld [tilespmem:s0+$0x8310]  }
0x37b: {  	v13 =	vld [tilespmem:s0+$0x8320]  }
0x37c: {  	v15 =	vld [tilespmem:s0+$0x8330]  }
0x37d: {  	v3 =	vld [tilespmem:s0+$0x8340]  }
0x37e: {  	v2 =	vld [tilespmem:s0+$0x8350]  }
0x37f: {  	v17 =	vld [tilespmem:s0+$0x8280]  }
0x380: {  	v18 =	vld [tilespmem:s0+$0x8290]  }
0x381: {  	v19 =	vld [tilespmem:s0+$0x82A0]  }
0x382: {  	v24 =	vld [tilespmem:s0+$0x82B0]  }
0x383: {  	v4 =	vld [tilespmem:s0+$0x82C0]  }
0x384: {  	v5 =	vld [tilespmem:s0+$0x82D0]  }
0x385: {  	v21 =	vld [tilespmem:s0+$0x8200]  }
0x386: {  	v22 =	vld [tilespmem:s0+$0x8210]  }
0x387: {  	v23 =	vld [tilespmem:s0+$0x8220]  }
0x388: {  	v30 =	vld [tilespmem:s0+$0x8230]  }
0x389: {  	v10 =	vld [tilespmem:s0+$0x8240]  }
0x38a: {  	v27 =	vld [tilespmem:s0+$0x8180]  }
0x38b: {  	v28 =	vld [tilespmem:s0+$0x8190]  }
0x38c: {  	v25 =	vld [tilespmem:s0+$0x8100]  }
0x38d: {  	v26 =	vld [tilespmem:s0+$0x8110]  }
0x38e: {  	v11 =	vld [tilespmem:s0+$0x8080]  }
0x38f: {  	v20 =	vld [tilespmem:s0+$0x8090]  }
0x390: {  	v29 =	vld [tilespmem:s0+$0x8000]  }
0x391: {  	v31 =	vld [tilespmem:s0+$0x8010]  }
0x392: {  	v61 =	vld [tilespmem:s0+$0x8020]  }
0x393: {  	v62 =	vld [tilespmem:s0+$0x8030]  }
0x394: {  	v34 =	vld [tilespmem:s0+$0x80A0]  }
0x395: {  	v35 =	vld [tilespmem:s0+$0x80B0]  }
0x396: {  	v12 =	vimm.f32 $0.0e+00;
	v36 =	vld [tilespmem:s0+$0x8120]  }
0x397: {  	v37 =	vld [tilespmem:s0+$0x8130];
	v29 =	vadd.f32 v29, v12;
	v31 =	vadd.f32 v31, v12  }
0x398: {  	v38 =	vld [tilespmem:s0+$0x81A0];
	v32 =	vadd.f32 v61, v12;
	v33 =	vadd.f32 v62, v12  }
0x399: {  	v39 =	vld [tilespmem:s0+$0x81B0];
	v29 =	vadd.f32 v11, v29;
	v31 =	vadd.f32 v20, v31  }
0x39a: {  	v11 =	vld [tilespmem:s0+$0x8250];
	v32 =	vadd.f32 v34, v32;
	v33 =	vadd.f32 v35, v33  }
0x39b: {  	v20 =	vld [tilespmem:s0+$0x81C0];
	v29 =	vadd.f32 v25, v29;
	v31 =	vadd.f32 v26, v31  }
0x39c: {  	v25 =	vld [tilespmem:s0+$0x81D0];
	v32 =	vadd.f32 v36, v32;
	v33 =	vadd.f32 v37, v33  }
0x39d: {  	v26 =	vld [tilespmem:s0+$0x8140];
	v29 =	vadd.f32 v27, v29;
	v31 =	vadd.f32 v28, v31  }
0x39e: {  	v27 =	vld [tilespmem:s0+$0x8150];
	v32 =	vadd.f32 v38, v32;
	v33 =	vadd.f32 v39, v33  }
0x39f: {  	v28 =	vld [tilespmem:s0+$0x80C0];
	v21 =	vadd.f32 v21, v29;
	v22 =	vadd.f32 v22, v31  }
0x3a0: {  	v29 =	vld [tilespmem:s0+$0x80D0];
	v23 =	vadd.f32 v23, v32;
	v63 =	vadd.f32 v30, v33  }
0x3a1: {  	v30 =	vld [tilespmem:s0+$0x8040];
	v21 =	vadd.f32 v17, v21;
	v22 =	vadd.f32 v18, v22  }
0x3a2: {  	v31 =	vld [tilespmem:s0+$0x8050];
	v23 =	vadd.f32 v19, v23;
	v24 =	vadd.f32 v24, v63  }
0x3a3: {  	s1 =	simm.s32 $0x1000;
	v32 =	vld [tilespmem:s0+$0x8060];
	v19 =	vimm.f32 $0.0e+00;
	v18 =	vimm.f32 $0.0e+00;
	v17 =	vimm.f32 $0.0e+00  }
.LBB2_16:
0x3a4: {  	p0 =	sne.s32 s1, $0x18000;
	v33 =	vld [tilespmem:s0+$0x8070];
	v14 =	vadd.f32 v14, v21;
	v16 =	vadd.f32 v16, v22  }
0x3a5: {  	v34 =	vld [tilespmem:s0+$0x80E0];
	v13 =	vadd.f32 v13, v23;
	v15 =	vadd.f32 v15, v24  }
0x3a6: {  	v35 =	vld [tilespmem:s0+$0x80F0];
	v21 =	vadd.f32 v6, v14;
	v22 =	vadd.f32 v7, v16  }
0x3a7: {  	v6 =	vld [tilespmem:s0+$0x8160];
	v23 =	vadd.f32 v8, v13;
	v24 =	vadd.f32 v9, v15  }
0x3a8: {  	v7 =	vadd.f32 v30, v12;
	v8 =	vadd.f32 v31, v19;
	v9 =	vld [tilespmem:s0+$0x8170]  }
0x3a9: {  	v12 =	vadd.f32 v32, v18;
	v13 =	vadd.f32 v33, v17;
	v14 =	vld [tilespmem:s0+$0x81E0]  }
0x3aa: {  	v7 =	vadd.f32 v28, v7;
	v8 =	vadd.f32 v29, v8;
	v15 =	vld [tilespmem:s0+$0x81F0]  }
0x3ab: {  	v12 =	vadd.f32 v34, v12;
	v13 =	vadd.f32 v35, v13;
	v16 =	vld [tilespmem:s0+$0x8260]  }
0x3ac: {  	v7 =	vadd.f32 v26, v7;
	v8 =	vadd.f32 v27, v8;
	v17 =	vld [tilespmem:s0+$0x8270]  }
0x3ad: {  	v6 =	vadd.f32 v6, v12;
	v9 =	vadd.f32 v9, v13;
	v12 =	vld [tilespmem:s0+$0x82E0]  }
0x3ae: {  	v7 =	vadd.f32 v20, v7;
	v8 =	vadd.f32 v25, v8;
	v13 =	vld [tilespmem:s0+$0x82F0]  }
0x3af: {  	v6 =	vadd.f32 v14, v6;
	v9 =	vadd.f32 v15, v9;
	v14 =	vld [tilespmem:s0+$0x8360]  }
0x3b0: {  	v7 =	vadd.f32 v10, v7;
	v8 =	vadd.f32 v11, v8;
	v10 =	vld [tilespmem:s0+$0x8370]  }
0x3b1: {  	v11 =	vadd.f32 v16, v6;
	v9 =	vadd.f32 v17, v9;
	v15 =	vld [tilespmem:s0+$0x83E0]  }
0x3b2: {  	v4 =	vadd.f32 v4, v7;
	v5 =	vadd.f32 v5, v8;
	v16 =	vld [tilespmem:s0+$0x83F0];
	s0 =	sshra.s32 s1, $0x2  }
0x3b3: {  	v11 =	vadd.f32 v12, v11;
	v6 =	vld [tilespmem:s0+$0x8380];
	v9 =	vadd.f32 v13, v9  }
0x3b4: {  	v3 =	vadd.f32 v3, v4;
	v2 =	vadd.f32 v2, v5;
	v7 =	vld [tilespmem:s0+$0x8390]  }
0x3b5: {  	v4 =	vadd.f32 v14, v11;
	v8 =	vld [tilespmem:s0+$0x83A0];
	v5 =	vadd.f32 v10, v9  }
0x3b6: {  	v12 =	vadd.f32 v0, v3;
	v19 =	vadd.f32 v1, v2;
	v9 =	vld [tilespmem:s0+$0x83B0]  }
0x3b7: {  	v18 =	vadd.f32 v15, v4;
	v0 =	vld [tilespmem:s0+$0x83C0];
	v17 =	vadd.f32 v16, v5  }
0x3b8: {  	v1 =	vld [tilespmem:s0+$0x83D0]  }
0x3b9: {  	v14 =	vld [tilespmem:s0+$0x8300]  }
0x3ba: {  	v16 =	vld [tilespmem:s0+$0x8310]  }
0x3bb: {  	v13 =	vld [tilespmem:s0+$0x8320]  }
0x3bc: {  	v15 =	vld [tilespmem:s0+$0x8330]  }
0x3bd: {  	v3 =	vld [tilespmem:s0+$0x8340]  }
0x3be: {  	v2 =	vld [tilespmem:s0+$0x8350]  }
0x3bf: {  	v32 =	vld [tilespmem:s0+$0x8280]  }
0x3c0: {  	v33 =	vld [tilespmem:s0+$0x8290]  }
0x3c1: {  	v34 =	vld [tilespmem:s0+$0x82A0]  }
0x3c2: {  	v35 =	vld [tilespmem:s0+$0x82B0]  }
0x3c3: {  	v4 =	vld [tilespmem:s0+$0x82C0]  }
0x3c4: {  	v5 =	vld [tilespmem:s0+$0x82D0]  }
0x3c5: {  	v30 =	vld [tilespmem:s0+$0x8200]  }
0x3c6: {  	v31 =	vld [tilespmem:s0+$0x8210]  }
0x3c7: {  	v36 =	vld [tilespmem:s0+$0x8220]  }
0x3c8: {  	v37 =	vld [tilespmem:s0+$0x8230]  }
0x3c9: {  	v10 =	vld [tilespmem:s0+$0x8240]  }
0x3ca: {  	v11 =	vld [tilespmem:s0+$0x8250]  }
0x3cb: {  	v28 =	vld [tilespmem:s0+$0x8180]  }
0x3cc: {  	v29 =	vld [tilespmem:s0+$0x8190]  }
0x3cd: {  	v25 =	vld [tilespmem:s0+$0x8100]  }
0x3ce: {  	v26 =	vld [tilespmem:s0+$0x8110]  }
0x3cf: {  	v20 =	vld [tilespmem:s0+$0x8080]  }
0x3d0: {  	v27 =	vld [tilespmem:s0+$0x8090]  }
0x3d1: {  	v38 =	vld [tilespmem:s0+$0x8000]  }
0x3d2: {  	v39 =	vld [tilespmem:s0+$0x8010]  }
0x3d3: {  	v40 =	vld [tilespmem:s0+$0x8020]  }
0x3d4: {  	v41 =	vld [tilespmem:s0+$0x8030]  }
0x3d5: {  	v42 =	vld [tilespmem:s0+$0x80A0]  }
0x3d6: {  	v43 =	vld [tilespmem:s0+$0x80B0]  }
0x3d7: {  	v44 =	vld [tilespmem:s0+$0x8120]  }
0x3d8: {  	v21 =	vadd.f32 v38, v21;
	v22 =	vadd.f32 v39, v22;
	v38 =	vld [tilespmem:s0+$0x8130]  }
0x3d9: {  	v23 =	vadd.f32 v40, v23;
	v24 =	vadd.f32 v41, v24;
	v39 =	vld [tilespmem:s0+$0x81A0]  }
0x3da: {  	v21 =	vadd.f32 v20, v21;
	v22 =	vadd.f32 v27, v22;
	v40 =	vld [tilespmem:s0+$0x81B0]  }
0x3db: {  	v23 =	vadd.f32 v42, v23;
	v24 =	vadd.f32 v43, v24;
	v20 =	vld [tilespmem:s0+$0x81C0]  }
0x3dc: {  	v21 =	vadd.f32 v25, v21;
	v22 =	vadd.f32 v26, v22;
	v25 =	vld [tilespmem:s0+$0x81D0]  }
0x3dd: {  	v23 =	vadd.f32 v44, v23;
	v24 =	vadd.f32 v38, v24;
	v26 =	vld [tilespmem:s0+$0x8140]  }
0x3de: {  	v21 =	vadd.f32 v28, v21;
	v22 =	vadd.f32 v29, v22;
	v27 =	vld [tilespmem:s0+$0x8150]  }
.Ltmp7:
0x3df: {  	v23 =	vadd.f32 v39, v23;
	v28 =	vld [tilespmem:s0+$0x80C0];
	v24 =	vadd.f32 v40, v24;
	(pc) =	sbr.rel @p0 .LBB2_16-.Ltmp7, $4  }
0x3e0: {  	v21 =	vadd.f32 v30, v21;
	v22 =	vadd.f32 v31, v22;
	v29 =	vld [tilespmem:s0+$0x80D0]  }
0x3e1: {  	v23 =	vadd.f32 v36, v23;
	v30 =	vld [tilespmem:s0+$0x8040];
	v24 =	vadd.f32 v37, v24  }
0x3e2: {  	v21 =	vadd.f32 v32, v21;
	v22 =	vadd.f32 v33, v22;
	v31 =	vld [tilespmem:s0+$0x8050]  }
0x3e3: {  	s1 =	sadd.s32 $0x1000, s1;
	v23 =	vadd.f32 v34, v23;
	v32 =	vld [tilespmem:s0+$0x8060];
	v24 =	vadd.f32 v35, v24  }
0x3e4: {  	v14 =	vadd.f32 v14, v21;
	v16 =	vadd.f32 v16, v22  }
0x3e5: {  	v33 =	vld [tilespmem:s0+$0x8070];
	v13 =	vadd.f32 v13, v23;
	v15 =	vadd.f32 v15, v24  }
0x3e6: {  	v21 =	vld [tilespmem:s0+$0x80E0];
	v6 =	vadd.f32 v6, v14;
	v7 =	vadd.f32 v7, v16  }
0x3e7: {  	v22 =	vld [tilespmem:s0+$0x80F0];
	v12 =	vadd.f32 v30, v12;
	v8 =	vadd.f32 v8, v13  }
0x3e8: {  	v14 =	vld [tilespmem:s0+$0x8160];
	v9 =	vadd.f32 v9, v15;
	v13 =	vadd.f32 v31, v19  }
0x3e9: {  	v15 =	vld [tilespmem:s0+$0x8170];
	v16 =	vadd.f32 v32, v18;
	v12 =	vadd.f32 v28, v12  }
0x3ea: {  	v18 =	vld [tilespmem:s0+$0x81E0];
	v17 =	vadd.f32 v33, v17;
	v13 =	vadd.f32 v29, v13  }
0x3eb: {  	v19 =	vld [tilespmem:s0+$0x81F0];
	v16 =	vadd.f32 v21, v16;
	v12 =	vadd.f32 v26, v12  }
0x3ec: {  	v21 =	vld [tilespmem:s0+$0x8260];
	v17 =	vadd.f32 v22, v17;
	v13 =	vadd.f32 v27, v13  }
0x3ed: {  	v22 =	vld [tilespmem:s0+$0x8270];
	v14 =	vadd.f32 v14, v16;
	v12 =	vadd.f32 v20, v12  }
0x3ee: {  	v16 =	vld [tilespmem:s0+$0x82E0];
	v15 =	vadd.f32 v15, v17;
	v13 =	vadd.f32 v25, v13  }
0x3ef: {  	v17 =	vld [tilespmem:s0+$0x82F0];
	v14 =	vadd.f32 v18, v14;
	v10 =	vadd.f32 v10, v12  }
0x3f0: {  	v18 =	vld [tilespmem:s0+$0x8360];
	v12 =	vadd.f32 v19, v15;
	v11 =	vadd.f32 v11, v13  }
0x3f1: {  	v13 =	vld [tilespmem:s0+$0x8370];
	v14 =	vadd.f32 v21, v14;
	v4 =	vadd.f32 v4, v10  }
0x3f2: {  	v15 =	vld [tilespmem:s0+$0x83E0];
	v10 =	vadd.f32 v22, v12;
	v5 =	vadd.f32 v5, v11  }
0x3f3: {  	v11 =	vld [tilespmem:s0+$0x83F0];
	[tilespmem:$0x1EB00] =	vst v6;
	v12 =	vadd.f32 v16, v14;
	v3 =	vadd.f32 v3, v4  }
0x3f4: {  	[tilespmem:$0x1EB10] =	vst v7;
	v4 =	vadd.f32 v17, v10;
	v2 =	vadd.f32 v2, v5  }
0x3f5: {  	[tilespmem:$0x1EB20] =	vst v8;
	v5 =	vadd.f32 v18, v12;
	v0 =	vadd.f32 v0, v3  }
0x3f6: {  	[tilespmem:$0x1EB30] =	vst v9;
	v3 =	vadd.f32 v13, v4;
	v1 =	vadd.f32 v1, v2  }
0x3f7: {  	v2 =	vadd.f32 v15, v5;
	[tilespmem:$0x1EB40] =	vst v0  }
0x3f8: {  	v0 =	vadd.f32 v11, v3;
	[tilespmem:$0x1EB50] =	vst v1  }
0x3f9: {  	[tilespmem:$0x1EB60] =	vst v2  }
0x3fa: {  	[tilespmem:$0x1EB70] =	vst v0  }
0x3fb: {  	_ =	swait.ge [sflag:s21], $0x6400  }
0x3fc: {  	[sflag:s21] =	ssyncset.done $0x0  }
0x3fd: {  	s0 =	simm.s32 $0x0;
	[sflag:s21] =	ssyncadd.s32 $0xFFFF9C00  }
0x3fe: {  	v6 =	vld [tilespmem:s0+$0xE780]  }
0x3ff: {  	v7 =	vld [tilespmem:s0+$0xE790]  }
0x400: {  	v8 =	vld [tilespmem:s0+$0xE7A0]  }
0x401: {  	v9 =	vld [tilespmem:s0+$0xE7B0]  }
0x402: {  	v0 =	vld [tilespmem:s0+$0xE7C0]  }
0x403: {  	v1 =	vld [tilespmem:s0+$0xE7D0]  }
0x404: {  	v14 =	vld [tilespmem:s0+$0xE700]  }
0x405: {  	v16 =	vld [tilespmem:s0+$0xE710]  }
0x406: {  	v13 =	vld [tilespmem:s0+$0xE720]  }
0x407: {  	v15 =	vld [tilespmem:s0+$0xE730]  }
0x408: {  	v3 =	vld [tilespmem:s0+$0xE740]  }
0x409: {  	v2 =	vld [tilespmem:s0+$0xE750]  }
0x40a: {  	v17 =	vld [tilespmem:s0+$0xE680]  }
0x40b: {  	v18 =	vld [tilespmem:s0+$0xE690]  }
0x40c: {  	v19 =	vld [tilespmem:s0+$0xE6A0]  }
0x40d: {  	v24 =	vld [tilespmem:s0+$0xE6B0]  }
0x40e: {  	v4 =	vld [tilespmem:s0+$0xE6C0]  }
0x40f: {  	v5 =	vld [tilespmem:s0+$0xE6D0]  }
0x410: {  	v21 =	vld [tilespmem:s0+$0xE600]  }
0x411: {  	v22 =	vld [tilespmem:s0+$0xE610]  }
0x412: {  	v23 =	vld [tilespmem:s0+$0xE620]  }
0x413: {  	v30 =	vld [tilespmem:s0+$0xE630]  }
0x414: {  	v10 =	vld [tilespmem:s0+$0xE640]  }
0x415: {  	v27 =	vld [tilespmem:s0+$0xE580]  }
0x416: {  	v28 =	vld [tilespmem:s0+$0xE590]  }
0x417: {  	v25 =	vld [tilespmem:s0+$0xE500]  }
0x418: {  	v26 =	vld [tilespmem:s0+$0xE510]  }
0x419: {  	v11 =	vld [tilespmem:s0+$0xE480]  }
0x41a: {  	v20 =	vld [tilespmem:s0+$0xE490]  }
0x41b: {  	v29 =	vld [tilespmem:s0+$0xE400]  }
0x41c: {  	v31 =	vld [tilespmem:s0+$0xE410]  }
0x41d: {  	v61 =	vld [tilespmem:s0+$0xE420]  }
0x41e: {  	v62 =	vld [tilespmem:s0+$0xE430]  }
0x41f: {  	v34 =	vld [tilespmem:s0+$0xE4A0]  }
0x420: {  	v35 =	vld [tilespmem:s0+$0xE4B0]  }
0x421: {  	v12 =	vimm.f32 $0.0e+00;
	v36 =	vld [tilespmem:s0+$0xE520]  }
0x422: {  	v37 =	vld [tilespmem:s0+$0xE530];
	v29 =	vadd.f32 v29, v12;
	v31 =	vadd.f32 v31, v12  }
0x423: {  	v38 =	vld [tilespmem:s0+$0xE5A0];
	v32 =	vadd.f32 v61, v12;
	v33 =	vadd.f32 v62, v12  }
0x424: {  	v39 =	vld [tilespmem:s0+$0xE5B0];
	v29 =	vadd.f32 v11, v29;
	v31 =	vadd.f32 v20, v31  }
0x425: {  	v11 =	vld [tilespmem:s0+$0xE650];
	v32 =	vadd.f32 v34, v32;
	v33 =	vadd.f32 v35, v33  }
0x426: {  	v20 =	vld [tilespmem:s0+$0xE5C0];
	v29 =	vadd.f32 v25, v29;
	v31 =	vadd.f32 v26, v31  }
0x427: {  	v25 =	vld [tilespmem:s0+$0xE5D0];
	v32 =	vadd.f32 v36, v32;
	v33 =	vadd.f32 v37, v33  }
0x428: {  	v26 =	vld [tilespmem:s0+$0xE540];
	v29 =	vadd.f32 v27, v29;
	v31 =	vadd.f32 v28, v31  }
0x429: {  	v27 =	vld [tilespmem:s0+$0xE550];
	v32 =	vadd.f32 v38, v32;
	v33 =	vadd.f32 v39, v33  }
0x42a: {  	v28 =	vld [tilespmem:s0+$0xE4C0];
	v21 =	vadd.f32 v21, v29;
	v22 =	vadd.f32 v22, v31  }
0x42b: {  	v29 =	vld [tilespmem:s0+$0xE4D0];
	v23 =	vadd.f32 v23, v32;
	v63 =	vadd.f32 v30, v33  }
0x42c: {  	v30 =	vld [tilespmem:s0+$0xE440];
	v21 =	vadd.f32 v17, v21;
	v22 =	vadd.f32 v18, v22  }
0x42d: {  	v31 =	vld [tilespmem:s0+$0xE450];
	v23 =	vadd.f32 v19, v23;
	v24 =	vadd.f32 v24, v63  }
0x42e: {  	s1 =	simm.s32 $0x1000;
	v32 =	vld [tilespmem:s0+$0xE460];
	v19 =	vimm.f32 $0.0e+00;
	v18 =	vimm.f32 $0.0e+00;
	v17 =	vimm.f32 $0.0e+00  }
.LBB2_18:
0x42f: {  	p0 =	sne.s32 s1, $0x18000;
	v33 =	vld [tilespmem:s0+$0xE470];
	v14 =	vadd.f32 v14, v21;
	v16 =	vadd.f32 v16, v22  }
0x430: {  	v34 =	vld [tilespmem:s0+$0xE4E0];
	v13 =	vadd.f32 v13, v23;
	v15 =	vadd.f32 v15, v24  }
0x431: {  	v35 =	vld [tilespmem:s0+$0xE4F0];
	v21 =	vadd.f32 v6, v14;
	v22 =	vadd.f32 v7, v16  }
0x432: {  	v6 =	vld [tilespmem:s0+$0xE560];
	v23 =	vadd.f32 v8, v13;
	v24 =	vadd.f32 v9, v15  }
0x433: {  	v7 =	vadd.f32 v30, v12;
	v8 =	vadd.f32 v31, v19;
	v9 =	vld [tilespmem:s0+$0xE570]  }
0x434: {  	v12 =	vadd.f32 v32, v18;
	v13 =	vadd.f32 v33, v17;
	v14 =	vld [tilespmem:s0+$0xE5E0]  }
0x435: {  	v7 =	vadd.f32 v28, v7;
	v8 =	vadd.f32 v29, v8;
	v15 =	vld [tilespmem:s0+$0xE5F0]  }
0x436: {  	v12 =	vadd.f32 v34, v12;
	v13 =	vadd.f32 v35, v13;
	v16 =	vld [tilespmem:s0+$0xE660]  }
0x437: {  	v7 =	vadd.f32 v26, v7;
	v8 =	vadd.f32 v27, v8;
	v17 =	vld [tilespmem:s0+$0xE670]  }
0x438: {  	v6 =	vadd.f32 v6, v12;
	v9 =	vadd.f32 v9, v13;
	v12 =	vld [tilespmem:s0+$0xE6E0]  }
0x439: {  	v7 =	vadd.f32 v20, v7;
	v8 =	vadd.f32 v25, v8;
	v13 =	vld [tilespmem:s0+$0xE6F0]  }
0x43a: {  	v6 =	vadd.f32 v14, v6;
	v9 =	vadd.f32 v15, v9;
	v14 =	vld [tilespmem:s0+$0xE760]  }
0x43b: {  	v7 =	vadd.f32 v10, v7;
	v8 =	vadd.f32 v11, v8;
	v10 =	vld [tilespmem:s0+$0xE770]  }
0x43c: {  	v11 =	vadd.f32 v16, v6;
	v9 =	vadd.f32 v17, v9;
	v15 =	vld [tilespmem:s0+$0xE7E0]  }
0x43d: {  	v4 =	vadd.f32 v4, v7;
	v5 =	vadd.f32 v5, v8;
	v16 =	vld [tilespmem:s0+$0xE7F0];
	s0 =	sshra.s32 s1, $0x2  }
0x43e: {  	v11 =	vadd.f32 v12, v11;
	v6 =	vld [tilespmem:s0+$0xE780];
	v9 =	vadd.f32 v13, v9  }
0x43f: {  	v3 =	vadd.f32 v3, v4;
	v2 =	vadd.f32 v2, v5;
	v7 =	vld [tilespmem:s0+$0xE790]  }
0x440: {  	v4 =	vadd.f32 v14, v11;
	v8 =	vld [tilespmem:s0+$0xE7A0];
	v5 =	vadd.f32 v10, v9  }
0x441: {  	v12 =	vadd.f32 v0, v3;
	v19 =	vadd.f32 v1, v2;
	v9 =	vld [tilespmem:s0+$0xE7B0]  }
0x442: {  	v18 =	vadd.f32 v15, v4;
	v0 =	vld [tilespmem:s0+$0xE7C0];
	v17 =	vadd.f32 v16, v5  }
0x443: {  	v1 =	vld [tilespmem:s0+$0xE7D0]  }
0x444: {  	v14 =	vld [tilespmem:s0+$0xE700]  }
0x445: {  	v16 =	vld [tilespmem:s0+$0xE710]  }
0x446: {  	v13 =	vld [tilespmem:s0+$0xE720]  }
0x447: {  	v15 =	vld [tilespmem:s0+$0xE730]  }
0x448: {  	v3 =	vld [tilespmem:s0+$0xE740]  }
0x449: {  	v2 =	vld [tilespmem:s0+$0xE750]  }
0x44a: {  	v32 =	vld [tilespmem:s0+$0xE680]  }
0x44b: {  	v33 =	vld [tilespmem:s0+$0xE690]  }
0x44c: {  	v34 =	vld [tilespmem:s0+$0xE6A0]  }
0x44d: {  	v35 =	vld [tilespmem:s0+$0xE6B0]  }
0x44e: {  	v4 =	vld [tilespmem:s0+$0xE6C0]  }
0x44f: {  	v5 =	vld [tilespmem:s0+$0xE6D0]  }
0x450: {  	v30 =	vld [tilespmem:s0+$0xE600]  }
0x451: {  	v31 =	vld [tilespmem:s0+$0xE610]  }
0x452: {  	v36 =	vld [tilespmem:s0+$0xE620]  }
0x453: {  	v37 =	vld [tilespmem:s0+$0xE630]  }
0x454: {  	v10 =	vld [tilespmem:s0+$0xE640]  }
0x455: {  	v11 =	vld [tilespmem:s0+$0xE650]  }
0x456: {  	v28 =	vld [tilespmem:s0+$0xE580]  }
0x457: {  	v29 =	vld [tilespmem:s0+$0xE590]  }
0x458: {  	v25 =	vld [tilespmem:s0+$0xE500]  }
0x459: {  	v26 =	vld [tilespmem:s0+$0xE510]  }
0x45a: {  	v20 =	vld [tilespmem:s0+$0xE480]  }
0x45b: {  	v27 =	vld [tilespmem:s0+$0xE490]  }
0x45c: {  	v38 =	vld [tilespmem:s0+$0xE400]  }
0x45d: {  	v39 =	vld [tilespmem:s0+$0xE410]  }
0x45e: {  	v40 =	vld [tilespmem:s0+$0xE420]  }
0x45f: {  	v41 =	vld [tilespmem:s0+$0xE430]  }
0x460: {  	v42 =	vld [tilespmem:s0+$0xE4A0]  }
0x461: {  	v43 =	vld [tilespmem:s0+$0xE4B0]  }
0x462: {  	v44 =	vld [tilespmem:s0+$0xE520]  }
0x463: {  	v21 =	vadd.f32 v38, v21;
	v22 =	vadd.f32 v39, v22;
	v38 =	vld [tilespmem:s0+$0xE530]  }
0x464: {  	v23 =	vadd.f32 v40, v23;
	v24 =	vadd.f32 v41, v24;
	v39 =	vld [tilespmem:s0+$0xE5A0]  }
0x465: {  	v21 =	vadd.f32 v20, v21;
	v22 =	vadd.f32 v27, v22;
	v40 =	vld [tilespmem:s0+$0xE5B0]  }
0x466: {  	v23 =	vadd.f32 v42, v23;
	v24 =	vadd.f32 v43, v24;
	v20 =	vld [tilespmem:s0+$0xE5C0]  }
0x467: {  	v21 =	vadd.f32 v25, v21;
	v22 =	vadd.f32 v26, v22;
	v25 =	vld [tilespmem:s0+$0xE5D0]  }
0x468: {  	v23 =	vadd.f32 v44, v23;
	v24 =	vadd.f32 v38, v24;
	v26 =	vld [tilespmem:s0+$0xE540]  }
0x469: {  	v21 =	vadd.f32 v28, v21;
	v22 =	vadd.f32 v29, v22;
	v27 =	vld [tilespmem:s0+$0xE550]  }
.Ltmp8:
0x46a: {  	v23 =	vadd.f32 v39, v23;
	v28 =	vld [tilespmem:s0+$0xE4C0];
	v24 =	vadd.f32 v40, v24;
	(pc) =	sbr.rel @p0 .LBB2_18-.Ltmp8, $4  }
0x46b: {  	v21 =	vadd.f32 v30, v21;
	v22 =	vadd.f32 v31, v22;
	v29 =	vld [tilespmem:s0+$0xE4D0]  }
0x46c: {  	v23 =	vadd.f32 v36, v23;
	v30 =	vld [tilespmem:s0+$0xE440];
	v24 =	vadd.f32 v37, v24  }
0x46d: {  	v21 =	vadd.f32 v32, v21;
	v22 =	vadd.f32 v33, v22;
	v31 =	vld [tilespmem:s0+$0xE450]  }
0x46e: {  	s1 =	sadd.s32 $0x1000, s1;
	v23 =	vadd.f32 v34, v23;
	v32 =	vld [tilespmem:s0+$0xE460];
	v24 =	vadd.f32 v35, v24  }
0x46f: {  	v14 =	vadd.f32 v14, v21;
	v16 =	vadd.f32 v16, v22  }
0x470: {  	v33 =	vld [tilespmem:s0+$0xE470];
	v13 =	vadd.f32 v13, v23;
	v15 =	vadd.f32 v15, v24  }
0x471: {  	v40 =	vld [tilespmem:s0+$0xE4E0];
	v6 =	vadd.f32 v6, v14;
	v7 =	vadd.f32 v7, v16  }
0x472: {  	v41 =	vld [tilespmem:s0+$0xE4F0];
	v12 =	vadd.f32 v30, v12;
	v8 =	vadd.f32 v8, v13  }
0x473: {  	v42 =	vld [tilespmem:s0+$0xE560];
	v9 =	vadd.f32 v9, v15;
	v43 =	vadd.f32 v31, v19  }
0x474: {  	v44 =	vld [tilespmem:s0+$0xE570];
	v45 =	vadd.f32 v32, v18;
	v12 =	vadd.f32 v28, v12  }
0x475: {  	v46 =	vld [tilespmem:s0+$0xE5E0];
	v17 =	vadd.f32 v33, v17;
	v13 =	vadd.f32 v29, v43  }
0x476: {  	v47 =	vld [tilespmem:s0+$0xE5F0];
	v16 =	vadd.f32 v40, v45;
	v12 =	vadd.f32 v26, v12  }
0x477: {  	v48 =	vld [tilespmem:s0+$0xE660];
	v17 =	vadd.f32 v41, v17;
	v13 =	vadd.f32 v27, v13  }
0x478: {  	v49 =	vld [tilespmem:s0+$0xE670];
	v14 =	vadd.f32 v42, v16;
	v12 =	vadd.f32 v20, v12  }
0x479: {  	v50 =	vld [tilespmem:s0+$0xE6E0];
	v15 =	vadd.f32 v44, v17;
	v13 =	vadd.f32 v25, v13  }
0x47a: {  	v51 =	vld [tilespmem:s0+$0xE6F0];
	v14 =	vadd.f32 v46, v14;
	v10 =	vadd.f32 v10, v12  }
0x47b: {  	v52 =	vld [tilespmem:s0+$0xE760];
	v53 =	vadd.f32 v47, v15;
	v11 =	vadd.f32 v11, v13  }
0x47c: {  	v54 =	vld [tilespmem:s0+$0xE770];
	v14 =	vadd.f32 v48, v14;
	v4 =	vadd.f32 v4, v10  }
0x47d: {  	v55 =	vld [tilespmem:s0+$0xE7E0];
	v56 =	vadd.f32 v49, v53;
	v5 =	vadd.f32 v5, v11  }
0x47e: {  	v57 =	vld [tilespmem:s0+$0xE7F0];
	[tilespmem:$0x1EB80] =	vst v6;
	v58 =	vadd.f32 v50, v14;
	v3 =	vadd.f32 v3, v4  }
0x47f: {  	[tilespmem:$0x1EB90] =	vst v7;
	v59 =	vadd.f32 v51, v56;
	v2 =	vadd.f32 v2, v5  }
0x480: {  	[tilespmem:$0x1EBA0] =	vst v8;
	v60 =	vadd.f32 v52, v58;
	v0 =	vadd.f32 v0, v3  }
0x481: {  	[tilespmem:$0x1EBB0] =	vst v9;
	v61 =	vadd.f32 v54, v59;
	v1 =	vadd.f32 v1, v2  }
0x482: {  	v62 =	vadd.f32 v55, v60;
	[tilespmem:$0x1EBC0] =	vst v0  }
0x483: {  	s29 =	sadd.s32 $0x1, s29;
	v63 =	vadd.f32 v57, v61;
	[tilespmem:$0x1EBD0] =	vst v1  }
0x484: {  	p0 =	sne.s32 s29, s6;
	[tilespmem:$0x1EBE0] =	vst v62  }
.Ltmp9:
0x485: {  	[tilespmem:$0x1EBF0] =	vst v63;
	(pc) =	sbr.rel @p0 .LBB2_1-.Ltmp9, $4  }
0x486: {  	[hbm4b:s5+s3] =	stream.linear.scatter [tilespmem:s28], [sflag:$0x4], $0x4000, $0x38;
	[tilespmem:$0x1EC00] =	vst v63  }
0x487: {  	_ =	swait.ge [sflag:s7], $0x4000  }
0x488: {  	[sflag:s7] =	ssyncset.done $0x0  }
0x489: {  	[sflag:s7] =	ssyncadd.s32 $0xFFFFC000  }
0x48a: {  	_ =	sfence.sel $0x180000  }
0x48b: {  	[bflag:$0x0] =	sbarrier.arrive $0xFFFF  }
0x48c: {  	_ =	strace $0x90000047  }
0x48d: {  	s0 =	stileid.u32;
	[bflag:$0x2] =	sbarrier.arrive $0xFFFF  }
0x48e: {  	p0 =	sne.s32 s0, $0x0;
	s0 =	rddreg [dreg:$0x2]  }
0x48f: {  	s0 =	sadd.s32 @!p0 $0x100000, s0  }
0x490: {  	[sflag:s0] =	ssyncadd.tile.s32 @!p0 $0x1;
	_ =	shalt  }
.Lfunc_end2:
_tile_overlayer_lowered:
.L_overlay_start_2:
0x491: {  	(tag) =	ssettag $0x2  }
0x492: {  	s0 =	rddreg [dreg:$0x0];
	s2 =	stileid.u32  }
0x493: {  	s1 =	rddreg [dreg:$0x1];
	p0 =	sne.s32 s2, $0x0  }
0x494: {  	s3 =	rddreg [dreg:$0x2];
	[bflag:$0x3] =	sbarrier.arrive $0xFFFF;
	s2 =	simm.s32 @!p0 $0x1C04  }
0x495: {  	[timem:s3], [sflag:s2] =	dma.local @!p0 [hbm:s0], s1  }
0x496: {  	s0 =	simm.s32 @!p0 $0x4  }
0x497: {  	_ =	swait.ge @!p0 [sflag:s0], s1  }
0x498: {  	s1 =	ssub.s32 @!p0 $0x0, s1;
	[sflag:s0] =	ssyncset.done @!p0 $0x0  }
0x499: {  	[sflag:s0] =	ssyncadd.s32 @!p0 s1  }
0x49a: {  	[bflag:$0x3] =	sbarrier.arrive $0xFFFF  }
0x49b: {  	_ =	shalt  }

</sc_bundles>
